<compile_context>
chip_gen: v7x
topology: tpu7x:2x2x1
jax: 0.10.2.dev20260603
libtpu: 0.0.44.dev20260713+nightly
codegen_flags: <defaults>
</compile_context>

<pallas_src>
import functools

import jax
import jax.numpy as jnp
from jax import lax
from jax.experimental import pallas as pl
from jax.experimental.pallas import tpu as pltpu
from jax.experimental.pallas import tpu_sc as plsc

NC = 2
NS = 16
NW = NC * NS
CH = 128

_f32 = jnp.float32


def _sc_mesh():
  return plsc.VectorSubcoreMesh(core_axis_name="c", subcore_axis_name="s")


def _row_partition(N):
  rpt = ((N // NS) + 7) // 8 * 8
  last = N - rpt * (NS - 1)
  assert 0 < last <= rpt and last % 8 == 0
  return rpt, last


def _per_tile_rows(sid, rpt, last, fn):

  @pl.when(sid < NS - 1)
  def _():
    fn(pl.multiple_of(sid * rpt, 8), rpt)

  @pl.when(sid == NS - 1)
  def _():
    fn((NS - 1) * rpt, last)


def _make_deg_kernel(N, E, D):
  n_chunks = E // CH
  base = n_chunks // NW
  extra = n_chunks % NW
  rpt, last = _row_partition(N)

  @functools.partial(
      pl.kernel,
      out_type=jax.ShapeDtypeStruct((NC, N, D), _f32),
      mesh=_sc_mesh(),
      scratch_types=(
          [pltpu.VMEM((CH,), jnp.int32)] * 4
          + [pltpu.VMEM((CH,), jnp.int32)] * 4
          + [pltpu.VMEM((CH, D), _f32)] * 2
          + [pltpu.VMEM_SHARED((N, D), _f32)]
          + [pltpu.SemaphoreType.DMA] * 6
      ),
  )
  def deg_kernel(src_hbm, dst_hbm, bsrc_hbm, bdst_hbm, zeros_hbm, out_hbm,
                 isrc0, isrc1, isrc2, isrc3, idst0, idst1, idst2, idst3,
                 bsrc_v, bdst_v, acc_sh, is0, is1, is2, is3, as0, as1):
    cid = lax.axis_index("c")
    sid = lax.axis_index("s")
    wid = cid * NS + sid
    isrc = (isrc0, isrc1, isrc2, isrc3)
    idst = (idst0, idst1, idst2, idst3)
    isem = (is0, is1, is2, is3)
    asem = (as0, as1)

    pltpu.sync_copy(bsrc_hbm, bsrc_v)
    pltpu.sync_copy(bdst_hbm, bdst_v)

    def zero_rows(r0, sz):
      pltpu.sync_copy(zeros_hbm.at[pl.ds(0, sz)], acc_sh.at[pl.ds(r0, sz)])

    _per_tile_rows(sid, rpt, last, zero_rows)
    plsc.subcore_barrier()

    nch = base + jnp.where(wid < extra, 1, 0)

    def e0(i):
      return (wid + i * NW) * CH

    def issue_idx(i, j):
      pltpu.async_copy(src_hbm.at[pl.ds(e0(i), CH)], isrc[j], isem[j])
      pltpu.async_copy(dst_hbm.at[pl.ds(e0(i), CH)], idst[j], isem[j])

    def wait_idx(i, j):
      pltpu.make_async_copy(src_hbm.at[pl.ds(e0(i), CH)], isrc[j],
                            isem[j]).wait()
      pltpu.make_async_copy(dst_hbm.at[pl.ds(e0(i), CH)], idst[j],
                            isem[j]).wait()

    issue_idx(0, 0)
    issue_idx(1, 1)

    def quad_body(g, _):
      for b4 in range(4):
        i = 4 * g + b4
        j, b = b4 % 4, b4 % 2
        jp2 = (b4 + 2) % 4

        @pl.when(i < nch)
        def _():
          @pl.when(i >= 2)
          def _():
            pltpu.make_async_copy(bsrc_v, acc_sh.at[isrc[jp2]],
                                  asem[b]).wait()
            pltpu.make_async_copy(bdst_v, acc_sh.at[idst[jp2]],
                                  asem[b]).wait()

          @pl.when(i + 2 < nch)
          def _():
            issue_idx(i + 2, jp2)

          wait_idx(i, j)
          pltpu.async_copy(bsrc_v, acc_sh.at[isrc[j]], asem[b], add=True)
          pltpu.async_copy(bdst_v, acc_sh.at[idst[j]], asem[b], add=True)

      return 0

    lax.fori_loop(0, (n_chunks + NW - 1) // NW // 4 + 1, quad_body, 0)
    for b in (0, 1):
      pltpu.make_async_copy(bsrc_v, acc_sh.at[isrc[b]], asem[b]).wait()
      pltpu.make_async_copy(bdst_v, acc_sh.at[idst[b]], asem[b]).wait()
    plsc.subcore_barrier()

    def writeback(r0, sz):
      pltpu.sync_copy(acc_sh.at[pl.ds(r0, sz)],
                      out_hbm.at[cid].at[pl.ds(r0, sz)])

    _per_tile_rows(sid, rpt, last, writeback)

  return deg_kernel


def _make_scatter_kernel(N, E, D):
  n_chunks = E // CH
  base = n_chunks // NW
  extra = n_chunks % NW
  rpt, last = _row_partition(N)

  @functools.partial(
      pl.kernel,
      out_type=jax.ShapeDtypeStruct((NC, N, D), _f32),
      mesh=_sc_mesh(),
      scratch_types=(
          [pltpu.VMEM((CH,), jnp.int32)] * 4
          + [pltpu.VMEM((CH,), jnp.int32)] * 4
          + [pltpu.VMEM((CH, D), _f32)] * 2
          + [pltpu.VMEM_SHARED((N, D), _f32)]
          + [pltpu.SemaphoreType.DMA] * 8
      ),
  )
  def scatter_kernel(y_hbm, src_hbm, dst_hbm, zeros_hbm, out_hbm,
                     isrc0, isrc1, isrc2, isrc3, idst0, idst1, idst2, idst3,
                     rows0, rows1, acc_sh,
                     is0, is1, is2, is3, gs0, gs1, ss0, ss1):
    cid = lax.axis_index("c")
    sid = lax.axis_index("s")
    wid = cid * NS + sid
    isrc = (isrc0, isrc1, isrc2, isrc3)
    idst = (idst0, idst1, idst2, idst3)
    isem = (is0, is1, is2, is3)
    rows = (rows0, rows1)
    gsem = (gs0, gs1)
    ssem = (ss0, ss1)

    def zero_rows(r0, sz):
      pltpu.sync_copy(zeros_hbm.at[pl.ds(0, sz)], acc_sh.at[pl.ds(r0, sz)])

    _per_tile_rows(sid, rpt, last, zero_rows)
    plsc.subcore_barrier()

    nch = base + jnp.where(wid < extra, 1, 0)

    def e0(i):
      return (wid + i * NW) * CH

    def issue_idx(i, j):
      pltpu.async_copy(src_hbm.at[pl.ds(e0(i), CH)], isrc[j], isem[j])
      pltpu.async_copy(dst_hbm.at[pl.ds(e0(i), CH)], idst[j], isem[j])

    def wait_idx(i, j):
      pltpu.make_async_copy(src_hbm.at[pl.ds(e0(i), CH)], isrc[j],
                            isem[j]).wait()
      pltpu.make_async_copy(dst_hbm.at[pl.ds(e0(i), CH)], idst[j],
                            isem[j]).wait()

    issue_idx(0, 0)
    issue_idx(1, 1)
    wait_idx(0, 0)
    pltpu.async_copy(y_hbm.at[isrc[0]], rows[0], gsem[0])

    def quad_body(g, _):
      for b4 in range(4):
        i = 4 * g + b4
        j, b = b4 % 4, b4 % 2
        jn, bn = (b4 + 1) % 4, (b4 + 1) % 2
        jp2 = (b4 + 2) % 4
        jp3 = (b4 + 3) % 4

        @pl.when(i < nch)
        def _():
          @pl.when(i + 2 < nch)
          def _():
            issue_idx(i + 2, jp2)

          @pl.when(i + 1 < nch)
          def _():
            @pl.when(i >= 1)
            def _():
              pltpu.make_async_copy(rows[bn], acc_sh.at[idst[jp3]],
                                    ssem[bn]).wait()

            wait_idx(i + 1, jn)
            pltpu.async_copy(y_hbm.at[isrc[jn]], rows[bn], gsem[bn])

          pltpu.make_async_copy(y_hbm.at[isrc[j]], rows[b], gsem[b]).wait()
          pltpu.async_copy(rows[b], acc_sh.at[idst[j]], ssem[b], add=True)

      return 0

    lax.fori_loop(0, (n_chunks + NW - 1) // NW // 4 + 1, quad_body, 0)
    pltpu.make_async_copy(rows0, acc_sh.at[idst0], ss0).wait()
    pltpu.make_async_copy(rows1, acc_sh.at[idst1], ss1).wait()
    plsc.subcore_barrier()

    def writeback(r0, sz):
      pltpu.sync_copy(acc_sh.at[pl.ds(r0, sz)],
                      out_hbm.at[cid].at[pl.ds(r0, sz)])

    _per_tile_rows(sid, rpt, last, writeback)

  return scatter_kernel


def _elu(z):
  return jnp.where(z > 0.0, z, jnp.exp(jnp.minimum(z, 0.0)) - 1.0)


def _dscale(dref, col):
  d = dref[0, :, col:col + 1] + dref[1, :, col:col + 1]
  return lax.rsqrt(jnp.maximum(d, 1.0))


def _tc_first_body(x_ref, w_ref, deg_ref, o_ref):
  h = jnp.dot(x_ref[...], w_ref[...], preferred_element_type=_f32)
  o_ref[...] = h * _dscale(deg_ref, 0)


def _tc_mid_body(p_ref, deg_ref, b_ref, w_ref, o_ref, *, act, dcol):
  z = (p_ref[0] + p_ref[1]) * _dscale(deg_ref, dcol) + b_ref[...]
  h = _elu(z) if act == "elu" else jnp.maximum(z, 0.0)
  y = jnp.dot(h, w_ref[...], preferred_element_type=_f32)
  o_ref[...] = y * _dscale(deg_ref, 0)


def _tc_last_body(p_ref, deg_ref, b_ref, o_ref, *, dcol):
  z = (p_ref[0] + p_ref[1]) * _dscale(deg_ref, dcol) + b_ref[...]
  o_ref[...] = _elu(z)


def kernel(X, edge_index, W_in, b_in, W_hid, b_hid, W_out, b_out):
  N, D = X.shape
  E = edge_index.shape[1]
  assert E % CH == 0 and N % 16 == 0

  src = edge_index[0]
  dst = edge_index[1]
  rpt, _ = _row_partition(N)
  zeros_blk = jnp.zeros((rpt, D), _f32)
  dcol = D // 2
  col = jnp.arange(D)
  bsrc_blk = jnp.broadcast_to((col < dcol).astype(_f32), (CH, D))
  bdst_blk = jnp.broadcast_to((col >= dcol).astype(_f32), (CH, D))

  deg_call = _make_deg_kernel(N, E, D)
  degp = deg_call(src, dst, bsrc_blk, bdst_blk, zeros_blk)

  scatter_call = _make_scatter_kernel(N, E, D)

  RB = 2000
  grid = (N // RB,)
  row_spec = pl.BlockSpec((RB, D), lambda i: (i, 0))
  part_spec = pl.BlockSpec((NC, RB, D), lambda i: (0, i, 0))
  deg_spec = part_spec
  w_spec = pl.BlockSpec((D, D), lambda i: (0, 0))
  b_spec = pl.BlockSpec((1, D), lambda i: (0, 0))
  osh = jax.ShapeDtypeStruct((N, D), _f32)

  tc_first = pl.pallas_call(
      _tc_first_body, grid=grid,
      in_specs=[row_spec, w_spec, deg_spec], out_specs=row_spec,
      out_shape=osh)
  tc_mid_elu = pl.pallas_call(
      functools.partial(_tc_mid_body, act="elu", dcol=dcol), grid=grid,
      in_specs=[part_spec, deg_spec, b_spec, w_spec],
      out_specs=row_spec, out_shape=osh)
  tc_mid_relu = pl.pallas_call(
      functools.partial(_tc_mid_body, act="relu", dcol=dcol), grid=grid,
      in_specs=[part_spec, deg_spec, b_spec, w_spec],
      out_specs=row_spec, out_shape=osh)
  tc_last = pl.pallas_call(
      functools.partial(_tc_last_body, dcol=dcol), grid=grid,
      in_specs=[part_spec, deg_spec, b_spec], out_specs=row_spec,
      out_shape=osh)

  b_in2 = b_in.reshape(1, D)
  b_hid2 = b_hid.reshape(1, D)
  b_out2 = b_out.reshape(1, D)

  y0 = tc_first(X, W_in, degp)
  p1 = scatter_call(y0, src, dst, zeros_blk)
  y1 = tc_mid_elu(p1, degp, b_in2, W_hid)
  p2 = scatter_call(y1, src, dst, zeros_blk)
  y2 = tc_mid_relu(p2, degp, b_hid2, W_out)
  p3 = scatter_call(y2, src, dst, zeros_blk)
  return tc_last(p3, degp, b_out2)

# --- scband reference (transcript-rebuilt; emitter-appended) ---
"""Pipeline reference for scband-link-prediction-82257213653650 (READ-ONLY COPY).

The authoritative reference and input builder live on the scoring server;
editing this copy changes nothing except your own understanding.
"""

import jax, jax.numpy as jnp
import numpy as np

N = 10000
E = 320000
D = 128


def gcn_conv(x, edge_index, W, b):
    src = edge_index[0]
    dst = edge_index[1]
    h = x @ W
    ones = jnp.ones((src.shape[0],), dtype=x.dtype)
    deg_dst = jnp.zeros((x.shape[0],), dtype=x.dtype).at[dst].add(ones)
    deg_src = jnp.zeros((x.shape[0],), dtype=x.dtype).at[src].add(ones)
    inv_sqrt_dst = jax.lax.rsqrt(jnp.maximum(deg_dst, 1.0))
    inv_sqrt_src = jax.lax.rsqrt(jnp.maximum(deg_src, 1.0))
    norm = inv_sqrt_src[src] * inv_sqrt_dst[dst]
    msg = h[src] * norm[:, None]
    agg = jnp.zeros_like(h).at[dst].add(msg)
    return agg + b


def setup_inputs(seed: int = 0) -> dict:
    key = jax.random.key(seed)
    ks = jax.random.split(key, 10)
    X = jax.random.normal(ks[0], (N, D), dtype=jnp.float32)
    edge_index = jax.random.randint(ks[1], (2, E), 0, N, dtype=jnp.int32)
    scale = 1.0 / np.sqrt(D)
    W_in = jax.random.normal(ks[2], (D, D), dtype=jnp.float32) * scale
    b_in = jnp.zeros((D,), dtype=jnp.float32)
    W_hid = jax.random.normal(ks[3], (D, D), dtype=jnp.float32) * scale
    b_hid = jnp.zeros((D,), dtype=jnp.float32)
    W_out = jax.random.normal(ks[4], (D, D), dtype=jnp.float32) * scale
    b_out = jnp.zeros((D,), dtype=jnp.float32)
    return {"X": X, "edge_index": edge_index, "W_in": W_in, "b_in": b_in,
            "W_hid": W_hid, "b_hid": b_hid, "W_out": W_out, "b_out": b_out}


def reference(X, edge_index, W_in, b_in, W_hid, b_hid, W_out, b_out):
    # X = F.elu(self.in_layer(X, edge_index))
    h = jax.nn.elu(gcn_conv(X, edge_index, W_in, b_in))
    # for each hidden layer: X = F.relu(layer(X, edge_index))  (one hidden layer)
    h = jax.nn.relu(gcn_conv(h, edge_index, W_hid, b_hid))
    # F.dropout with training=False is identity (inference/eval mode)
    # X = F.elu(self.out_layer(X, edge_index))
    h = jax.nn.elu(gcn_conv(h, edge_index, W_out, b_out))
    return h

if __name__ == "__main__":
    import jax
    _d = setup_inputs()
    print(jax.jit(kernel)(*tuple(_d.values())))

</pallas_src>

<mosaic_0001>
#map = affine_map<(d0, d1) -> (0, 0)>
#map1 = affine_map<(d0, d1) -> (0)>
#map2 = affine_map<(d0, d1) -> (0, 0, 0)>
module attributes {stable_mosaic.version = 14 : i64} {
  func.func @scatter_kernel(%arg0: i32, %arg1: i32, %arg2: memref<10000x128xf32, #tpu.memory_space<hbm>>, %arg3: memref<320000xi32, #tpu.memory_space<hbm>>, %arg4: memref<320000xi32, #tpu.memory_space<hbm>>, %arg5: memref<632x128xf32, #tpu.memory_space<hbm>>, %arg6: memref<2x10000x128xf32, #tpu.memory_space<hbm>>, %arg7: memref<128xi32, #tpu.memory_space<vmem>>, %arg8: memref<128xi32, #tpu.memory_space<vmem>>, %arg9: memref<128xi32, #tpu.memory_space<vmem>>, %arg10: memref<128xi32, #tpu.memory_space<vmem>>, %arg11: memref<128xi32, #tpu.memory_space<vmem>>, %arg12: memref<128xi32, #tpu.memory_space<vmem>>, %arg13: memref<128xi32, #tpu.memory_space<vmem>>, %arg14: memref<128xi32, #tpu.memory_space<vmem>>, %arg15: memref<128x128xf32, #tpu.memory_space<vmem>>, %arg16: memref<128x128xf32, #tpu.memory_space<vmem>>, %arg17: memref<10000x128xf32, #tpu.memory_space<vmem_shared>>, %arg18: memref<!tpu.dma_semaphore, #tpu.memory_space<semaphore_mem>>, %arg19: memref<!tpu.dma_semaphore, #tpu.memory_space<semaphore_mem>>, %arg20: memref<!tpu.dma_semaphore, #tpu.memory_space<semaphore_mem>>, %arg21: memref<!tpu.dma_semaphore, #tpu.memory_space<semaphore_mem>>, %arg22: memref<!tpu.dma_semaphore, #tpu.memory_space<semaphore_mem>>, %arg23: memref<!tpu.dma_semaphore, #tpu.memory_space<semaphore_mem>>, %arg24: memref<!tpu.dma_semaphore, #tpu.memory_space<semaphore_mem>>, %arg25: memref<!tpu.dma_semaphore, #tpu.memory_space<semaphore_mem>>) attributes {dimension_semantics = [#tpu.dimension_semantics<core_parallel>, #tpu.dimension_semantics<subcore_parallel>], iteration_bounds = array<i64: 2, 16>, scalar_prefetch = 0 : i64, scratch_operands = 19 : i64, tpu.core_type = #tpu.core_type<sc_vector_subcore>, window_params = [{transform_indices = #map}, {transform_indices = #map1}, {transform_indices = #map1}, {transform_indices = #map}, {transform_indices = #map2}]} {
    %mul3A = arith.constant 16 : i32
    %mul3A_0 = arith.muli %arg0, %mul3A : i32
    %add3A = arith.addi %mul3A_0, %arg1 : i32
    %lt3A = arith.constant 15 : i32
    %lt3A_1 = arith.cmpi slt, %arg1, %lt3A : i32
    %convert_element_type3A = arith.extui %lt3A_1 : i1 to i32
    %cond3A = arith.constant 0 : i32
    %cond3A_2 = arith.cmpi ne, %convert_element_type3A, %cond3A : i32
    scf.if %cond3A_2 {
      %mul3A_72 = arith.constant 632 : i32
      %mul3A_73 = arith.muli %arg1, %mul3A_72 : i32
      %multiple_of3A = tpu.assume_multiple %mul3A_73, 8 : i32
      "tpu.region"() ({
        %run_scoped3A = tpu.sem_alloc : memref<!tpu.dma_semaphore, #tpu.memory_space<semaphore_mem>>
        %dma_start3A_74 = arith.constant 0 : i32
        %dma_start3A_75 = tpu.memref_slice %arg17[%multiple_of3A, %dma_start3A_74] : memref<10000x128xf32, #tpu.memory_space<vmem_shared>> -> memref<632x128xf32, #tpu.memory_space<vmem_shared>>
        %dma_start3A_76 = arith.constant 0 : i32
        %dma_start3A_77 = arith.constant 0 : i32
        %dma_start3A_78 = tpu.memref_slice %arg5[%dma_start3A_76, %dma_start3A_77] : memref<632x128xf32, #tpu.memory_space<hbm>> -> memref<632x128xf32, #tpu.memory_space<hbm>>
        tpu.enqueue_dma source(%dma_start3A_78 : memref<632x128xf32, #tpu.memory_space<hbm>>) target(%dma_start3A_75 : memref<632x128xf32, #tpu.memory_space<vmem_shared>>) target_semaphore(%run_scoped3A : memref<!tpu.dma_semaphore, #tpu.memory_space<semaphore_mem>>)
        %dma_wait3A_79 = arith.constant 0 : i32
        %dma_wait3A_80 = tpu.memref_slice %arg17[%multiple_of3A, %dma_wait3A_79] : memref<10000x128xf32, #tpu.memory_space<vmem_shared>> -> memref<632x128xf32, #tpu.memory_space<vmem_shared>>
        %dma_wait3A_81 = arith.constant 0 : i32
        %dma_wait3A_82 = arith.constant 0 : i32
        %dma_wait3A_83 = tpu.memref_slice %arg5[%dma_wait3A_81, %dma_wait3A_82] : memref<632x128xf32, #tpu.memory_space<hbm>> -> memref<632x128xf32, #tpu.memory_space<hbm>>
        tpu.wait_dma2 semaphore(%run_scoped3A : memref<!tpu.dma_semaphore, #tpu.memory_space<semaphore_mem>>) src(%dma_wait3A_83 : memref<632x128xf32, #tpu.memory_space<hbm>>) dst(%dma_wait3A_80 : memref<632x128xf32, #tpu.memory_space<vmem_shared>>)
        tpu.yield
      }) : () -> ()
    } else {
    }
    %eq3A = arith.constant 15 : i32
    %eq3A_3 = arith.cmpi eq, %arg1, %eq3A : i32
    %convert_element_type3A_4 = arith.extui %eq3A_3 : i1 to i32
    %cond3A_5 = arith.constant 0 : i32
    %cond3A_6 = arith.cmpi ne, %convert_element_type3A_4, %cond3A_5 : i32
    scf.if %cond3A_6 {
      "tpu.region"() ({
        %run_scoped3A = tpu.sem_alloc : memref<!tpu.dma_semaphore, #tpu.memory_space<semaphore_mem>>
        %dma_start3A_72 = arith.constant 9480 : i32
        %dma_start3A_73 = arith.constant 0 : i32
        %dma_start3A_74 = tpu.memref_slice %arg17[%dma_start3A_72, %dma_start3A_73] : memref<10000x128xf32, #tpu.memory_space<vmem_shared>> -> memref<520x128xf32, #tpu.memory_space<vmem_shared>>
        %dma_start3A_75 = arith.constant 0 : i32
        %dma_start3A_76 = arith.constant 0 : i32
        %dma_start3A_77 = tpu.memref_slice %arg5[%dma_start3A_75, %dma_start3A_76] : memref<632x128xf32, #tpu.memory_space<hbm>> -> memref<520x128xf32, #tpu.memory_space<hbm>>
        tpu.enqueue_dma source(%dma_start3A_77 : memref<520x128xf32, #tpu.memory_space<hbm>>) target(%dma_start3A_74 : memref<520x128xf32, #tpu.memory_space<vmem_shared>>) target_semaphore(%run_scoped3A : memref<!tpu.dma_semaphore, #tpu.memory_space<semaphore_mem>>)
        %dma_wait3A_78 = arith.constant 9480 : i32
        %dma_wait3A_79 = arith.constant 0 : i32
        %dma_wait3A_80 = tpu.memref_slice %arg17[%dma_wait3A_78, %dma_wait3A_79] : memref<10000x128xf32, #tpu.memory_space<vmem_shared>> -> memref<520x128xf32, #tpu.memory_space<vmem_shared>>
        %dma_wait3A_81 = arith.constant 0 : i32
        %dma_wait3A_82 = arith.constant 0 : i32
        %dma_wait3A_83 = tpu.memref_slice %arg5[%dma_wait3A_81, %dma_wait3A_82] : memref<632x128xf32, #tpu.memory_space<hbm>> -> memref<520x128xf32, #tpu.memory_space<hbm>>
        tpu.wait_dma2 semaphore(%run_scoped3A : memref<!tpu.dma_semaphore, #tpu.memory_space<semaphore_mem>>) src(%dma_wait3A_83 : memref<520x128xf32, #tpu.memory_space<hbm>>) dst(%dma_wait3A_80 : memref<520x128xf32, #tpu.memory_space<vmem_shared>>)
        tpu.yield
      }) : () -> ()
    } else {
    }
    %barrier3A = arith.constant 0 : index
    tpu.barrier barrier_id(%barrier3A)
    %lt3A_7 = arith.constant 4 : i32
    %lt3A_8 = arith.cmpi slt, %add3A, %lt3A_7 : i32
    %jit3A = arith.constant 1 : i32
    %jit3A_9 = arith.constant 0 : i32
    %select_n3A = arith.select %lt3A_8, %jit3A, %jit3A_9 : i32
    %add3A_10 = arith.constant 78 : i32
    %add3A_11 = arith.addi %add3A_10, %select_n3A : i32
    %add3A_12 = arith.constant 0 : i32
    %add3A_13 = arith.addi %add3A, %add3A_12 : i32
    %mul3A_14 = arith.constant 128 : i32
    %mul3A_15 = arith.muli %add3A_13, %mul3A_14 : i32
    %dma_start3A = tpu.memref_slice %arg3[%mul3A_15] : memref<320000xi32, #tpu.memory_space<hbm>> -> memref<128xi32, #tpu.memory_space<hbm>>
    %dma_start3A_16 = tpu.memref_slice %arg3[%mul3A_15] : memref<320000xi32, #tpu.memory_space<hbm>> -> memref<128xi32, #tpu.memory_space<hbm>>
    tpu.enqueue_dma source(%dma_start3A_16 : memref<128xi32, #tpu.memory_space<hbm>>) target(%arg7 : memref<128xi32, #tpu.memory_space<vmem>>) target_semaphore(%arg18 : memref<!tpu.dma_semaphore, #tpu.memory_space<semaphore_mem>>)
    %add3A_17 = arith.constant 0 : i32
    %add3A_18 = arith.addi %add3A, %add3A_17 : i32
    %mul3A_19 = arith.constant 128 : i32
    %mul3A_20 = arith.muli %add3A_18, %mul3A_19 : i32
    %dma_start3A_21 = tpu.memref_slice %arg4[%mul3A_20] : memref<320000xi32, #tpu.memory_space<hbm>> -> memref<128xi32, #tpu.memory_space<hbm>>
    %dma_start3A_22 = tpu.memref_slice %arg4[%mul3A_20] : memref<320000xi32, #tpu.memory_space<hbm>> -> memref<128xi32, #tpu.memory_space<hbm>>
    tpu.enqueue_dma source(%dma_start3A_22 : memref<128xi32, #tpu.memory_space<hbm>>) target(%arg11 : memref<128xi32, #tpu.memory_space<vmem>>) target_semaphore(%arg18 : memref<!tpu.dma_semaphore, #tpu.memory_space<semaphore_mem>>)
    %add3A_23 = arith.constant 32 : i32
    %add3A_24 = arith.addi %add3A, %add3A_23 : i32
    %mul3A_25 = arith.constant 128 : i32
    %mul3A_26 = arith.muli %add3A_24, %mul3A_25 : i32
    %dma_start3A_27 = tpu.memref_slice %arg3[%mul3A_26] : memref<320000xi32, #tpu.memory_space<hbm>> -> memref<128xi32, #tpu.memory_space<hbm>>
    %dma_start3A_28 = tpu.memref_slice %arg3[%mul3A_26] : memref<320000xi32, #tpu.memory_space<hbm>> -> memref<128xi32, #tpu.memory_space<hbm>>
    tpu.enqueue_dma source(%dma_start3A_28 : memref<128xi32, #tpu.memory_space<hbm>>) target(%arg8 : memref<128xi32, #tpu.memory_space<vmem>>) target_semaphore(%arg19 : memref<!tpu.dma_semaphore, #tpu.memory_space<semaphore_mem>>)
    %add3A_29 = arith.constant 32 : i32
    %add3A_30 = arith.addi %add3A, %add3A_29 : i32
    %mul3A_31 = arith.constant 128 : i32
    %mul3A_32 = arith.muli %add3A_30, %mul3A_31 : i32
    %dma_start3A_33 = tpu.memref_slice %arg4[%mul3A_32] : memref<320000xi32, #tpu.memory_space<hbm>> -> memref<128xi32, #tpu.memory_space<hbm>>
    %dma_start3A_34 = tpu.memref_slice %arg4[%mul3A_32] : memref<320000xi32, #tpu.memory_space<hbm>> -> memref<128xi32, #tpu.memory_space<hbm>>
    tpu.enqueue_dma source(%dma_start3A_34 : memref<128xi32, #tpu.memory_space<hbm>>) target(%arg12 : memref<128xi32, #tpu.memory_space<vmem>>) target_semaphore(%arg19 : memref<!tpu.dma_semaphore, #tpu.memory_space<semaphore_mem>>)
    %add3A_35 = arith.constant 0 : i32
    %add3A_36 = arith.addi %add3A, %add3A_35 : i32
    %mul3A_37 = arith.constant 128 : i32
    %mul3A_38 = arith.muli %add3A_36, %mul3A_37 : i32
    %dma_wait3A = tpu.memref_slice %arg3[%mul3A_38] : memref<320000xi32, #tpu.memory_space<hbm>> -> memref<128xi32, #tpu.memory_space<hbm>>
    %dma_wait3A_39 = tpu.memref_slice %arg3[%mul3A_38] : memref<320000xi32, #tpu.memory_space<hbm>> -> memref<128xi32, #tpu.memory_space<hbm>>
    tpu.wait_dma2 semaphore(%arg18 : memref<!tpu.dma_semaphore, #tpu.memory_space<semaphore_mem>>) src(%dma_wait3A_39 : memref<128xi32, #tpu.memory_space<hbm>>) dst(%arg7 : memref<128xi32, #tpu.memory_space<vmem>>)
    %add3A_40 = arith.constant 0 : i32
    %add3A_41 = arith.addi %add3A, %add3A_40 : i32
    %mul3A_42 = arith.constant 128 : i32
    %mul3A_43 = arith.muli %add3A_41, %mul3A_42 : i32
    %dma_wait3A_44 = tpu.memref_slice %arg4[%mul3A_43] : memref<320000xi32, #tpu.memory_space<hbm>> -> memref<128xi32, #tpu.memory_space<hbm>>
    %dma_wait3A_45 = tpu.memref_slice %arg4[%mul3A_43] : memref<320000xi32, #tpu.memory_space<hbm>> -> memref<128xi32, #tpu.memory_space<hbm>>
    tpu.wait_dma2 semaphore(%arg18 : memref<!tpu.dma_semaphore, #tpu.memory_space<semaphore_mem>>) src(%dma_wait3A_45 : memref<128xi32, #tpu.memory_space<hbm>>) dst(%arg11 : memref<128xi32, #tpu.memory_space<vmem>>)
    %dma_start3A_46 = arith.constant 0 : i32
    %dma_start3A_47 = arith.constant 0 : i32
    %dma_start3A_48 = tpu.memref_slice %arg2[%dma_start3A_46, %dma_start3A_47] : memref<10000x128xf32, #tpu.memory_space<hbm>> -> memref<10000x128xf32, #tpu.memory_space<hbm>>
    tpu.enqueue_indirect_dma source(%dma_start3A_48 : memref<10000x128xf32, #tpu.memory_space<hbm>>) target(%arg15 : memref<128x128xf32, #tpu.memory_space<vmem>>) offsets(%arg7 : memref<128xi32, #tpu.memory_space<vmem>>) semaphore(%arg22 : memref<!tpu.dma_semaphore, #tpu.memory_space<semaphore_mem>>)
    %scan3A = arith.constant 0 : i32
    %scan3A_49 = arith.constant 0 : i32
    %scan3A_50 = arith.constant 20 : i32
    %scan3A_51 = arith.addi %scan3A_49, %scan3A_50 : i32
    %scan3A_52 = arith.constant 1 : i32
    %scan3A_53 = scf.for %scan3A_72 = %scan3A_49 to %scan3A_51 step %scan3A_52 iter_args(%scan3A_73 = %scan3A) -> (i32)  : i32 {
      %mul3A_74 = arith.constant 4 : i32
      %mul3A_75 = arith.muli %mul3A_74, %scan3A_72 : i32
      %add3A_76 = arith.constant 0 : i32
      %add3A_77 = arith.addi %mul3A_75, %add3A_76 : i32
      %lt3A_78 = arith.cmpi slt, %add3A_77, %add3A_11 : i32
      %convert_element_type3A_79 = arith.extui %lt3A_78 : i1 to i32
      %cond3A_80 = arith.constant 0 : i32
      %cond3A_81 = arith.cmpi ne, %convert_element_type3A_79, %cond3A_80 : i32
      scf.if %cond3A_81 {
        %add3A_107 = arith.constant 2 : i32
        %add3A_108 = arith.addi %add3A_77, %add3A_107 : i32
        %lt3A_109 = arith.cmpi slt, %add3A_108, %add3A_11 : i32
        %convert_element_type3A_110 = arith.extui %lt3A_109 : i1 to i32
        %cond3A_111 = arith.constant 0 : i32
        %cond3A_112 = arith.cmpi ne, %convert_element_type3A_110, %cond3A_111 : i32
        scf.if %cond3A_112 {
          %add3A_125 = arith.constant 2 : i32
          %add3A_126 = arith.addi %add3A_77, %add3A_125 : i32
          %mul3A_127 = arith.constant 32 : i32
          %mul3A_128 = arith.muli %add3A_126, %mul3A_127 : i32
          %add3A_129 = arith.addi %add3A, %mul3A_128 : i32
          %mul3A_130 = arith.constant 128 : i32
          %mul3A_131 = arith.muli %add3A_129, %mul3A_130 : i32
          %dma_start3A_132 = tpu.memref_slice %arg3[%mul3A_131] : memref<320000xi32, #tpu.memory_space<hbm>> -> memref<128xi32, #tpu.memory_space<hbm>>
          %dma_start3A_133 = tpu.memref_slice %arg3[%mul3A_131] : memref<320000xi32, #tpu.memory_space<hbm>> -> memref<128xi32, #tpu.memory_space<hbm>>
          tpu.enqueue_dma source(%dma_start3A_133 : memref<128xi32, #tpu.memory_space<hbm>>) target(%arg9 : memref<128xi32, #tpu.memory_space<vmem>>) target_semaphore(%arg20 : memref<!tpu.dma_semaphore, #tpu.memory_space<semaphore_mem>>)
          %mul3A_134 = arith.constant 32 : i32
          %mul3A_135 = arith.muli %add3A_126, %mul3A_134 : i32
          %add3A_136 = arith.addi %add3A, %mul3A_135 : i32
          %mul3A_137 = arith.constant 128 : i32
          %mul3A_138 = arith.muli %add3A_136, %mul3A_137 : i32
          %dma_start3A_139 = tpu.memref_slice %arg4[%mul3A_138] : memref<320000xi32, #tpu.memory_space<hbm>> -> memref<128xi32, #tpu.memory_space<hbm>>
          %dma_start3A_140 = tpu.memref_slice %arg4[%mul3A_138] : memref<320000xi32, #tpu.memory_space<hbm>> -> memref<128xi32, #tpu.memory_space<hbm>>
          tpu.enqueue_dma source(%dma_start3A_140 : memref<128xi32, #tpu.memory_space<hbm>>) target(%arg13 : memref<128xi32, #tpu.memory_space<vmem>>) target_semaphore(%arg20 : memref<!tpu.dma_semaphore, #tpu.memory_space<semaphore_mem>>)
        } else {
        }
        %add3A_113 = arith.constant 1 : i32
        %add3A_114 = arith.addi %add3A_77, %add3A_113 : i32
        %lt3A_115 = arith.cmpi slt, %add3A_114, %add3A_11 : i32
        %convert_element_type3A_116 = arith.extui %lt3A_115 : i1 to i32
        %cond3A_117 = arith.constant 0 : i32
        %cond3A_118 = arith.cmpi ne, %convert_element_type3A_116, %cond3A_117 : i32
        scf.if %cond3A_118 {
          %ge3A = arith.constant 1 : i32
          %ge3A_125 = arith.cmpi sge, %add3A_77, %ge3A : i32
          %convert_element_type3A_126 = arith.extui %ge3A_125 : i1 to i32
          %cond3A_127 = arith.constant 0 : i32
          %cond3A_128 = arith.cmpi ne, %convert_element_type3A_126, %cond3A_127 : i32
          scf.if %cond3A_128 {
            %dma_wait3A_148 = arith.constant 0 : i32
            %dma_wait3A_149 = arith.constant 0 : i32
            %dma_wait3A_150 = tpu.memref_slice %arg17[%dma_wait3A_148, %dma_wait3A_149] : memref<10000x128xf32, #tpu.memory_space<vmem_shared>> -> memref<10000x128xf32, #tpu.memory_space<vmem_shared>>
            tpu.wait_indirect_dma semaphore(%arg25 : memref<!tpu.dma_semaphore, #tpu.memory_space<semaphore_mem>>) src(%arg16 : memref<128x128xf32, #tpu.memory_space<vmem>>) dst(%dma_wait3A_150 : memref<10000x128xf32, #tpu.memory_space<vmem_shared>>)
          } else {
          }
          %add3A_129 = arith.constant 1 : i32
          %add3A_130 = arith.addi %add3A_77, %add3A_129 : i32
          %mul3A_131 = arith.constant 32 : i32
          %mul3A_132 = arith.muli %add3A_130, %mul3A_131 : i32
          %add3A_133 = arith.addi %add3A, %mul3A_132 : i32
          %mul3A_134 = arith.constant 128 : i32
          %mul3A_135 = arith.muli %add3A_133, %mul3A_134 : i32
          %dma_wait3A_136 = tpu.memref_slice %arg3[%mul3A_135] : memref<320000xi32, #tpu.memory_space<hbm>> -> memref<128xi32, #tpu.memory_space<hbm>>
          %dma_wait3A_137 = tpu.memref_slice %arg3[%mul3A_135] : memref<320000xi32, #tpu.memory_space<hbm>> -> memref<128xi32, #tpu.memory_space<hbm>>
          tpu.wait_dma2 semaphore(%arg19 : memref<!tpu.dma_semaphore, #tpu.memory_space<semaphore_mem>>) src(%dma_wait3A_137 : memref<128xi32, #tpu.memory_space<hbm>>) dst(%arg8 : memref<128xi32, #tpu.memory_space<vmem>>)
          %mul3A_138 = arith.constant 32 : i32
          %mul3A_139 = arith.muli %add3A_130, %mul3A_138 : i32
          %add3A_140 = arith.addi %add3A, %mul3A_139 : i32
          %mul3A_141 = arith.constant 128 : i32
          %mul3A_142 = arith.muli %add3A_140, %mul3A_141 : i32
          %dma_wait3A_143 = tpu.memref_slice %arg4[%mul3A_142] : memref<320000xi32, #tpu.memory_space<hbm>> -> memref<128xi32, #tpu.memory_space<hbm>>
          %dma_wait3A_144 = tpu.memref_slice %arg4[%mul3A_142] : memref<320000xi32, #tpu.memory_space<hbm>> -> memref<128xi32, #tpu.memory_space<hbm>>
          tpu.wait_dma2 semaphore(%arg19 : memref<!tpu.dma_semaphore, #tpu.memory_space<semaphore_mem>>) src(%dma_wait3A_144 : memref<128xi32, #tpu.memory_space<hbm>>) dst(%arg12 : memref<128xi32, #tpu.memory_space<vmem>>)
          %dma_start3A_145 = arith.constant 0 : i32
          %dma_start3A_146 = arith.constant 0 : i32
          %dma_start3A_147 = tpu.memref_slice %arg2[%dma_start3A_145, %dma_start3A_146] : memref<10000x128xf32, #tpu.memory_space<hbm>> -> memref<10000x128xf32, #tpu.memory_space<hbm>>
          tpu.enqueue_indirect_dma source(%dma_start3A_147 : memref<10000x128xf32, #tpu.memory_space<hbm>>) target(%arg16 : memref<128x128xf32, #tpu.memory_space<vmem>>) offsets(%arg8 : memref<128xi32, #tpu.memory_space<vmem>>) semaphore(%arg23 : memref<!tpu.dma_semaphore, #tpu.memory_space<semaphore_mem>>)
        } else {
        }
        %dma_wait3A_119 = arith.constant 0 : i32
        %dma_wait3A_120 = arith.constant 0 : i32
        %dma_wait3A_121 = tpu.memref_slice %arg2[%dma_wait3A_119, %dma_wait3A_120] : memref<10000x128xf32, #tpu.memory_space<hbm>> -> memref<10000x128xf32, #tpu.memory_space<hbm>>
        tpu.wait_indirect_dma semaphore(%arg22 : memref<!tpu.dma_semaphore, #tpu.memory_space<semaphore_mem>>) src(%dma_wait3A_121 : memref<10000x128xf32, #tpu.memory_space<hbm>>) dst(%arg15 : memref<128x128xf32, #tpu.memory_space<vmem>>)
        %dma_start3A_122 = arith.constant 0 : i32
        %dma_start3A_123 = arith.constant 0 : i32
        %dma_start3A_124 = tpu.memref_slice %arg17[%dma_start3A_122, %dma_start3A_123] : memref<10000x128xf32, #tpu.memory_space<vmem_shared>> -> memref<10000x128xf32, #tpu.memory_space<vmem_shared>>
        tpu.enqueue_indirect_dma source(%arg15 : memref<128x128xf32, #tpu.memory_space<vmem>>) target(%dma_start3A_124 : memref<10000x128xf32, #tpu.memory_space<vmem_shared>>) offsets(%arg11 : memref<128xi32, #tpu.memory_space<vmem>>) semaphore(%arg24 : memref<!tpu.dma_semaphore, #tpu.memory_space<semaphore_mem>>) {add = true}
      } else {
      }
      %mul3A_82 = arith.constant 4 : i32
      %mul3A_83 = arith.muli %mul3A_82, %scan3A_72 : i32
      %add3A_84 = arith.constant 1 : i32
      %add3A_85 = arith.addi %mul3A_83, %add3A_84 : i32
      %lt3A_86 = arith.cmpi slt, %add3A_85, %add3A_11 : i32
      %convert_element_type3A_87 = arith.extui %lt3A_86 : i1 to i32
      %cond3A_88 = arith.constant 0 : i32
      %cond3A_89 = arith.cmpi ne, %convert_element_type3A_87, %cond3A_88 : i32
      scf.if %cond3A_89 {
        %add3A_107 = arith.constant 2 : i32
        %add3A_108 = arith.addi %add3A_85, %add3A_107 : i32
        %lt3A_109 = arith.cmpi slt, %add3A_108, %add3A_11 : i32
        %convert_element_type3A_110 = arith.extui %lt3A_109 : i1 to i32
        %cond3A_111 = arith.constant 0 : i32
        %cond3A_112 = arith.cmpi ne, %convert_element_type3A_110, %cond3A_111 : i32
        scf.if %cond3A_112 {
          %add3A_125 = arith.constant 2 : i32
          %add3A_126 = arith.addi %add3A_85, %add3A_125 : i32
          %mul3A_127 = arith.constant 32 : i32
          %mul3A_128 = arith.muli %add3A_126, %mul3A_127 : i32
          %add3A_129 = arith.addi %add3A, %mul3A_128 : i32
          %mul3A_130 = arith.constant 128 : i32
          %mul3A_131 = arith.muli %add3A_129, %mul3A_130 : i32
          %dma_start3A_132 = tpu.memref_slice %arg3[%mul3A_131] : memref<320000xi32, #tpu.memory_space<hbm>> -> memref<128xi32, #tpu.memory_space<hbm>>
          %dma_start3A_133 = tpu.memref_slice %arg3[%mul3A_131] : memref<320000xi32, #tpu.memory_space<hbm>> -> memref<128xi32, #tpu.memory_space<hbm>>
          tpu.enqueue_dma source(%dma_start3A_133 : memref<128xi32, #tpu.memory_space<hbm>>) target(%arg10 : memref<128xi32, #tpu.memory_space<vmem>>) target_semaphore(%arg21 : memref<!tpu.dma_semaphore, #tpu.memory_space<semaphore_mem>>)
          %mul3A_134 = arith.constant 32 : i32
          %mul3A_135 = arith.muli %add3A_126, %mul3A_134 : i32
          %add3A_136 = arith.addi %add3A, %mul3A_135 : i32
          %mul3A_137 = arith.constant 128 : i32
          %mul3A_138 = arith.muli %add3A_136, %mul3A_137 : i32
          %dma_start3A_139 = tpu.memref_slice %arg4[%mul3A_138] : memref<320000xi32, #tpu.memory_space<hbm>> -> memref<128xi32, #tpu.memory_space<hbm>>
          %dma_start3A_140 = tpu.memref_slice %arg4[%mul3A_138] : memref<320000xi32, #tpu.memory_space<hbm>> -> memref<128xi32, #tpu.memory_space<hbm>>
          tpu.enqueue_dma source(%dma_start3A_140 : memref<128xi32, #tpu.memory_space<hbm>>) target(%arg14 : memref<128xi32, #tpu.memory_space<vmem>>) target_semaphore(%arg21 : memref<!tpu.dma_semaphore, #tpu.memory_space<semaphore_mem>>)
        } else {
        }
        %add3A_113 = arith.constant 1 : i32
        %add3A_114 = arith.addi %add3A_85, %add3A_113 : i32
        %lt3A_115 = arith.cmpi slt, %add3A_114, %add3A_11 : i32
        %convert_element_type3A_116 = arith.extui %lt3A_115 : i1 to i32
        %cond3A_117 = arith.constant 0 : i32
        %cond3A_118 = arith.cmpi ne, %convert_element_type3A_116, %cond3A_117 : i32
        scf.if %cond3A_118 {
          %ge3A = arith.constant 1 : i32
          %ge3A_125 = arith.cmpi sge, %add3A_85, %ge3A : i32
          %convert_element_type3A_126 = arith.extui %ge3A_125 : i1 to i32
          %cond3A_127 = arith.constant 0 : i32
          %cond3A_128 = arith.cmpi ne, %convert_element_type3A_126, %cond3A_127 : i32
          scf.if %cond3A_128 {
            %dma_wait3A_148 = arith.constant 0 : i32
            %dma_wait3A_149 = arith.constant 0 : i32
            %dma_wait3A_150 = tpu.memref_slice %arg17[%dma_wait3A_148, %dma_wait3A_149] : memref<10000x128xf32, #tpu.memory_space<vmem_shared>> -> memref<10000x128xf32, #tpu.memory_space<vmem_shared>>
            tpu.wait_indirect_dma semaphore(%arg24 : memref<!tpu.dma_semaphore, #tpu.memory_space<semaphore_mem>>) src(%arg15 : memref<128x128xf32, #tpu.memory_space<vmem>>) dst(%dma_wait3A_150 : memref<10000x128xf32, #tpu.memory_space<vmem_shared>>)
          } else {
          }
          %add3A_129 = arith.constant 1 : i32
          %add3A_130 = arith.addi %add3A_85, %add3A_129 : i32
          %mul3A_131 = arith.constant 32 : i32
          %mul3A_132 = arith.muli %add3A_130, %mul3A_131 : i32
          %add3A_133 = arith.addi %add3A, %mul3A_132 : i32
          %mul3A_134 = arith.constant 128 : i32
          %mul3A_135 = arith.muli %add3A_133, %mul3A_134 : i32
          %dma_wait3A_136 = tpu.memref_slice %arg3[%mul3A_135] : memref<320000xi32, #tpu.memory_space<hbm>> -> memref<128xi32, #tpu.memory_space<hbm>>
          %dma_wait3A_137 = tpu.memref_slice %arg3[%mul3A_135] : memref<320000xi32, #tpu.memory_space<hbm>> -> memref<128xi32, #tpu.memory_space<hbm>>
          tpu.wait_dma2 semaphore(%arg20 : memref<!tpu.dma_semaphore, #tpu.memory_space<semaphore_mem>>) src(%dma_wait3A_137 : memref<128xi32, #tpu.memory_space<hbm>>) dst(%arg9 : memref<128xi32, #tpu.memory_space<vmem>>)
          %mul3A_138 = arith.constant 32 : i32
          %mul3A_139 = arith.muli %add3A_130, %mul3A_138 : i32
          %add3A_140 = arith.addi %add3A, %mul3A_139 : i32
          %mul3A_141 = arith.constant 128 : i32
          %mul3A_142 = arith.muli %add3A_140, %mul3A_141 : i32
          %dma_wait3A_143 = tpu.memref_slice %arg4[%mul3A_142] : memref<320000xi32, #tpu.memory_space<hbm>> -> memref<128xi32, #tpu.memory_space<hbm>>
          %dma_wait3A_144 = tpu.memref_slice %arg4[%mul3A_142] : memref<320000xi32, #tpu.memory_space<hbm>> -> memref<128xi32, #tpu.memory_space<hbm>>
          tpu.wait_dma2 semaphore(%arg20 : memref<!tpu.dma_semaphore, #tpu.memory_space<semaphore_mem>>) src(%dma_wait3A_144 : memref<128xi32, #tpu.memory_space<hbm>>) dst(%arg13 : memref<128xi32, #tpu.memory_space<vmem>>)
          %dma_start3A_145 = arith.constant 0 : i32
          %dma_start3A_146 = arith.constant 0 : i32
          %dma_start3A_147 = tpu.memref_slice %arg2[%dma_start3A_145, %dma_start3A_146] : memref<10000x128xf32, #tpu.memory_space<hbm>> -> memref<10000x128xf32, #tpu.memory_space<hbm>>
          tpu.enqueue_indirect_dma source(%dma_start3A_147 : memref<10000x128xf32, #tpu.memory_space<hbm>>) target(%arg15 : memref<128x128xf32, #tpu.memory_space<vmem>>) offsets(%arg9 : memref<128xi32, #tpu.memory_space<vmem>>) semaphore(%arg22 : memref<!tpu.dma_semaphore, #tpu.memory_space<semaphore_mem>>)
        } else {
        }
        %dma_wait3A_119 = arith.constant 0 : i32
        %dma_wait3A_120 = arith.constant 0 : i32
        %dma_wait3A_121 = tpu.memref_slice %arg2[%dma_wait3A_119, %dma_wait3A_120] : memref<10000x128xf32, #tpu.memory_space<hbm>> -> memref<10000x128xf32, #tpu.memory_space<hbm>>
        tpu.wait_indirect_dma semaphore(%arg23 : memref<!tpu.dma_semaphore, #tpu.memory_space<semaphore_mem>>) src(%dma_wait3A_121 : memref<10000x128xf32, #tpu.memory_space<hbm>>) dst(%arg16 : memref<128x128xf32, #tpu.memory_space<vmem>>)
        %dma_start3A_122 = arith.constant 0 : i32
        %dma_start3A_123 = arith.constant 0 : i32
        %dma_start3A_124 = tpu.memref_slice %arg17[%dma_start3A_122, %dma_start3A_123] : memref<10000x128xf32, #tpu.memory_space<vmem_shared>> -> memref<10000x128xf32, #tpu.memory_space<vmem_shared>>
        tpu.enqueue_indirect_dma source(%arg16 : memref<128x128xf32, #tpu.memory_space<vmem>>) target(%dma_start3A_124 : memref<10000x128xf32, #tpu.memory_space<vmem_shared>>) offsets(%arg12 : memref<128xi32, #tpu.memory_space<vmem>>) semaphore(%arg25 : memref<!tpu.dma_semaphore, #tpu.memory_space<semaphore_mem>>) {add = true}
      } else {
      }
      %mul3A_90 = arith.constant 4 : i32
      %mul3A_91 = arith.muli %mul3A_90, %scan3A_72 : i32
      %add3A_92 = arith.constant 2 : i32
      %add3A_93 = arith.addi %mul3A_91, %add3A_92 : i32
      %lt3A_94 = arith.cmpi slt, %add3A_93, %add3A_11 : i32
      %convert_element_type3A_95 = arith.extui %lt3A_94 : i1 to i32
      %cond3A_96 = arith.constant 0 : i32
      %cond3A_97 = arith.cmpi ne, %convert_element_type3A_95, %cond3A_96 : i32
      scf.if %cond3A_97 {
        %add3A_107 = arith.constant 2 : i32
        %add3A_108 = arith.addi %add3A_93, %add3A_107 : i32
        %lt3A_109 = arith.cmpi slt, %add3A_108, %add3A_11 : i32
        %convert_element_type3A_110 = arith.extui %lt3A_109 : i1 to i32
        %cond3A_111 = arith.constant 0 : i32
        %cond3A_112 = arith.cmpi ne, %convert_element_type3A_110, %cond3A_111 : i32
        scf.if %cond3A_112 {
          %add3A_125 = arith.constant 2 : i32
          %add3A_126 = arith.addi %add3A_93, %add3A_125 : i32
          %mul3A_127 = arith.constant 32 : i32
          %mul3A_128 = arith.muli %add3A_126, %mul3A_127 : i32
          %add3A_129 = arith.addi %add3A, %mul3A_128 : i32
          %mul3A_130 = arith.constant 128 : i32
          %mul3A_131 = arith.muli %add3A_129, %mul3A_130 : i32
          %dma_start3A_132 = tpu.memref_slice %arg3[%mul3A_131] : memref<320000xi32, #tpu.memory_space<hbm>> -> memref<128xi32, #tpu.memory_space<hbm>>
          %dma_start3A_133 = tpu.memref_slice %arg3[%mul3A_131] : memref<320000xi32, #tpu.memory_space<hbm>> -> memref<128xi32, #tpu.memory_space<hbm>>
          tpu.enqueue_dma source(%dma_start3A_133 : memref<128xi32, #tpu.memory_space<hbm>>) target(%arg7 : memref<128xi32, #tpu.memory_space<vmem>>) target_semaphore(%arg18 : memref<!tpu.dma_semaphore, #tpu.memory_space<semaphore_mem>>)
          %mul3A_134 = arith.constant 32 : i32
          %mul3A_135 = arith.muli %add3A_126, %mul3A_134 : i32
          %add3A_136 = arith.addi %add3A, %mul3A_135 : i32
          %mul3A_137 = arith.constant 128 : i32
          %mul3A_138 = arith.muli %add3A_136, %mul3A_137 : i32
          %dma_start3A_139 = tpu.memref_slice %arg4[%mul3A_138] : memref<320000xi32, #tpu.memory_space<hbm>> -> memref<128xi32, #tpu.memory_space<hbm>>
          %dma_start3A_140 = tpu.memref_slice %arg4[%mul3A_138] : memref<320000xi32, #tpu.memory_space<hbm>> -> memref<128xi32, #tpu.memory_space<hbm>>
          tpu.enqueue_dma source(%dma_start3A_140 : memref<128xi32, #tpu.memory_space<hbm>>) target(%arg11 : memref<128xi32, #tpu.memory_space<vmem>>) target_semaphore(%arg18 : memref<!tpu.dma_semaphore, #tpu.memory_space<semaphore_mem>>)
        } else {
        }
        %add3A_113 = arith.constant 1 : i32
        %add3A_114 = arith.addi %add3A_93, %add3A_113 : i32
        %lt3A_115 = arith.cmpi slt, %add3A_114, %add3A_11 : i32
        %convert_element_type3A_116 = arith.extui %lt3A_115 : i1 to i32
        %cond3A_117 = arith.constant 0 : i32
        %cond3A_118 = arith.cmpi ne, %convert_element_type3A_116, %cond3A_117 : i32
        scf.if %cond3A_118 {
          %ge3A = arith.constant 1 : i32
          %ge3A_125 = arith.cmpi sge, %add3A_93, %ge3A : i32
          %convert_element_type3A_126 = arith.extui %ge3A_125 : i1 to i32
          %cond3A_127 = arith.constant 0 : i32
          %cond3A_128 = arith.cmpi ne, %convert_element_type3A_126, %cond3A_127 : i32
          scf.if %cond3A_128 {
            %dma_wait3A_148 = arith.constant 0 : i32
            %dma_wait3A_149 = arith.constant 0 : i32
            %dma_wait3A_150 = tpu.memref_slice %arg17[%dma_wait3A_148, %dma_wait3A_149] : memref<10000x128xf32, #tpu.memory_space<vmem_shared>> -> memref<10000x128xf32, #tpu.memory_space<vmem_shared>>
            tpu.wait_indirect_dma semaphore(%arg25 : memref<!tpu.dma_semaphore, #tpu.memory_space<semaphore_mem>>) src(%arg16 : memref<128x128xf32, #tpu.memory_space<vmem>>) dst(%dma_wait3A_150 : memref<10000x128xf32, #tpu.memory_space<vmem_shared>>)
          } else {
          }
          %add3A_129 = arith.constant 1 : i32
          %add3A_130 = arith.addi %add3A_93, %add3A_129 : i32
          %mul3A_131 = arith.constant 32 : i32
          %mul3A_132 = arith.muli %add3A_130, %mul3A_131 : i32
          %add3A_133 = arith.addi %add3A, %mul3A_132 : i32
          %mul3A_134 = arith.constant 128 : i32
          %mul3A_135 = arith.muli %add3A_133, %mul3A_134 : i32
          %dma_wait3A_136 = tpu.memref_slice %arg3[%mul3A_135] : memref<320000xi32, #tpu.memory_space<hbm>> -> memref<128xi32, #tpu.memory_space<hbm>>
          %dma_wait3A_137 = tpu.memref_slice %arg3[%mul3A_135] : memref<320000xi32, #tpu.memory_space<hbm>> -> memref<128xi32, #tpu.memory_space<hbm>>
          tpu.wait_dma2 semaphore(%arg21 : memref<!tpu.dma_semaphore, #tpu.memory_space<semaphore_mem>>) src(%dma_wait3A_137 : memref<128xi32, #tpu.memory_space<hbm>>) dst(%arg10 : memref<128xi32, #tpu.memory_space<vmem>>)
          %mul3A_138 = arith.constant 32 : i32
          %mul3A_139 = arith.muli %add3A_130, %mul3A_138 : i32
          %add3A_140 = arith.addi %add3A, %mul3A_139 : i32
          %mul3A_141 = arith.constant 128 : i32
          %mul3A_142 = arith.muli %add3A_140, %mul3A_141 : i32
          %dma_wait3A_143 = tpu.memref_slice %arg4[%mul3A_142] : memref<320000xi32, #tpu.memory_space<hbm>> -> memref<128xi32, #tpu.memory_space<hbm>>
          %dma_wait3A_144 = tpu.memref_slice %arg4[%mul3A_142] : memref<320000xi32, #tpu.memory_space<hbm>> -> memref<128xi32, #tpu.memory_space<hbm>>
          tpu.wait_dma2 semaphore(%arg21 : memref<!tpu.dma_semaphore, #tpu.memory_space<semaphore_mem>>) src(%dma_wait3A_144 : memref<128xi32, #tpu.memory_space<hbm>>) dst(%arg14 : memref<128xi32, #tpu.memory_space<vmem>>)
          %dma_start3A_145 = arith.constant 0 : i32
          %dma_start3A_146 = arith.constant 0 : i32
          %dma_start3A_147 = tpu.memref_slice %arg2[%dma_start3A_145, %dma_start3A_146] : memref<10000x128xf32, #tpu.memory_space<hbm>> -> memref<10000x128xf32, #tpu.memory_space<hbm>>
          tpu.enqueue_indirect_dma source(%dma_start3A_147 : memref<10000x128xf32, #tpu.memory_space<hbm>>) target(%arg16 : memref<128x128xf32, #tpu.memory_space<vmem>>) offsets(%arg10 : memref<128xi32, #tpu.memory_space<vmem>>) semaphore(%arg23 : memref<!tpu.dma_semaphore, #tpu.memory_space<semaphore_mem>>)
        } else {
        }
        %dma_wait3A_119 = arith.constant 0 : i32
        %dma_wait3A_120 = arith.constant 0 : i32
        %dma_wait3A_121 = tpu.memref_slice %arg2[%dma_wait3A_119, %dma_wait3A_120] : memref<10000x128xf32, #tpu.memory_space<hbm>> -> memref<10000x128xf32, #tpu.memory_space<hbm>>
        tpu.wait_indirect_dma semaphore(%arg22 : memref<!tpu.dma_semaphore, #tpu.memory_space<semaphore_mem>>) src(%dma_wait3A_121 : memref<10000x128xf32, #tpu.memory_space<hbm>>) dst(%arg15 : memref<128x128xf32, #tpu.memory_space<vmem>>)
        %dma_start3A_122 = arith.constant 0 : i32
        %dma_start3A_123 = arith.constant 0 : i32
        %dma_start3A_124 = tpu.memref_slice %arg17[%dma_start3A_122, %dma_start3A_123] : memref<10000x128xf32, #tpu.memory_space<vmem_shared>> -> memref<10000x128xf32, #tpu.memory_space<vmem_shared>>
        tpu.enqueue_indirect_dma source(%arg15 : memref<128x128xf32, #tpu.memory_space<vmem>>) target(%dma_start3A_124 : memref<10000x128xf32, #tpu.memory_space<vmem_shared>>) offsets(%arg13 : memref<128xi32, #tpu.memory_space<vmem>>) semaphore(%arg24 : memref<!tpu.dma_semaphore, #tpu.memory_space<semaphore_mem>>) {add = true}
      } else {
      }
      %mul3A_98 = arith.constant 4 : i32
      %mul3A_99 = arith.muli %mul3A_98, %scan3A_72 : i32
      %add3A_100 = arith.constant 3 : i32
      %add3A_101 = arith.addi %mul3A_99, %add3A_100 : i32
      %lt3A_102 = arith.cmpi slt, %add3A_101, %add3A_11 : i32
      %convert_element_type3A_103 = arith.extui %lt3A_102 : i1 to i32
      %cond3A_104 = arith.constant 0 : i32
      %cond3A_105 = arith.cmpi ne, %convert_element_type3A_103, %cond3A_104 : i32
      scf.if %cond3A_105 {
        %add3A_107 = arith.constant 2 : i32
        %add3A_108 = arith.addi %add3A_101, %add3A_107 : i32
        %lt3A_109 = arith.cmpi slt, %add3A_108, %add3A_11 : i32
        %convert_element_type3A_110 = arith.extui %lt3A_109 : i1 to i32
        %cond3A_111 = arith.constant 0 : i32
        %cond3A_112 = arith.cmpi ne, %convert_element_type3A_110, %cond3A_111 : i32
        scf.if %cond3A_112 {
          %add3A_125 = arith.constant 2 : i32
          %add3A_126 = arith.addi %add3A_101, %add3A_125 : i32
          %mul3A_127 = arith.constant 32 : i32
          %mul3A_128 = arith.muli %add3A_126, %mul3A_127 : i32
          %add3A_129 = arith.addi %add3A, %mul3A_128 : i32
          %mul3A_130 = arith.constant 128 : i32
          %mul3A_131 = arith.muli %add3A_129, %mul3A_130 : i32
          %dma_start3A_132 = tpu.memref_slice %arg3[%mul3A_131] : memref<320000xi32, #tpu.memory_space<hbm>> -> memref<128xi32, #tpu.memory_space<hbm>>
          %dma_start3A_133 = tpu.memref_slice %arg3[%mul3A_131] : memref<320000xi32, #tpu.memory_space<hbm>> -> memref<128xi32, #tpu.memory_space<hbm>>
          tpu.enqueue_dma source(%dma_start3A_133 : memref<128xi32, #tpu.memory_space<hbm>>) target(%arg8 : memref<128xi32, #tpu.memory_space<vmem>>) target_semaphore(%arg19 : memref<!tpu.dma_semaphore, #tpu.memory_space<semaphore_mem>>)
          %mul3A_134 = arith.constant 32 : i32
          %mul3A_135 = arith.muli %add3A_126, %mul3A_134 : i32
          %add3A_136 = arith.addi %add3A, %mul3A_135 : i32
          %mul3A_137 = arith.constant 128 : i32
          %mul3A_138 = arith.muli %add3A_136, %mul3A_137 : i32
          %dma_start3A_139 = tpu.memref_slice %arg4[%mul3A_138] : memref<320000xi32, #tpu.memory_space<hbm>> -> memref<128xi32, #tpu.memory_space<hbm>>
          %dma_start3A_140 = tpu.memref_slice %arg4[%mul3A_138] : memref<320000xi32, #tpu.memory_space<hbm>> -> memref<128xi32, #tpu.memory_space<hbm>>
          tpu.enqueue_dma source(%dma_start3A_140 : memref<128xi32, #tpu.memory_space<hbm>>) target(%arg12 : memref<128xi32, #tpu.memory_space<vmem>>) target_semaphore(%arg19 : memref<!tpu.dma_semaphore, #tpu.memory_space<semaphore_mem>>)
        } else {
        }
        %add3A_113 = arith.constant 1 : i32
        %add3A_114 = arith.addi %add3A_101, %add3A_113 : i32
        %lt3A_115 = arith.cmpi slt, %add3A_114, %add3A_11 : i32
        %convert_element_type3A_116 = arith.extui %lt3A_115 : i1 to i32
        %cond3A_117 = arith.constant 0 : i32
        %cond3A_118 = arith.cmpi ne, %convert_element_type3A_116, %cond3A_117 : i32
        scf.if %cond3A_118 {
          %ge3A = arith.constant 1 : i32
          %ge3A_125 = arith.cmpi sge, %add3A_101, %ge3A : i32
          %convert_element_type3A_126 = arith.extui %ge3A_125 : i1 to i32
          %cond3A_127 = arith.constant 0 : i32
          %cond3A_128 = arith.cmpi ne, %convert_element_type3A_126, %cond3A_127 : i32
          scf.if %cond3A_128 {
            %dma_wait3A_148 = arith.constant 0 : i32
            %dma_wait3A_149 = arith.constant 0 : i32
            %dma_wait3A_150 = tpu.memref_slice %arg17[%dma_wait3A_148, %dma_wait3A_149] : memref<10000x128xf32, #tpu.memory_space<vmem_shared>> -> memref<10000x128xf32, #tpu.memory_space<vmem_shared>>
            tpu.wait_indirect_dma semaphore(%arg24 : memref<!tpu.dma_semaphore, #tpu.memory_space<semaphore_mem>>) src(%arg15 : memref<128x128xf32, #tpu.memory_space<vmem>>) dst(%dma_wait3A_150 : memref<10000x128xf32, #tpu.memory_space<vmem_shared>>)
          } else {
          }
          %add3A_129 = arith.constant 1 : i32
          %add3A_130 = arith.addi %add3A_101, %add3A_129 : i32
          %mul3A_131 = arith.constant 32 : i32
          %mul3A_132 = arith.muli %add3A_130, %mul3A_131 : i32
          %add3A_133 = arith.addi %add3A, %mul3A_132 : i32
          %mul3A_134 = arith.constant 128 : i32
          %mul3A_135 = arith.muli %add3A_133, %mul3A_134 : i32
          %dma_wait3A_136 = tpu.memref_slice %arg3[%mul3A_135] : memref<320000xi32, #tpu.memory_space<hbm>> -> memref<128xi32, #tpu.memory_space<hbm>>
          %dma_wait3A_137 = tpu.memref_slice %arg3[%mul3A_135] : memref<320000xi32, #tpu.memory_space<hbm>> -> memref<128xi32, #tpu.memory_space<hbm>>
          tpu.wait_dma2 semaphore(%arg18 : memref<!tpu.dma_semaphore, #tpu.memory_space<semaphore_mem>>) src(%dma_wait3A_137 : memref<128xi32, #tpu.memory_space<hbm>>) dst(%arg7 : memref<128xi32, #tpu.memory_space<vmem>>)
          %mul3A_138 = arith.constant 32 : i32
          %mul3A_139 = arith.muli %add3A_130, %mul3A_138 : i32
          %add3A_140 = arith.addi %add3A, %mul3A_139 : i32
          %mul3A_141 = arith.constant 128 : i32
          %mul3A_142 = arith.muli %add3A_140, %mul3A_141 : i32
          %dma_wait3A_143 = tpu.memref_slice %arg4[%mul3A_142] : memref<320000xi32, #tpu.memory_space<hbm>> -> memref<128xi32, #tpu.memory_space<hbm>>
          %dma_wait3A_144 = tpu.memref_slice %arg4[%mul3A_142] : memref<320000xi32, #tpu.memory_space<hbm>> -> memref<128xi32, #tpu.memory_space<hbm>>
          tpu.wait_dma2 semaphore(%arg18 : memref<!tpu.dma_semaphore, #tpu.memory_space<semaphore_mem>>) src(%dma_wait3A_144 : memref<128xi32, #tpu.memory_space<hbm>>) dst(%arg11 : memref<128xi32, #tpu.memory_space<vmem>>)
          %dma_start3A_145 = arith.constant 0 : i32
          %dma_start3A_146 = arith.constant 0 : i32
          %dma_start3A_147 = tpu.memref_slice %arg2[%dma_start3A_145, %dma_start3A_146] : memref<10000x128xf32, #tpu.memory_space<hbm>> -> memref<10000x128xf32, #tpu.memory_space<hbm>>
          tpu.enqueue_indirect_dma source(%dma_start3A_147 : memref<10000x128xf32, #tpu.memory_space<hbm>>) target(%arg15 : memref<128x128xf32, #tpu.memory_space<vmem>>) offsets(%arg7 : memref<128xi32, #tpu.memory_space<vmem>>) semaphore(%arg22 : memref<!tpu.dma_semaphore, #tpu.memory_space<semaphore_mem>>)
        } else {
        }
        %dma_wait3A_119 = arith.constant 0 : i32
        %dma_wait3A_120 = arith.constant 0 : i32
        %dma_wait3A_121 = tpu.memref_slice %arg2[%dma_wait3A_119, %dma_wait3A_120] : memref<10000x128xf32, #tpu.memory_space<hbm>> -> memref<10000x128xf32, #tpu.memory_space<hbm>>
        tpu.wait_indirect_dma semaphore(%arg23 : memref<!tpu.dma_semaphore, #tpu.memory_space<semaphore_mem>>) src(%dma_wait3A_121 : memref<10000x128xf32, #tpu.memory_space<hbm>>) dst(%arg16 : memref<128x128xf32, #tpu.memory_space<vmem>>)
        %dma_start3A_122 = arith.constant 0 : i32
        %dma_start3A_123 = arith.constant 0 : i32
        %dma_start3A_124 = tpu.memref_slice %arg17[%dma_start3A_122, %dma_start3A_123] : memref<10000x128xf32, #tpu.memory_space<vmem_shared>> -> memref<10000x128xf32, #tpu.memory_space<vmem_shared>>
        tpu.enqueue_indirect_dma source(%arg16 : memref<128x128xf32, #tpu.memory_space<vmem>>) target(%dma_start3A_124 : memref<10000x128xf32, #tpu.memory_space<vmem_shared>>) offsets(%arg14 : memref<128xi32, #tpu.memory_space<vmem>>) semaphore(%arg25 : memref<!tpu.dma_semaphore, #tpu.memory_space<semaphore_mem>>) {add = true}
      } else {
      }
      %scan3A_106 = arith.constant 0 : i32
      scf.yield %scan3A_106 : i32
    }
    %scan3A_54 = arith.constant 20 : i32
    %dma_wait3A_55 = arith.constant 0 : i32
    %dma_wait3A_56 = arith.constant 0 : i32
    %dma_wait3A_57 = tpu.memref_slice %arg17[%dma_wait3A_55, %dma_wait3A_56] : memref<10000x128xf32, #tpu.memory_space<vmem_shared>> -> memref<10000x128xf32, #tpu.memory_space<vmem_shared>>
    tpu.wait_indirect_dma semaphore(%arg24 : memref<!tpu.dma_semaphore, #tpu.memory_space<semaphore_mem>>) src(%arg15 : memref<128x128xf32, #tpu.memory_space<vmem>>) dst(%dma_wait3A_57 : memref<10000x128xf32, #tpu.memory_space<vmem_shared>>)
    %dma_wait3A_58 = arith.constant 0 : i32
    %dma_wait3A_59 = arith.constant 0 : i32
    %dma_wait3A_60 = tpu.memref_slice %arg17[%dma_wait3A_58, %dma_wait3A_59] : memref<10000x128xf32, #tpu.memory_space<vmem_shared>> -> memref<10000x128xf32, #tpu.memory_space<vmem_shared>>
    tpu.wait_indirect_dma semaphore(%arg25 : memref<!tpu.dma_semaphore, #tpu.memory_space<semaphore_mem>>) src(%arg16 : memref<128x128xf32, #tpu.memory_space<vmem>>) dst(%dma_wait3A_60 : memref<10000x128xf32, #tpu.memory_space<vmem_shared>>)
    %barrier3A_61 = arith.constant 0 : index
    tpu.barrier barrier_id(%barrier3A_61)
    %lt3A_62 = arith.constant 15 : i32
    %lt3A_63 = arith.cmpi slt, %arg1, %lt3A_62 : i32
    %convert_element_type3A_64 = arith.extui %lt3A_63 : i1 to i32
    %cond3A_65 = arith.constant 0 : i32
    %cond3A_66 = arith.cmpi ne, %convert_element_type3A_64, %cond3A_65 : i32
    scf.if %cond3A_66 {
      %mul3A_72 = arith.constant 632 : i32
      %mul3A_73 = arith.muli %arg1, %mul3A_72 : i32
      %multiple_of3A = tpu.assume_multiple %mul3A_73, 8 : i32
      "tpu.region"() ({
        %run_scoped3A = tpu.sem_alloc : memref<!tpu.dma_semaphore, #tpu.memory_space<semaphore_mem>>
        %dma_start3A_74 = arith.constant 0 : i32
        %dma_start3A_75 = arith.constant 0 : i32
        %dma_start3A_76 = tpu.memref_slice %arg6[%arg0, %dma_start3A_74, %dma_start3A_75] : memref<2x10000x128xf32, #tpu.memory_space<hbm>> -> memref<1x10000x128xf32, #tpu.memory_space<hbm>>
        %dma_start3A_77 = tpu.memref_squeeze %dma_start3A_76 : memref<1x10000x128xf32, #tpu.memory_space<hbm>> -> memref<10000x128xf32, #tpu.memory_space<hbm>>
        %dma_start3A_78 = arith.constant 0 : i32
        %dma_start3A_79 = tpu.memref_slice %dma_start3A_77[%multiple_of3A, %dma_start3A_78] : memref<10000x128xf32, #tpu.memory_space<hbm>> -> memref<632x128xf32, #tpu.memory_space<hbm>>
        %dma_start3A_80 = arith.constant 0 : i32
        %dma_start3A_81 = tpu.memref_slice %arg17[%multiple_of3A, %dma_start3A_80] : memref<10000x128xf32, #tpu.memory_space<vmem_shared>> -> memref<632x128xf32, #tpu.memory_space<vmem_shared>>
        tpu.enqueue_dma source(%dma_start3A_81 : memref<632x128xf32, #tpu.memory_space<vmem_shared>>) target(%dma_start3A_79 : memref<632x128xf32, #tpu.memory_space<hbm>>) target_semaphore(%run_scoped3A : memref<!tpu.dma_semaphore, #tpu.memory_space<semaphore_mem>>)
        %dma_wait3A_82 = arith.constant 0 : i32
        %dma_wait3A_83 = arith.constant 0 : i32
        %dma_wait3A_84 = tpu.memref_slice %arg6[%arg0, %dma_wait3A_82, %dma_wait3A_83] : memref<2x10000x128xf32, #tpu.memory_space<hbm>> -> memref<1x10000x128xf32, #tpu.memory_space<hbm>>
        %dma_wait3A_85 = tpu.memref_squeeze %dma_wait3A_84 : memref<1x10000x128xf32, #tpu.memory_space<hbm>> -> memref<10000x128xf32, #tpu.memory_space<hbm>>
        %dma_wait3A_86 = arith.constant 0 : i32
        %dma_wait3A_87 = tpu.memref_slice %dma_wait3A_85[%multiple_of3A, %dma_wait3A_86] : memref<10000x128xf32, #tpu.memory_space<hbm>> -> memref<632x128xf32, #tpu.memory_space<hbm>>
        %dma_wait3A_88 = arith.constant 0 : i32
        %dma_wait3A_89 = tpu.memref_slice %arg17[%multiple_of3A, %dma_wait3A_88] : memref<10000x128xf32, #tpu.memory_space<vmem_shared>> -> memref<632x128xf32, #tpu.memory_space<vmem_shared>>
        tpu.wait_dma2 semaphore(%run_scoped3A : memref<!tpu.dma_semaphore, #tpu.memory_space<semaphore_mem>>) src(%dma_wait3A_89 : memref<632x128xf32, #tpu.memory_space<vmem_shared>>) dst(%dma_wait3A_87 : memref<632x128xf32, #tpu.memory_space<hbm>>)
        tpu.yield
      }) : () -> ()
    } else {
    }
    %eq3A_67 = arith.constant 15 : i32
    %eq3A_68 = arith.cmpi eq, %arg1, %eq3A_67 : i32
    %convert_element_type3A_69 = arith.extui %eq3A_68 : i1 to i32
    %cond3A_70 = arith.constant 0 : i32
    %cond3A_71 = arith.cmpi ne, %convert_element_type3A_69, %cond3A_70 : i32
    scf.if %cond3A_71 {
      "tpu.region"() ({
        %run_scoped3A = tpu.sem_alloc : memref<!tpu.dma_semaphore, #tpu.memory_space<semaphore_mem>>
        %dma_start3A_72 = arith.constant 0 : i32
        %dma_start3A_73 = arith.constant 0 : i32
        %dma_start3A_74 = tpu.memref_slice %arg6[%arg0, %dma_start3A_72, %dma_start3A_73] : memref<2x10000x128xf32, #tpu.memory_space<hbm>> -> memref<1x10000x128xf32, #tpu.memory_space<hbm>>
        %dma_start3A_75 = tpu.memref_squeeze %dma_start3A_74 : memref<1x10000x128xf32, #tpu.memory_space<hbm>> -> memref<10000x128xf32, #tpu.memory_space<hbm>>
        %dma_start3A_76 = arith.constant 9480 : i32
        %dma_start3A_77 = arith.constant 0 : i32
        %dma_start3A_78 = tpu.memref_slice %dma_start3A_75[%dma_start3A_76, %dma_start3A_77] : memref<10000x128xf32, #tpu.memory_space<hbm>> -> memref<520x128xf32, #tpu.memory_space<hbm>>
        %dma_start3A_79 = arith.constant 9480 : i32
        %dma_start3A_80 = arith.constant 0 : i32
        %dma_start3A_81 = tpu.memref_slice %arg17[%dma_start3A_79, %dma_start3A_80] : memref<10000x128xf32, #tpu.memory_space<vmem_shared>> -> memref<520x128xf32, #tpu.memory_space<vmem_shared>>
        tpu.enqueue_dma source(%dma_start3A_81 : memref<520x128xf32, #tpu.memory_space<vmem_shared>>) target(%dma_start3A_78 : memref<520x128xf32, #tpu.memory_space<hbm>>) target_semaphore(%run_scoped3A : memref<!tpu.dma_semaphore, #tpu.memory_space<semaphore_mem>>)
        %dma_wait3A_82 = arith.constant 0 : i32
        %dma_wait3A_83 = arith.constant 0 : i32
        %dma_wait3A_84 = tpu.memref_slice %arg6[%arg0, %dma_wait3A_82, %dma_wait3A_83] : memref<2x10000x128xf32, #tpu.memory_space<hbm>> -> memref<1x10000x128xf32, #tpu.memory_space<hbm>>
        %dma_wait3A_85 = tpu.memref_squeeze %dma_wait3A_84 : memref<1x10000x128xf32, #tpu.memory_space<hbm>> -> memref<10000x128xf32, #tpu.memory_space<hbm>>
        %dma_wait3A_86 = arith.constant 9480 : i32
        %dma_wait3A_87 = arith.constant 0 : i32
        %dma_wait3A_88 = tpu.memref_slice %dma_wait3A_85[%dma_wait3A_86, %dma_wait3A_87] : memref<10000x128xf32, #tpu.memory_space<hbm>> -> memref<520x128xf32, #tpu.memory_space<hbm>>
        %dma_wait3A_89 = arith.constant 9480 : i32
        %dma_wait3A_90 = arith.constant 0 : i32
        %dma_wait3A_91 = tpu.memref_slice %arg17[%dma_wait3A_89, %dma_wait3A_90] : memref<10000x128xf32, #tpu.memory_space<vmem_shared>> -> memref<520x128xf32, #tpu.memory_space<vmem_shared>>
        tpu.wait_dma2 semaphore(%run_scoped3A : memref<!tpu.dma_semaphore, #tpu.memory_space<semaphore_mem>>) src(%dma_wait3A_91 : memref<520x128xf32, #tpu.memory_space<vmem_shared>>) dst(%dma_wait3A_88 : memref<520x128xf32, #tpu.memory_space<hbm>>)
        tpu.yield
      }) : () -> ()
    } else {
    }
    return
  }
}

#map = affine_map<(d0, d1) -> (0, 0)>
#map1 = affine_map<(d0, d1) -> (0)>
#map2 = affine_map<(d0, d1) -> (0, 0, 0)>
module attributes {stable_mosaic.version = 14 : i64} {
  func.func @scatter_kernel(%arg0: i32, %arg1: i32, %arg2: memref<10000x128xf32, #tpu.memory_space<hbm>>, %arg3: memref<320000xi32, #tpu.memory_space<hbm>>, %arg4: memref<320000xi32, #tpu.memory_space<hbm>>, %arg5: memref<632x128xf32, #tpu.memory_space<hbm>>, %arg6: memref<2x10000x128xf32, #tpu.memory_space<hbm>>, %arg7: memref<128xi32, #tpu.memory_space<vmem>>, %arg8: memref<128xi32, #tpu.memory_space<vmem>>, %arg9: memref<128xi32, #tpu.memory_space<vmem>>, %arg10: memref<128xi32, #tpu.memory_space<vmem>>, %arg11: memref<128xi32, #tpu.memory_space<vmem>>, %arg12: memref<128xi32, #tpu.memory_space<vmem>>, %arg13: memref<128xi32, #tpu.memory_space<vmem>>, %arg14: memref<128xi32, #tpu.memory_space<vmem>>, %arg15: memref<128x128xf32, #tpu.memory_space<vmem>>, %arg16: memref<128x128xf32, #tpu.memory_space<vmem>>, %arg17: memref<10000x128xf32, #tpu.memory_space<vmem_shared>>, %arg18: memref<!tpu.dma_semaphore, #tpu.memory_space<semaphore_mem>>, %arg19: memref<!tpu.dma_semaphore, #tpu.memory_space<semaphore_mem>>, %arg20: memref<!tpu.dma_semaphore, #tpu.memory_space<semaphore_mem>>, %arg21: memref<!tpu.dma_semaphore, #tpu.memory_space<semaphore_mem>>, %arg22: memref<!tpu.dma_semaphore, #tpu.memory_space<semaphore_mem>>, %arg23: memref<!tpu.dma_semaphore, #tpu.memory_space<semaphore_mem>>, %arg24: memref<!tpu.dma_semaphore, #tpu.memory_space<semaphore_mem>>, %arg25: memref<!tpu.dma_semaphore, #tpu.memory_space<semaphore_mem>>) attributes {dimension_semantics = [#tpu.dimension_semantics<core_parallel>, #tpu.dimension_semantics<subcore_parallel>], iteration_bounds = array<i64: 2, 16>, scalar_prefetch = 0 : i64, scratch_operands = 19 : i64, tpu.core_type = #tpu.core_type<sc_vector_subcore>, window_params = [{transform_indices = #map}, {transform_indices = #map1}, {transform_indices = #map1}, {transform_indices = #map}, {transform_indices = #map2}]} {
    %mul3A = arith.constant 16 : i32
    %mul3A_0 = arith.muli %arg0, %mul3A : i32
    %add3A = arith.addi %mul3A_0, %arg1 : i32
    %lt3A = arith.constant 15 : i32
    %lt3A_1 = arith.cmpi slt, %arg1, %lt3A : i32
    %convert_element_type3A = arith.extui %lt3A_1 : i1 to i32
    %cond3A = arith.constant 0 : i32
    %cond3A_2 = arith.cmpi ne, %convert_element_type3A, %cond3A : i32
    scf.if %cond3A_2 {
      %mul3A_72 = arith.constant 632 : i32
      %mul3A_73 = arith.muli %arg1, %mul3A_72 : i32
      %multiple_of3A = tpu.assume_multiple %mul3A_73, 8 : i32
      "tpu.region"() ({
        %run_scoped3A = tpu.sem_alloc : memref<!tpu.dma_semaphore, #tpu.memory_space<semaphore_mem>>
        %dma_start3A_74 = arith.constant 0 : i32
        %dma_start3A_75 = tpu.memref_slice %arg17[%multiple_of3A, %dma_start3A_74] : memref<10000x128xf32, #tpu.memory_space<vmem_shared>> -> memref<632x128xf32, #tpu.memory_space<vmem_shared>>
        %dma_start3A_76 = arith.constant 0 : i32
        %dma_start3A_77 = arith.constant 0 : i32
        %dma_start3A_78 = tpu.memref_slice %arg5[%dma_start3A_76, %dma_start3A_77] : memref<632x128xf32, #tpu.memory_space<hbm>> -> memref<632x128xf32, #tpu.memory_space<hbm>>
        tpu.enqueue_dma source(%dma_start3A_78 : memref<632x128xf32, #tpu.memory_space<hbm>>) target(%dma_start3A_75 : memref<632x128xf32, #tpu.memory_space<vmem_shared>>) target_semaphore(%run_scoped3A : memref<!tpu.dma_semaphore, #tpu.memory_space<semaphore_mem>>)
        %dma_wait3A_79 = arith.constant 0 : i32
        %dma_wait3A_80 = tpu.memref_slice %arg17[%multiple_of3A, %dma_wait3A_79] : memref<10000x128xf32, #tpu.memory_space<vmem_shared>> -> memref<632x128xf32, #tpu.memory_space<vmem_shared>>
        %dma_wait3A_81 = arith.constant 0 : i32
        %dma_wait3A_82 = arith.constant 0 : i32
        %dma_wait3A_83 = tpu.memref_slice %arg5[%dma_wait3A_81, %dma_wait3A_82] : memref<632x128xf32, #tpu.memory_space<hbm>> -> memref<632x128xf32, #tpu.memory_space<hbm>>
        tpu.wait_dma2 semaphore(%run_scoped3A : memref<!tpu.dma_semaphore, #tpu.memory_space<semaphore_mem>>) src(%dma_wait3A_83 : memref<632x128xf32, #tpu.memory_space<hbm>>) dst(%dma_wait3A_80 : memref<632x128xf32, #tpu.memory_space<vmem_shared>>)
        tpu.yield
      }) : () -> ()
    } else {
    }
    %eq3A = arith.constant 15 : i32
    %eq3A_3 = arith.cmpi eq, %arg1, %eq3A : i32
    %convert_element_type3A_4 = arith.extui %eq3A_3 : i1 to i32
    %cond3A_5 = arith.constant 0 : i32
    %cond3A_6 = arith.cmpi ne, %convert_element_type3A_4, %cond3A_5 : i32
    scf.if %cond3A_6 {
      "tpu.region"() ({
        %run_scoped3A = tpu.sem_alloc : memref<!tpu.dma_semaphore, #tpu.memory_space<semaphore_mem>>
        %dma_start3A_72 = arith.constant 9480 : i32
        %dma_start3A_73 = arith.constant 0 : i32
        %dma_start3A_74 = tpu.memref_slice %arg17[%dma_start3A_72, %dma_start3A_73] : memref<10000x128xf32, #tpu.memory_space<vmem_shared>> -> memref<520x128xf32, #tpu.memory_space<vmem_shared>>
        %dma_start3A_75 = arith.constant 0 : i32
        %dma_start3A_76 = arith.constant 0 : i32
        %dma_start3A_77 = tpu.memref_slice %arg5[%dma_start3A_75, %dma_start3A_76] : memref<632x128xf32, #tpu.memory_space<hbm>> -> memref<520x128xf32, #tpu.memory_space<hbm>>
        tpu.enqueue_dma source(%dma_start3A_77 : memref<520x128xf32, #tpu.memory_space<hbm>>) target(%dma_start3A_74 : memref<520x128xf32, #tpu.memory_space<vmem_shared>>) target_semaphore(%run_scoped3A : memref<!tpu.dma_semaphore, #tpu.memory_space<semaphore_mem>>)
        %dma_wait3A_78 = arith.constant 9480 : i32
        %dma_wait3A_79 = arith.constant 0 : i32
        %dma_wait3A_80 = tpu.memref_slice %arg17[%dma_wait3A_78, %dma_wait3A_79] : memref<10000x128xf32, #tpu.memory_space<vmem_shared>> -> memref<520x128xf32, #tpu.memory_space<vmem_shared>>
        %dma_wait3A_81 = arith.constant 0 : i32
        %dma_wait3A_82 = arith.constant 0 : i32
        %dma_wait3A_83 = tpu.memref_slice %arg5[%dma_wait3A_81, %dma_wait3A_82] : memref<632x128xf32, #tpu.memory_space<hbm>> -> memref<520x128xf32, #tpu.memory_space<hbm>>
        tpu.wait_dma2 semaphore(%run_scoped3A : memref<!tpu.dma_semaphore, #tpu.memory_space<semaphore_mem>>) src(%dma_wait3A_83 : memref<520x128xf32, #tpu.memory_space<hbm>>) dst(%dma_wait3A_80 : memref<520x128xf32, #tpu.memory_space<vmem_shared>>)
        tpu.yield
      }) : () -> ()
    } else {
    }
    %barrier3A = arith.constant 0 : index
    tpu.barrier barrier_id(%barrier3A)
    %lt3A_7 = arith.constant 4 : i32
    %lt3A_8 = arith.cmpi slt, %add3A, %lt3A_7 : i32
    %jit3A = arith.constant 1 : i32
    %jit3A_9 = arith.constant 0 : i32
    %select_n3A = arith.select %lt3A_8, %jit3A, %jit3A_9 : i32
    %add3A_10 = arith.constant 78 : i32
    %add3A_11 = arith.addi %add3A_10, %select_n3A : i32
    %add3A_12 = arith.constant 0 : i32
    %add3A_13 = arith.addi %add3A, %add3A_12 : i32
    %mul3A_14 = arith.constant 128 : i32
    %mul3A_15 = arith.muli %add3A_13, %mul3A_14 : i32
    %dma_start3A = tpu.memref_slice %arg3[%mul3A_15] : memref<320000xi32, #tpu.memory_space<hbm>> -> memref<128xi32, #tpu.memory_space<hbm>>
    %dma_start3A_16 = tpu.memref_slice %arg3[%mul3A_15] : memref<320000xi32, #tpu.memory_space<hbm>> -> memref<128xi32, #tpu.memory_space<hbm>>
    tpu.enqueue_dma source(%dma_start3A_16 : memref<128xi32, #tpu.memory_space<hbm>>) target(%arg7 : memref<128xi32, #tpu.memory_space<vmem>>) target_semaphore(%arg18 : memref<!tpu.dma_semaphore, #tpu.memory_space<semaphore_mem>>)
    %add3A_17 = arith.constant 0 : i32
    %add3A_18 = arith.addi %add3A, %add3A_17 : i32
    %mul3A_19 = arith.constant 128 : i32
    %mul3A_20 = arith.muli %add3A_18, %mul3A_19 : i32
    %dma_start3A_21 = tpu.memref_slice %arg4[%mul3A_20] : memref<320000xi32, #tpu.memory_space<hbm>> -> memref<128xi32, #tpu.memory_space<hbm>>
    %dma_start3A_22 = tpu.memref_slice %arg4[%mul3A_20] : memref<320000xi32, #tpu.memory_space<hbm>> -> memref<128xi32, #tpu.memory_space<hbm>>
    tpu.enqueue_dma source(%dma_start3A_22 : memref<128xi32, #tpu.memory_space<hbm>>) target(%arg11 : memref<128xi32, #tpu.memory_space<vmem>>) target_semaphore(%arg18 : memref<!tpu.dma_semaphore, #tpu.memory_space<semaphore_mem>>)
    %add3A_23 = arith.constant 32 : i32
    %add3A_24 = arith.addi %add3A, %add3A_23 : i32
    %mul3A_25 = arith.constant 128 : i32
    %mul3A_26 = arith.muli %add3A_24, %mul3A_25 : i32
    %dma_start3A_27 = tpu.memref_slice %arg3[%mul3A_26] : memref<320000xi32, #tpu.memory_space<hbm>> -> memref<128xi32, #tpu.memory_space<hbm>>
    %dma_start3A_28 = tpu.memref_slice %arg3[%mul3A_26] : memref<320000xi32, #tpu.memory_space<hbm>> -> memref<128xi32, #tpu.memory_space<hbm>>
    tpu.enqueue_dma source(%dma_start3A_28 : memref<128xi32, #tpu.memory_space<hbm>>) target(%arg8 : memref<128xi32, #tpu.memory_space<vmem>>) target_semaphore(%arg19 : memref<!tpu.dma_semaphore, #tpu.memory_space<semaphore_mem>>)
    %add3A_29 = arith.constant 32 : i32
    %add3A_30 = arith.addi %add3A, %add3A_29 : i32
    %mul3A_31 = arith.constant 128 : i32
    %mul3A_32 = arith.muli %add3A_30, %mul3A_31 : i32
    %dma_start3A_33 = tpu.memref_slice %arg4[%mul3A_32] : memref<320000xi32, #tpu.memory_space<hbm>> -> memref<128xi32, #tpu.memory_space<hbm>>
    %dma_start3A_34 = tpu.memref_slice %arg4[%mul3A_32] : memref<320000xi32, #tpu.memory_space<hbm>> -> memref<128xi32, #tpu.memory_space<hbm>>
    tpu.enqueue_dma source(%dma_start3A_34 : memref<128xi32, #tpu.memory_space<hbm>>) target(%arg12 : memref<128xi32, #tpu.memory_space<vmem>>) target_semaphore(%arg19 : memref<!tpu.dma_semaphore, #tpu.memory_space<semaphore_mem>>)
    %add3A_35 = arith.constant 0 : i32
    %add3A_36 = arith.addi %add3A, %add3A_35 : i32
    %mul3A_37 = arith.constant 128 : i32
    %mul3A_38 = arith.muli %add3A_36, %mul3A_37 : i32
    %dma_wait3A = tpu.memref_slice %arg3[%mul3A_38] : memref<320000xi32, #tpu.memory_space<hbm>> -> memref<128xi32, #tpu.memory_space<hbm>>
    %dma_wait3A_39 = tpu.memref_slice %arg3[%mul3A_38] : memref<320000xi32, #tpu.memory_space<hbm>> -> memref<128xi32, #tpu.memory_space<hbm>>
    tpu.wait_dma2 semaphore(%arg18 : memref<!tpu.dma_semaphore, #tpu.memory_space<semaphore_mem>>) src(%dma_wait3A_39 : memref<128xi32, #tpu.memory_space<hbm>>) dst(%arg7 : memref<128xi32, #tpu.memory_space<vmem>>)
    %add3A_40 = arith.constant 0 : i32
    %add3A_41 = arith.addi %add3A, %add3A_40 : i32
    %mul3A_42 = arith.constant 128 : i32
    %mul3A_43 = arith.muli %add3A_41, %mul3A_42 : i32
    %dma_wait3A_44 = tpu.memref_slice %arg4[%mul3A_43] : memref<320000xi32, #tpu.memory_space<hbm>> -> memref<128xi32, #tpu.memory_space<hbm>>
    %dma_wait3A_45 = tpu.memref_slice %arg4[%mul3A_43] : memref<320000xi32, #tpu.memory_space<hbm>> -> memref<128xi32, #tpu.memory_space<hbm>>
    tpu.wait_dma2 semaphore(%arg18 : memref<!tpu.dma_semaphore, #tpu.memory_space<semaphore_mem>>) src(%dma_wait3A_45 : memref<128xi32, #tpu.memory_space<hbm>>) dst(%arg11 : memref<128xi32, #tpu.memory_space<vmem>>)
    %dma_start3A_46 = arith.constant 0 : i32
    %dma_start3A_47 = arith.constant 0 : i32
    %dma_start3A_48 = tpu.memref_slice %arg2[%dma_start3A_46, %dma_start3A_47] : memref<10000x128xf32, #tpu.memory_space<hbm>> -> memref<10000x128xf32, #tpu.memory_space<hbm>>
    tpu.enqueue_indirect_dma source(%dma_start3A_48 : memref<10000x128xf32, #tpu.memory_space<hbm>>) target(%arg15 : memref<128x128xf32, #tpu.memory_space<vmem>>) offsets(%arg7 : memref<128xi32, #tpu.memory_space<vmem>>) semaphore(%arg22 : memref<!tpu.dma_semaphore, #tpu.memory_space<semaphore_mem>>)
    %scan3A = arith.constant 0 : i32
    %scan3A_49 = arith.constant 0 : i32
    %scan3A_50 = arith.constant 20 : i32
    %scan3A_51 = arith.addi %scan3A_49, %scan3A_50 : i32
    %scan3A_52 = arith.constant 1 : i32
    %scan3A_53 = scf.for %scan3A_72 = %scan3A_49 to %scan3A_51 step %scan3A_52 iter_args(%scan3A_73 = %scan3A) -> (i32)  : i32 {
      %mul3A_74 = arith.constant 4 : i32
      %mul3A_75 = arith.muli %mul3A_74, %scan3A_72 : i32
      %add3A_76 = arith.constant 0 : i32
      %add3A_77 = arith.addi %mul3A_75, %add3A_76 : i32
      %lt3A_78 = arith.cmpi slt, %add3A_77, %add3A_11 : i32
      %convert_element_type3A_79 = arith.extui %lt3A_78 : i1 to i32
      %cond3A_80 = arith.constant 0 : i32
      %cond3A_81 = arith.cmpi ne, %convert_element_type3A_79, %cond3A_80 : i32
      scf.if %cond3A_81 {
        %add3A_107 = arith.constant 2 : i32
        %add3A_108 = arith.addi %add3A_77, %add3A_107 : i32
        %lt3A_109 = arith.cmpi slt, %add3A_108, %add3A_11 : i32
        %convert_element_type3A_110 = arith.extui %lt3A_109 : i1 to i32
        %cond3A_111 = arith.constant 0 : i32
        %cond3A_112 = arith.cmpi ne, %convert_element_type3A_110, %cond3A_111 : i32
        scf.if %cond3A_112 {
          %add3A_125 = arith.constant 2 : i32
          %add3A_126 = arith.addi %add3A_77, %add3A_125 : i32
          %mul3A_127 = arith.constant 32 : i32
          %mul3A_128 = arith.muli %add3A_126, %mul3A_127 : i32
          %add3A_129 = arith.addi %add3A, %mul3A_128 : i32
          %mul3A_130 = arith.constant 128 : i32
          %mul3A_131 = arith.muli %add3A_129, %mul3A_130 : i32
          %dma_start3A_132 = tpu.memref_slice %arg3[%mul3A_131] : memref<320000xi32, #tpu.memory_space<hbm>> -> memref<128xi32, #tpu.memory_space<hbm>>
          %dma_start3A_133 = tpu.memref_slice %arg3[%mul3A_131] : memref<320000xi32, #tpu.memory_space<hbm>> -> memref<128xi32, #tpu.memory_space<hbm>>
          tpu.enqueue_dma source(%dma_start3A_133 : memref<128xi32, #tpu.memory_space<hbm>>) target(%arg9 : memref<128xi32, #tpu.memory_space<vmem>>) target_semaphore(%arg20 : memref<!tpu.dma_semaphore, #tpu.memory_space<semaphore_mem>>)
          %mul3A_134 = arith.constant 32 : i32
          %mul3A_135 = arith.muli %add3A_126, %mul3A_134 : i32
          %add3A_136 = arith.addi %add3A, %mul3A_135 : i32
          %mul3A_137 = arith.constant 128 : i32
          %mul3A_138 = arith.muli %add3A_136, %mul3A_137 : i32
          %dma_start3A_139 = tpu.memref_slice %arg4[%mul3A_138] : memref<320000xi32, #tpu.memory_space<hbm>> -> memref<128xi32, #tpu.memory_space<hbm>>
          %dma_start3A_140 = tpu.memref_slice %arg4[%mul3A_138] : memref<320000xi32, #tpu.memory_space<hbm>> -> memref<128xi32, #tpu.memory_space<hbm>>
          tpu.enqueue_dma source(%dma_start3A_140 : memref<128xi32, #tpu.memory_space<hbm>>) target(%arg13 : memref<128xi32, #tpu.memory_space<vmem>>) target_semaphore(%arg20 : memref<!tpu.dma_semaphore, #tpu.memory_space<semaphore_mem>>)
        } else {
        }
        %add3A_113 = arith.constant 1 : i32
        %add3A_114 = arith.addi %add3A_77, %add3A_113 : i32
        %lt3A_115 = arith.cmpi slt, %add3A_114, %add3A_11 : i32
        %convert_element_type3A_116 = arith.extui %lt3A_115 : i1 to i32
        %cond3A_117 = arith.constant 0 : i32
        %cond3A_118 = arith.cmpi ne, %convert_element_type3A_116, %cond3A_117 : i32
        scf.if %cond3A_118 {
          %ge3A = arith.constant 1 : i32
          %ge3A_125 = arith.cmpi sge, %add3A_77, %ge3A : i32
          %convert_element_type3A_126 = arith.extui %ge3A_125 : i1 to i32
          %cond3A_127 = arith.constant 0 : i32
          %cond3A_128 = arith.cmpi ne, %convert_element_type3A_126, %cond3A_127 : i32
          scf.if %cond3A_128 {
            %dma_wait3A_148 = arith.constant 0 : i32
            %dma_wait3A_149 = arith.constant 0 : i32
            %dma_wait3A_150 = tpu.memref_slice %arg17[%dma_wait3A_148, %dma_wait3A_149] : memref<10000x128xf32, #tpu.memory_space<vmem_shared>> -> memref<10000x128xf32, #tpu.memory_space<vmem_shared>>
            tpu.wait_indirect_dma semaphore(%arg25 : memref<!tpu.dma_semaphore, #tpu.memory_space<semaphore_mem>>) src(%arg16 : memref<128x128xf32, #tpu.memory_space<vmem>>) dst(%dma_wait3A_150 : memref<10000x128xf32, #tpu.memory_space<vmem_shared>>)
          } else {
          }
          %add3A_129 = arith.constant 1 : i32
          %add3A_130 = arith.addi %add3A_77, %add3A_129 : i32
          %mul3A_131 = arith.constant 32 : i32
          %mul3A_132 = arith.muli %add3A_130, %mul3A_131 : i32
          %add3A_133 = arith.addi %add3A, %mul3A_132 : i32
          %mul3A_134 = arith.constant 128 : i32
          %mul3A_135 = arith.muli %add3A_133, %mul3A_134 : i32
          %dma_wait3A_136 = tpu.memref_slice %arg3[%mul3A_135] : memref<320000xi32, #tpu.memory_space<hbm>> -> memref<128xi32, #tpu.memory_space<hbm>>
          %dma_wait3A_137 = tpu.memref_slice %arg3[%mul3A_135] : memref<320000xi32, #tpu.memory_space<hbm>> -> memref<128xi32, #tpu.memory_space<hbm>>
          tpu.wait_dma2 semaphore(%arg19 : memref<!tpu.dma_semaphore, #tpu.memory_space<semaphore_mem>>) src(%dma_wait3A_137 : memref<128xi32, #tpu.memory_space<hbm>>) dst(%arg8 : memref<128xi32, #tpu.memory_space<vmem>>)
          %mul3A_138 = arith.constant 32 : i32
          %mul3A_139 = arith.muli %add3A_130, %mul3A_138 : i32
          %add3A_140 = arith.addi %add3A, %mul3A_139 : i32
          %mul3A_141 = arith.constant 128 : i32
          %mul3A_142 = arith.muli %add3A_140, %mul3A_141 : i32
          %dma_wait3A_143 = tpu.memref_slice %arg4[%mul3A_142] : memref<320000xi32, #tpu.memory_space<hbm>> -> memref<128xi32, #tpu.memory_space<hbm>>
          %dma_wait3A_144 = tpu.memref_slice %arg4[%mul3A_142] : memref<320000xi32, #tpu.memory_space<hbm>> -> memref<128xi32, #tpu.memory_space<hbm>>
          tpu.wait_dma2 semaphore(%arg19 : memref<!tpu.dma_semaphore, #tpu.memory_space<semaphore_mem>>) src(%dma_wait3A_144 : memref<128xi32, #tpu.memory_space<hbm>>) dst(%arg12 : memref<128xi32, #tpu.memory_space<vmem>>)
          %dma_start3A_145 = arith.constant 0 : i32
          %dma_start3A_146 = arith.constant 0 : i32
          %dma_start3A_147 = tpu.memref_slice %arg2[%dma_start3A_145, %dma_start3A_146] : memref<10000x128xf32, #tpu.memory_space<hbm>> -> memref<10000x128xf32, #tpu.memory_space<hbm>>
          tpu.enqueue_indirect_dma source(%dma_start3A_147 : memref<10000x128xf32, #tpu.memory_space<hbm>>) target(%arg16 : memref<128x128xf32, #tpu.memory_space<vmem>>) offsets(%arg8 : memref<128xi32, #tpu.memory_space<vmem>>) semaphore(%arg23 : memref<!tpu.dma_semaphore, #tpu.memory_space<semaphore_mem>>)
        } else {
        }
        %dma_wait3A_119 = arith.constant 0 : i32
        %dma_wait3A_120 = arith.constant 0 : i32
        %dma_wait3A_121 = tpu.memref_slice %arg2[%dma_wait3A_119, %dma_wait3A_120] : memref<10000x128xf32, #tpu.memory_space<hbm>> -> memref<10000x128xf32, #tpu.memory_space<hbm>>
        tpu.wait_indirect_dma semaphore(%arg22 : memref<!tpu.dma_semaphore, #tpu.memory_space<semaphore_mem>>) src(%dma_wait3A_121 : memref<10000x128xf32, #tpu.memory_space<hbm>>) dst(%arg15 : memref<128x128xf32, #tpu.memory_space<vmem>>)
        %dma_start3A_122 = arith.constant 0 : i32
        %dma_start3A_123 = arith.constant 0 : i32
        %dma_start3A_124 = tpu.memref_slice %arg17[%dma_start3A_122, %dma_start3A_123] : memref<10000x128xf32, #tpu.memory_space<vmem_shared>> -> memref<10000x128xf32, #tpu.memory_space<vmem_shared>>
        tpu.enqueue_indirect_dma source(%arg15 : memref<128x128xf32, #tpu.memory_space<vmem>>) target(%dma_start3A_124 : memref<10000x128xf32, #tpu.memory_space<vmem_shared>>) offsets(%arg11 : memref<128xi32, #tpu.memory_space<vmem>>) semaphore(%arg24 : memref<!tpu.dma_semaphore, #tpu.memory_space<semaphore_mem>>) {add = true}
      } else {
      }
      %mul3A_82 = arith.constant 4 : i32
      %mul3A_83 = arith.muli %mul3A_82, %scan3A_72 : i32
      %add3A_84 = arith.constant 1 : i32
      %add3A_85 = arith.addi %mul3A_83, %add3A_84 : i32
      %lt3A_86 = arith.cmpi slt, %add3A_85, %add3A_11 : i32
      %convert_element_type3A_87 = arith.extui %lt3A_86 : i1 to i32
      %cond3A_88 = arith.constant 0 : i32
      %cond3A_89 = arith.cmpi ne, %convert_element_type3A_87, %cond3A_88 : i32
      scf.if %cond3A_89 {
        %add3A_107 = arith.constant 2 : i32
        %add3A_108 = arith.addi %add3A_85, %add3A_107 : i32
        %lt3A_109 = arith.cmpi slt, %add3A_108, %add3A_11 : i32
        %convert_element_type3A_110 = arith.extui %lt3A_109 : i1 to i32
        %cond3A_111 = arith.constant 0 : i32
        %cond3A_112 = arith.cmpi ne, %convert_element_type3A_110, %cond3A_111 : i32
        scf.if %cond3A_112 {
          %add3A_125 = arith.constant 2 : i32
          %add3A_126 = arith.addi %add3A_85, %add3A_125 : i32
          %mul3A_127 = arith.constant 32 : i32
          %mul3A_128 = arith.muli %add3A_126, %mul3A_127 : i32
          %add3A_129 = arith.addi %add3A, %mul3A_128 : i32
          %mul3A_130 = arith.constant 128 : i32
          %mul3A_131 = arith.muli %add3A_129, %mul3A_130 : i32
          %dma_start3A_132 = tpu.memref_slice %arg3[%mul3A_131] : memref<320000xi32, #tpu.memory_space<hbm>> -> memref<128xi32, #tpu.memory_space<hbm>>
          %dma_start3A_133 = tpu.memref_slice %arg3[%mul3A_131] : memref<320000xi32, #tpu.memory_space<hbm>> -> memref<128xi32, #tpu.memory_space<hbm>>
          tpu.enqueue_dma source(%dma_start3A_133 : memref<128xi32, #tpu.memory_space<hbm>>) target(%arg10 : memref<128xi32, #tpu.memory_space<vmem>>) target_semaphore(%arg21 : memref<!tpu.dma_semaphore, #tpu.memory_space<semaphore_mem>>)
          %mul3A_134 = arith.constant 32 : i32
          %mul3A_135 = arith.muli %add3A_126, %mul3A_134 : i32
          %add3A_136 = arith.addi %add3A, %mul3A_135 : i32
          %mul3A_137 = arith.constant 128 : i32
          %mul3A_138 = arith.muli %add3A_136, %mul3A_137 : i32
          %dma_start3A_139 = tpu.memref_slice %arg4[%mul3A_138] : memref<320000xi32, #tpu.memory_space<hbm>> -> memref<128xi32, #tpu.memory_space<hbm>>
          %dma_start3A_140 = tpu.memref_slice %arg4[%mul3A_138] : memref<320000xi32, #tpu.memory_space<hbm>> -> memref<128xi32, #tpu.memory_space<hbm>>
          tpu.enqueue_dma source(%dma_start3A_140 : memref<128xi32, #tpu.memory_space<hbm>>) target(%arg14 : memref<128xi32, #tpu.memory_space<vmem>>) target_semaphore(%arg21 : memref<!tpu.dma_semaphore, #tpu.memory_space<semaphore_mem>>)
        } else {
        }
        %add3A_113 = arith.constant 1 : i32
        %add3A_114 = arith.addi %add3A_85, %add3A_113 : i32
        %lt3A_115 = arith.cmpi slt, %add3A_114, %add3A_11 : i32
        %convert_element_type3A_116 = arith.extui %lt3A_115 : i1 to i32
        %cond3A_117 = arith.constant 0 : i32
        %cond3A_118 = arith.cmpi ne, %convert_element_type3A_116, %cond3A_117 : i32
        scf.if %cond3A_118 {
          %ge3A = arith.constant 1 : i32
          %ge3A_125 = arith.cmpi sge, %add3A_85, %ge3A : i32
          %convert_element_type3A_126 = arith.extui %ge3A_125 : i1 to i32
          %cond3A_127 = arith.constant 0 : i32
          %cond3A_128 = arith.cmpi ne, %convert_element_type3A_126, %cond3A_127 : i32
          scf.if %cond3A_128 {
            %dma_wait3A_148 = arith.constant 0 : i32
            %dma_wait3A_149 = arith.constant 0 : i32
            %dma_wait3A_150 = tpu.memref_slice %arg17[%dma_wait3A_148, %dma_wait3A_149] : memref<10000x128xf32, #tpu.memory_space<vmem_shared>> -> memref<10000x128xf32, #tpu.memory_space<vmem_shared>>
            tpu.wait_indirect_dma semaphore(%arg24 : memref<!tpu.dma_semaphore, #tpu.memory_space<semaphore_mem>>) src(%arg15 : memref<128x128xf32, #tpu.memory_space<vmem>>) dst(%dma_wait3A_150 : memref<10000x128xf32, #tpu.memory_space<vmem_shared>>)
          } else {
          }
          %add3A_129 = arith.constant 1 : i32
          %add3A_130 = arith.addi %add3A_85, %add3A_129 : i32
          %mul3A_131 = arith.constant 32 : i32
          %mul3A_132 = arith.muli %add3A_130, %mul3A_131 : i32
          %add3A_133 = arith.addi %add3A, %mul3A_132 : i32
          %mul3A_134 = arith.constant 128 : i32
          %mul3A_135 = arith.muli %add3A_133, %mul3A_134 : i32
          %dma_wait3A_136 = tpu.memref_slice %arg3[%mul3A_135] : memref<320000xi32, #tpu.memory_space<hbm>> -> memref<128xi32, #tpu.memory_space<hbm>>
          %dma_wait3A_137 = tpu.memref_slice %arg3[%mul3A_135] : memref<320000xi32, #tpu.memory_space<hbm>> -> memref<128xi32, #tpu.memory_space<hbm>>
          tpu.wait_dma2 semaphore(%arg20 : memref<!tpu.dma_semaphore, #tpu.memory_space<semaphore_mem>>) src(%dma_wait3A_137 : memref<128xi32, #tpu.memory_space<hbm>>) dst(%arg9 : memref<128xi32, #tpu.memory_space<vmem>>)
          %mul3A_138 = arith.constant 32 : i32
          %mul3A_139 = arith.muli %add3A_130, %mul3A_138 : i32
          %add3A_140 = arith.addi %add3A, %mul3A_139 : i32
          %mul3A_141 = arith.constant 128 : i32
          %mul3A_142 = arith.muli %add3A_140, %mul3A_141 : i32
          %dma_wait3A_143 = tpu.memref_slice %arg4[%mul3A_142] : memref<320000xi32, #tpu.memory_space<hbm>> -> memref<128xi32, #tpu.memory_space<hbm>>
          %dma_wait3A_144 = tpu.memref_slice %arg4[%mul3A_142] : memref<320000xi32, #tpu.memory_space<hbm>> -> memref<128xi32, #tpu.memory_space<hbm>>
          tpu.wait_dma2 semaphore(%arg20 : memref<!tpu.dma_semaphore, #tpu.memory_space<semaphore_mem>>) src(%dma_wait3A_144 : memref<128xi32, #tpu.memory_space<hbm>>) dst(%arg13 : memref<128xi32, #tpu.memory_space<vmem>>)
          %dma_start3A_145 = arith.constant 0 : i32
          %dma_start3A_146 = arith.constant 0 : i32
          %dma_start3A_147 = tpu.memref_slice %arg2[%dma_start3A_145, %dma_start3A_146] : memref<10000x128xf32, #tpu.memory_space<hbm>> -> memref<10000x128xf32, #tpu.memory_space<hbm>>
          tpu.enqueue_indirect_dma source(%dma_start3A_147 : memref<10000x128xf32, #tpu.memory_space<hbm>>) target(%arg15 : memref<128x128xf32, #tpu.memory_space<vmem>>) offsets(%arg9 : memref<128xi32, #tpu.memory_space<vmem>>) semaphore(%arg22 : memref<!tpu.dma_semaphore, #tpu.memory_space<semaphore_mem>>)
        } else {
        }
        %dma_wait3A_119 = arith.constant 0 : i32
        %dma_wait3A_120 = arith.constant 0 : i32
        %dma_wait3A_121 = tpu.memref_slice %arg2[%dma_wait3A_119, %dma_wait3A_120] : memref<10000x128xf32, #tpu.memory_space<hbm>> -> memref<10000x128xf32, #tpu.memory_space<hbm>>
        tpu.wait_indirect_dma semaphore(%arg23 : memref<!tpu.dma_semaphore, #tpu.memory_space<semaphore_mem>>) src(%dma_wait3A_121 : memref<10000x128xf32, #tpu.memory_space<hbm>>) dst(%arg16 : memref<128x128xf32, #tpu.memory_space<vmem>>)
        %dma_start3A_122 = arith.constant 0 : i32
        %dma_start3A_123 = arith.constant 0 : i32
        %dma_start3A_124 = tpu.memref_slice %arg17[%dma_start3A_122, %dma_start3A_123] : memref<10000x128xf32, #tpu.memory_space<vmem_shared>> -> memref<10000x128xf32, #tpu.memory_space<vmem_shared>>
        tpu.enqueue_indirect_dma source(%arg16 : memref<128x128xf32, #tpu.memory_space<vmem>>) target(%dma_start3A_124 : memref<10000x128xf32, #tpu.memory_space<vmem_shared>>) offsets(%arg12 : memref<128xi32, #tpu.memory_space<vmem>>) semaphore(%arg25 : memref<!tpu.dma_semaphore, #tpu.memory_space<semaphore_mem>>) {add = true}
      } else {
      }
      %mul3A_90 = arith.constant 4 : i32
      %mul3A_91 = arith.muli %mul3A_90, %scan3A_72 : i32
      %add3A_92 = arith.constant 2 : i32
      %add3A_93 = arith.addi %mul3A_91, %add3A_92 : i32
      %lt3A_94 = arith.cmpi slt, %add3A_93, %add3A_11 : i32
      %convert_element_type3A_95 = arith.extui %lt3A_94 : i1 to i32
      %cond3A_96 = arith.constant 0 : i32
      %cond3A_97 = arith.cmpi ne, %convert_element_type3A_95, %cond3A_96 : i32
      scf.if %cond3A_97 {
        %add3A_107 = arith.constant 2 : i32
        %add3A_108 = arith.addi %add3A_93, %add3A_107 : i32
        %lt3A_109 = arith.cmpi slt, %add3A_108, %add3A_11 : i32
        %convert_element_type3A_110 = arith.extui %lt3A_109 : i1 to i32
        %cond3A_111 = arith.constant 0 : i32
        %cond3A_112 = arith.cmpi ne, %convert_element_type3A_110, %cond3A_111 : i32
        scf.if %cond3A_112 {
          %add3A_125 = arith.constant 2 : i32
          %add3A_126 = arith.addi %add3A_93, %add3A_125 : i32
          %mul3A_127 = arith.constant 32 : i32
          %mul3A_128 = arith.muli %add3A_126, %mul3A_127 : i32
          %add3A_129 = arith.addi %add3A, %mul3A_128 : i32
          %mul3A_130 = arith.constant 128 : i32
          %mul3A_131 = arith.muli %add3A_129, %mul3A_130 : i32
          %dma_start3A_132 = tpu.memref_slice %arg3[%mul3A_131] : memref<320000xi32, #tpu.memory_space<hbm>> -> memref<128xi32, #tpu.memory_space<hbm>>
          %dma_start3A_133 = tpu.memref_slice %arg3[%mul3A_131] : memref<320000xi32, #tpu.memory_space<hbm>> -> memref<128xi32, #tpu.memory_space<hbm>>
          tpu.enqueue_dma source(%dma_start3A_133 : memref<128xi32, #tpu.memory_space<hbm>>) target(%arg7 : memref<128xi32, #tpu.memory_space<vmem>>) target_semaphore(%arg18 : memref<!tpu.dma_semaphore, #tpu.memory_space<semaphore_mem>>)
          %mul3A_134 = arith.constant 32 : i32
          %mul3A_135 = arith.muli %add3A_126, %mul3A_134 : i32
          %add3A_136 = arith.addi %add3A, %mul3A_135 : i32
          %mul3A_137 = arith.constant 128 : i32
          %mul3A_138 = arith.muli %add3A_136, %mul3A_137 : i32
          %dma_start3A_139 = tpu.memref_slice %arg4[%mul3A_138] : memref<320000xi32, #tpu.memory_space<hbm>> -> memref<128xi32, #tpu.memory_space<hbm>>
          %dma_start3A_140 = tpu.memref_slice %arg4[%mul3A_138] : memref<320000xi32, #tpu.memory_space<hbm>> -> memref<128xi32, #tpu.memory_space<hbm>>
          tpu.enqueue_dma source(%dma_start3A_140 : memref<128xi32, #tpu.memory_space<hbm>>) target(%arg11 : memref<128xi32, #tpu.memory_space<vmem>>) target_semaphore(%arg18 : memref<!tpu.dma_semaphore, #tpu.memory_space<semaphore_mem>>)
        } else {
        }
        %add3A_113 = arith.constant 1 : i32
        %add3A_114 = arith.addi %add3A_93, %add3A_113 : i32
        %lt3A_115 = arith.cmpi slt, %add3A_114, %add3A_11 : i32
        %convert_element_type3A_116 = arith.extui %lt3A_115 : i1 to i32
        %cond3A_117 = arith.constant 0 : i32
        %cond3A_118 = arith.cmpi ne, %convert_element_type3A_116, %cond3A_117 : i32
        scf.if %cond3A_118 {
          %ge3A = arith.constant 1 : i32
          %ge3A_125 = arith.cmpi sge, %add3A_93, %ge3A : i32
          %convert_element_type3A_126 = arith.extui %ge3A_125 : i1 to i32
          %cond3A_127 = arith.constant 0 : i32
          %cond3A_128 = arith.cmpi ne, %convert_element_type3A_126, %cond3A_127 : i32
          scf.if %cond3A_128 {
            %dma_wait3A_148 = arith.constant 0 : i32
            %dma_wait3A_149 = arith.constant 0 : i32
            %dma_wait3A_150 = tpu.memref_slice %arg17[%dma_wait3A_148, %dma_wait3A_149] : memref<10000x128xf32, #tpu.memory_space<vmem_shared>> -> memref<10000x128xf32, #tpu.memory_space<vmem_shared>>
            tpu.wait_indirect_dma semaphore(%arg25 : memref<!tpu.dma_semaphore, #tpu.memory_space<semaphore_mem>>) src(%arg16 : memref<128x128xf32, #tpu.memory_space<vmem>>) dst(%dma_wait3A_150 : memref<10000x128xf32, #tpu.memory_space<vmem_shared>>)
          } else {
          }
          %add3A_129 = arith.constant 1 : i32
          %add3A_130 = arith.addi %add3A_93, %add3A_129 : i32
          %mul3A_131 = arith.constant 32 : i32
          %mul3A_132 = arith.muli %add3A_130, %mul3A_131 : i32
          %add3A_133 = arith.addi %add3A, %mul3A_132 : i32
          %mul3A_134 = arith.constant 128 : i32
          %mul3A_135 = arith.muli %add3A_133, %mul3A_134 : i32
          %dma_wait3A_136 = tpu.memref_slice %arg3[%mul3A_135] : memref<320000xi32, #tpu.memory_space<hbm>> -> memref<128xi32, #tpu.memory_space<hbm>>
          %dma_wait3A_137 = tpu.memref_slice %arg3[%mul3A_135] : memref<320000xi32, #tpu.memory_space<hbm>> -> memref<128xi32, #tpu.memory_space<hbm>>
          tpu.wait_dma2 semaphore(%arg21 : memref<!tpu.dma_semaphore, #tpu.memory_space<semaphore_mem>>) src(%dma_wait3A_137 : memref<128xi32, #tpu.memory_space<hbm>>) dst(%arg10 : memref<128xi32, #tpu.memory_space<vmem>>)
          %mul3A_138 = arith.constant 32 : i32
          %mul3A_139 = arith.muli %add3A_130, %mul3A_138 : i32
          %add3A_140 = arith.addi %add3A, %mul3A_139 : i32
          %mul3A_141 = arith.constant 128 : i32
          %mul3A_142 = arith.muli %add3A_140, %mul3A_141 : i32
          %dma_wait3A_143 = tpu.memref_slice %arg4[%mul3A_142] : memref<320000xi32, #tpu.memory_space<hbm>> -> memref<128xi32, #tpu.memory_space<hbm>>
          %dma_wait3A_144 = tpu.memref_slice %arg4[%mul3A_142] : memref<320000xi32, #tpu.memory_space<hbm>> -> memref<128xi32, #tpu.memory_space<hbm>>
          tpu.wait_dma2 semaphore(%arg21 : memref<!tpu.dma_semaphore, #tpu.memory_space<semaphore_mem>>) src(%dma_wait3A_144 : memref<128xi32, #tpu.memory_space<hbm>>) dst(%arg14 : memref<128xi32, #tpu.memory_space<vmem>>)
          %dma_start3A_145 = arith.constant 0 : i32
          %dma_start3A_146 = arith.constant 0 : i32
          %dma_start3A_147 = tpu.memref_slice %arg2[%dma_start3A_145, %dma_start3A_146] : memref<10000x128xf32, #tpu.memory_space<hbm>> -> memref<10000x128xf32, #tpu.memory_space<hbm>>
          tpu.enqueue_indirect_dma source(%dma_start3A_147 : memref<10000x128xf32, #tpu.memory_space<hbm>>) target(%arg16 : memref<128x128xf32, #tpu.memory_space<vmem>>) offsets(%arg10 : memref<128xi32, #tpu.memory_space<vmem>>) semaphore(%arg23 : memref<!tpu.dma_semaphore, #tpu.memory_space<semaphore_mem>>)
        } else {
        }
        %dma_wait3A_119 = arith.constant 0 : i32
        %dma_wait3A_120 = arith.constant 0 : i32
        %dma_wait3A_121 = tpu.memref_slice %arg2[%dma_wait3A_119, %dma_wait3A_120] : memref<10000x128xf32, #tpu.memory_space<hbm>> -> memref<10000x128xf32, #tpu.memory_space<hbm>>
        tpu.wait_indirect_dma semaphore(%arg22 : memref<!tpu.dma_semaphore, #tpu.memory_space<semaphore_mem>>) src(%dma_wait3A_121 : memref<10000x128xf32, #tpu.memory_space<hbm>>) dst(%arg15 : memref<128x128xf32, #tpu.memory_space<vmem>>)
        %dma_start3A_122 = arith.constant 0 : i32
        %dma_start3A_123 = arith.constant 0 : i32
        %dma_start3A_124 = tpu.memref_slice %arg17[%dma_start3A_122, %dma_start3A_123] : memref<10000x128xf32, #tpu.memory_space<vmem_shared>> -> memref<10000x128xf32, #tpu.memory_space<vmem_shared>>
        tpu.enqueue_indirect_dma source(%arg15 : memref<128x128xf32, #tpu.memory_space<vmem>>) target(%dma_start3A_124 : memref<10000x128xf32, #tpu.memory_space<vmem_shared>>) offsets(%arg13 : memref<128xi32, #tpu.memory_space<vmem>>) semaphore(%arg24 : memref<!tpu.dma_semaphore, #tpu.memory_space<semaphore_mem>>) {add = true}
      } else {
      }
      %mul3A_98 = arith.constant 4 : i32
      %mul3A_99 = arith.muli %mul3A_98, %scan3A_72 : i32
      %add3A_100 = arith.constant 3 : i32
      %add3A_101 = arith.addi %mul3A_99, %add3A_100 : i32
      %lt3A_102 = arith.cmpi slt, %add3A_101, %add3A_11 : i32
      %convert_element_type3A_103 = arith.extui %lt3A_102 : i1 to i32
      %cond3A_104 = arith.constant 0 : i32
      %cond3A_105 = arith.cmpi ne, %convert_element_type3A_103, %cond3A_104 : i32
      scf.if %cond3A_105 {
        %add3A_107 = arith.constant 2 : i32
        %add3A_108 = arith.addi %add3A_101, %add3A_107 : i32
        %lt3A_109 = arith.cmpi slt, %add3A_108, %add3A_11 : i32
        %convert_element_type3A_110 = arith.extui %lt3A_109 : i1 to i32
        %cond3A_111 = arith.constant 0 : i32
        %cond3A_112 = arith.cmpi ne, %convert_element_type3A_110, %cond3A_111 : i32
        scf.if %cond3A_112 {
          %add3A_125 = arith.constant 2 : i32
          %add3A_126 = arith.addi %add3A_101, %add3A_125 : i32
          %mul3A_127 = arith.constant 32 : i32
          %mul3A_128 = arith.muli %add3A_126, %mul3A_127 : i32
          %add3A_129 = arith.addi %add3A, %mul3A_128 : i32
          %mul3A_130 = arith.constant 128 : i32
          %mul3A_131 = arith.muli %add3A_129, %mul3A_130 : i32
          %dma_start3A_132 = tpu.memref_slice %arg3[%mul3A_131] : memref<320000xi32, #tpu.memory_space<hbm>> -> memref<128xi32, #tpu.memory_space<hbm>>
          %dma_start3A_133 = tpu.memref_slice %arg3[%mul3A_131] : memref<320000xi32, #tpu.memory_space<hbm>> -> memref<128xi32, #tpu.memory_space<hbm>>
          tpu.enqueue_dma source(%dma_start3A_133 : memref<128xi32, #tpu.memory_space<hbm>>) target(%arg8 : memref<128xi32, #tpu.memory_space<vmem>>) target_semaphore(%arg19 : memref<!tpu.dma_semaphore, #tpu.memory_space<semaphore_mem>>)
          %mul3A_134 = arith.constant 32 : i32
          %mul3A_135 = arith.muli %add3A_126, %mul3A_134 : i32
          %add3A_136 = arith.addi %add3A, %mul3A_135 : i32
          %mul3A_137 = arith.constant 128 : i32
          %mul3A_138 = arith.muli %add3A_136, %mul3A_137 : i32
          %dma_start3A_139 = tpu.memref_slice %arg4[%mul3A_138] : memref<320000xi32, #tpu.memory_space<hbm>> -> memref<128xi32, #tpu.memory_space<hbm>>
          %dma_start3A_140 = tpu.memref_slice %arg4[%mul3A_138] : memref<320000xi32, #tpu.memory_space<hbm>> -> memref<128xi32, #tpu.memory_space<hbm>>
          tpu.enqueue_dma source(%dma_start3A_140 : memref<128xi32, #tpu.memory_space<hbm>>) target(%arg12 : memref<128xi32, #tpu.memory_space<vmem>>) target_semaphore(%arg19 : memref<!tpu.dma_semaphore, #tpu.memory_space<semaphore_mem>>)
        } else {
        }
        %add3A_113 = arith.constant 1 : i32
        %add3A_114 = arith.addi %add3A_101, %add3A_113 : i32
        %lt3A_115 = arith.cmpi slt, %add3A_114, %add3A_11 : i32
        %convert_element_type3A_116 = arith.extui %lt3A_115 : i1 to i32
        %cond3A_117 = arith.constant 0 : i32
        %cond3A_118 = arith.cmpi ne, %convert_element_type3A_116, %cond3A_117 : i32
        scf.if %cond3A_118 {
          %ge3A = arith.constant 1 : i32
          %ge3A_125 = arith.cmpi sge, %add3A_101, %ge3A : i32
          %convert_element_type3A_126 = arith.extui %ge3A_125 : i1 to i32
          %cond3A_127 = arith.constant 0 : i32
          %cond3A_128 = arith.cmpi ne, %convert_element_type3A_126, %cond3A_127 : i32
          scf.if %cond3A_128 {
            %dma_wait3A_148 = arith.constant 0 : i32
            %dma_wait3A_149 = arith.constant 0 : i32
            %dma_wait3A_150 = tpu.memref_slice %arg17[%dma_wait3A_148, %dma_wait3A_149] : memref<10000x128xf32, #tpu.memory_space<vmem_shared>> -> memref<10000x128xf32, #tpu.memory_space<vmem_shared>>
            tpu.wait_indirect_dma semaphore(%arg24 : memref<!tpu.dma_semaphore, #tpu.memory_space<semaphore_mem>>) src(%arg15 : memref<128x128xf32, #tpu.memory_space<vmem>>) dst(%dma_wait3A_150 : memref<10000x128xf32, #tpu.memory_space<vmem_shared>>)
          } else {
          }
          %add3A_129 = arith.constant 1 : i32
          %add3A_130 = arith.addi %add3A_101, %add3A_129 : i32
          %mul3A_131 = arith.constant 32 : i32
          %mul3A_132 = arith.muli %add3A_130, %mul3A_131 : i32
          %add3A_133 = arith.addi %add3A, %mul3A_132 : i32
          %mul3A_134 = arith.constant 128 : i32
          %mul3A_135 = arith.muli %add3A_133, %mul3A_134 : i32
          %dma_wait3A_136 = tpu.memref_slice %arg3[%mul3A_135] : memref<320000xi32, #tpu.memory_space<hbm>> -> memref<128xi32, #tpu.memory_space<hbm>>
          %dma_wait3A_137 = tpu.memref_slice %arg3[%mul3A_135] : memref<320000xi32, #tpu.memory_space<hbm>> -> memref<128xi32, #tpu.memory_space<hbm>>
          tpu.wait_dma2 semaphore(%arg18 : memref<!tpu.dma_semaphore, #tpu.memory_space<semaphore_mem>>) src(%dma_wait3A_137 : memref<128xi32, #tpu.memory_space<hbm>>) dst(%arg7 : memref<128xi32, #tpu.memory_space<vmem>>)
          %mul3A_138 = arith.constant 32 : i32
          %mul3A_139 = arith.muli %add3A_130, %mul3A_138 : i32
          %add3A_140 = arith.addi %add3A, %mul3A_139 : i32
          %mul3A_141 = arith.constant 128 : i32
          %mul3A_142 = arith.muli %add3A_140, %mul3A_141 : i32
          %dma_wait3A_143 = tpu.memref_slice %arg4[%mul3A_142] : memref<320000xi32, #tpu.memory_space<hbm>> -> memref<128xi32, #tpu.memory_space<hbm>>
          %dma_wait3A_144 = tpu.memref_slice %arg4[%mul3A_142] : memref<320000xi32, #tpu.memory_space<hbm>> -> memref<128xi32, #tpu.memory_space<hbm>>
          tpu.wait_dma2 semaphore(%arg18 : memref<!tpu.dma_semaphore, #tpu.memory_space<semaphore_mem>>) src(%dma_wait3A_144 : memref<128xi32, #tpu.memory_space<hbm>>) dst(%arg11 : memref<128xi32, #tpu.memory_space<vmem>>)
          %dma_start3A_145 = arith.constant 0 : i32
          %dma_start3A_146 = arith.constant 0 : i32
          %dma_start3A_147 = tpu.memref_slice %arg2[%dma_start3A_145, %dma_start3A_146] : memref<10000x128xf32, #tpu.memory_space<hbm>> -> memref<10000x128xf32, #tpu.memory_space<hbm>>
          tpu.enqueue_indirect_dma source(%dma_start3A_147 : memref<10000x128xf32, #tpu.memory_space<hbm>>) target(%arg15 : memref<128x128xf32, #tpu.memory_space<vmem>>) offsets(%arg7 : memref<128xi32, #tpu.memory_space<vmem>>) semaphore(%arg22 : memref<!tpu.dma_semaphore, #tpu.memory_space<semaphore_mem>>)
        } else {
        }
        %dma_wait3A_119 = arith.constant 0 : i32
        %dma_wait3A_120 = arith.constant 0 : i32
        %dma_wait3A_121 = tpu.memref_slice %arg2[%dma_wait3A_119, %dma_wait3A_120] : memref<10000x128xf32, #tpu.memory_space<hbm>> -> memref<10000x128xf32, #tpu.memory_space<hbm>>
        tpu.wait_indirect_dma semaphore(%arg23 : memref<!tpu.dma_semaphore, #tpu.memory_space<semaphore_mem>>) src(%dma_wait3A_121 : memref<10000x128xf32, #tpu.memory_space<hbm>>) dst(%arg16 : memref<128x128xf32, #tpu.memory_space<vmem>>)
        %dma_start3A_122 = arith.constant 0 : i32
        %dma_start3A_123 = arith.constant 0 : i32
        %dma_start3A_124 = tpu.memref_slice %arg17[%dma_start3A_122, %dma_start3A_123] : memref<10000x128xf32, #tpu.memory_space<vmem_shared>> -> memref<10000x128xf32, #tpu.memory_space<vmem_shared>>
        tpu.enqueue_indirect_dma source(%arg16 : memref<128x128xf32, #tpu.memory_space<vmem>>) target(%dma_start3A_124 : memref<10000x128xf32, #tpu.memory_space<vmem_shared>>) offsets(%arg14 : memref<128xi32, #tpu.memory_space<vmem>>) semaphore(%arg25 : memref<!tpu.dma_semaphore, #tpu.memory_space<semaphore_mem>>) {add = true}
      } else {
      }
      %scan3A_106 = arith.constant 0 : i32
      scf.yield %scan3A_106 : i32
    }
    %scan3A_54 = arith.constant 20 : i32
    %dma_wait3A_55 = arith.constant 0 : i32
    %dma_wait3A_56 = arith.constant 0 : i32
    %dma_wait3A_57 = tpu.memref_slice %arg17[%dma_wait3A_55, %dma_wait3A_56] : memref<10000x128xf32, #tpu.memory_space<vmem_shared>> -> memref<10000x128xf32, #tpu.memory_space<vmem_shared>>
    tpu.wait_indirect_dma semaphore(%arg24 : memref<!tpu.dma_semaphore, #tpu.memory_space<semaphore_mem>>) src(%arg15 : memref<128x128xf32, #tpu.memory_space<vmem>>) dst(%dma_wait3A_57 : memref<10000x128xf32, #tpu.memory_space<vmem_shared>>)
    %dma_wait3A_58 = arith.constant 0 : i32
    %dma_wait3A_59 = arith.constant 0 : i32
    %dma_wait3A_60 = tpu.memref_slice %arg17[%dma_wait3A_58, %dma_wait3A_59] : memref<10000x128xf32, #tpu.memory_space<vmem_shared>> -> memref<10000x128xf32, #tpu.memory_space<vmem_shared>>
    tpu.wait_indirect_dma semaphore(%arg25 : memref<!tpu.dma_semaphore, #tpu.memory_space<semaphore_mem>>) src(%arg16 : memref<128x128xf32, #tpu.memory_space<vmem>>) dst(%dma_wait3A_60 : memref<10000x128xf32, #tpu.memory_space<vmem_shared>>)
    %barrier3A_61 = arith.constant 0 : index
    tpu.barrier barrier_id(%barrier3A_61)
    %lt3A_62 = arith.constant 15 : i32
    %lt3A_63 = arith.cmpi slt, %arg1, %lt3A_62 : i32
    %convert_element_type3A_64 = arith.extui %lt3A_63 : i1 to i32
    %cond3A_65 = arith.constant 0 : i32
    %cond3A_66 = arith.cmpi ne, %convert_element_type3A_64, %cond3A_65 : i32
    scf.if %cond3A_66 {
      %mul3A_72 = arith.constant 632 : i32
      %mul3A_73 = arith.muli %arg1, %mul3A_72 : i32
      %multiple_of3A = tpu.assume_multiple %mul3A_73, 8 : i32
      "tpu.region"() ({
        %run_scoped3A = tpu.sem_alloc : memref<!tpu.dma_semaphore, #tpu.memory_space<semaphore_mem>>
        %dma_start3A_74 = arith.constant 0 : i32
        %dma_start3A_75 = arith.constant 0 : i32
        %dma_start3A_76 = tpu.memref_slice %arg6[%arg0, %dma_start3A_74, %dma_start3A_75] : memref<2x10000x128xf32, #tpu.memory_space<hbm>> -> memref<1x10000x128xf32, #tpu.memory_space<hbm>>
        %dma_start3A_77 = tpu.memref_squeeze %dma_start3A_76 : memref<1x10000x128xf32, #tpu.memory_space<hbm>> -> memref<10000x128xf32, #tpu.memory_space<hbm>>
        %dma_start3A_78 = arith.constant 0 : i32
        %dma_start3A_79 = tpu.memref_slice %dma_start3A_77[%multiple_of3A, %dma_start3A_78] : memref<10000x128xf32, #tpu.memory_space<hbm>> -> memref<632x128xf32, #tpu.memory_space<hbm>>
        %dma_start3A_80 = arith.constant 0 : i32
        %dma_start3A_81 = tpu.memref_slice %arg17[%multiple_of3A, %dma_start3A_80] : memref<10000x128xf32, #tpu.memory_space<vmem_shared>> -> memref<632x128xf32, #tpu.memory_space<vmem_shared>>
        tpu.enqueue_dma source(%dma_start3A_81 : memref<632x128xf32, #tpu.memory_space<vmem_shared>>) target(%dma_start3A_79 : memref<632x128xf32, #tpu.memory_space<hbm>>) target_semaphore(%run_scoped3A : memref<!tpu.dma_semaphore, #tpu.memory_space<semaphore_mem>>)
        %dma_wait3A_82 = arith.constant 0 : i32
        %dma_wait3A_83 = arith.constant 0 : i32
        %dma_wait3A_84 = tpu.memref_slice %arg6[%arg0, %dma_wait3A_82, %dma_wait3A_83] : memref<2x10000x128xf32, #tpu.memory_space<hbm>> -> memref<1x10000x128xf32, #tpu.memory_space<hbm>>
        %dma_wait3A_85 = tpu.memref_squeeze %dma_wait3A_84 : memref<1x10000x128xf32, #tpu.memory_space<hbm>> -> memref<10000x128xf32, #tpu.memory_space<hbm>>
        %dma_wait3A_86 = arith.constant 0 : i32
        %dma_wait3A_87 = tpu.memref_slice %dma_wait3A_85[%multiple_of3A, %dma_wait3A_86] : memref<10000x128xf32, #tpu.memory_space<hbm>> -> memref<632x128xf32, #tpu.memory_space<hbm>>
        %dma_wait3A_88 = arith.constant 0 : i32
        %dma_wait3A_89 = tpu.memref_slice %arg17[%multiple_of3A, %dma_wait3A_88] : memref<10000x128xf32, #tpu.memory_space<vmem_shared>> -> memref<632x128xf32, #tpu.memory_space<vmem_shared>>
        tpu.wait_dma2 semaphore(%run_scoped3A : memref<!tpu.dma_semaphore, #tpu.memory_space<semaphore_mem>>) src(%dma_wait3A_89 : memref<632x128xf32, #tpu.memory_space<vmem_shared>>) dst(%dma_wait3A_87 : memref<632x128xf32, #tpu.memory_space<hbm>>)
        tpu.yield
      }) : () -> ()
    } else {
    }
    %eq3A_67 = arith.constant 15 : i32
    %eq3A_68 = arith.cmpi eq, %arg1, %eq3A_67 : i32
    %convert_element_type3A_69 = arith.extui %eq3A_68 : i1 to i32
    %cond3A_70 = arith.constant 0 : i32
    %cond3A_71 = arith.cmpi ne, %convert_element_type3A_69, %cond3A_70 : i32
    scf.if %cond3A_71 {
      "tpu.region"() ({
        %run_scoped3A = tpu.sem_alloc : memref<!tpu.dma_semaphore, #tpu.memory_space<semaphore_mem>>
        %dma_start3A_72 = arith.constant 0 : i32
        %dma_start3A_73 = arith.constant 0 : i32
        %dma_start3A_74 = tpu.memref_slice %arg6[%arg0, %dma_start3A_72, %dma_start3A_73] : memref<2x10000x128xf32, #tpu.memory_space<hbm>> -> memref<1x10000x128xf32, #tpu.memory_space<hbm>>
        %dma_start3A_75 = tpu.memref_squeeze %dma_start3A_74 : memref<1x10000x128xf32, #tpu.memory_space<hbm>> -> memref<10000x128xf32, #tpu.memory_space<hbm>>
        %dma_start3A_76 = arith.constant 9480 : i32
        %dma_start3A_77 = arith.constant 0 : i32
        %dma_start3A_78 = tpu.memref_slice %dma_start3A_75[%dma_start3A_76, %dma_start3A_77] : memref<10000x128xf32, #tpu.memory_space<hbm>> -> memref<520x128xf32, #tpu.memory_space<hbm>>
        %dma_start3A_79 = arith.constant 9480 : i32
        %dma_start3A_80 = arith.constant 0 : i32
        %dma_start3A_81 = tpu.memref_slice %arg17[%dma_start3A_79, %dma_start3A_80] : memref<10000x128xf32, #tpu.memory_space<vmem_shared>> -> memref<520x128xf32, #tpu.memory_space<vmem_shared>>
        tpu.enqueue_dma source(%dma_start3A_81 : memref<520x128xf32, #tpu.memory_space<vmem_shared>>) target(%dma_start3A_78 : memref<520x128xf32, #tpu.memory_space<hbm>>) target_semaphore(%run_scoped3A : memref<!tpu.dma_semaphore, #tpu.memory_space<semaphore_mem>>)
        %dma_wait3A_82 = arith.constant 0 : i32
        %dma_wait3A_83 = arith.constant 0 : i32
        %dma_wait3A_84 = tpu.memref_slice %arg6[%arg0, %dma_wait3A_82, %dma_wait3A_83] : memref<2x10000x128xf32, #tpu.memory_space<hbm>> -> memref<1x10000x128xf32, #tpu.memory_space<hbm>>
        %dma_wait3A_85 = tpu.memref_squeeze %dma_wait3A_84 : memref<1x10000x128xf32, #tpu.memory_space<hbm>> -> memref<10000x128xf32, #tpu.memory_space<hbm>>
        %dma_wait3A_86 = arith.constant 9480 : i32
        %dma_wait3A_87 = arith.constant 0 : i32
        %dma_wait3A_88 = tpu.memref_slice %dma_wait3A_85[%dma_wait3A_86, %dma_wait3A_87] : memref<10000x128xf32, #tpu.memory_space<hbm>> -> memref<520x128xf32, #tpu.memory_space<hbm>>
        %dma_wait3A_89 = arith.constant 9480 : i32
        %dma_wait3A_90 = arith.constant 0 : i32
        %dma_wait3A_91 = tpu.memref_slice %arg17[%dma_wait3A_89, %dma_wait3A_90] : memref<10000x128xf32, #tpu.memory_space<vmem_shared>> -> memref<520x128xf32, #tpu.memory_space<vmem_shared>>
        tpu.wait_dma2 semaphore(%run_scoped3A : memref<!tpu.dma_semaphore, #tpu.memory_space<semaphore_mem>>) src(%dma_wait3A_91 : memref<520x128xf32, #tpu.memory_space<vmem_shared>>) dst(%dma_wait3A_88 : memref<520x128xf32, #tpu.memory_space<hbm>>)
        tpu.yield
      }) : () -> ()
    } else {
    }
    return
  }
}

#map = affine_map<(d0, d1) -> (0)>
#map1 = affine_map<(d0, d1) -> (0, 0)>
#map2 = affine_map<(d0, d1) -> (0, 0, 0)>
module attributes {stable_mosaic.version = 14 : i64} {
  func.func @deg_kernel(%arg0: i32, %arg1: i32, %arg2: memref<320000xi32, #tpu.memory_space<hbm>>, %arg3: memref<320000xi32, #tpu.memory_space<hbm>>, %arg4: memref<128x128xf32, #tpu.memory_space<hbm>>, %arg5: memref<128x128xf32, #tpu.memory_space<hbm>>, %arg6: memref<632x128xf32, #tpu.memory_space<hbm>>, %arg7: memref<2x10000x128xf32, #tpu.memory_space<hbm>>, %arg8: memref<128xi32, #tpu.memory_space<vmem>>, %arg9: memref<128xi32, #tpu.memory_space<vmem>>, %arg10: memref<128xi32, #tpu.memory_space<vmem>>, %arg11: memref<128xi32, #tpu.memory_space<vmem>>, %arg12: memref<128xi32, #tpu.memory_space<vmem>>, %arg13: memref<128xi32, #tpu.memory_space<vmem>>, %arg14: memref<128xi32, #tpu.memory_space<vmem>>, %arg15: memref<128xi32, #tpu.memory_space<vmem>>, %arg16: memref<128x128xf32, #tpu.memory_space<vmem>>, %arg17: memref<128x128xf32, #tpu.memory_space<vmem>>, %arg18: memref<10000x128xf32, #tpu.memory_space<vmem_shared>>, %arg19: memref<!tpu.dma_semaphore, #tpu.memory_space<semaphore_mem>>, %arg20: memref<!tpu.dma_semaphore, #tpu.memory_space<semaphore_mem>>, %arg21: memref<!tpu.dma_semaphore, #tpu.memory_space<semaphore_mem>>, %arg22: memref<!tpu.dma_semaphore, #tpu.memory_space<semaphore_mem>>, %arg23: memref<!tpu.dma_semaphore, #tpu.memory_space<semaphore_mem>>, %arg24: memref<!tpu.dma_semaphore, #tpu.memory_space<semaphore_mem>>) attributes {dimension_semantics = [#tpu.dimension_semantics<core_parallel>, #tpu.dimension_semantics<subcore_parallel>], iteration_bounds = array<i64: 2, 16>, scalar_prefetch = 0 : i64, scratch_operands = 17 : i64, tpu.core_type = #tpu.core_type<sc_vector_subcore>, window_params = [{transform_indices = #map}, {transform_indices = #map}, {transform_indices = #map1}, {transform_indices = #map1}, {transform_indices = #map1}, {transform_indices = #map2}]} {
    %mul3A = arith.constant 16 : i32
    %mul3A_0 = arith.muli %arg0, %mul3A : i32
    %add3A = arith.addi %mul3A_0, %arg1 : i32
    "tpu.region"() ({
      %run_scoped3A = tpu.sem_alloc : memref<!tpu.dma_semaphore, #tpu.memory_space<semaphore_mem>>
      tpu.enqueue_dma source(%arg4 : memref<128x128xf32, #tpu.memory_space<hbm>>) target(%arg16 : memref<128x128xf32, #tpu.memory_space<vmem>>) target_semaphore(%run_scoped3A : memref<!tpu.dma_semaphore, #tpu.memory_space<semaphore_mem>>)
      tpu.wait_dma2 semaphore(%run_scoped3A : memref<!tpu.dma_semaphore, #tpu.memory_space<semaphore_mem>>) src(%arg4 : memref<128x128xf32, #tpu.memory_space<hbm>>) dst(%arg16 : memref<128x128xf32, #tpu.memory_space<vmem>>)
      tpu.yield
    }) : () -> ()
    "tpu.region"() ({
      %run_scoped3A = tpu.sem_alloc : memref<!tpu.dma_semaphore, #tpu.memory_space<semaphore_mem>>
      tpu.enqueue_dma source(%arg5 : memref<128x128xf32, #tpu.memory_space<hbm>>) target(%arg17 : memref<128x128xf32, #tpu.memory_space<vmem>>) target_semaphore(%run_scoped3A : memref<!tpu.dma_semaphore, #tpu.memory_space<semaphore_mem>>)
      tpu.wait_dma2 semaphore(%run_scoped3A : memref<!tpu.dma_semaphore, #tpu.memory_space<semaphore_mem>>) src(%arg5 : memref<128x128xf32, #tpu.memory_space<hbm>>) dst(%arg17 : memref<128x128xf32, #tpu.memory_space<vmem>>)
      tpu.yield
    }) : () -> ()
    %lt3A = arith.constant 15 : i32
    %lt3A_1 = arith.cmpi slt, %arg1, %lt3A : i32
    %convert_element_type3A = arith.extui %lt3A_1 : i1 to i32
    %cond3A = arith.constant 0 : i32
    %cond3A_2 = arith.cmpi ne, %convert_element_type3A, %cond3A : i32
    scf.if %cond3A_2 {
      %mul3A_63 = arith.constant 632 : i32
      %mul3A_64 = arith.muli %arg1, %mul3A_63 : i32
      %multiple_of3A = tpu.assume_multiple %mul3A_64, 8 : i32
      "tpu.region"() ({
        %run_scoped3A = tpu.sem_alloc : memref<!tpu.dma_semaphore, #tpu.memory_space<semaphore_mem>>
        %dma_start3A_65 = arith.constant 0 : i32
        %dma_start3A_66 = tpu.memref_slice %arg18[%multiple_of3A, %dma_start3A_65] : memref<10000x128xf32, #tpu.memory_space<vmem_shared>> -> memref<632x128xf32, #tpu.memory_space<vmem_shared>>
        %dma_start3A_67 = arith.constant 0 : i32
        %dma_start3A_68 = arith.constant 0 : i32
        %dma_start3A_69 = tpu.memref_slice %arg6[%dma_start3A_67, %dma_start3A_68] : memref<632x128xf32, #tpu.memory_space<hbm>> -> memref<632x128xf32, #tpu.memory_space<hbm>>
        tpu.enqueue_dma source(%dma_start3A_69 : memref<632x128xf32, #tpu.memory_space<hbm>>) target(%dma_start3A_66 : memref<632x128xf32, #tpu.memory_space<vmem_shared>>) target_semaphore(%run_scoped3A : memref<!tpu.dma_semaphore, #tpu.memory_space<semaphore_mem>>)
        %dma_wait3A_70 = arith.constant 0 : i32
        %dma_wait3A_71 = tpu.memref_slice %arg18[%multiple_of3A, %dma_wait3A_70] : memref<10000x128xf32, #tpu.memory_space<vmem_shared>> -> memref<632x128xf32, #tpu.memory_space<vmem_shared>>
        %dma_wait3A_72 = arith.constant 0 : i32
        %dma_wait3A_73 = arith.constant 0 : i32
        %dma_wait3A_74 = tpu.memref_slice %arg6[%dma_wait3A_72, %dma_wait3A_73] : memref<632x128xf32, #tpu.memory_space<hbm>> -> memref<632x128xf32, #tpu.memory_space<hbm>>
        tpu.wait_dma2 semaphore(%run_scoped3A : memref<!tpu.dma_semaphore, #tpu.memory_space<semaphore_mem>>) src(%dma_wait3A_74 : memref<632x128xf32, #tpu.memory_space<hbm>>) dst(%dma_wait3A_71 : memref<632x128xf32, #tpu.memory_space<vmem_shared>>)
        tpu.yield
      }) : () -> ()
    } else {
    }
    %eq3A = arith.constant 15 : i32
    %eq3A_3 = arith.cmpi eq, %arg1, %eq3A : i32
    %convert_element_type3A_4 = arith.extui %eq3A_3 : i1 to i32
    %cond3A_5 = arith.constant 0 : i32
    %cond3A_6 = arith.cmpi ne, %convert_element_type3A_4, %cond3A_5 : i32
    scf.if %cond3A_6 {
      "tpu.region"() ({
        %run_scoped3A = tpu.sem_alloc : memref<!tpu.dma_semaphore, #tpu.memory_space<semaphore_mem>>
        %dma_start3A_63 = arith.constant 9480 : i32
        %dma_start3A_64 = arith.constant 0 : i32
        %dma_start3A_65 = tpu.memref_slice %arg18[%dma_start3A_63, %dma_start3A_64] : memref<10000x128xf32, #tpu.memory_space<vmem_shared>> -> memref<520x128xf32, #tpu.memory_space<vmem_shared>>
        %dma_start3A_66 = arith.constant 0 : i32
        %dma_start3A_67 = arith.constant 0 : i32
        %dma_start3A_68 = tpu.memref_slice %arg6[%dma_start3A_66, %dma_start3A_67] : memref<632x128xf32, #tpu.memory_space<hbm>> -> memref<520x128xf32, #tpu.memory_space<hbm>>
        tpu.enqueue_dma source(%dma_start3A_68 : memref<520x128xf32, #tpu.memory_space<hbm>>) target(%dma_start3A_65 : memref<520x128xf32, #tpu.memory_space<vmem_shared>>) target_semaphore(%run_scoped3A : memref<!tpu.dma_semaphore, #tpu.memory_space<semaphore_mem>>)
        %dma_wait3A_69 = arith.constant 9480 : i32
        %dma_wait3A_70 = arith.constant 0 : i32
        %dma_wait3A_71 = tpu.memref_slice %arg18[%dma_wait3A_69, %dma_wait3A_70] : memref<10000x128xf32, #tpu.memory_space<vmem_shared>> -> memref<520x128xf32, #tpu.memory_space<vmem_shared>>
        %dma_wait3A_72 = arith.constant 0 : i32
        %dma_wait3A_73 = arith.constant 0 : i32
        %dma_wait3A_74 = tpu.memref_slice %arg6[%dma_wait3A_72, %dma_wait3A_73] : memref<632x128xf32, #tpu.memory_space<hbm>> -> memref<520x128xf32, #tpu.memory_space<hbm>>
        tpu.wait_dma2 semaphore(%run_scoped3A : memref<!tpu.dma_semaphore, #tpu.memory_space<semaphore_mem>>) src(%dma_wait3A_74 : memref<520x128xf32, #tpu.memory_space<hbm>>) dst(%dma_wait3A_71 : memref<520x128xf32, #tpu.memory_space<vmem_shared>>)
        tpu.yield
      }) : () -> ()
    } else {
    }
    %barrier3A = arith.constant 0 : index
    tpu.barrier barrier_id(%barrier3A)
    %lt3A_7 = arith.constant 4 : i32
    %lt3A_8 = arith.cmpi slt, %add3A, %lt3A_7 : i32
    %jit3A = arith.constant 1 : i32
    %jit3A_9 = arith.constant 0 : i32
    %select_n3A = arith.select %lt3A_8, %jit3A, %jit3A_9 : i32
    %add3A_10 = arith.constant 78 : i32
    %add3A_11 = arith.addi %add3A_10, %select_n3A : i32
    %add3A_12 = arith.constant 0 : i32
    %add3A_13 = arith.addi %add3A, %add3A_12 : i32
    %mul3A_14 = arith.constant 128 : i32
    %mul3A_15 = arith.muli %add3A_13, %mul3A_14 : i32
    %dma_start3A = tpu.memref_slice %arg2[%mul3A_15] : memref<320000xi32, #tpu.memory_space<hbm>> -> memref<128xi32, #tpu.memory_space<hbm>>
    %dma_start3A_16 = tpu.memref_slice %arg2[%mul3A_15] : memref<320000xi32, #tpu.memory_space<hbm>> -> memref<128xi32, #tpu.memory_space<hbm>>
    tpu.enqueue_dma source(%dma_start3A_16 : memref<128xi32, #tpu.memory_space<hbm>>) target(%arg8 : memref<128xi32, #tpu.memory_space<vmem>>) target_semaphore(%arg19 : memref<!tpu.dma_semaphore, #tpu.memory_space<semaphore_mem>>)
    %add3A_17 = arith.constant 0 : i32
    %add3A_18 = arith.addi %add3A, %add3A_17 : i32
    %mul3A_19 = arith.constant 128 : i32
    %mul3A_20 = arith.muli %add3A_18, %mul3A_19 : i32
    %dma_start3A_21 = tpu.memref_slice %arg3[%mul3A_20] : memref<320000xi32, #tpu.memory_space<hbm>> -> memref<128xi32, #tpu.memory_space<hbm>>
    %dma_start3A_22 = tpu.memref_slice %arg3[%mul3A_20] : memref<320000xi32, #tpu.memory_space<hbm>> -> memref<128xi32, #tpu.memory_space<hbm>>
    tpu.enqueue_dma source(%dma_start3A_22 : memref<128xi32, #tpu.memory_space<hbm>>) target(%arg12 : memref<128xi32, #tpu.memory_space<vmem>>) target_semaphore(%arg19 : memref<!tpu.dma_semaphore, #tpu.memory_space<semaphore_mem>>)
    %add3A_23 = arith.constant 32 : i32
    %add3A_24 = arith.addi %add3A, %add3A_23 : i32
    %mul3A_25 = arith.constant 128 : i32
    %mul3A_26 = arith.muli %add3A_24, %mul3A_25 : i32
    %dma_start3A_27 = tpu.memref_slice %arg2[%mul3A_26] : memref<320000xi32, #tpu.memory_space<hbm>> -> memref<128xi32, #tpu.memory_space<hbm>>
    %dma_start3A_28 = tpu.memref_slice %arg2[%mul3A_26] : memref<320000xi32, #tpu.memory_space<hbm>> -> memref<128xi32, #tpu.memory_space<hbm>>
    tpu.enqueue_dma source(%dma_start3A_28 : memref<128xi32, #tpu.memory_space<hbm>>) target(%arg9 : memref<128xi32, #tpu.memory_space<vmem>>) target_semaphore(%arg20 : memref<!tpu.dma_semaphore, #tpu.memory_space<semaphore_mem>>)
    %add3A_29 = arith.constant 32 : i32
    %add3A_30 = arith.addi %add3A, %add3A_29 : i32
    %mul3A_31 = arith.constant 128 : i32
    %mul3A_32 = arith.muli %add3A_30, %mul3A_31 : i32
    %dma_start3A_33 = tpu.memref_slice %arg3[%mul3A_32] : memref<320000xi32, #tpu.memory_space<hbm>> -> memref<128xi32, #tpu.memory_space<hbm>>
    %dma_start3A_34 = tpu.memref_slice %arg3[%mul3A_32] : memref<320000xi32, #tpu.memory_space<hbm>> -> memref<128xi32, #tpu.memory_space<hbm>>
    tpu.enqueue_dma source(%dma_start3A_34 : memref<128xi32, #tpu.memory_space<hbm>>) target(%arg13 : memref<128xi32, #tpu.memory_space<vmem>>) target_semaphore(%arg20 : memref<!tpu.dma_semaphore, #tpu.memory_space<semaphore_mem>>)
    %scan3A = arith.constant 0 : i32
    %scan3A_35 = arith.constant 0 : i32
    %scan3A_36 = arith.constant 20 : i32
    %scan3A_37 = arith.addi %scan3A_35, %scan3A_36 : i32
    %scan3A_38 = arith.constant 1 : i32
    %scan3A_39 = scf.for %scan3A_63 = %scan3A_35 to %scan3A_37 step %scan3A_38 iter_args(%scan3A_64 = %scan3A) -> (i32)  : i32 {
      %mul3A_65 = arith.constant 4 : i32
      %mul3A_66 = arith.muli %mul3A_65, %scan3A_63 : i32
      %add3A_67 = arith.constant 0 : i32
      %add3A_68 = arith.addi %mul3A_66, %add3A_67 : i32
      %lt3A_69 = arith.cmpi slt, %add3A_68, %add3A_11 : i32
      %convert_element_type3A_70 = arith.extui %lt3A_69 : i1 to i32
      %cond3A_71 = arith.constant 0 : i32
      %cond3A_72 = arith.cmpi ne, %convert_element_type3A_70, %cond3A_71 : i32
      scf.if %cond3A_72 {
        %ge3A = arith.constant 2 : i32
        %ge3A_98 = arith.cmpi sge, %add3A_68, %ge3A : i32
        %convert_element_type3A_99 = arith.extui %ge3A_98 : i1 to i32
        %cond3A_100 = arith.constant 0 : i32
        %cond3A_101 = arith.cmpi ne, %convert_element_type3A_99, %cond3A_100 : i32
        scf.if %cond3A_101 {
          %dma_wait3A_128 = arith.constant 0 : i32
          %dma_wait3A_129 = arith.constant 0 : i32
          %dma_wait3A_130 = tpu.memref_slice %arg18[%dma_wait3A_128, %dma_wait3A_129] : memref<10000x128xf32, #tpu.memory_space<vmem_shared>> -> memref<10000x128xf32, #tpu.memory_space<vmem_shared>>
          tpu.wait_indirect_dma semaphore(%arg23 : memref<!tpu.dma_semaphore, #tpu.memory_space<semaphore_mem>>) src(%arg16 : memref<128x128xf32, #tpu.memory_space<vmem>>) dst(%dma_wait3A_130 : memref<10000x128xf32, #tpu.memory_space<vmem_shared>>)
          %dma_wait3A_131 = arith.constant 0 : i32
          %dma_wait3A_132 = arith.constant 0 : i32
          %dma_wait3A_133 = tpu.memref_slice %arg18[%dma_wait3A_131, %dma_wait3A_132] : memref<10000x128xf32, #tpu.memory_space<vmem_shared>> -> memref<10000x128xf32, #tpu.memory_space<vmem_shared>>
          tpu.wait_indirect_dma semaphore(%arg23 : memref<!tpu.dma_semaphore, #tpu.memory_space<semaphore_mem>>) src(%arg17 : memref<128x128xf32, #tpu.memory_space<vmem>>) dst(%dma_wait3A_133 : memref<10000x128xf32, #tpu.memory_space<vmem_shared>>)
        } else {
        }
        %add3A_102 = arith.constant 2 : i32
        %add3A_103 = arith.addi %add3A_68, %add3A_102 : i32
        %lt3A_104 = arith.cmpi slt, %add3A_103, %add3A_11 : i32
        %convert_element_type3A_105 = arith.extui %lt3A_104 : i1 to i32
        %cond3A_106 = arith.constant 0 : i32
        %cond3A_107 = arith.cmpi ne, %convert_element_type3A_105, %cond3A_106 : i32
        scf.if %cond3A_107 {
          %add3A_128 = arith.constant 2 : i32
          %add3A_129 = arith.addi %add3A_68, %add3A_128 : i32
          %mul3A_130 = arith.constant 32 : i32
          %mul3A_131 = arith.muli %add3A_129, %mul3A_130 : i32
          %add3A_132 = arith.addi %add3A, %mul3A_131 : i32
          %mul3A_133 = arith.constant 128 : i32
          %mul3A_134 = arith.muli %add3A_132, %mul3A_133 : i32
          %dma_start3A_135 = tpu.memref_slice %arg2[%mul3A_134] : memref<320000xi32, #tpu.memory_space<hbm>> -> memref<128xi32, #tpu.memory_space<hbm>>
          %dma_start3A_136 = tpu.memref_slice %arg2[%mul3A_134] : memref<320000xi32, #tpu.memory_space<hbm>> -> memref<128xi32, #tpu.memory_space<hbm>>
          tpu.enqueue_dma source(%dma_start3A_136 : memref<128xi32, #tpu.memory_space<hbm>>) target(%arg10 : memref<128xi32, #tpu.memory_space<vmem>>) target_semaphore(%arg21 : memref<!tpu.dma_semaphore, #tpu.memory_space<semaphore_mem>>)
          %mul3A_137 = arith.constant 32 : i32
          %mul3A_138 = arith.muli %add3A_129, %mul3A_137 : i32
          %add3A_139 = arith.addi %add3A, %mul3A_138 : i32
          %mul3A_140 = arith.constant 128 : i32
          %mul3A_141 = arith.muli %add3A_139, %mul3A_140 : i32
          %dma_start3A_142 = tpu.memref_slice %arg3[%mul3A_141] : memref<320000xi32, #tpu.memory_space<hbm>> -> memref<128xi32, #tpu.memory_space<hbm>>
          %dma_start3A_143 = tpu.memref_slice %arg3[%mul3A_141] : memref<320000xi32, #tpu.memory_space<hbm>> -> memref<128xi32, #tpu.memory_space<hbm>>
          tpu.enqueue_dma source(%dma_start3A_143 : memref<128xi32, #tpu.memory_space<hbm>>) target(%arg14 : memref<128xi32, #tpu.memory_space<vmem>>) target_semaphore(%arg21 : memref<!tpu.dma_semaphore, #tpu.memory_space<semaphore_mem>>)
        } else {
        }
        %mul3A_108 = arith.constant 32 : i32
        %mul3A_109 = arith.muli %add3A_68, %mul3A_108 : i32
        %add3A_110 = arith.addi %add3A, %mul3A_109 : i32
        %mul3A_111 = arith.constant 128 : i32
        %mul3A_112 = arith.muli %add3A_110, %mul3A_111 : i32
        %dma_wait3A_113 = tpu.memref_slice %arg2[%mul3A_112] : memref<320000xi32, #tpu.memory_space<hbm>> -> memref<128xi32, #tpu.memory_space<hbm>>
        %dma_wait3A_114 = tpu.memref_slice %arg2[%mul3A_112] : memref<320000xi32, #tpu.memory_space<hbm>> -> memref<128xi32, #tpu.memory_space<hbm>>
        tpu.wait_dma2 semaphore(%arg19 : memref<!tpu.dma_semaphore, #tpu.memory_space<semaphore_mem>>) src(%dma_wait3A_114 : memref<128xi32, #tpu.memory_space<hbm>>) dst(%arg8 : memref<128xi32, #tpu.memory_space<vmem>>)
        %mul3A_115 = arith.constant 32 : i32
        %mul3A_116 = arith.muli %add3A_68, %mul3A_115 : i32
        %add3A_117 = arith.addi %add3A, %mul3A_116 : i32
        %mul3A_118 = arith.constant 128 : i32
        %mul3A_119 = arith.muli %add3A_117, %mul3A_118 : i32
        %dma_wait3A_120 = tpu.memref_slice %arg3[%mul3A_119] : memref<320000xi32, #tpu.memory_space<hbm>> -> memref<128xi32, #tpu.memory_space<hbm>>
        %dma_wait3A_121 = tpu.memref_slice %arg3[%mul3A_119] : memref<320000xi32, #tpu.memory_space<hbm>> -> memref<128xi32, #tpu.memory_space<hbm>>
        tpu.wait_dma2 semaphore(%arg19 : memref<!tpu.dma_semaphore, #tpu.memory_space<semaphore_mem>>) src(%dma_wait3A_121 : memref<128xi32, #tpu.memory_space<hbm>>) dst(%arg12 : memref<128xi32, #tpu.memory_space<vmem>>)
        %dma_start3A_122 = arith.constant 0 : i32
        %dma_start3A_123 = arith.constant 0 : i32
        %dma_start3A_124 = tpu.memref_slice %arg18[%dma_start3A_122, %dma_start3A_123] : memref<10000x128xf32, #tpu.memory_space<vmem_shared>> -> memref<10000x128xf32, #tpu.memory_space<vmem_shared>>
        tpu.enqueue_indirect_dma source(%arg16 : memref<128x128xf32, #tpu.memory_space<vmem>>) target(%dma_start3A_124 : memref<10000x128xf32, #tpu.memory_space<vmem_shared>>) offsets(%arg8 : memref<128xi32, #tpu.memory_space<vmem>>) semaphore(%arg23 : memref<!tpu.dma_semaphore, #tpu.memory_space<semaphore_mem>>) {add = true}
        %dma_start3A_125 = arith.constant 0 : i32
        %dma_start3A_126 = arith.constant 0 : i32
        %dma_start3A_127 = tpu.memref_slice %arg18[%dma_start3A_125, %dma_start3A_126] : memref<10000x128xf32, #tpu.memory_space<vmem_shared>> -> memref<10000x128xf32, #tpu.memory_space<vmem_shared>>
        tpu.enqueue_indirect_dma source(%arg17 : memref<128x128xf32, #tpu.memory_space<vmem>>) target(%dma_start3A_127 : memref<10000x128xf32, #tpu.memory_space<vmem_shared>>) offsets(%arg12 : memref<128xi32, #tpu.memory_space<vmem>>) semaphore(%arg23 : memref<!tpu.dma_semaphore, #tpu.memory_space<semaphore_mem>>) {add = true}
      } else {
      }
      %mul3A_73 = arith.constant 4 : i32
      %mul3A_74 = arith.muli %mul3A_73, %scan3A_63 : i32
      %add3A_75 = arith.constant 1 : i32
      %add3A_76 = arith.addi %mul3A_74, %add3A_75 : i32
      %lt3A_77 = arith.cmpi slt, %add3A_76, %add3A_11 : i32
      %convert_element_type3A_78 = arith.extui %lt3A_77 : i1 to i32
      %cond3A_79 = arith.constant 0 : i32
      %cond3A_80 = arith.cmpi ne, %convert_element_type3A_78, %cond3A_79 : i32
      scf.if %cond3A_80 {
        %ge3A = arith.constant 2 : i32
        %ge3A_98 = arith.cmpi sge, %add3A_76, %ge3A : i32
        %convert_element_type3A_99 = arith.extui %ge3A_98 : i1 to i32
        %cond3A_100 = arith.constant 0 : i32
        %cond3A_101 = arith.cmpi ne, %convert_element_type3A_99, %cond3A_100 : i32
        scf.if %cond3A_101 {
          %dma_wait3A_128 = arith.constant 0 : i32
          %dma_wait3A_129 = arith.constant 0 : i32
          %dma_wait3A_130 = tpu.memref_slice %arg18[%dma_wait3A_128, %dma_wait3A_129] : memref<10000x128xf32, #tpu.memory_space<vmem_shared>> -> memref<10000x128xf32, #tpu.memory_space<vmem_shared>>
          tpu.wait_indirect_dma semaphore(%arg24 : memref<!tpu.dma_semaphore, #tpu.memory_space<semaphore_mem>>) src(%arg16 : memref<128x128xf32, #tpu.memory_space<vmem>>) dst(%dma_wait3A_130 : memref<10000x128xf32, #tpu.memory_space<vmem_shared>>)
          %dma_wait3A_131 = arith.constant 0 : i32
          %dma_wait3A_132 = arith.constant 0 : i32
          %dma_wait3A_133 = tpu.memref_slice %arg18[%dma_wait3A_131, %dma_wait3A_132] : memref<10000x128xf32, #tpu.memory_space<vmem_shared>> -> memref<10000x128xf32, #tpu.memory_space<vmem_shared>>
          tpu.wait_indirect_dma semaphore(%arg24 : memref<!tpu.dma_semaphore, #tpu.memory_space<semaphore_mem>>) src(%arg17 : memref<128x128xf32, #tpu.memory_space<vmem>>) dst(%dma_wait3A_133 : memref<10000x128xf32, #tpu.memory_space<vmem_shared>>)
        } else {
        }
        %add3A_102 = arith.constant 2 : i32
        %add3A_103 = arith.addi %add3A_76, %add3A_102 : i32
        %lt3A_104 = arith.cmpi slt, %add3A_103, %add3A_11 : i32
        %convert_element_type3A_105 = arith.extui %lt3A_104 : i1 to i32
        %cond3A_106 = arith.constant 0 : i32
        %cond3A_107 = arith.cmpi ne, %convert_element_type3A_105, %cond3A_106 : i32
        scf.if %cond3A_107 {
          %add3A_128 = arith.constant 2 : i32
          %add3A_129 = arith.addi %add3A_76, %add3A_128 : i32
          %mul3A_130 = arith.constant 32 : i32
          %mul3A_131 = arith.muli %add3A_129, %mul3A_130 : i32
          %add3A_132 = arith.addi %add3A, %mul3A_131 : i32
          %mul3A_133 = arith.constant 128 : i32
          %mul3A_134 = arith.muli %add3A_132, %mul3A_133 : i32
          %dma_start3A_135 = tpu.memref_slice %arg2[%mul3A_134] : memref<320000xi32, #tpu.memory_space<hbm>> -> memref<128xi32, #tpu.memory_space<hbm>>
          %dma_start3A_136 = tpu.memref_slice %arg2[%mul3A_134] : memref<320000xi32, #tpu.memory_space<hbm>> -> memref<128xi32, #tpu.memory_space<hbm>>
          tpu.enqueue_dma source(%dma_start3A_136 : memref<128xi32, #tpu.memory_space<hbm>>) target(%arg11 : memref<128xi32, #tpu.memory_space<vmem>>) target_semaphore(%arg22 : memref<!tpu.dma_semaphore, #tpu.memory_space<semaphore_mem>>)
          %mul3A_137 = arith.constant 32 : i32
          %mul3A_138 = arith.muli %add3A_129, %mul3A_137 : i32
          %add3A_139 = arith.addi %add3A, %mul3A_138 : i32
          %mul3A_140 = arith.constant 128 : i32
          %mul3A_141 = arith.muli %add3A_139, %mul3A_140 : i32
          %dma_start3A_142 = tpu.memref_slice %arg3[%mul3A_141] : memref<320000xi32, #tpu.memory_space<hbm>> -> memref<128xi32, #tpu.memory_space<hbm>>
          %dma_start3A_143 = tpu.memref_slice %arg3[%mul3A_141] : memref<320000xi32, #tpu.memory_space<hbm>> -> memref<128xi32, #tpu.memory_space<hbm>>
          tpu.enqueue_dma source(%dma_start3A_143 : memref<128xi32, #tpu.memory_space<hbm>>) target(%arg15 : memref<128xi32, #tpu.memory_space<vmem>>) target_semaphore(%arg22 : memref<!tpu.dma_semaphore, #tpu.memory_space<semaphore_mem>>)
        } else {
        }
        %mul3A_108 = arith.constant 32 : i32
        %mul3A_109 = arith.muli %add3A_76, %mul3A_108 : i32
        %add3A_110 = arith.addi %add3A, %mul3A_109 : i32
        %mul3A_111 = arith.constant 128 : i32
        %mul3A_112 = arith.muli %add3A_110, %mul3A_111 : i32
        %dma_wait3A_113 = tpu.memref_slice %arg2[%mul3A_112] : memref<320000xi32, #tpu.memory_space<hbm>> -> memref<128xi32, #tpu.memory_space<hbm>>
        %dma_wait3A_114 = tpu.memref_slice %arg2[%mul3A_112] : memref<320000xi32, #tpu.memory_space<hbm>> -> memref<128xi32, #tpu.memory_space<hbm>>
        tpu.wait_dma2 semaphore(%arg20 : memref<!tpu.dma_semaphore, #tpu.memory_space<semaphore_mem>>) src(%dma_wait3A_114 : memref<128xi32, #tpu.memory_space<hbm>>) dst(%arg9 : memref<128xi32, #tpu.memory_space<vmem>>)
        %mul3A_115 = arith.constant 32 : i32
        %mul3A_116 = arith.muli %add3A_76, %mul3A_115 : i32
        %add3A_117 = arith.addi %add3A, %mul3A_116 : i32
        %mul3A_118 = arith.constant 128 : i32
        %mul3A_119 = arith.muli %add3A_117, %mul3A_118 : i32
        %dma_wait3A_120 = tpu.memref_slice %arg3[%mul3A_119] : memref<320000xi32, #tpu.memory_space<hbm>> -> memref<128xi32, #tpu.memory_space<hbm>>
        %dma_wait3A_121 = tpu.memref_slice %arg3[%mul3A_119] : memref<320000xi32, #tpu.memory_space<hbm>> -> memref<128xi32, #tpu.memory_space<hbm>>
        tpu.wait_dma2 semaphore(%arg20 : memref<!tpu.dma_semaphore, #tpu.memory_space<semaphore_mem>>) src(%dma_wait3A_121 : memref<128xi32, #tpu.memory_space<hbm>>) dst(%arg13 : memref<128xi32, #tpu.memory_space<vmem>>)
        %dma_start3A_122 = arith.constant 0 : i32
        %dma_start3A_123 = arith.constant 0 : i32
        %dma_start3A_124 = tpu.memref_slice %arg18[%dma_start3A_122, %dma_start3A_123] : memref<10000x128xf32, #tpu.memory_space<vmem_shared>> -> memref<10000x128xf32, #tpu.memory_space<vmem_shared>>
        tpu.enqueue_indirect_dma source(%arg16 : memref<128x128xf32, #tpu.memory_space<vmem>>) target(%dma_start3A_124 : memref<10000x128xf32, #tpu.memory_space<vmem_shared>>) offsets(%arg9 : memref<128xi32, #tpu.memory_space<vmem>>) semaphore(%arg24 : memref<!tpu.dma_semaphore, #tpu.memory_space<semaphore_mem>>) {add = true}
        %dma_start3A_125 = arith.constant 0 : i32
        %dma_start3A_126 = arith.constant 0 : i32
        %dma_start3A_127 = tpu.memref_slice %arg18[%dma_start3A_125, %dma_start3A_126] : memref<10000x128xf32, #tpu.memory_space<vmem_shared>> -> memref<10000x128xf32, #tpu.memory_space<vmem_shared>>
        tpu.enqueue_indirect_dma source(%arg17 : memref<128x128xf32, #tpu.memory_space<vmem>>) target(%dma_start3A_127 : memref<10000x128xf32, #tpu.memory_space<vmem_shared>>) offsets(%arg13 : memref<128xi32, #tpu.memory_space<vmem>>) semaphore(%arg24 : memref<!tpu.dma_semaphore, #tpu.memory_space<semaphore_mem>>) {add = true}
      } else {
      }
      %mul3A_81 = arith.constant 4 : i32
      %mul3A_82 = arith.muli %mul3A_81, %scan3A_63 : i32
      %add3A_83 = arith.constant 2 : i32
      %add3A_84 = arith.addi %mul3A_82, %add3A_83 : i32
      %lt3A_85 = arith.cmpi slt, %add3A_84, %add3A_11 : i32
      %convert_element_type3A_86 = arith.extui %lt3A_85 : i1 to i32
      %cond3A_87 = arith.constant 0 : i32
      %cond3A_88 = arith.cmpi ne, %convert_element_type3A_86, %cond3A_87 : i32
      scf.if %cond3A_88 {
        %ge3A = arith.constant 2 : i32
        %ge3A_98 = arith.cmpi sge, %add3A_84, %ge3A : i32
        %convert_element_type3A_99 = arith.extui %ge3A_98 : i1 to i32
        %cond3A_100 = arith.constant 0 : i32
        %cond3A_101 = arith.cmpi ne, %convert_element_type3A_99, %cond3A_100 : i32
        scf.if %cond3A_101 {
          %dma_wait3A_128 = arith.constant 0 : i32
          %dma_wait3A_129 = arith.constant 0 : i32
          %dma_wait3A_130 = tpu.memref_slice %arg18[%dma_wait3A_128, %dma_wait3A_129] : memref<10000x128xf32, #tpu.memory_space<vmem_shared>> -> memref<10000x128xf32, #tpu.memory_space<vmem_shared>>
          tpu.wait_indirect_dma semaphore(%arg23 : memref<!tpu.dma_semaphore, #tpu.memory_space<semaphore_mem>>) src(%arg16 : memref<128x128xf32, #tpu.memory_space<vmem>>) dst(%dma_wait3A_130 : memref<10000x128xf32, #tpu.memory_space<vmem_shared>>)
          %dma_wait3A_131 = arith.constant 0 : i32
          %dma_wait3A_132 = arith.constant 0 : i32
          %dma_wait3A_133 = tpu.memref_slice %arg18[%dma_wait3A_131, %dma_wait3A_132] : memref<10000x128xf32, #tpu.memory_space<vmem_shared>> -> memref<10000x128xf32, #tpu.memory_space<vmem_shared>>
          tpu.wait_indirect_dma semaphore(%arg23 : memref<!tpu.dma_semaphore, #tpu.memory_space<semaphore_mem>>) src(%arg17 : memref<128x128xf32, #tpu.memory_space<vmem>>) dst(%dma_wait3A_133 : memref<10000x128xf32, #tpu.memory_space<vmem_shared>>)
        } else {
        }
        %add3A_102 = arith.constant 2 : i32
        %add3A_103 = arith.addi %add3A_84, %add3A_102 : i32
        %lt3A_104 = arith.cmpi slt, %add3A_103, %add3A_11 : i32
        %convert_element_type3A_105 = arith.extui %lt3A_104 : i1 to i32
        %cond3A_106 = arith.constant 0 : i32
        %cond3A_107 = arith.cmpi ne, %convert_element_type3A_105, %cond3A_106 : i32
        scf.if %cond3A_107 {
          %add3A_128 = arith.constant 2 : i32
          %add3A_129 = arith.addi %add3A_84, %add3A_128 : i32
          %mul3A_130 = arith.constant 32 : i32
          %mul3A_131 = arith.muli %add3A_129, %mul3A_130 : i32
          %add3A_132 = arith.addi %add3A, %mul3A_131 : i32
          %mul3A_133 = arith.constant 128 : i32
          %mul3A_134 = arith.muli %add3A_132, %mul3A_133 : i32
          %dma_start3A_135 = tpu.memref_slice %arg2[%mul3A_134] : memref<320000xi32, #tpu.memory_space<hbm>> -> memref<128xi32, #tpu.memory_space<hbm>>
          %dma_start3A_136 = tpu.memref_slice %arg2[%mul3A_134] : memref<320000xi32, #tpu.memory_space<hbm>> -> memref<128xi32, #tpu.memory_space<hbm>>
          tpu.enqueue_dma source(%dma_start3A_136 : memref<128xi32, #tpu.memory_space<hbm>>) target(%arg8 : memref<128xi32, #tpu.memory_space<vmem>>) target_semaphore(%arg19 : memref<!tpu.dma_semaphore, #tpu.memory_space<semaphore_mem>>)
          %mul3A_137 = arith.constant 32 : i32
          %mul3A_138 = arith.muli %add3A_129, %mul3A_137 : i32
          %add3A_139 = arith.addi %add3A, %mul3A_138 : i32
          %mul3A_140 = arith.constant 128 : i32
          %mul3A_141 = arith.muli %add3A_139, %mul3A_140 : i32
          %dma_start3A_142 = tpu.memref_slice %arg3[%mul3A_141] : memref<320000xi32, #tpu.memory_space<hbm>> -> memref<128xi32, #tpu.memory_space<hbm>>
          %dma_start3A_143 = tpu.memref_slice %arg3[%mul3A_141] : memref<320000xi32, #tpu.memory_space<hbm>> -> memref<128xi32, #tpu.memory_space<hbm>>
          tpu.enqueue_dma source(%dma_start3A_143 : memref<128xi32, #tpu.memory_space<hbm>>) target(%arg12 : memref<128xi32, #tpu.memory_space<vmem>>) target_semaphore(%arg19 : memref<!tpu.dma_semaphore, #tpu.memory_space<semaphore_mem>>)
        } else {
        }
        %mul3A_108 = arith.constant 32 : i32
        %mul3A_109 = arith.muli %add3A_84, %mul3A_108 : i32
        %add3A_110 = arith.addi %add3A, %mul3A_109 : i32
        %mul3A_111 = arith.constant 128 : i32
        %mul3A_112 = arith.muli %add3A_110, %mul3A_111 : i32
        %dma_wait3A_113 = tpu.memref_slice %arg2[%mul3A_112] : memref<320000xi32, #tpu.memory_space<hbm>> -> memref<128xi32, #tpu.memory_space<hbm>>
        %dma_wait3A_114 = tpu.memref_slice %arg2[%mul3A_112] : memref<320000xi32, #tpu.memory_space<hbm>> -> memref<128xi32, #tpu.memory_space<hbm>>
        tpu.wait_dma2 semaphore(%arg21 : memref<!tpu.dma_semaphore, #tpu.memory_space<semaphore_mem>>) src(%dma_wait3A_114 : memref<128xi32, #tpu.memory_space<hbm>>) dst(%arg10 : memref<128xi32, #tpu.memory_space<vmem>>)
        %mul3A_115 = arith.constant 32 : i32
        %mul3A_116 = arith.muli %add3A_84, %mul3A_115 : i32
        %add3A_117 = arith.addi %add3A, %mul3A_116 : i32
        %mul3A_118 = arith.constant 128 : i32
        %mul3A_119 = arith.muli %add3A_117, %mul3A_118 : i32
        %dma_wait3A_120 = tpu.memref_slice %arg3[%mul3A_119] : memref<320000xi32, #tpu.memory_space<hbm>> -> memref<128xi32, #tpu.memory_space<hbm>>
        %dma_wait3A_121 = tpu.memref_slice %arg3[%mul3A_119] : memref<320000xi32, #tpu.memory_space<hbm>> -> memref<128xi32, #tpu.memory_space<hbm>>
        tpu.wait_dma2 semaphore(%arg21 : memref<!tpu.dma_semaphore, #tpu.memory_space<semaphore_mem>>) src(%dma_wait3A_121 : memref<128xi32, #tpu.memory_space<hbm>>) dst(%arg14 : memref<128xi32, #tpu.memory_space<vmem>>)
        %dma_start3A_122 = arith.constant 0 : i32
        %dma_start3A_123 = arith.constant 0 : i32
        %dma_start3A_124 = tpu.memref_slice %arg18[%dma_start3A_122, %dma_start3A_123] : memref<10000x128xf32, #tpu.memory_space<vmem_shared>> -> memref<10000x128xf32, #tpu.memory_space<vmem_shared>>
        tpu.enqueue_indirect_dma source(%arg16 : memref<128x128xf32, #tpu.memory_space<vmem>>) target(%dma_start3A_124 : memref<10000x128xf32, #tpu.memory_space<vmem_shared>>) offsets(%arg10 : memref<128xi32, #tpu.memory_space<vmem>>) semaphore(%arg23 : memref<!tpu.dma_semaphore, #tpu.memory_space<semaphore_mem>>) {add = true}
        %dma_start3A_125 = arith.constant 0 : i32
        %dma_start3A_126 = arith.constant 0 : i32
        %dma_start3A_127 = tpu.memref_slice %arg18[%dma_start3A_125, %dma_start3A_126] : memref<10000x128xf32, #tpu.memory_space<vmem_shared>> -> memref<10000x128xf32, #tpu.memory_space<vmem_shared>>
        tpu.enqueue_indirect_dma source(%arg17 : memref<128x128xf32, #tpu.memory_space<vmem>>) target(%dma_start3A_127 : memref<10000x128xf32, #tpu.memory_space<vmem_shared>>) offsets(%arg14 : memref<128xi32, #tpu.memory_space<vmem>>) semaphore(%arg23 : memref<!tpu.dma_semaphore, #tpu.memory_space<semaphore_mem>>) {add = true}
      } else {
      }
      %mul3A_89 = arith.constant 4 : i32
      %mul3A_90 = arith.muli %mul3A_89, %scan3A_63 : i32
      %add3A_91 = arith.constant 3 : i32
      %add3A_92 = arith.addi %mul3A_90, %add3A_91 : i32
      %lt3A_93 = arith.cmpi slt, %add3A_92, %add3A_11 : i32
      %convert_element_type3A_94 = arith.extui %lt3A_93 : i1 to i32
      %cond3A_95 = arith.constant 0 : i32
      %cond3A_96 = arith.cmpi ne, %convert_element_type3A_94, %cond3A_95 : i32
      scf.if %cond3A_96 {
        %ge3A = arith.constant 2 : i32
        %ge3A_98 = arith.cmpi sge, %add3A_92, %ge3A : i32
        %convert_element_type3A_99 = arith.extui %ge3A_98 : i1 to i32
        %cond3A_100 = arith.constant 0 : i32
        %cond3A_101 = arith.cmpi ne, %convert_element_type3A_99, %cond3A_100 : i32
        scf.if %cond3A_101 {
          %dma_wait3A_128 = arith.constant 0 : i32
          %dma_wait3A_129 = arith.constant 0 : i32
          %dma_wait3A_130 = tpu.memref_slice %arg18[%dma_wait3A_128, %dma_wait3A_129] : memref<10000x128xf32, #tpu.memory_space<vmem_shared>> -> memref<10000x128xf32, #tpu.memory_space<vmem_shared>>
          tpu.wait_indirect_dma semaphore(%arg24 : memref<!tpu.dma_semaphore, #tpu.memory_space<semaphore_mem>>) src(%arg16 : memref<128x128xf32, #tpu.memory_space<vmem>>) dst(%dma_wait3A_130 : memref<10000x128xf32, #tpu.memory_space<vmem_shared>>)
          %dma_wait3A_131 = arith.constant 0 : i32
          %dma_wait3A_132 = arith.constant 0 : i32
          %dma_wait3A_133 = tpu.memref_slice %arg18[%dma_wait3A_131, %dma_wait3A_132] : memref<10000x128xf32, #tpu.memory_space<vmem_shared>> -> memref<10000x128xf32, #tpu.memory_space<vmem_shared>>
          tpu.wait_indirect_dma semaphore(%arg24 : memref<!tpu.dma_semaphore, #tpu.memory_space<semaphore_mem>>) src(%arg17 : memref<128x128xf32, #tpu.memory_space<vmem>>) dst(%dma_wait3A_133 : memref<10000x128xf32, #tpu.memory_space<vmem_shared>>)
        } else {
        }
        %add3A_102 = arith.constant 2 : i32
        %add3A_103 = arith.addi %add3A_92, %add3A_102 : i32
        %lt3A_104 = arith.cmpi slt, %add3A_103, %add3A_11 : i32
        %convert_element_type3A_105 = arith.extui %lt3A_104 : i1 to i32
        %cond3A_106 = arith.constant 0 : i32
        %cond3A_107 = arith.cmpi ne, %convert_element_type3A_105, %cond3A_106 : i32
        scf.if %cond3A_107 {
          %add3A_128 = arith.constant 2 : i32
          %add3A_129 = arith.addi %add3A_92, %add3A_128 : i32
          %mul3A_130 = arith.constant 32 : i32
          %mul3A_131 = arith.muli %add3A_129, %mul3A_130 : i32
          %add3A_132 = arith.addi %add3A, %mul3A_131 : i32
          %mul3A_133 = arith.constant 128 : i32
          %mul3A_134 = arith.muli %add3A_132, %mul3A_133 : i32
          %dma_start3A_135 = tpu.memref_slice %arg2[%mul3A_134] : memref<320000xi32, #tpu.memory_space<hbm>> -> memref<128xi32, #tpu.memory_space<hbm>>
          %dma_start3A_136 = tpu.memref_slice %arg2[%mul3A_134] : memref<320000xi32, #tpu.memory_space<hbm>> -> memref<128xi32, #tpu.memory_space<hbm>>
          tpu.enqueue_dma source(%dma_start3A_136 : memref<128xi32, #tpu.memory_space<hbm>>) target(%arg9 : memref<128xi32, #tpu.memory_space<vmem>>) target_semaphore(%arg20 : memref<!tpu.dma_semaphore, #tpu.memory_space<semaphore_mem>>)
          %mul3A_137 = arith.constant 32 : i32
          %mul3A_138 = arith.muli %add3A_129, %mul3A_137 : i32
          %add3A_139 = arith.addi %add3A, %mul3A_138 : i32
          %mul3A_140 = arith.constant 128 : i32
          %mul3A_141 = arith.muli %add3A_139, %mul3A_140 : i32
          %dma_start3A_142 = tpu.memref_slice %arg3[%mul3A_141] : memref<320000xi32, #tpu.memory_space<hbm>> -> memref<128xi32, #tpu.memory_space<hbm>>
          %dma_start3A_143 = tpu.memref_slice %arg3[%mul3A_141] : memref<320000xi32, #tpu.memory_space<hbm>> -> memref<128xi32, #tpu.memory_space<hbm>>
          tpu.enqueue_dma source(%dma_start3A_143 : memref<128xi32, #tpu.memory_space<hbm>>) target(%arg13 : memref<128xi32, #tpu.memory_space<vmem>>) target_semaphore(%arg20 : memref<!tpu.dma_semaphore, #tpu.memory_space<semaphore_mem>>)
        } else {
        }
        %mul3A_108 = arith.constant 32 : i32
        %mul3A_109 = arith.muli %add3A_92, %mul3A_108 : i32
        %add3A_110 = arith.addi %add3A, %mul3A_109 : i32
        %mul3A_111 = arith.constant 128 : i32
        %mul3A_112 = arith.muli %add3A_110, %mul3A_111 : i32
        %dma_wait3A_113 = tpu.memref_slice %arg2[%mul3A_112] : memref<320000xi32, #tpu.memory_space<hbm>> -> memref<128xi32, #tpu.memory_space<hbm>>
        %dma_wait3A_114 = tpu.memref_slice %arg2[%mul3A_112] : memref<320000xi32, #tpu.memory_space<hbm>> -> memref<128xi32, #tpu.memory_space<hbm>>
        tpu.wait_dma2 semaphore(%arg22 : memref<!tpu.dma_semaphore, #tpu.memory_space<semaphore_mem>>) src(%dma_wait3A_114 : memref<128xi32, #tpu.memory_space<hbm>>) dst(%arg11 : memref<128xi32, #tpu.memory_space<vmem>>)
        %mul3A_115 = arith.constant 32 : i32
        %mul3A_116 = arith.muli %add3A_92, %mul3A_115 : i32
        %add3A_117 = arith.addi %add3A, %mul3A_116 : i32
        %mul3A_118 = arith.constant 128 : i32
        %mul3A_119 = arith.muli %add3A_117, %mul3A_118 : i32
        %dma_wait3A_120 = tpu.memref_slice %arg3[%mul3A_119] : memref<320000xi32, #tpu.memory_space<hbm>> -> memref<128xi32, #tpu.memory_space<hbm>>
        %dma_wait3A_121 = tpu.memref_slice %arg3[%mul3A_119] : memref<320000xi32, #tpu.memory_space<hbm>> -> memref<128xi32, #tpu.memory_space<hbm>>
        tpu.wait_dma2 semaphore(%arg22 : memref<!tpu.dma_semaphore, #tpu.memory_space<semaphore_mem>>) src(%dma_wait3A_121 : memref<128xi32, #tpu.memory_space<hbm>>) dst(%arg15 : memref<128xi32, #tpu.memory_space<vmem>>)
        %dma_start3A_122 = arith.constant 0 : i32
        %dma_start3A_123 = arith.constant 0 : i32
        %dma_start3A_124 = tpu.memref_slice %arg18[%dma_start3A_122, %dma_start3A_123] : memref<10000x128xf32, #tpu.memory_space<vmem_shared>> -> memref<10000x128xf32, #tpu.memory_space<vmem_shared>>
        tpu.enqueue_indirect_dma source(%arg16 : memref<128x128xf32, #tpu.memory_space<vmem>>) target(%dma_start3A_124 : memref<10000x128xf32, #tpu.memory_space<vmem_shared>>) offsets(%arg11 : memref<128xi32, #tpu.memory_space<vmem>>) semaphore(%arg24 : memref<!tpu.dma_semaphore, #tpu.memory_space<semaphore_mem>>) {add = true}
        %dma_start3A_125 = arith.constant 0 : i32
        %dma_start3A_126 = arith.constant 0 : i32
        %dma_start3A_127 = tpu.memref_slice %arg18[%dma_start3A_125, %dma_start3A_126] : memref<10000x128xf32, #tpu.memory_space<vmem_shared>> -> memref<10000x128xf32, #tpu.memory_space<vmem_shared>>
        tpu.enqueue_indirect_dma source(%arg17 : memref<128x128xf32, #tpu.memory_space<vmem>>) target(%dma_start3A_127 : memref<10000x128xf32, #tpu.memory_space<vmem_shared>>) offsets(%arg15 : memref<128xi32, #tpu.memory_space<vmem>>) semaphore(%arg24 : memref<!tpu.dma_semaphore, #tpu.memory_space<semaphore_mem>>) {add = true}
      } else {
      }
      %scan3A_97 = arith.constant 0 : i32
      scf.yield %scan3A_97 : i32
    }
    %scan3A_40 = arith.constant 20 : i32
    %dma_wait3A = arith.constant 0 : i32
    %dma_wait3A_41 = arith.constant 0 : i32
    %dma_wait3A_42 = tpu.memref_slice %arg18[%dma_wait3A, %dma_wait3A_41] : memref<10000x128xf32, #tpu.memory_space<vmem_shared>> -> memref<10000x128xf32, #tpu.memory_space<vmem_shared>>
    tpu.wait_indirect_dma semaphore(%arg23 : memref<!tpu.dma_semaphore, #tpu.memory_space<semaphore_mem>>) src(%arg16 : memref<128x128xf32, #tpu.memory_space<vmem>>) dst(%dma_wait3A_42 : memref<10000x128xf32, #tpu.memory_space<vmem_shared>>)
    %dma_wait3A_43 = arith.constant 0 : i32
    %dma_wait3A_44 = arith.constant 0 : i32
    %dma_wait3A_45 = tpu.memref_slice %arg18[%dma_wait3A_43, %dma_wait3A_44] : memref<10000x128xf32, #tpu.memory_space<vmem_shared>> -> memref<10000x128xf32, #tpu.memory_space<vmem_shared>>
    tpu.wait_indirect_dma semaphore(%arg23 : memref<!tpu.dma_semaphore, #tpu.memory_space<semaphore_mem>>) src(%arg17 : memref<128x128xf32, #tpu.memory_space<vmem>>) dst(%dma_wait3A_45 : memref<10000x128xf32, #tpu.memory_space<vmem_shared>>)
    %dma_wait3A_46 = arith.constant 0 : i32
    %dma_wait3A_47 = arith.constant 0 : i32
    %dma_wait3A_48 = tpu.memref_slice %arg18[%dma_wait3A_46, %dma_wait3A_47] : memref<10000x128xf32, #tpu.memory_space<vmem_shared>> -> memref<10000x128xf32, #tpu.memory_space<vmem_shared>>
    tpu.wait_indirect_dma semaphore(%arg24 : memref<!tpu.dma_semaphore, #tpu.memory_space<semaphore_mem>>) src(%arg16 : memref<128x128xf32, #tpu.memory_space<vmem>>) dst(%dma_wait3A_48 : memref<10000x128xf32, #tpu.memory_space<vmem_shared>>)
    %dma_wait3A_49 = arith.constant 0 : i32
    %dma_wait3A_50 = arith.constant 0 : i32
    %dma_wait3A_51 = tpu.memref_slice %arg18[%dma_wait3A_49, %dma_wait3A_50] : memref<10000x128xf32, #tpu.memory_space<vmem_shared>> -> memref<10000x128xf32, #tpu.memory_space<vmem_shared>>
    tpu.wait_indirect_dma semaphore(%arg24 : memref<!tpu.dma_semaphore, #tpu.memory_space<semaphore_mem>>) src(%arg17 : memref<128x128xf32, #tpu.memory_space<vmem>>) dst(%dma_wait3A_51 : memref<10000x128xf32, #tpu.memory_space<vmem_shared>>)
    %barrier3A_52 = arith.constant 0 : index
    tpu.barrier barrier_id(%barrier3A_52)
    %lt3A_53 = arith.constant 15 : i32
    %lt3A_54 = arith.cmpi slt, %arg1, %lt3A_53 : i32
    %convert_element_type3A_55 = arith.extui %lt3A_54 : i1 to i32
    %cond3A_56 = arith.constant 0 : i32
    %cond3A_57 = arith.cmpi ne, %convert_element_type3A_55, %cond3A_56 : i32
    scf.if %cond3A_57 {
      %mul3A_63 = arith.constant 632 : i32
      %mul3A_64 = arith.muli %arg1, %mul3A_63 : i32
      %multiple_of3A = tpu.assume_multiple %mul3A_64, 8 : i32
      "tpu.region"() ({
        %run_scoped3A = tpu.sem_alloc : memref<!tpu.dma_semaphore, #tpu.memory_space<semaphore_mem>>
        %dma_start3A_65 = arith.constant 0 : i32
        %dma_start3A_66 = arith.constant 0 : i32
        %dma_start3A_67 = tpu.memref_slice %arg7[%arg0, %dma_start3A_65, %dma_start3A_66] : memref<2x10000x128xf32, #tpu.memory_space<hbm>> -> memref<1x10000x128xf32, #tpu.memory_space<hbm>>
        %dma_start3A_68 = tpu.memref_squeeze %dma_start3A_67 : memref<1x10000x128xf32, #tpu.memory_space<hbm>> -> memref<10000x128xf32, #tpu.memory_space<hbm>>
        %dma_start3A_69 = arith.constant 0 : i32
        %dma_start3A_70 = tpu.memref_slice %dma_start3A_68[%multiple_of3A, %dma_start3A_69] : memref<10000x128xf32, #tpu.memory_space<hbm>> -> memref<632x128xf32, #tpu.memory_space<hbm>>
        %dma_start3A_71 = arith.constant 0 : i32
        %dma_start3A_72 = tpu.memref_slice %arg18[%multiple_of3A, %dma_start3A_71] : memref<10000x128xf32, #tpu.memory_space<vmem_shared>> -> memref<632x128xf32, #tpu.memory_space<vmem_shared>>
        tpu.enqueue_dma source(%dma_start3A_72 : memref<632x128xf32, #tpu.memory_space<vmem_shared>>) target(%dma_start3A_70 : memref<632x128xf32, #tpu.memory_space<hbm>>) target_semaphore(%run_scoped3A : memref<!tpu.dma_semaphore, #tpu.memory_space<semaphore_mem>>)
        %dma_wait3A_73 = arith.constant 0 : i32
        %dma_wait3A_74 = arith.constant 0 : i32
        %dma_wait3A_75 = tpu.memref_slice %arg7[%arg0, %dma_wait3A_73, %dma_wait3A_74] : memref<2x10000x128xf32, #tpu.memory_space<hbm>> -> memref<1x10000x128xf32, #tpu.memory_space<hbm>>
        %dma_wait3A_76 = tpu.memref_squeeze %dma_wait3A_75 : memref<1x10000x128xf32, #tpu.memory_space<hbm>> -> memref<10000x128xf32, #tpu.memory_space<hbm>>
        %dma_wait3A_77 = arith.constant 0 : i32
        %dma_wait3A_78 = tpu.memref_slice %dma_wait3A_76[%multiple_of3A, %dma_wait3A_77] : memref<10000x128xf32, #tpu.memory_space<hbm>> -> memref<632x128xf32, #tpu.memory_space<hbm>>
        %dma_wait3A_79 = arith.constant 0 : i32
        %dma_wait3A_80 = tpu.memref_slice %arg18[%multiple_of3A, %dma_wait3A_79] : memref<10000x128xf32, #tpu.memory_space<vmem_shared>> -> memref<632x128xf32, #tpu.memory_space<vmem_shared>>
        tpu.wait_dma2 semaphore(%run_scoped3A : memref<!tpu.dma_semaphore, #tpu.memory_space<semaphore_mem>>) src(%dma_wait3A_80 : memref<632x128xf32, #tpu.memory_space<vmem_shared>>) dst(%dma_wait3A_78 : memref<632x128xf32, #tpu.memory_space<hbm>>)
        tpu.yield
      }) : () -> ()
    } else {
    }
    %eq3A_58 = arith.constant 15 : i32
    %eq3A_59 = arith.cmpi eq, %arg1, %eq3A_58 : i32
    %convert_element_type3A_60 = arith.extui %eq3A_59 : i1 to i32
    %cond3A_61 = arith.constant 0 : i32
    %cond3A_62 = arith.cmpi ne, %convert_element_type3A_60, %cond3A_61 : i32
    scf.if %cond3A_62 {
      "tpu.region"() ({
        %run_scoped3A = tpu.sem_alloc : memref<!tpu.dma_semaphore, #tpu.memory_space<semaphore_mem>>
        %dma_start3A_63 = arith.constant 0 : i32
        %dma_start3A_64 = arith.constant 0 : i32
        %dma_start3A_65 = tpu.memref_slice %arg7[%arg0, %dma_start3A_63, %dma_start3A_64] : memref<2x10000x128xf32, #tpu.memory_space<hbm>> -> memref<1x10000x128xf32, #tpu.memory_space<hbm>>
        %dma_start3A_66 = tpu.memref_squeeze %dma_start3A_65 : memref<1x10000x128xf32, #tpu.memory_space<hbm>> -> memref<10000x128xf32, #tpu.memory_space<hbm>>
        %dma_start3A_67 = arith.constant 9480 : i32
        %dma_start3A_68 = arith.constant 0 : i32
        %dma_start3A_69 = tpu.memref_slice %dma_start3A_66[%dma_start3A_67, %dma_start3A_68] : memref<10000x128xf32, #tpu.memory_space<hbm>> -> memref<520x128xf32, #tpu.memory_space<hbm>>
        %dma_start3A_70 = arith.constant 9480 : i32
        %dma_start3A_71 = arith.constant 0 : i32
        %dma_start3A_72 = tpu.memref_slice %arg18[%dma_start3A_70, %dma_start3A_71] : memref<10000x128xf32, #tpu.memory_space<vmem_shared>> -> memref<520x128xf32, #tpu.memory_space<vmem_shared>>
        tpu.enqueue_dma source(%dma_start3A_72 : memref<520x128xf32, #tpu.memory_space<vmem_shared>>) target(%dma_start3A_69 : memref<520x128xf32, #tpu.memory_space<hbm>>) target_semaphore(%run_scoped3A : memref<!tpu.dma_semaphore, #tpu.memory_space<semaphore_mem>>)
        %dma_wait3A_73 = arith.constant 0 : i32
        %dma_wait3A_74 = arith.constant 0 : i32
        %dma_wait3A_75 = tpu.memref_slice %arg7[%arg0, %dma_wait3A_73, %dma_wait3A_74] : memref<2x10000x128xf32, #tpu.memory_space<hbm>> -> memref<1x10000x128xf32, #tpu.memory_space<hbm>>
        %dma_wait3A_76 = tpu.memref_squeeze %dma_wait3A_75 : memref<1x10000x128xf32, #tpu.memory_space<hbm>> -> memref<10000x128xf32, #tpu.memory_space<hbm>>
        %dma_wait3A_77 = arith.constant 9480 : i32
        %dma_wait3A_78 = arith.constant 0 : i32
        %dma_wait3A_79 = tpu.memref_slice %dma_wait3A_76[%dma_wait3A_77, %dma_wait3A_78] : memref<10000x128xf32, #tpu.memory_space<hbm>> -> memref<520x128xf32, #tpu.memory_space<hbm>>
        %dma_wait3A_80 = arith.constant 9480 : i32
        %dma_wait3A_81 = arith.constant 0 : i32
        %dma_wait3A_82 = tpu.memref_slice %arg18[%dma_wait3A_80, %dma_wait3A_81] : memref<10000x128xf32, #tpu.memory_space<vmem_shared>> -> memref<520x128xf32, #tpu.memory_space<vmem_shared>>
        tpu.wait_dma2 semaphore(%run_scoped3A : memref<!tpu.dma_semaphore, #tpu.memory_space<semaphore_mem>>) src(%dma_wait3A_82 : memref<520x128xf32, #tpu.memory_space<vmem_shared>>) dst(%dma_wait3A_79 : memref<520x128xf32, #tpu.memory_space<hbm>>)
        tpu.yield
      }) : () -> ()
    } else {
    }
    return
  }
}

#map = affine_map<(d0, d1) -> (0, 0)>
#map1 = affine_map<(d0, d1) -> (0)>
#map2 = affine_map<(d0, d1) -> (0, 0, 0)>
module attributes {stable_mosaic.version = 14 : i64} {
  func.func @scatter_kernel(%arg0: i32, %arg1: i32, %arg2: memref<10000x128xf32, #tpu.memory_space<hbm>>, %arg3: memref<320000xi32, #tpu.memory_space<hbm>>, %arg4: memref<320000xi32, #tpu.memory_space<hbm>>, %arg5: memref<632x128xf32, #tpu.memory_space<hbm>>, %arg6: memref<2x10000x128xf32, #tpu.memory_space<hbm>>, %arg7: memref<128xi32, #tpu.memory_space<vmem>>, %arg8: memref<128xi32, #tpu.memory_space<vmem>>, %arg9: memref<128xi32, #tpu.memory_space<vmem>>, %arg10: memref<128xi32, #tpu.memory_space<vmem>>, %arg11: memref<128xi32, #tpu.memory_space<vmem>>, %arg12: memref<128xi32, #tpu.memory_space<vmem>>, %arg13: memref<128xi32, #tpu.memory_space<vmem>>, %arg14: memref<128xi32, #tpu.memory_space<vmem>>, %arg15: memref<128x128xf32, #tpu.memory_space<vmem>>, %arg16: memref<128x128xf32, #tpu.memory_space<vmem>>, %arg17: memref<10000x128xf32, #tpu.memory_space<vmem_shared>>, %arg18: memref<!tpu.dma_semaphore, #tpu.memory_space<semaphore_mem>>, %arg19: memref<!tpu.dma_semaphore, #tpu.memory_space<semaphore_mem>>, %arg20: memref<!tpu.dma_semaphore, #tpu.memory_space<semaphore_mem>>, %arg21: memref<!tpu.dma_semaphore, #tpu.memory_space<semaphore_mem>>, %arg22: memref<!tpu.dma_semaphore, #tpu.memory_space<semaphore_mem>>, %arg23: memref<!tpu.dma_semaphore, #tpu.memory_space<semaphore_mem>>, %arg24: memref<!tpu.dma_semaphore, #tpu.memory_space<semaphore_mem>>, %arg25: memref<!tpu.dma_semaphore, #tpu.memory_space<semaphore_mem>>) attributes {dimension_semantics = [#tpu.dimension_semantics<core_parallel>, #tpu.dimension_semantics<subcore_parallel>], iteration_bounds = array<i64: 2, 16>, scalar_prefetch = 0 : i64, scratch_operands = 19 : i64, tpu.core_type = #tpu.core_type<sc_vector_subcore>, window_params = [{transform_indices = #map}, {transform_indices = #map1}, {transform_indices = #map1}, {transform_indices = #map}, {transform_indices = #map2}]} {
    %mul3A = arith.constant 16 : i32
    %mul3A_0 = arith.muli %arg0, %mul3A : i32
    %add3A = arith.addi %mul3A_0, %arg1 : i32
    %lt3A = arith.constant 15 : i32
    %lt3A_1 = arith.cmpi slt, %arg1, %lt3A : i32
    %convert_element_type3A = arith.extui %lt3A_1 : i1 to i32
    %cond3A = arith.constant 0 : i32
    %cond3A_2 = arith.cmpi ne, %convert_element_type3A, %cond3A : i32
    scf.if %cond3A_2 {
      %mul3A_72 = arith.constant 632 : i32
      %mul3A_73 = arith.muli %arg1, %mul3A_72 : i32
      %multiple_of3A = tpu.assume_multiple %mul3A_73, 8 : i32
      "tpu.region"() ({
        %run_scoped3A = tpu.sem_alloc : memref<!tpu.dma_semaphore, #tpu.memory_space<semaphore_mem>>
        %dma_start3A_74 = arith.constant 0 : i32
        %dma_start3A_75 = tpu.memref_slice %arg17[%multiple_of3A, %dma_start3A_74] : memref<10000x128xf32, #tpu.memory_space<vmem_shared>> -> memref<632x128xf32, #tpu.memory_space<vmem_shared>>
        %dma_start3A_76 = arith.constant 0 : i32
        %dma_start3A_77 = arith.constant 0 : i32
        %dma_start3A_78 = tpu.memref_slice %arg5[%dma_start3A_76, %dma_start3A_77] : memref<632x128xf32, #tpu.memory_space<hbm>> -> memref<632x128xf32, #tpu.memory_space<hbm>>
        tpu.enqueue_dma source(%dma_start3A_78 : memref<632x128xf32, #tpu.memory_space<hbm>>) target(%dma_start3A_75 : memref<632x128xf32, #tpu.memory_space<vmem_shared>>) target_semaphore(%run_scoped3A : memref<!tpu.dma_semaphore, #tpu.memory_space<semaphore_mem>>)
        %dma_wait3A_79 = arith.constant 0 : i32
        %dma_wait3A_80 = tpu.memref_slice %arg17[%multiple_of3A, %dma_wait3A_79] : memref<10000x128xf32, #tpu.memory_space<vmem_shared>> -> memref<632x128xf32, #tpu.memory_space<vmem_shared>>
        %dma_wait3A_81 = arith.constant 0 : i32
        %dma_wait3A_82 = arith.constant 0 : i32
        %dma_wait3A_83 = tpu.memref_slice %arg5[%dma_wait3A_81, %dma_wait3A_82] : memref<632x128xf32, #tpu.memory_space<hbm>> -> memref<632x128xf32, #tpu.memory_space<hbm>>
        tpu.wait_dma2 semaphore(%run_scoped3A : memref<!tpu.dma_semaphore, #tpu.memory_space<semaphore_mem>>) src(%dma_wait3A_83 : memref<632x128xf32, #tpu.memory_space<hbm>>) dst(%dma_wait3A_80 : memref<632x128xf32, #tpu.memory_space<vmem_shared>>)
        tpu.yield
      }) : () -> ()
    } else {
    }
    %eq3A = arith.constant 15 : i32
    %eq3A_3 = arith.cmpi eq, %arg1, %eq3A : i32
    %convert_element_type3A_4 = arith.extui %eq3A_3 : i1 to i32
    %cond3A_5 = arith.constant 0 : i32
    %cond3A_6 = arith.cmpi ne, %convert_element_type3A_4, %cond3A_5 : i32
    scf.if %cond3A_6 {
      "tpu.region"() ({
        %run_scoped3A = tpu.sem_alloc : memref<!tpu.dma_semaphore, #tpu.memory_space<semaphore_mem>>
        %dma_start3A_72 = arith.constant 9480 : i32
        %dma_start3A_73 = arith.constant 0 : i32
        %dma_start3A_74 = tpu.memref_slice %arg17[%dma_start3A_72, %dma_start3A_73] : memref<10000x128xf32, #tpu.memory_space<vmem_shared>> -> memref<520x128xf32, #tpu.memory_space<vmem_shared>>
        %dma_start3A_75 = arith.constant 0 : i32
        %dma_start3A_76 = arith.constant 0 : i32
        %dma_start3A_77 = tpu.memref_slice %arg5[%dma_start3A_75, %dma_start3A_76] : memref<632x128xf32, #tpu.memory_space<hbm>> -> memref<520x128xf32, #tpu.memory_space<hbm>>
        tpu.enqueue_dma source(%dma_start3A_77 : memref<520x128xf32, #tpu.memory_space<hbm>>) target(%dma_start3A_74 : memref<520x128xf32, #tpu.memory_space<vmem_shared>>) target_semaphore(%run_scoped3A : memref<!tpu.dma_semaphore, #tpu.memory_space<semaphore_mem>>)
        %dma_wait3A_78 = arith.constant 9480 : i32
        %dma_wait3A_79 = arith.constant 0 : i32
        %dma_wait3A_80 = tpu.memref_slice %arg17[%dma_wait3A_78, %dma_wait3A_79] : memref<10000x128xf32, #tpu.memory_space<vmem_shared>> -> memref<520x128xf32, #tpu.memory_space<vmem_shared>>
        %dma_wait3A_81 = arith.constant 0 : i32
        %dma_wait3A_82 = arith.constant 0 : i32
        %dma_wait3A_83 = tpu.memref_slice %arg5[%dma_wait3A_81, %dma_wait3A_82] : memref<632x128xf32, #tpu.memory_space<hbm>> -> memref<520x128xf32, #tpu.memory_space<hbm>>
        tpu.wait_dma2 semaphore(%run_scoped3A : memref<!tpu.dma_semaphore, #tpu.memory_space<semaphore_mem>>) src(%dma_wait3A_83 : memref<520x128xf32, #tpu.memory_space<hbm>>) dst(%dma_wait3A_80 : memref<520x128xf32, #tpu.memory_space<vmem_shared>>)
        tpu.yield
      }) : () -> ()
    } else {
    }
    %barrier3A = arith.constant 0 : index
    tpu.barrier barrier_id(%barrier3A)
    %lt3A_7 = arith.constant 4 : i32
    %lt3A_8 = arith.cmpi slt, %add3A, %lt3A_7 : i32
    %jit3A = arith.constant 1 : i32
    %jit3A_9 = arith.constant 0 : i32
    %select_n3A = arith.select %lt3A_8, %jit3A, %jit3A_9 : i32
    %add3A_10 = arith.constant 78 : i32
    %add3A_11 = arith.addi %add3A_10, %select_n3A : i32
    %add3A_12 = arith.constant 0 : i32
    %add3A_13 = arith.addi %add3A, %add3A_12 : i32
    %mul3A_14 = arith.constant 128 : i32
    %mul3A_15 = arith.muli %add3A_13, %mul3A_14 : i32
    %dma_start3A = tpu.memref_slice %arg3[%mul3A_15] : memref<320000xi32, #tpu.memory_space<hbm>> -> memref<128xi32, #tpu.memory_space<hbm>>
    %dma_start3A_16 = tpu.memref_slice %arg3[%mul3A_15] : memref<320000xi32, #tpu.memory_space<hbm>> -> memref<128xi32, #tpu.memory_space<hbm>>
    tpu.enqueue_dma source(%dma_start3A_16 : memref<128xi32, #tpu.memory_space<hbm>>) target(%arg7 : memref<128xi32, #tpu.memory_space<vmem>>) target_semaphore(%arg18 : memref<!tpu.dma_semaphore, #tpu.memory_space<semaphore_mem>>)
    %add3A_17 = arith.constant 0 : i32
    %add3A_18 = arith.addi %add3A, %add3A_17 : i32
    %mul3A_19 = arith.constant 128 : i32
    %mul3A_20 = arith.muli %add3A_18, %mul3A_19 : i32
    %dma_start3A_21 = tpu.memref_slice %arg4[%mul3A_20] : memref<320000xi32, #tpu.memory_space<hbm>> -> memref<128xi32, #tpu.memory_space<hbm>>
    %dma_start3A_22 = tpu.memref_slice %arg4[%mul3A_20] : memref<320000xi32, #tpu.memory_space<hbm>> -> memref<128xi32, #tpu.memory_space<hbm>>
    tpu.enqueue_dma source(%dma_start3A_22 : memref<128xi32, #tpu.memory_space<hbm>>) target(%arg11 : memref<128xi32, #tpu.memory_space<vmem>>) target_semaphore(%arg18 : memref<!tpu.dma_semaphore, #tpu.memory_space<semaphore_mem>>)
    %add3A_23 = arith.constant 32 : i32
    %add3A_24 = arith.addi %add3A, %add3A_23 : i32
    %mul3A_25 = arith.constant 128 : i32
    %mul3A_26 = arith.muli %add3A_24, %mul3A_25 : i32
    %dma_start3A_27 = tpu.memref_slice %arg3[%mul3A_26] : memref<320000xi32, #tpu.memory_space<hbm>> -> memref<128xi32, #tpu.memory_space<hbm>>
    %dma_start3A_28 = tpu.memref_slice %arg3[%mul3A_26] : memref<320000xi32, #tpu.memory_space<hbm>> -> memref<128xi32, #tpu.memory_space<hbm>>
    tpu.enqueue_dma source(%dma_start3A_28 : memref<128xi32, #tpu.memory_space<hbm>>) target(%arg8 : memref<128xi32, #tpu.memory_space<vmem>>) target_semaphore(%arg19 : memref<!tpu.dma_semaphore, #tpu.memory_space<semaphore_mem>>)
    %add3A_29 = arith.constant 32 : i32
    %add3A_30 = arith.addi %add3A, %add3A_29 : i32
    %mul3A_31 = arith.constant 128 : i32
    %mul3A_32 = arith.muli %add3A_30, %mul3A_31 : i32
    %dma_start3A_33 = tpu.memref_slice %arg4[%mul3A_32] : memref<320000xi32, #tpu.memory_space<hbm>> -> memref<128xi32, #tpu.memory_space<hbm>>
    %dma_start3A_34 = tpu.memref_slice %arg4[%mul3A_32] : memref<320000xi32, #tpu.memory_space<hbm>> -> memref<128xi32, #tpu.memory_space<hbm>>
    tpu.enqueue_dma source(%dma_start3A_34 : memref<128xi32, #tpu.memory_space<hbm>>) target(%arg12 : memref<128xi32, #tpu.memory_space<vmem>>) target_semaphore(%arg19 : memref<!tpu.dma_semaphore, #tpu.memory_space<semaphore_mem>>)
    %add3A_35 = arith.constant 0 : i32
    %add3A_36 = arith.addi %add3A, %add3A_35 : i32
    %mul3A_37 = arith.constant 128 : i32
    %mul3A_38 = arith.muli %add3A_36, %mul3A_37 : i32
    %dma_wait3A = tpu.memref_slice %arg3[%mul3A_38] : memref<320000xi32, #tpu.memory_space<hbm>> -> memref<128xi32, #tpu.memory_space<hbm>>
    %dma_wait3A_39 = tpu.memref_slice %arg3[%mul3A_38] : memref<320000xi32, #tpu.memory_space<hbm>> -> memref<128xi32, #tpu.memory_space<hbm>>
    tpu.wait_dma2 semaphore(%arg18 : memref<!tpu.dma_semaphore, #tpu.memory_space<semaphore_mem>>) src(%dma_wait3A_39 : memref<128xi32, #tpu.memory_space<hbm>>) dst(%arg7 : memref<128xi32, #tpu.memory_space<vmem>>)
    %add3A_40 = arith.constant 0 : i32
    %add3A_41 = arith.addi %add3A, %add3A_40 : i32
    %mul3A_42 = arith.constant 128 : i32
    %mul3A_43 = arith.muli %add3A_41, %mul3A_42 : i32
    %dma_wait3A_44 = tpu.memref_slice %arg4[%mul3A_43] : memref<320000xi32, #tpu.memory_space<hbm>> -> memref<128xi32, #tpu.memory_space<hbm>>
    %dma_wait3A_45 = tpu.memref_slice %arg4[%mul3A_43] : memref<320000xi32, #tpu.memory_space<hbm>> -> memref<128xi32, #tpu.memory_space<hbm>>
    tpu.wait_dma2 semaphore(%arg18 : memref<!tpu.dma_semaphore, #tpu.memory_space<semaphore_mem>>) src(%dma_wait3A_45 : memref<128xi32, #tpu.memory_space<hbm>>) dst(%arg11 : memref<128xi32, #tpu.memory_space<vmem>>)
    %dma_start3A_46 = arith.constant 0 : i32
    %dma_start3A_47 = arith.constant 0 : i32
    %dma_start3A_48 = tpu.memref_slice %arg2[%dma_start3A_46, %dma_start3A_47] : memref<10000x128xf32, #tpu.memory_space<hbm>> -> memref<10000x128xf32, #tpu.memory_space<hbm>>
    tpu.enqueue_indirect_dma source(%dma_start3A_48 : memref<10000x128xf32, #tpu.memory_space<hbm>>) target(%arg15 : memref<128x128xf32, #tpu.memory_space<vmem>>) offsets(%arg7 : memref<128xi32, #tpu.memory_space<vmem>>) semaphore(%arg22 : memref<!tpu.dma_semaphore, #tpu.memory_space<semaphore_mem>>)
    %scan3A = arith.constant 0 : i32
    %scan3A_49 = arith.constant 0 : i32
    %scan3A_50 = arith.constant 20 : i32
    %scan3A_51 = arith.addi %scan3A_49, %scan3A_50 : i32
    %scan3A_52 = arith.constant 1 : i32
    %scan3A_53 = scf.for %scan3A_72 = %scan3A_49 to %scan3A_51 step %scan3A_52 iter_args(%scan3A_73 = %scan3A) -> (i32)  : i32 {
      %mul3A_74 = arith.constant 4 : i32
      %mul3A_75 = arith.muli %mul3A_74, %scan3A_72 : i32
      %add3A_76 = arith.constant 0 : i32
      %add3A_77 = arith.addi %mul3A_75, %add3A_76 : i32
      %lt3A_78 = arith.cmpi slt, %add3A_77, %add3A_11 : i32
      %convert_element_type3A_79 = arith.extui %lt3A_78 : i1 to i32
      %cond3A_80 = arith.constant 0 : i32
      %cond3A_81 = arith.cmpi ne, %convert_element_type3A_79, %cond3A_80 : i32
      scf.if %cond3A_81 {
        %add3A_107 = arith.constant 2 : i32
        %add3A_108 = arith.addi %add3A_77, %add3A_107 : i32
        %lt3A_109 = arith.cmpi slt, %add3A_108, %add3A_11 : i32
        %convert_element_type3A_110 = arith.extui %lt3A_109 : i1 to i32
        %cond3A_111 = arith.constant 0 : i32
        %cond3A_112 = arith.cmpi ne, %convert_element_type3A_110, %cond3A_111 : i32
        scf.if %cond3A_112 {
          %add3A_125 = arith.constant 2 : i32
          %add3A_126 = arith.addi %add3A_77, %add3A_125 : i32
          %mul3A_127 = arith.constant 32 : i32
          %mul3A_128 = arith.muli %add3A_126, %mul3A_127 : i32
          %add3A_129 = arith.addi %add3A, %mul3A_128 : i32
          %mul3A_130 = arith.constant 128 : i32
          %mul3A_131 = arith.muli %add3A_129, %mul3A_130 : i32
          %dma_start3A_132 = tpu.memref_slice %arg3[%mul3A_131] : memref<320000xi32, #tpu.memory_space<hbm>> -> memref<128xi32, #tpu.memory_space<hbm>>
          %dma_start3A_133 = tpu.memref_slice %arg3[%mul3A_131] : memref<320000xi32, #tpu.memory_space<hbm>> -> memref<128xi32, #tpu.memory_space<hbm>>
          tpu.enqueue_dma source(%dma_start3A_133 : memref<128xi32, #tpu.memory_space<hbm>>) target(%arg9 : memref<128xi32, #tpu.memory_space<vmem>>) target_semaphore(%arg20 : memref<!tpu.dma_semaphore, #tpu.memory_space<semaphore_mem>>)
          %mul3A_134 = arith.constant 32 : i32
          %mul3A_135 = arith.muli %add3A_126, %mul3A_134 : i32
          %add3A_136 = arith.addi %add3A, %mul3A_135 : i32
          %mul3A_137 = arith.constant 128 : i32
          %mul3A_138 = arith.muli %add3A_136, %mul3A_137 : i32
          %dma_start3A_139 = tpu.memref_slice %arg4[%mul3A_138] : memref<320000xi32, #tpu.memory_space<hbm>> -> memref<128xi32, #tpu.memory_space<hbm>>
          %dma_start3A_140 = tpu.memref_slice %arg4[%mul3A_138] : memref<320000xi32, #tpu.memory_space<hbm>> -> memref<128xi32, #tpu.memory_space<hbm>>
          tpu.enqueue_dma source(%dma_start3A_140 : memref<128xi32, #tpu.memory_space<hbm>>) target(%arg13 : memref<128xi32, #tpu.memory_space<vmem>>) target_semaphore(%arg20 : memref<!tpu.dma_semaphore, #tpu.memory_space<semaphore_mem>>)
        } else {
        }
        %add3A_113 = arith.constant 1 : i32
        %add3A_114 = arith.addi %add3A_77, %add3A_113 : i32
        %lt3A_115 = arith.cmpi slt, %add3A_114, %add3A_11 : i32
        %convert_element_type3A_116 = arith.extui %lt3A_115 : i1 to i32
        %cond3A_117 = arith.constant 0 : i32
        %cond3A_118 = arith.cmpi ne, %convert_element_type3A_116, %cond3A_117 : i32
        scf.if %cond3A_118 {
          %ge3A = arith.constant 1 : i32
          %ge3A_125 = arith.cmpi sge, %add3A_77, %ge3A : i32
          %convert_element_type3A_126 = arith.extui %ge3A_125 : i1 to i32
          %cond3A_127 = arith.constant 0 : i32
          %cond3A_128 = arith.cmpi ne, %convert_element_type3A_126, %cond3A_127 : i32
          scf.if %cond3A_128 {
            %dma_wait3A_148 = arith.constant 0 : i32
            %dma_wait3A_149 = arith.constant 0 : i32
            %dma_wait3A_150 = tpu.memref_slice %arg17[%dma_wait3A_148, %dma_wait3A_149] : memref<10000x128xf32, #tpu.memory_space<vmem_shared>> -> memref<10000x128xf32, #tpu.memory_space<vmem_shared>>
            tpu.wait_indirect_dma semaphore(%arg25 : memref<!tpu.dma_semaphore, #tpu.memory_space<semaphore_mem>>) src(%arg16 : memref<128x128xf32, #tpu.memory_space<vmem>>) dst(%dma_wait3A_150 : memref<10000x128xf32, #tpu.memory_space<vmem_shared>>)
          } else {
          }
          %add3A_129 = arith.constant 1 : i32
          %add3A_130 = arith.addi %add3A_77, %add3A_129 : i32
          %mul3A_131 = arith.constant 32 : i32
          %mul3A_132 = arith.muli %add3A_130, %mul3A_131 : i32
          %add3A_133 = arith.addi %add3A, %mul3A_132 : i32
          %mul3A_134 = arith.constant 128 : i32
          %mul3A_135 = arith.muli %add3A_133, %mul3A_134 : i32
          %dma_wait3A_136 = tpu.memref_slice %arg3[%mul3A_135] : memref<320000xi32, #tpu.memory_space<hbm>> -> memref<128xi32, #tpu.memory_space<hbm>>
          %dma_wait3A_137 = tpu.memref_slice %arg3[%mul3A_135] : memref<320000xi32, #tpu.memory_space<hbm>> -> memref<128xi32, #tpu.memory_space<hbm>>
          tpu.wait_dma2 semaphore(%arg19 : memref<!tpu.dma_semaphore, #tpu.memory_space<semaphore_mem>>) src(%dma_wait3A_137 : memref<128xi32, #tpu.memory_space<hbm>>) dst(%arg8 : memref<128xi32, #tpu.memory_space<vmem>>)
          %mul3A_138 = arith.constant 32 : i32
          %mul3A_139 = arith.muli %add3A_130, %mul3A_138 : i32
          %add3A_140 = arith.addi %add3A, %mul3A_139 : i32
          %mul3A_141 = arith.constant 128 : i32
          %mul3A_142 = arith.muli %add3A_140, %mul3A_141 : i32
          %dma_wait3A_143 = tpu.memref_slice %arg4[%mul3A_142] : memref<320000xi32, #tpu.memory_space<hbm>> -> memref<128xi32, #tpu.memory_space<hbm>>
          %dma_wait3A_144 = tpu.memref_slice %arg4[%mul3A_142] : memref<320000xi32, #tpu.memory_space<hbm>> -> memref<128xi32, #tpu.memory_space<hbm>>
          tpu.wait_dma2 semaphore(%arg19 : memref<!tpu.dma_semaphore, #tpu.memory_space<semaphore_mem>>) src(%dma_wait3A_144 : memref<128xi32, #tpu.memory_space<hbm>>) dst(%arg12 : memref<128xi32, #tpu.memory_space<vmem>>)
          %dma_start3A_145 = arith.constant 0 : i32
          %dma_start3A_146 = arith.constant 0 : i32
          %dma_start3A_147 = tpu.memref_slice %arg2[%dma_start3A_145, %dma_start3A_146] : memref<10000x128xf32, #tpu.memory_space<hbm>> -> memref<10000x128xf32, #tpu.memory_space<hbm>>
          tpu.enqueue_indirect_dma source(%dma_start3A_147 : memref<10000x128xf32, #tpu.memory_space<hbm>>) target(%arg16 : memref<128x128xf32, #tpu.memory_space<vmem>>) offsets(%arg8 : memref<128xi32, #tpu.memory_space<vmem>>) semaphore(%arg23 : memref<!tpu.dma_semaphore, #tpu.memory_space<semaphore_mem>>)
        } else {
        }
        %dma_wait3A_119 = arith.constant 0 : i32
        %dma_wait3A_120 = arith.constant 0 : i32
        %dma_wait3A_121 = tpu.memref_slice %arg2[%dma_wait3A_119, %dma_wait3A_120] : memref<10000x128xf32, #tpu.memory_space<hbm>> -> memref<10000x128xf32, #tpu.memory_space<hbm>>
        tpu.wait_indirect_dma semaphore(%arg22 : memref<!tpu.dma_semaphore, #tpu.memory_space<semaphore_mem>>) src(%dma_wait3A_121 : memref<10000x128xf32, #tpu.memory_space<hbm>>) dst(%arg15 : memref<128x128xf32, #tpu.memory_space<vmem>>)
        %dma_start3A_122 = arith.constant 0 : i32
        %dma_start3A_123 = arith.constant 0 : i32
        %dma_start3A_124 = tpu.memref_slice %arg17[%dma_start3A_122, %dma_start3A_123] : memref<10000x128xf32, #tpu.memory_space<vmem_shared>> -> memref<10000x128xf32, #tpu.memory_space<vmem_shared>>
        tpu.enqueue_indirect_dma source(%arg15 : memref<128x128xf32, #tpu.memory_space<vmem>>) target(%dma_start3A_124 : memref<10000x128xf32, #tpu.memory_space<vmem_shared>>) offsets(%arg11 : memref<128xi32, #tpu.memory_space<vmem>>) semaphore(%arg24 : memref<!tpu.dma_semaphore, #tpu.memory_space<semaphore_mem>>) {add = true}
      } else {
      }
      %mul3A_82 = arith.constant 4 : i32
      %mul3A_83 = arith.muli %mul3A_82, %scan3A_72 : i32
      %add3A_84 = arith.constant 1 : i32
      %add3A_85 = arith.addi %mul3A_83, %add3A_84 : i32
      %lt3A_86 = arith.cmpi slt, %add3A_85, %add3A_11 : i32
      %convert_element_type3A_87 = arith.extui %lt3A_86 : i1 to i32
      %cond3A_88 = arith.constant 0 : i32
      %cond3A_89 = arith.cmpi ne, %convert_element_type3A_87, %cond3A_88 : i32
      scf.if %cond3A_89 {
        %add3A_107 = arith.constant 2 : i32
        %add3A_108 = arith.addi %add3A_85, %add3A_107 : i32
        %lt3A_109 = arith.cmpi slt, %add3A_108, %add3A_11 : i32
        %convert_element_type3A_110 = arith.extui %lt3A_109 : i1 to i32
        %cond3A_111 = arith.constant 0 : i32
        %cond3A_112 = arith.cmpi ne, %convert_element_type3A_110, %cond3A_111 : i32
        scf.if %cond3A_112 {
          %add3A_125 = arith.constant 2 : i32
          %add3A_126 = arith.addi %add3A_85, %add3A_125 : i32
          %mul3A_127 = arith.constant 32 : i32
          %mul3A_128 = arith.muli %add3A_126, %mul3A_127 : i32
          %add3A_129 = arith.addi %add3A, %mul3A_128 : i32
          %mul3A_130 = arith.constant 128 : i32
          %mul3A_131 = arith.muli %add3A_129, %mul3A_130 : i32
          %dma_start3A_132 = tpu.memref_slice %arg3[%mul3A_131] : memref<320000xi32, #tpu.memory_space<hbm>> -> memref<128xi32, #tpu.memory_space<hbm>>
          %dma_start3A_133 = tpu.memref_slice %arg3[%mul3A_131] : memref<320000xi32, #tpu.memory_space<hbm>> -> memref<128xi32, #tpu.memory_space<hbm>>
          tpu.enqueue_dma source(%dma_start3A_133 : memref<128xi32, #tpu.memory_space<hbm>>) target(%arg10 : memref<128xi32, #tpu.memory_space<vmem>>) target_semaphore(%arg21 : memref<!tpu.dma_semaphore, #tpu.memory_space<semaphore_mem>>)
          %mul3A_134 = arith.constant 32 : i32
          %mul3A_135 = arith.muli %add3A_126, %mul3A_134 : i32
          %add3A_136 = arith.addi %add3A, %mul3A_135 : i32
          %mul3A_137 = arith.constant 128 : i32
          %mul3A_138 = arith.muli %add3A_136, %mul3A_137 : i32
          %dma_start3A_139 = tpu.memref_slice %arg4[%mul3A_138] : memref<320000xi32, #tpu.memory_space<hbm>> -> memref<128xi32, #tpu.memory_space<hbm>>
          %dma_start3A_140 = tpu.memref_slice %arg4[%mul3A_138] : memref<320000xi32, #tpu.memory_space<hbm>> -> memref<128xi32, #tpu.memory_space<hbm>>
          tpu.enqueue_dma source(%dma_start3A_140 : memref<128xi32, #tpu.memory_space<hbm>>) target(%arg14 : memref<128xi32, #tpu.memory_space<vmem>>) target_semaphore(%arg21 : memref<!tpu.dma_semaphore, #tpu.memory_space<semaphore_mem>>)
        } else {
        }
        %add3A_113 = arith.constant 1 : i32
        %add3A_114 = arith.addi %add3A_85, %add3A_113 : i32
        %lt3A_115 = arith.cmpi slt, %add3A_114, %add3A_11 : i32
        %convert_element_type3A_116 = arith.extui %lt3A_115 : i1 to i32
        %cond3A_117 = arith.constant 0 : i32
        %cond3A_118 = arith.cmpi ne, %convert_element_type3A_116, %cond3A_117 : i32
        scf.if %cond3A_118 {
          %ge3A = arith.constant 1 : i32
          %ge3A_125 = arith.cmpi sge, %add3A_85, %ge3A : i32
          %convert_element_type3A_126 = arith.extui %ge3A_125 : i1 to i32
          %cond3A_127 = arith.constant 0 : i32
          %cond3A_128 = arith.cmpi ne, %convert_element_type3A_126, %cond3A_127 : i32
          scf.if %cond3A_128 {
            %dma_wait3A_148 = arith.constant 0 : i32
            %dma_wait3A_149 = arith.constant 0 : i32
            %dma_wait3A_150 = tpu.memref_slice %arg17[%dma_wait3A_148, %dma_wait3A_149] : memref<10000x128xf32, #tpu.memory_space<vmem_shared>> -> memref<10000x128xf32, #tpu.memory_space<vmem_shared>>
            tpu.wait_indirect_dma semaphore(%arg24 : memref<!tpu.dma_semaphore, #tpu.memory_space<semaphore_mem>>) src(%arg15 : memref<128x128xf32, #tpu.memory_space<vmem>>) dst(%dma_wait3A_150 : memref<10000x128xf32, #tpu.memory_space<vmem_shared>>)
          } else {
          }
          %add3A_129 = arith.constant 1 : i32
          %add3A_130 = arith.addi %add3A_85, %add3A_129 : i32
          %mul3A_131 = arith.constant 32 : i32
          %mul3A_132 = arith.muli %add3A_130, %mul3A_131 : i32
          %add3A_133 = arith.addi %add3A, %mul3A_132 : i32
          %mul3A_134 = arith.constant 128 : i32
          %mul3A_135 = arith.muli %add3A_133, %mul3A_134 : i32
          %dma_wait3A_136 = tpu.memref_slice %arg3[%mul3A_135] : memref<320000xi32, #tpu.memory_space<hbm>> -> memref<128xi32, #tpu.memory_space<hbm>>
          %dma_wait3A_137 = tpu.memref_slice %arg3[%mul3A_135] : memref<320000xi32, #tpu.memory_space<hbm>> -> memref<128xi32, #tpu.memory_space<hbm>>
          tpu.wait_dma2 semaphore(%arg20 : memref<!tpu.dma_semaphore, #tpu.memory_space<semaphore_mem>>) src(%dma_wait3A_137 : memref<128xi32, #tpu.memory_space<hbm>>) dst(%arg9 : memref<128xi32, #tpu.memory_space<vmem>>)
          %mul3A_138 = arith.constant 32 : i32
          %mul3A_139 = arith.muli %add3A_130, %mul3A_138 : i32
          %add3A_140 = arith.addi %add3A, %mul3A_139 : i32
          %mul3A_141 = arith.constant 128 : i32
          %mul3A_142 = arith.muli %add3A_140, %mul3A_141 : i32
          %dma_wait3A_143 = tpu.memref_slice %arg4[%mul3A_142] : memref<320000xi32, #tpu.memory_space<hbm>> -> memref<128xi32, #tpu.memory_space<hbm>>
          %dma_wait3A_144 = tpu.memref_slice %arg4[%mul3A_142] : memref<320000xi32, #tpu.memory_space<hbm>> -> memref<128xi32, #tpu.memory_space<hbm>>
          tpu.wait_dma2 semaphore(%arg20 : memref<!tpu.dma_semaphore, #tpu.memory_space<semaphore_mem>>) src(%dma_wait3A_144 : memref<128xi32, #tpu.memory_space<hbm>>) dst(%arg13 : memref<128xi32, #tpu.memory_space<vmem>>)
          %dma_start3A_145 = arith.constant 0 : i32
          %dma_start3A_146 = arith.constant 0 : i32
          %dma_start3A_147 = tpu.memref_slice %arg2[%dma_start3A_145, %dma_start3A_146] : memref<10000x128xf32, #tpu.memory_space<hbm>> -> memref<10000x128xf32, #tpu.memory_space<hbm>>
          tpu.enqueue_indirect_dma source(%dma_start3A_147 : memref<10000x128xf32, #tpu.memory_space<hbm>>) target(%arg15 : memref<128x128xf32, #tpu.memory_space<vmem>>) offsets(%arg9 : memref<128xi32, #tpu.memory_space<vmem>>) semaphore(%arg22 : memref<!tpu.dma_semaphore, #tpu.memory_space<semaphore_mem>>)
        } else {
        }
        %dma_wait3A_119 = arith.constant 0 : i32
        %dma_wait3A_120 = arith.constant 0 : i32
        %dma_wait3A_121 = tpu.memref_slice %arg2[%dma_wait3A_119, %dma_wait3A_120] : memref<10000x128xf32, #tpu.memory_space<hbm>> -> memref<10000x128xf32, #tpu.memory_space<hbm>>
        tpu.wait_indirect_dma semaphore(%arg23 : memref<!tpu.dma_semaphore, #tpu.memory_space<semaphore_mem>>) src(%dma_wait3A_121 : memref<10000x128xf32, #tpu.memory_space<hbm>>) dst(%arg16 : memref<128x128xf32, #tpu.memory_space<vmem>>)
        %dma_start3A_122 = arith.constant 0 : i32
        %dma_start3A_123 = arith.constant 0 : i32
        %dma_start3A_124 = tpu.memref_slice %arg17[%dma_start3A_122, %dma_start3A_123] : memref<10000x128xf32, #tpu.memory_space<vmem_shared>> -> memref<10000x128xf32, #tpu.memory_space<vmem_shared>>
        tpu.enqueue_indirect_dma source(%arg16 : memref<128x128xf32, #tpu.memory_space<vmem>>) target(%dma_start3A_124 : memref<10000x128xf32, #tpu.memory_space<vmem_shared>>) offsets(%arg12 : memref<128xi32, #tpu.memory_space<vmem>>) semaphore(%arg25 : memref<!tpu.dma_semaphore, #tpu.memory_space<semaphore_mem>>) {add = true}
      } else {
      }
      %mul3A_90 = arith.constant 4 : i32
      %mul3A_91 = arith.muli %mul3A_90, %scan3A_72 : i32
      %add3A_92 = arith.constant 2 : i32
      %add3A_93 = arith.addi %mul3A_91, %add3A_92 : i32
      %lt3A_94 = arith.cmpi slt, %add3A_93, %add3A_11 : i32
      %convert_element_type3A_95 = arith.extui %lt3A_94 : i1 to i32
      %cond3A_96 = arith.constant 0 : i32
      %cond3A_97 = arith.cmpi ne, %convert_element_type3A_95, %cond3A_96 : i32
      scf.if %cond3A_97 {
        %add3A_107 = arith.constant 2 : i32
        %add3A_108 = arith.addi %add3A_93, %add3A_107 : i32
        %lt3A_109 = arith.cmpi slt, %add3A_108, %add3A_11 : i32
        %convert_element_type3A_110 = arith.extui %lt3A_109 : i1 to i32
        %cond3A_111 = arith.constant 0 : i32
        %cond3A_112 = arith.cmpi ne, %convert_element_type3A_110, %cond3A_111 : i32
        scf.if %cond3A_112 {
          %add3A_125 = arith.constant 2 : i32
          %add3A_126 = arith.addi %add3A_93, %add3A_125 : i32
          %mul3A_127 = arith.constant 32 : i32
          %mul3A_128 = arith.muli %add3A_126, %mul3A_127 : i32
          %add3A_129 = arith.addi %add3A, %mul3A_128 : i32
          %mul3A_130 = arith.constant 128 : i32
          %mul3A_131 = arith.muli %add3A_129, %mul3A_130 : i32
          %dma_start3A_132 = tpu.memref_slice %arg3[%mul3A_131] : memref<320000xi32, #tpu.memory_space<hbm>> -> memref<128xi32, #tpu.memory_space<hbm>>
          %dma_start3A_133 = tpu.memref_slice %arg3[%mul3A_131] : memref<320000xi32, #tpu.memory_space<hbm>> -> memref<128xi32, #tpu.memory_space<hbm>>
          tpu.enqueue_dma source(%dma_start3A_133 : memref<128xi32, #tpu.memory_space<hbm>>) target(%arg7 : memref<128xi32, #tpu.memory_space<vmem>>) target_semaphore(%arg18 : memref<!tpu.dma_semaphore, #tpu.memory_space<semaphore_mem>>)
          %mul3A_134 = arith.constant 32 : i32
          %mul3A_135 = arith.muli %add3A_126, %mul3A_134 : i32
          %add3A_136 = arith.addi %add3A, %mul3A_135 : i32
          %mul3A_137 = arith.constant 128 : i32
          %mul3A_138 = arith.muli %add3A_136, %mul3A_137 : i32
          %dma_start3A_139 = tpu.memref_slice %arg4[%mul3A_138] : memref<320000xi32, #tpu.memory_space<hbm>> -> memref<128xi32, #tpu.memory_space<hbm>>
          %dma_start3A_140 = tpu.memref_slice %arg4[%mul3A_138] : memref<320000xi32, #tpu.memory_space<hbm>> -> memref<128xi32, #tpu.memory_space<hbm>>
          tpu.enqueue_dma source(%dma_start3A_140 : memref<128xi32, #tpu.memory_space<hbm>>) target(%arg11 : memref<128xi32, #tpu.memory_space<vmem>>) target_semaphore(%arg18 : memref<!tpu.dma_semaphore, #tpu.memory_space<semaphore_mem>>)
        } else {
        }
        %add3A_113 = arith.constant 1 : i32
        %add3A_114 = arith.addi %add3A_93, %add3A_113 : i32
        %lt3A_115 = arith.cmpi slt, %add3A_114, %add3A_11 : i32
        %convert_element_type3A_116 = arith.extui %lt3A_115 : i1 to i32
        %cond3A_117 = arith.constant 0 : i32
        %cond3A_118 = arith.cmpi ne, %convert_element_type3A_116, %cond3A_117 : i32
        scf.if %cond3A_118 {
          %ge3A = arith.constant 1 : i32
          %ge3A_125 = arith.cmpi sge, %add3A_93, %ge3A : i32
          %convert_element_type3A_126 = arith.extui %ge3A_125 : i1 to i32
          %cond3A_127 = arith.constant 0 : i32
          %cond3A_128 = arith.cmpi ne, %convert_element_type3A_126, %cond3A_127 : i32
          scf.if %cond3A_128 {
            %dma_wait3A_148 = arith.constant 0 : i32
            %dma_wait3A_149 = arith.constant 0 : i32
            %dma_wait3A_150 = tpu.memref_slice %arg17[%dma_wait3A_148, %dma_wait3A_149] : memref<10000x128xf32, #tpu.memory_space<vmem_shared>> -> memref<10000x128xf32, #tpu.memory_space<vmem_shared>>
            tpu.wait_indirect_dma semaphore(%arg25 : memref<!tpu.dma_semaphore, #tpu.memory_space<semaphore_mem>>) src(%arg16 : memref<128x128xf32, #tpu.memory_space<vmem>>) dst(%dma_wait3A_150 : memref<10000x128xf32, #tpu.memory_space<vmem_shared>>)
          } else {
          }
          %add3A_129 = arith.constant 1 : i32
          %add3A_130 = arith.addi %add3A_93, %add3A_129 : i32
          %mul3A_131 = arith.constant 32 : i32
          %mul3A_132 = arith.muli %add3A_130, %mul3A_131 : i32
          %add3A_133 = arith.addi %add3A, %mul3A_132 : i32
          %mul3A_134 = arith.constant 128 : i32
          %mul3A_135 = arith.muli %add3A_133, %mul3A_134 : i32
          %dma_wait3A_136 = tpu.memref_slice %arg3[%mul3A_135] : memref<320000xi32, #tpu.memory_space<hbm>> -> memref<128xi32, #tpu.memory_space<hbm>>
          %dma_wait3A_137 = tpu.memref_slice %arg3[%mul3A_135] : memref<320000xi32, #tpu.memory_space<hbm>> -> memref<128xi32, #tpu.memory_space<hbm>>
          tpu.wait_dma2 semaphore(%arg21 : memref<!tpu.dma_semaphore, #tpu.memory_space<semaphore_mem>>) src(%dma_wait3A_137 : memref<128xi32, #tpu.memory_space<hbm>>) dst(%arg10 : memref<128xi32, #tpu.memory_space<vmem>>)
          %mul3A_138 = arith.constant 32 : i32
          %mul3A_139 = arith.muli %add3A_130, %mul3A_138 : i32
          %add3A_140 = arith.addi %add3A, %mul3A_139 : i32
          %mul3A_141 = arith.constant 128 : i32
          %mul3A_142 = arith.muli %add3A_140, %mul3A_141 : i32
          %dma_wait3A_143 = tpu.memref_slice %arg4[%mul3A_142] : memref<320000xi32, #tpu.memory_space<hbm>> -> memref<128xi32, #tpu.memory_space<hbm>>
          %dma_wait3A_144 = tpu.memref_slice %arg4[%mul3A_142] : memref<320000xi32, #tpu.memory_space<hbm>> -> memref<128xi32, #tpu.memory_space<hbm>>
          tpu.wait_dma2 semaphore(%arg21 : memref<!tpu.dma_semaphore, #tpu.memory_space<semaphore_mem>>) src(%dma_wait3A_144 : memref<128xi32, #tpu.memory_space<hbm>>) dst(%arg14 : memref<128xi32, #tpu.memory_space<vmem>>)
          %dma_start3A_145 = arith.constant 0 : i32
          %dma_start3A_146 = arith.constant 0 : i32
          %dma_start3A_147 = tpu.memref_slice %arg2[%dma_start3A_145, %dma_start3A_146] : memref<10000x128xf32, #tpu.memory_space<hbm>> -> memref<10000x128xf32, #tpu.memory_space<hbm>>
          tpu.enqueue_indirect_dma source(%dma_start3A_147 : memref<10000x128xf32, #tpu.memory_space<hbm>>) target(%arg16 : memref<128x128xf32, #tpu.memory_space<vmem>>) offsets(%arg10 : memref<128xi32, #tpu.memory_space<vmem>>) semaphore(%arg23 : memref<!tpu.dma_semaphore, #tpu.memory_space<semaphore_mem>>)
        } else {
        }
        %dma_wait3A_119 = arith.constant 0 : i32
        %dma_wait3A_120 = arith.constant 0 : i32
        %dma_wait3A_121 = tpu.memref_slice %arg2[%dma_wait3A_119, %dma_wait3A_120] : memref<10000x128xf32, #tpu.memory_space<hbm>> -> memref<10000x128xf32, #tpu.memory_space<hbm>>
        tpu.wait_indirect_dma semaphore(%arg22 : memref<!tpu.dma_semaphore, #tpu.memory_space<semaphore_mem>>) src(%dma_wait3A_121 : memref<10000x128xf32, #tpu.memory_space<hbm>>) dst(%arg15 : memref<128x128xf32, #tpu.memory_space<vmem>>)
        %dma_start3A_122 = arith.constant 0 : i32
        %dma_start3A_123 = arith.constant 0 : i32
        %dma_start3A_124 = tpu.memref_slice %arg17[%dma_start3A_122, %dma_start3A_123] : memref<10000x128xf32, #tpu.memory_space<vmem_shared>> -> memref<10000x128xf32, #tpu.memory_space<vmem_shared>>
        tpu.enqueue_indirect_dma source(%arg15 : memref<128x128xf32, #tpu.memory_space<vmem>>) target(%dma_start3A_124 : memref<10000x128xf32, #tpu.memory_space<vmem_shared>>) offsets(%arg13 : memref<128xi32, #tpu.memory_space<vmem>>) semaphore(%arg24 : memref<!tpu.dma_semaphore, #tpu.memory_space<semaphore_mem>>) {add = true}
      } else {
      }
      %mul3A_98 = arith.constant 4 : i32
      %mul3A_99 = arith.muli %mul3A_98, %scan3A_72 : i32
      %add3A_100 = arith.constant 3 : i32
      %add3A_101 = arith.addi %mul3A_99, %add3A_100 : i32
      %lt3A_102 = arith.cmpi slt, %add3A_101, %add3A_11 : i32
      %convert_element_type3A_103 = arith.extui %lt3A_102 : i1 to i32
      %cond3A_104 = arith.constant 0 : i32
      %cond3A_105 = arith.cmpi ne, %convert_element_type3A_103, %cond3A_104 : i32
      scf.if %cond3A_105 {
        %add3A_107 = arith.constant 2 : i32
        %add3A_108 = arith.addi %add3A_101, %add3A_107 : i32
        %lt3A_109 = arith.cmpi slt, %add3A_108, %add3A_11 : i32
        %convert_element_type3A_110 = arith.extui %lt3A_109 : i1 to i32
        %cond3A_111 = arith.constant 0 : i32
        %cond3A_112 = arith.cmpi ne, %convert_element_type3A_110, %cond3A_111 : i32
        scf.if %cond3A_112 {
          %add3A_125 = arith.constant 2 : i32
          %add3A_126 = arith.addi %add3A_101, %add3A_125 : i32
          %mul3A_127 = arith.constant 32 : i32
          %mul3A_128 = arith.muli %add3A_126, %mul3A_127 : i32
          %add3A_129 = arith.addi %add3A, %mul3A_128 : i32
          %mul3A_130 = arith.constant 128 : i32
          %mul3A_131 = arith.muli %add3A_129, %mul3A_130 : i32
          %dma_start3A_132 = tpu.memref_slice %arg3[%mul3A_131] : memref<320000xi32, #tpu.memory_space<hbm>> -> memref<128xi32, #tpu.memory_space<hbm>>
          %dma_start3A_133 = tpu.memref_slice %arg3[%mul3A_131] : memref<320000xi32, #tpu.memory_space<hbm>> -> memref<128xi32, #tpu.memory_space<hbm>>
          tpu.enqueue_dma source(%dma_start3A_133 : memref<128xi32, #tpu.memory_space<hbm>>) target(%arg8 : memref<128xi32, #tpu.memory_space<vmem>>) target_semaphore(%arg19 : memref<!tpu.dma_semaphore, #tpu.memory_space<semaphore_mem>>)
          %mul3A_134 = arith.constant 32 : i32
          %mul3A_135 = arith.muli %add3A_126, %mul3A_134 : i32
          %add3A_136 = arith.addi %add3A, %mul3A_135 : i32
          %mul3A_137 = arith.constant 128 : i32
          %mul3A_138 = arith.muli %add3A_136, %mul3A_137 : i32
          %dma_start3A_139 = tpu.memref_slice %arg4[%mul3A_138] : memref<320000xi32, #tpu.memory_space<hbm>> -> memref<128xi32, #tpu.memory_space<hbm>>
          %dma_start3A_140 = tpu.memref_slice %arg4[%mul3A_138] : memref<320000xi32, #tpu.memory_space<hbm>> -> memref<128xi32, #tpu.memory_space<hbm>>
          tpu.enqueue_dma source(%dma_start3A_140 : memref<128xi32, #tpu.memory_space<hbm>>) target(%arg12 : memref<128xi32, #tpu.memory_space<vmem>>) target_semaphore(%arg19 : memref<!tpu.dma_semaphore, #tpu.memory_space<semaphore_mem>>)
        } else {
        }
        %add3A_113 = arith.constant 1 : i32
        %add3A_114 = arith.addi %add3A_101, %add3A_113 : i32
        %lt3A_115 = arith.cmpi slt, %add3A_114, %add3A_11 : i32
        %convert_element_type3A_116 = arith.extui %lt3A_115 : i1 to i32
        %cond3A_117 = arith.constant 0 : i32
        %cond3A_118 = arith.cmpi ne, %convert_element_type3A_116, %cond3A_117 : i32
        scf.if %cond3A_118 {
          %ge3A = arith.constant 1 : i32
          %ge3A_125 = arith.cmpi sge, %add3A_101, %ge3A : i32
          %convert_element_type3A_126 = arith.extui %ge3A_125 : i1 to i32
          %cond3A_127 = arith.constant 0 : i32
          %cond3A_128 = arith.cmpi ne, %convert_element_type3A_126, %cond3A_127 : i32
          scf.if %cond3A_128 {
            %dma_wait3A_148 = arith.constant 0 : i32
            %dma_wait3A_149 = arith.constant 0 : i32
            %dma_wait3A_150 = tpu.memref_slice %arg17[%dma_wait3A_148, %dma_wait3A_149] : memref<10000x128xf32, #tpu.memory_space<vmem_shared>> -> memref<10000x128xf32, #tpu.memory_space<vmem_shared>>
            tpu.wait_indirect_dma semaphore(%arg24 : memref<!tpu.dma_semaphore, #tpu.memory_space<semaphore_mem>>) src(%arg15 : memref<128x128xf32, #tpu.memory_space<vmem>>) dst(%dma_wait3A_150 : memref<10000x128xf32, #tpu.memory_space<vmem_shared>>)
          } else {
          }
          %add3A_129 = arith.constant 1 : i32
          %add3A_130 = arith.addi %add3A_101, %add3A_129 : i32
          %mul3A_131 = arith.constant 32 : i32
          %mul3A_132 = arith.muli %add3A_130, %mul3A_131 : i32
          %add3A_133 = arith.addi %add3A, %mul3A_132 : i32
          %mul3A_134 = arith.constant 128 : i32
          %mul3A_135 = arith.muli %add3A_133, %mul3A_134 : i32
          %dma_wait3A_136 = tpu.memref_slice %arg3[%mul3A_135] : memref<320000xi32, #tpu.memory_space<hbm>> -> memref<128xi32, #tpu.memory_space<hbm>>
          %dma_wait3A_137 = tpu.memref_slice %arg3[%mul3A_135] : memref<320000xi32, #tpu.memory_space<hbm>> -> memref<128xi32, #tpu.memory_space<hbm>>
          tpu.wait_dma2 semaphore(%arg18 : memref<!tpu.dma_semaphore, #tpu.memory_space<semaphore_mem>>) src(%dma_wait3A_137 : memref<128xi32, #tpu.memory_space<hbm>>) dst(%arg7 : memref<128xi32, #tpu.memory_space<vmem>>)
          %mul3A_138 = arith.constant 32 : i32
          %mul3A_139 = arith.muli %add3A_130, %mul3A_138 : i32
          %add3A_140 = arith.addi %add3A, %mul3A_139 : i32
          %mul3A_141 = arith.constant 128 : i32
          %mul3A_142 = arith.muli %add3A_140, %mul3A_141 : i32
          %dma_wait3A_143 = tpu.memref_slice %arg4[%mul3A_142] : memref<320000xi32, #tpu.memory_space<hbm>> -> memref<128xi32, #tpu.memory_space<hbm>>
          %dma_wait3A_144 = tpu.memref_slice %arg4[%mul3A_142] : memref<320000xi32, #tpu.memory_space<hbm>> -> memref<128xi32, #tpu.memory_space<hbm>>
          tpu.wait_dma2 semaphore(%arg18 : memref<!tpu.dma_semaphore, #tpu.memory_space<semaphore_mem>>) src(%dma_wait3A_144 : memref<128xi32, #tpu.memory_space<hbm>>) dst(%arg11 : memref<128xi32, #tpu.memory_space<vmem>>)
          %dma_start3A_145 = arith.constant 0 : i32
          %dma_start3A_146 = arith.constant 0 : i32
          %dma_start3A_147 = tpu.memref_slice %arg2[%dma_start3A_145, %dma_start3A_146] : memref<10000x128xf32, #tpu.memory_space<hbm>> -> memref<10000x128xf32, #tpu.memory_space<hbm>>
          tpu.enqueue_indirect_dma source(%dma_start3A_147 : memref<10000x128xf32, #tpu.memory_space<hbm>>) target(%arg15 : memref<128x128xf32, #tpu.memory_space<vmem>>) offsets(%arg7 : memref<128xi32, #tpu.memory_space<vmem>>) semaphore(%arg22 : memref<!tpu.dma_semaphore, #tpu.memory_space<semaphore_mem>>)
        } else {
        }
        %dma_wait3A_119 = arith.constant 0 : i32
        %dma_wait3A_120 = arith.constant 0 : i32
        %dma_wait3A_121 = tpu.memref_slice %arg2[%dma_wait3A_119, %dma_wait3A_120] : memref<10000x128xf32, #tpu.memory_space<hbm>> -> memref<10000x128xf32, #tpu.memory_space<hbm>>
        tpu.wait_indirect_dma semaphore(%arg23 : memref<!tpu.dma_semaphore, #tpu.memory_space<semaphore_mem>>) src(%dma_wait3A_121 : memref<10000x128xf32, #tpu.memory_space<hbm>>) dst(%arg16 : memref<128x128xf32, #tpu.memory_space<vmem>>)
        %dma_start3A_122 = arith.constant 0 : i32
        %dma_start3A_123 = arith.constant 0 : i32
        %dma_start3A_124 = tpu.memref_slice %arg17[%dma_start3A_122, %dma_start3A_123] : memref<10000x128xf32, #tpu.memory_space<vmem_shared>> -> memref<10000x128xf32, #tpu.memory_space<vmem_shared>>
        tpu.enqueue_indirect_dma source(%arg16 : memref<128x128xf32, #tpu.memory_space<vmem>>) target(%dma_start3A_124 : memref<10000x128xf32, #tpu.memory_space<vmem_shared>>) offsets(%arg14 : memref<128xi32, #tpu.memory_space<vmem>>) semaphore(%arg25 : memref<!tpu.dma_semaphore, #tpu.memory_space<semaphore_mem>>) {add = true}
      } else {
      }
      %scan3A_106 = arith.constant 0 : i32
      scf.yield %scan3A_106 : i32
    }
    %scan3A_54 = arith.constant 20 : i32
    %dma_wait3A_55 = arith.constant 0 : i32
    %dma_wait3A_56 = arith.constant 0 : i32
    %dma_wait3A_57 = tpu.memref_slice %arg17[%dma_wait3A_55, %dma_wait3A_56] : memref<10000x128xf32, #tpu.memory_space<vmem_shared>> -> memref<10000x128xf32, #tpu.memory_space<vmem_shared>>
    tpu.wait_indirect_dma semaphore(%arg24 : memref<!tpu.dma_semaphore, #tpu.memory_space<semaphore_mem>>) src(%arg15 : memref<128x128xf32, #tpu.memory_space<vmem>>) dst(%dma_wait3A_57 : memref<10000x128xf32, #tpu.memory_space<vmem_shared>>)
    %dma_wait3A_58 = arith.constant 0 : i32
    %dma_wait3A_59 = arith.constant 0 : i32
    %dma_wait3A_60 = tpu.memref_slice %arg17[%dma_wait3A_58, %dma_wait3A_59] : memref<10000x128xf32, #tpu.memory_space<vmem_shared>> -> memref<10000x128xf32, #tpu.memory_space<vmem_shared>>
    tpu.wait_indirect_dma semaphore(%arg25 : memref<!tpu.dma_semaphore, #tpu.memory_space<semaphore_mem>>) src(%arg16 : memref<128x128xf32, #tpu.memory_space<vmem>>) dst(%dma_wait3A_60 : memref<10000x128xf32, #tpu.memory_space<vmem_shared>>)
    %barrier3A_61 = arith.constant 0 : index
    tpu.barrier barrier_id(%barrier3A_61)
    %lt3A_62 = arith.constant 15 : i32
    %lt3A_63 = arith.cmpi slt, %arg1, %lt3A_62 : i32
    %convert_element_type3A_64 = arith.extui %lt3A_63 : i1 to i32
    %cond3A_65 = arith.constant 0 : i32
    %cond3A_66 = arith.cmpi ne, %convert_element_type3A_64, %cond3A_65 : i32
    scf.if %cond3A_66 {
      %mul3A_72 = arith.constant 632 : i32
      %mul3A_73 = arith.muli %arg1, %mul3A_72 : i32
      %multiple_of3A = tpu.assume_multiple %mul3A_73, 8 : i32
      "tpu.region"() ({
        %run_scoped3A = tpu.sem_alloc : memref<!tpu.dma_semaphore, #tpu.memory_space<semaphore_mem>>
        %dma_start3A_74 = arith.constant 0 : i32
        %dma_start3A_75 = arith.constant 0 : i32
        %dma_start3A_76 = tpu.memref_slice %arg6[%arg0, %dma_start3A_74, %dma_start3A_75] : memref<2x10000x128xf32, #tpu.memory_space<hbm>> -> memref<1x10000x128xf32, #tpu.memory_space<hbm>>
        %dma_start3A_77 = tpu.memref_squeeze %dma_start3A_76 : memref<1x10000x128xf32, #tpu.memory_space<hbm>> -> memref<10000x128xf32, #tpu.memory_space<hbm>>
        %dma_start3A_78 = arith.constant 0 : i32
        %dma_start3A_79 = tpu.memref_slice %dma_start3A_77[%multiple_of3A, %dma_start3A_78] : memref<10000x128xf32, #tpu.memory_space<hbm>> -> memref<632x128xf32, #tpu.memory_space<hbm>>
        %dma_start3A_80 = arith.constant 0 : i32
        %dma_start3A_81 = tpu.memref_slice %arg17[%multiple_of3A, %dma_start3A_80] : memref<10000x128xf32, #tpu.memory_space<vmem_shared>> -> memref<632x128xf32, #tpu.memory_space<vmem_shared>>
        tpu.enqueue_dma source(%dma_start3A_81 : memref<632x128xf32, #tpu.memory_space<vmem_shared>>) target(%dma_start3A_79 : memref<632x128xf32, #tpu.memory_space<hbm>>) target_semaphore(%run_scoped3A : memref<!tpu.dma_semaphore, #tpu.memory_space<semaphore_mem>>)
        %dma_wait3A_82 = arith.constant 0 : i32
        %dma_wait3A_83 = arith.constant 0 : i32
        %dma_wait3A_84 = tpu.memref_slice %arg6[%arg0, %dma_wait3A_82, %dma_wait3A_83] : memref<2x10000x128xf32, #tpu.memory_space<hbm>> -> memref<1x10000x128xf32, #tpu.memory_space<hbm>>
        %dma_wait3A_85 = tpu.memref_squeeze %dma_wait3A_84 : memref<1x10000x128xf32, #tpu.memory_space<hbm>> -> memref<10000x128xf32, #tpu.memory_space<hbm>>
        %dma_wait3A_86 = arith.constant 0 : i32
        %dma_wait3A_87 = tpu.memref_slice %dma_wait3A_85[%multiple_of3A, %dma_wait3A_86] : memref<10000x128xf32, #tpu.memory_space<hbm>> -> memref<632x128xf32, #tpu.memory_space<hbm>>
        %dma_wait3A_88 = arith.constant 0 : i32
        %dma_wait3A_89 = tpu.memref_slice %arg17[%multiple_of3A, %dma_wait3A_88] : memref<10000x128xf32, #tpu.memory_space<vmem_shared>> -> memref<632x128xf32, #tpu.memory_space<vmem_shared>>
        tpu.wait_dma2 semaphore(%run_scoped3A : memref<!tpu.dma_semaphore, #tpu.memory_space<semaphore_mem>>) src(%dma_wait3A_89 : memref<632x128xf32, #tpu.memory_space<vmem_shared>>) dst(%dma_wait3A_87 : memref<632x128xf32, #tpu.memory_space<hbm>>)
        tpu.yield
      }) : () -> ()
    } else {
    }
    %eq3A_67 = arith.constant 15 : i32
    %eq3A_68 = arith.cmpi eq, %arg1, %eq3A_67 : i32
    %convert_element_type3A_69 = arith.extui %eq3A_68 : i1 to i32
    %cond3A_70 = arith.constant 0 : i32
    %cond3A_71 = arith.cmpi ne, %convert_element_type3A_69, %cond3A_70 : i32
    scf.if %cond3A_71 {
      "tpu.region"() ({
        %run_scoped3A = tpu.sem_alloc : memref<!tpu.dma_semaphore, #tpu.memory_space<semaphore_mem>>
        %dma_start3A_72 = arith.constant 0 : i32
        %dma_start3A_73 = arith.constant 0 : i32
        %dma_start3A_74 = tpu.memref_slice %arg6[%arg0, %dma_start3A_72, %dma_start3A_73] : memref<2x10000x128xf32, #tpu.memory_space<hbm>> -> memref<1x10000x128xf32, #tpu.memory_space<hbm>>
        %dma_start3A_75 = tpu.memref_squeeze %dma_start3A_74 : memref<1x10000x128xf32, #tpu.memory_space<hbm>> -> memref<10000x128xf32, #tpu.memory_space<hbm>>
        %dma_start3A_76 = arith.constant 9480 : i32
        %dma_start3A_77 = arith.constant 0 : i32
        %dma_start3A_78 = tpu.memref_slice %dma_start3A_75[%dma_start3A_76, %dma_start3A_77] : memref<10000x128xf32, #tpu.memory_space<hbm>> -> memref<520x128xf32, #tpu.memory_space<hbm>>
        %dma_start3A_79 = arith.constant 9480 : i32
        %dma_start3A_80 = arith.constant 0 : i32
        %dma_start3A_81 = tpu.memref_slice %arg17[%dma_start3A_79, %dma_start3A_80] : memref<10000x128xf32, #tpu.memory_space<vmem_shared>> -> memref<520x128xf32, #tpu.memory_space<vmem_shared>>
        tpu.enqueue_dma source(%dma_start3A_81 : memref<520x128xf32, #tpu.memory_space<vmem_shared>>) target(%dma_start3A_78 : memref<520x128xf32, #tpu.memory_space<hbm>>) target_semaphore(%run_scoped3A : memref<!tpu.dma_semaphore, #tpu.memory_space<semaphore_mem>>)
        %dma_wait3A_82 = arith.constant 0 : i32
        %dma_wait3A_83 = arith.constant 0 : i32
        %dma_wait3A_84 = tpu.memref_slice %arg6[%arg0, %dma_wait3A_82, %dma_wait3A_83] : memref<2x10000x128xf32, #tpu.memory_space<hbm>> -> memref<1x10000x128xf32, #tpu.memory_space<hbm>>
        %dma_wait3A_85 = tpu.memref_squeeze %dma_wait3A_84 : memref<1x10000x128xf32, #tpu.memory_space<hbm>> -> memref<10000x128xf32, #tpu.memory_space<hbm>>
        %dma_wait3A_86 = arith.constant 9480 : i32
        %dma_wait3A_87 = arith.constant 0 : i32
        %dma_wait3A_88 = tpu.memref_slice %dma_wait3A_85[%dma_wait3A_86, %dma_wait3A_87] : memref<10000x128xf32, #tpu.memory_space<hbm>> -> memref<520x128xf32, #tpu.memory_space<hbm>>
        %dma_wait3A_89 = arith.constant 9480 : i32
        %dma_wait3A_90 = arith.constant 0 : i32
        %dma_wait3A_91 = tpu.memref_slice %arg17[%dma_wait3A_89, %dma_wait3A_90] : memref<10000x128xf32, #tpu.memory_space<vmem_shared>> -> memref<520x128xf32, #tpu.memory_space<vmem_shared>>
        tpu.wait_dma2 semaphore(%run_scoped3A : memref<!tpu.dma_semaphore, #tpu.memory_space<semaphore_mem>>) src(%dma_wait3A_91 : memref<520x128xf32, #tpu.memory_space<vmem_shared>>) dst(%dma_wait3A_88 : memref<520x128xf32, #tpu.memory_space<hbm>>)
        tpu.yield
      }) : () -> ()
    } else {
    }
    return
  }
}

module attributes {stable_mosaic.version = 14 : i64} {
  func.func @_tc_mid_body(%arg0: i32, %arg1: memref<2x2000x128xf32, #tpu.memory_space<vmem>>, %arg2: memref<2x2000x128xf32, #tpu.memory_space<vmem>>, %arg3: memref<1x128xf32, #tpu.memory_space<vmem>>, %arg4: memref<128x128xf32, #tpu.memory_space<vmem>>, %arg5: memref<2000x128xf32, #tpu.memory_space<vmem>>) attributes {dimension_semantics = [#tpu.dimension_semantics<arbitrary>], iteration_bounds = array<i64: 5>, scalar_prefetch = 0 : i64, scratch_operands = 0 : i64, tpu.core_type = #tpu.core_type<tc>, window_params = [{transform_indices = @transform_0, window_bounds = array<i64: 2, 2000, 128>}, {transform_indices = @transform_1, window_bounds = array<i64: 2, 2000, 128>}, {pipeline_mode = #tpu.pipeline_mode<synchronous>, transform_indices = @transform_2, window_bounds = array<i64: 1, 128>}, {pipeline_mode = #tpu.pipeline_mode<synchronous>, transform_indices = @transform_3, window_bounds = array<i64: 128, 128>}, {transform_indices = @transform_4, window_bounds = array<i64: 2000, 128>}]} {
    %get3A = arith.constant 0 : index
    %get3A_0 = arith.constant 0 : index
    %get3A_1 = arith.constant 0 : index
    %get3A_2 = vector.load %arg1[%get3A, %get3A_0, %get3A_1] : memref<2x2000x128xf32, #tpu.memory_space<vmem>>, vector<1x2000x128xf32>
    %get3A_3 = vector.shape_cast %get3A_2 : vector<1x2000x128xf32> to vector<2000x128xf32>
    %get3A_4 = arith.constant 1 : index
    %get3A_5 = arith.constant 0 : index
    %get3A_6 = arith.constant 0 : index
    %get3A_7 = vector.load %arg1[%get3A_4, %get3A_5, %get3A_6] : memref<2x2000x128xf32, #tpu.memory_space<vmem>>, vector<1x2000x128xf32>
    %get3A_8 = vector.shape_cast %get3A_7 : vector<1x2000x128xf32> to vector<2000x128xf32>
    %add3A = arith.addf %get3A_3, %get3A_8 : vector<2000x128xf32>
    %get3A_9 = arith.constant 0 : index
    %get3A_10 = arith.constant 0 : index
    %get3A_11 = arith.constant 64 : index
    %get3A_12 = vector.load %arg2[%get3A_9, %get3A_10, %get3A_11] : memref<2x2000x128xf32, #tpu.memory_space<vmem>>, vector<1x2000x1xf32>
    %get3A_13 = vector.shape_cast %get3A_12 : vector<1x2000x1xf32> to vector<2000x1xf32>
    %get3A_14 = arith.constant 1 : index
    %get3A_15 = arith.constant 0 : index
    %get3A_16 = arith.constant 64 : index
    %get3A_17 = vector.load %arg2[%get3A_14, %get3A_15, %get3A_16] : memref<2x2000x128xf32, #tpu.memory_space<vmem>>, vector<1x2000x1xf32>
    %get3A_18 = vector.shape_cast %get3A_17 : vector<1x2000x1xf32> to vector<2000x1xf32>
    %add3A_19 = arith.addf %get3A_13, %get3A_18 : vector<2000x1xf32>
    %max3A = arith.constant 1.000000e+00 : f32
    %max3A_20 = vector.broadcast %max3A : f32 to vector<2000x1xf32>
    %max3A_21 = arith.maximumf %add3A_19, %max3A_20 : vector<2000x1xf32>
    %rsqrt3A = math.rsqrt %max3A_21 : vector<2000x1xf32>
    %mul3A = vector.broadcast %rsqrt3A : vector<2000x1xf32> to vector<2000x128xf32>
    %mul3A_22 = arith.mulf %add3A, %mul3A : vector<2000x128xf32>
    %get3A_23 = arith.constant 0 : index
    %get3A_24 = arith.constant 0 : index
    %get3A_25 = vector.load %arg3[%get3A_23, %get3A_24] : memref<1x128xf32, #tpu.memory_space<vmem>>, vector<1x128xf32>
    %add3A_26 = vector.broadcast %get3A_25 : vector<1x128xf32> to vector<2000x128xf32>
    %add3A_27 = arith.addf %mul3A_22, %add3A_26 : vector<2000x128xf32>
    %gt3A = arith.constant 0.000000e+00 : f32
    %gt3A_28 = vector.broadcast %gt3A : f32 to vector<2000x128xf32>
    %gt3A_29 = arith.cmpf ogt, %add3A_27, %gt3A_28 : vector<2000x128xf32>
    %min3A = arith.constant 0.000000e+00 : f32
    %min3A_30 = vector.broadcast %min3A : f32 to vector<2000x128xf32>
    %min3A_31 = arith.minimumf %add3A_27, %min3A_30 : vector<2000x128xf32>
    %exp3A = math.exp %min3A_31 : vector<2000x128xf32>
    %sub3A = arith.constant 1.000000e+00 : f32
    %sub3A_32 = vector.broadcast %sub3A : f32 to vector<2000x128xf32>
    %sub3A_33 = arith.subf %exp3A, %sub3A_32 : vector<2000x128xf32>
    %select_n3A = arith.select %gt3A_29, %add3A_27, %sub3A_33 : vector<2000x128xi1>, vector<2000x128xf32>
    %get3A_34 = arith.constant 0 : index
    %get3A_35 = arith.constant 0 : index
    %get3A_36 = vector.load %arg4[%get3A_34, %get3A_35] : memref<128x128xf32, #tpu.memory_space<vmem>>, vector<128x128xf32>
    %dot_general3A = arith.constant dense<0.000000e+00> : vector<2000x128xf32>
    %dot_general3A_37 = tpu.matmul %select_n3A, %get3A_36, %dot_general3A {dimension_numbers = #tpu.dot_dimension_numbers<[1], [0], [0], [1], [0, 0, 1, 1], [], []>, transpose_lhs_hint = false} : vector<2000x128xf32>, vector<128x128xf32>, vector<2000x128xf32> -> vector<2000x128xf32>
    %get3A_38 = arith.constant 0 : index
    %get3A_39 = arith.constant 0 : index
    %get3A_40 = arith.constant 0 : index
    %get3A_41 = vector.load %arg2[%get3A_38, %get3A_39, %get3A_40] : memref<2x2000x128xf32, #tpu.memory_space<vmem>>, vector<1x2000x1xf32>
    %get3A_42 = vector.shape_cast %get3A_41 : vector<1x2000x1xf32> to vector<2000x1xf32>
    %get3A_43 = arith.constant 1 : index
    %get3A_44 = arith.constant 0 : index
    %get3A_45 = arith.constant 0 : index
    %get3A_46 = vector.load %arg2[%get3A_43, %get3A_44, %get3A_45] : memref<2x2000x128xf32, #tpu.memory_space<vmem>>, vector<1x2000x1xf32>
    %get3A_47 = vector.shape_cast %get3A_46 : vector<1x2000x1xf32> to vector<2000x1xf32>
    %add3A_48 = arith.addf %get3A_42, %get3A_47 : vector<2000x1xf32>
    %max3A_49 = arith.constant 1.000000e+00 : f32
    %max3A_50 = vector.broadcast %max3A_49 : f32 to vector<2000x1xf32>
    %max3A_51 = arith.maximumf %add3A_48, %max3A_50 : vector<2000x1xf32>
    %rsqrt3A_52 = math.rsqrt %max3A_51 : vector<2000x1xf32>
    %mul3A_53 = vector.broadcast %rsqrt3A_52 : vector<2000x1xf32> to vector<2000x128xf32>
    %mul3A_54 = arith.mulf %dot_general3A_37, %mul3A_53 : vector<2000x128xf32>
    %swap3A = arith.constant 0 : index
    %swap3A_55 = arith.constant 0 : index
    %swap3A_56 = vector.load %arg5[%swap3A, %swap3A_55] : memref<2000x128xf32, #tpu.memory_space<vmem>>, vector<2000x128xf32>
    tpu.vector_store %arg5[%swap3A, %swap3A_55], %mul3A_54 {strides = array<i32>} : memref<2000x128xf32, #tpu.memory_space<vmem>>, vector<2000x128xf32>,
    return
  }
  func.func @transform_0(%arg0: i32) -> (i32, i32, i32) {
    %c0_i32 = arith.constant 0 : i32
    %c0_i32_0 = arith.constant 0 : i32
    %c0_i32_1 = arith.constant 0 : i32
    return %c0_i32, %arg0, %c0_i32_0 : i32, i32, i32
  }
  func.func @transform_1(%arg0: i32) -> (i32, i32, i32) {
    %c0_i32 = arith.constant 0 : i32
    %c0_i32_0 = arith.constant 0 : i32
    %c0_i32_1 = arith.constant 0 : i32
    return %c0_i32, %arg0, %c0_i32_0 : i32, i32, i32
  }
  func.func @transform_2(%arg0: i32) -> (i32, i32) {
    %c0_i32 = arith.constant 0 : i32
    %c0_i32_0 = arith.constant 0 : i32
    %c0_i32_1 = arith.constant 0 : i32
    return %c0_i32, %c0_i32_0 : i32, i32
  }
  func.func @transform_3(%arg0: i32) -> (i32, i32) {
    %c0_i32 = arith.constant 0 : i32
    %c0_i32_0 = arith.constant 0 : i32
    %c0_i32_1 = arith.constant 0 : i32
    return %c0_i32, %c0_i32_0 : i32, i32
  }
  func.func @transform_4(%arg0: i32) -> (i32, i32) {
    %c0_i32 = arith.constant 0 : i32
    %c0_i32_0 = arith.constant 0 : i32
    return %arg0, %c0_i32 : i32, i32
  }
}

module attributes {stable_mosaic.version = 14 : i64} {
  func.func @_tc_first_body(%arg0: i32, %arg1: memref<2000x128xf32, #tpu.memory_space<vmem>>, %arg2: memref<128x128xf32, #tpu.memory_space<vmem>>, %arg3: memref<2x2000x128xf32, #tpu.memory_space<vmem>>, %arg4: memref<2000x128xf32, #tpu.memory_space<vmem>>) attributes {dimension_semantics = [#tpu.dimension_semantics<arbitrary>], iteration_bounds = array<i64: 5>, scalar_prefetch = 0 : i64, scratch_operands = 0 : i64, tpu.core_type = #tpu.core_type<tc>, window_params = [{transform_indices = @transform_0, window_bounds = array<i64: 2000, 128>}, {pipeline_mode = #tpu.pipeline_mode<synchronous>, transform_indices = @transform_1, window_bounds = array<i64: 128, 128>}, {transform_indices = @transform_2, window_bounds = array<i64: 2, 2000, 128>}, {transform_indices = @transform_3, window_bounds = array<i64: 2000, 128>}]} {
    %get3A = arith.constant 0 : index
    %get3A_0 = arith.constant 0 : index
    %get3A_1 = vector.load %arg1[%get3A, %get3A_0] : memref<2000x128xf32, #tpu.memory_space<vmem>>, vector<2000x128xf32>
    %get3A_2 = arith.constant 0 : index
    %get3A_3 = arith.constant 0 : index
    %get3A_4 = vector.load %arg2[%get3A_2, %get3A_3] : memref<128x128xf32, #tpu.memory_space<vmem>>, vector<128x128xf32>
    %dot_general3A = arith.constant dense<0.000000e+00> : vector<2000x128xf32>
    %dot_general3A_5 = tpu.matmul %get3A_1, %get3A_4, %dot_general3A {dimension_numbers = #tpu.dot_dimension_numbers<[1], [0], [0], [1], [0, 0, 1, 1], [], []>, transpose_lhs_hint = false} : vector<2000x128xf32>, vector<128x128xf32>, vector<2000x128xf32> -> vector<2000x128xf32>
    %get3A_6 = arith.constant 0 : index
    %get3A_7 = arith.constant 0 : index
    %get3A_8 = arith.constant 0 : index
    %get3A_9 = vector.load %arg3[%get3A_6, %get3A_7, %get3A_8] : memref<2x2000x128xf32, #tpu.memory_space<vmem>>, vector<1x2000x1xf32>
    %get3A_10 = vector.shape_cast %get3A_9 : vector<1x2000x1xf32> to vector<2000x1xf32>
    %get3A_11 = arith.constant 1 : index
    %get3A_12 = arith.constant 0 : index
    %get3A_13 = arith.constant 0 : index
    %get3A_14 = vector.load %arg3[%get3A_11, %get3A_12, %get3A_13] : memref<2x2000x128xf32, #tpu.memory_space<vmem>>, vector<1x2000x1xf32>
    %get3A_15 = vector.shape_cast %get3A_14 : vector<1x2000x1xf32> to vector<2000x1xf32>
    %add3A = arith.addf %get3A_10, %get3A_15 : vector<2000x1xf32>
    %max3A = arith.constant 1.000000e+00 : f32
    %max3A_16 = vector.broadcast %max3A : f32 to vector<2000x1xf32>
    %max3A_17 = arith.maximumf %add3A, %max3A_16 : vector<2000x1xf32>
    %rsqrt3A = math.rsqrt %max3A_17 : vector<2000x1xf32>
    %mul3A = vector.broadcast %rsqrt3A : vector<2000x1xf32> to vector<2000x128xf32>
    %mul3A_18 = arith.mulf %dot_general3A_5, %mul3A : vector<2000x128xf32>
    %swap3A = arith.constant 0 : index
    %swap3A_19 = arith.constant 0 : index
    %swap3A_20 = vector.load %arg4[%swap3A, %swap3A_19] : memref<2000x128xf32, #tpu.memory_space<vmem>>, vector<2000x128xf32>
    tpu.vector_store %arg4[%swap3A, %swap3A_19], %mul3A_18 {strides = array<i32>} : memref<2000x128xf32, #tpu.memory_space<vmem>>, vector<2000x128xf32>,
    return
  }
  func.func @transform_0(%arg0: i32) -> (i32, i32) {
    %c0_i32 = arith.constant 0 : i32
    %c0_i32_0 = arith.constant 0 : i32
    return %arg0, %c0_i32 : i32, i32
  }
  func.func @transform_1(%arg0: i32) -> (i32, i32) {
    %c0_i32 = arith.constant 0 : i32
    %c0_i32_0 = arith.constant 0 : i32
    %c0_i32_1 = arith.constant 0 : i32
    return %c0_i32, %c0_i32_0 : i32, i32
  }
  func.func @transform_2(%arg0: i32) -> (i32, i32, i32) {
    %c0_i32 = arith.constant 0 : i32
    %c0_i32_0 = arith.constant 0 : i32
    %c0_i32_1 = arith.constant 0 : i32
    return %c0_i32, %arg0, %c0_i32_0 : i32, i32, i32
  }
  func.func @transform_3(%arg0: i32) -> (i32, i32) {
    %c0_i32 = arith.constant 0 : i32
    %c0_i32_0 = arith.constant 0 : i32
    return %arg0, %c0_i32 : i32, i32
  }
}

module attributes {stable_mosaic.version = 14 : i64} {
  func.func @_tc_mid_body(%arg0: i32, %arg1: memref<2x2000x128xf32, #tpu.memory_space<vmem>>, %arg2: memref<2x2000x128xf32, #tpu.memory_space<vmem>>, %arg3: memref<1x128xf32, #tpu.memory_space<vmem>>, %arg4: memref<128x128xf32, #tpu.memory_space<vmem>>, %arg5: memref<2000x128xf32, #tpu.memory_space<vmem>>) attributes {dimension_semantics = [#tpu.dimension_semantics<arbitrary>], iteration_bounds = array<i64: 5>, scalar_prefetch = 0 : i64, scratch_operands = 0 : i64, tpu.core_type = #tpu.core_type<tc>, window_params = [{transform_indices = @transform_0, window_bounds = array<i64: 2, 2000, 128>}, {transform_indices = @transform_1, window_bounds = array<i64: 2, 2000, 128>}, {pipeline_mode = #tpu.pipeline_mode<synchronous>, transform_indices = @transform_2, window_bounds = array<i64: 1, 128>}, {pipeline_mode = #tpu.pipeline_mode<synchronous>, transform_indices = @transform_3, window_bounds = array<i64: 128, 128>}, {transform_indices = @transform_4, window_bounds = array<i64: 2000, 128>}]} {
    %get3A = arith.constant 0 : index
    %get3A_0 = arith.constant 0 : index
    %get3A_1 = arith.constant 0 : index
    %get3A_2 = vector.load %arg1[%get3A, %get3A_0, %get3A_1] : memref<2x2000x128xf32, #tpu.memory_space<vmem>>, vector<1x2000x128xf32>
    %get3A_3 = vector.shape_cast %get3A_2 : vector<1x2000x128xf32> to vector<2000x128xf32>
    %get3A_4 = arith.constant 1 : index
    %get3A_5 = arith.constant 0 : index
    %get3A_6 = arith.constant 0 : index
    %get3A_7 = vector.load %arg1[%get3A_4, %get3A_5, %get3A_6] : memref<2x2000x128xf32, #tpu.memory_space<vmem>>, vector<1x2000x128xf32>
    %get3A_8 = vector.shape_cast %get3A_7 : vector<1x2000x128xf32> to vector<2000x128xf32>
    %add3A = arith.addf %get3A_3, %get3A_8 : vector<2000x128xf32>
    %get3A_9 = arith.constant 0 : index
    %get3A_10 = arith.constant 0 : index
    %get3A_11 = arith.constant 64 : index
    %get3A_12 = vector.load %arg2[%get3A_9, %get3A_10, %get3A_11] : memref<2x2000x128xf32, #tpu.memory_space<vmem>>, vector<1x2000x1xf32>
    %get3A_13 = vector.shape_cast %get3A_12 : vector<1x2000x1xf32> to vector<2000x1xf32>
    %get3A_14 = arith.constant 1 : index
    %get3A_15 = arith.constant 0 : index
    %get3A_16 = arith.constant 64 : index
    %get3A_17 = vector.load %arg2[%get3A_14, %get3A_15, %get3A_16] : memref<2x2000x128xf32, #tpu.memory_space<vmem>>, vector<1x2000x1xf32>
    %get3A_18 = vector.shape_cast %get3A_17 : vector<1x2000x1xf32> to vector<2000x1xf32>
    %add3A_19 = arith.addf %get3A_13, %get3A_18 : vector<2000x1xf32>
    %max3A = arith.constant 1.000000e+00 : f32
    %max3A_20 = vector.broadcast %max3A : f32 to vector<2000x1xf32>
    %max3A_21 = arith.maximumf %add3A_19, %max3A_20 : vector<2000x1xf32>
    %rsqrt3A = math.rsqrt %max3A_21 : vector<2000x1xf32>
    %mul3A = vector.broadcast %rsqrt3A : vector<2000x1xf32> to vector<2000x128xf32>
    %mul3A_22 = arith.mulf %add3A, %mul3A : vector<2000x128xf32>
    %get3A_23 = arith.constant 0 : index
    %get3A_24 = arith.constant 0 : index
    %get3A_25 = vector.load %arg3[%get3A_23, %get3A_24] : memref<1x128xf32, #tpu.memory_space<vmem>>, vector<1x128xf32>
    %add3A_26 = vector.broadcast %get3A_25 : vector<1x128xf32> to vector<2000x128xf32>
    %add3A_27 = arith.addf %mul3A_22, %add3A_26 : vector<2000x128xf32>
    %max3A_28 = arith.constant 0.000000e+00 : f32
    %max3A_29 = vector.broadcast %max3A_28 : f32 to vector<2000x128xf32>
    %max3A_30 = arith.maximumf %add3A_27, %max3A_29 : vector<2000x128xf32>
    %get3A_31 = arith.constant 0 : index
    %get3A_32 = arith.constant 0 : index
    %get3A_33 = vector.load %arg4[%get3A_31, %get3A_32] : memref<128x128xf32, #tpu.memory_space<vmem>>, vector<128x128xf32>
    %dot_general3A = arith.constant dense<0.000000e+00> : vector<2000x128xf32>
    %dot_general3A_34 = tpu.matmul %max3A_30, %get3A_33, %dot_general3A {dimension_numbers = #tpu.dot_dimension_numbers<[1], [0], [0], [1], [0, 0, 1, 1], [], []>, transpose_lhs_hint = false} : vector<2000x128xf32>, vector<128x128xf32>, vector<2000x128xf32> -> vector<2000x128xf32>
    %get3A_35 = arith.constant 0 : index
    %get3A_36 = arith.constant 0 : index
    %get3A_37 = arith.constant 0 : index
    %get3A_38 = vector.load %arg2[%get3A_35, %get3A_36, %get3A_37] : memref<2x2000x128xf32, #tpu.memory_space<vmem>>, vector<1x2000x1xf32>
    %get3A_39 = vector.shape_cast %get3A_38 : vector<1x2000x1xf32> to vector<2000x1xf32>
    %get3A_40 = arith.constant 1 : index
    %get3A_41 = arith.constant 0 : index
    %get3A_42 = arith.constant 0 : index
    %get3A_43 = vector.load %arg2[%get3A_40, %get3A_41, %get3A_42] : memref<2x2000x128xf32, #tpu.memory_space<vmem>>, vector<1x2000x1xf32>
    %get3A_44 = vector.shape_cast %get3A_43 : vector<1x2000x1xf32> to vector<2000x1xf32>
    %add3A_45 = arith.addf %get3A_39, %get3A_44 : vector<2000x1xf32>
    %max3A_46 = arith.constant 1.000000e+00 : f32
    %max3A_47 = vector.broadcast %max3A_46 : f32 to vector<2000x1xf32>
    %max3A_48 = arith.maximumf %add3A_45, %max3A_47 : vector<2000x1xf32>
    %rsqrt3A_49 = math.rsqrt %max3A_48 : vector<2000x1xf32>
    %mul3A_50 = vector.broadcast %rsqrt3A_49 : vector<2000x1xf32> to vector<2000x128xf32>
    %mul3A_51 = arith.mulf %dot_general3A_34, %mul3A_50 : vector<2000x128xf32>
    %swap3A = arith.constant 0 : index
    %swap3A_52 = arith.constant 0 : index
    %swap3A_53 = vector.load %arg5[%swap3A, %swap3A_52] : memref<2000x128xf32, #tpu.memory_space<vmem>>, vector<2000x128xf32>
    tpu.vector_store %arg5[%swap3A, %swap3A_52], %mul3A_51 {strides = array<i32>} : memref<2000x128xf32, #tpu.memory_space<vmem>>, vector<2000x128xf32>,
    return
  }
  func.func @transform_0(%arg0: i32) -> (i32, i32, i32) {
    %c0_i32 = arith.constant 0 : i32
    %c0_i32_0 = arith.constant 0 : i32
    %c0_i32_1 = arith.constant 0 : i32
    return %c0_i32, %arg0, %c0_i32_0 : i32, i32, i32
  }
  func.func @transform_1(%arg0: i32) -> (i32, i32, i32) {
    %c0_i32 = arith.constant 0 : i32
    %c0_i32_0 = arith.constant 0 : i32
    %c0_i32_1 = arith.constant 0 : i32
    return %c0_i32, %arg0, %c0_i32_0 : i32, i32, i32
  }
  func.func @transform_2(%arg0: i32) -> (i32, i32) {
    %c0_i32 = arith.constant 0 : i32
    %c0_i32_0 = arith.constant 0 : i32
    %c0_i32_1 = arith.constant 0 : i32
    return %c0_i32, %c0_i32_0 : i32, i32
  }
  func.func @transform_3(%arg0: i32) -> (i32, i32) {
    %c0_i32 = arith.constant 0 : i32
    %c0_i32_0 = arith.constant 0 : i32
    %c0_i32_1 = arith.constant 0 : i32
    return %c0_i32, %c0_i32_0 : i32, i32
  }
  func.func @transform_4(%arg0: i32) -> (i32, i32) {
    %c0_i32 = arith.constant 0 : i32
    %c0_i32_0 = arith.constant 0 : i32
    return %arg0, %c0_i32 : i32, i32
  }
}

module attributes {stable_mosaic.version = 14 : i64} {
  func.func @_tc_last_body(%arg0: i32, %arg1: memref<2x2000x128xf32, #tpu.memory_space<vmem>>, %arg2: memref<2x2000x128xf32, #tpu.memory_space<vmem>>, %arg3: memref<1x128xf32, #tpu.memory_space<vmem>>, %arg4: memref<2000x128xf32, #tpu.memory_space<vmem>>) attributes {dimension_semantics = [#tpu.dimension_semantics<arbitrary>], iteration_bounds = array<i64: 5>, scalar_prefetch = 0 : i64, scratch_operands = 0 : i64, tpu.core_type = #tpu.core_type<tc>, window_params = [{transform_indices = @transform_0, window_bounds = array<i64: 2, 2000, 128>}, {transform_indices = @transform_1, window_bounds = array<i64: 2, 2000, 128>}, {pipeline_mode = #tpu.pipeline_mode<synchronous>, transform_indices = @transform_2, window_bounds = array<i64: 1, 128>}, {transform_indices = @transform_3, window_bounds = array<i64: 2000, 128>}]} {
    %get3A = arith.constant 0 : index
    %get3A_0 = arith.constant 0 : index
    %get3A_1 = arith.constant 0 : index
    %get3A_2 = vector.load %arg1[%get3A, %get3A_0, %get3A_1] : memref<2x2000x128xf32, #tpu.memory_space<vmem>>, vector<1x2000x128xf32>
    %get3A_3 = vector.shape_cast %get3A_2 : vector<1x2000x128xf32> to vector<2000x128xf32>
    %get3A_4 = arith.constant 1 : index
    %get3A_5 = arith.constant 0 : index
    %get3A_6 = arith.constant 0 : index
    %get3A_7 = vector.load %arg1[%get3A_4, %get3A_5, %get3A_6] : memref<2x2000x128xf32, #tpu.memory_space<vmem>>, vector<1x2000x128xf32>
    %get3A_8 = vector.shape_cast %get3A_7 : vector<1x2000x128xf32> to vector<2000x128xf32>
    %add3A = arith.addf %get3A_3, %get3A_8 : vector<2000x128xf32>
    %get3A_9 = arith.constant 0 : index
    %get3A_10 = arith.constant 0 : index
    %get3A_11 = arith.constant 64 : index
    %get3A_12 = vector.load %arg2[%get3A_9, %get3A_10, %get3A_11] : memref<2x2000x128xf32, #tpu.memory_space<vmem>>, vector<1x2000x1xf32>
    %get3A_13 = vector.shape_cast %get3A_12 : vector<1x2000x1xf32> to vector<2000x1xf32>
    %get3A_14 = arith.constant 1 : index
    %get3A_15 = arith.constant 0 : index
    %get3A_16 = arith.constant 64 : index
    %get3A_17 = vector.load %arg2[%get3A_14, %get3A_15, %get3A_16] : memref<2x2000x128xf32, #tpu.memory_space<vmem>>, vector<1x2000x1xf32>
    %get3A_18 = vector.shape_cast %get3A_17 : vector<1x2000x1xf32> to vector<2000x1xf32>
    %add3A_19 = arith.addf %get3A_13, %get3A_18 : vector<2000x1xf32>
    %max3A = arith.constant 1.000000e+00 : f32
    %max3A_20 = vector.broadcast %max3A : f32 to vector<2000x1xf32>
    %max3A_21 = arith.maximumf %add3A_19, %max3A_20 : vector<2000x1xf32>
    %rsqrt3A = math.rsqrt %max3A_21 : vector<2000x1xf32>
    %mul3A = vector.broadcast %rsqrt3A : vector<2000x1xf32> to vector<2000x128xf32>
    %mul3A_22 = arith.mulf %add3A, %mul3A : vector<2000x128xf32>
    %get3A_23 = arith.constant 0 : index
    %get3A_24 = arith.constant 0 : index
    %get3A_25 = vector.load %arg3[%get3A_23, %get3A_24] : memref<1x128xf32, #tpu.memory_space<vmem>>, vector<1x128xf32>
    %add3A_26 = vector.broadcast %get3A_25 : vector<1x128xf32> to vector<2000x128xf32>
    %add3A_27 = arith.addf %mul3A_22, %add3A_26 : vector<2000x128xf32>
    %gt3A = arith.constant 0.000000e+00 : f32
    %gt3A_28 = vector.broadcast %gt3A : f32 to vector<2000x128xf32>
    %gt3A_29 = arith.cmpf ogt, %add3A_27, %gt3A_28 : vector<2000x128xf32>
    %min3A = arith.constant 0.000000e+00 : f32
    %min3A_30 = vector.broadcast %min3A : f32 to vector<2000x128xf32>
    %min3A_31 = arith.minimumf %add3A_27, %min3A_30 : vector<2000x128xf32>
    %exp3A = math.exp %min3A_31 : vector<2000x128xf32>
    %sub3A = arith.constant 1.000000e+00 : f32
    %sub3A_32 = vector.broadcast %sub3A : f32 to vector<2000x128xf32>
    %sub3A_33 = arith.subf %exp3A, %sub3A_32 : vector<2000x128xf32>
    %select_n3A = arith.select %gt3A_29, %add3A_27, %sub3A_33 : vector<2000x128xi1>, vector<2000x128xf32>
    %swap3A = arith.constant 0 : index
    %swap3A_34 = arith.constant 0 : index
    %swap3A_35 = vector.load %arg4[%swap3A, %swap3A_34] : memref<2000x128xf32, #tpu.memory_space<vmem>>, vector<2000x128xf32>
    tpu.vector_store %arg4[%swap3A, %swap3A_34], %select_n3A {strides = array<i32>} : memref<2000x128xf32, #tpu.memory_space<vmem>>, vector<2000x128xf32>,
    return
  }
  func.func @transform_0(%arg0: i32) -> (i32, i32, i32) {
    %c0_i32 = arith.constant 0 : i32
    %c0_i32_0 = arith.constant 0 : i32
    %c0_i32_1 = arith.constant 0 : i32
    return %c0_i32, %arg0, %c0_i32_0 : i32, i32, i32
  }
  func.func @transform_1(%arg0: i32) -> (i32, i32, i32) {
    %c0_i32 = arith.constant 0 : i32
    %c0_i32_0 = arith.constant 0 : i32
    %c0_i32_1 = arith.constant 0 : i32
    return %c0_i32, %arg0, %c0_i32_0 : i32, i32, i32
  }
  func.func @transform_2(%arg0: i32) -> (i32, i32) {
    %c0_i32 = arith.constant 0 : i32
    %c0_i32_0 = arith.constant 0 : i32
    %c0_i32_1 = arith.constant 0 : i32
    return %c0_i32, %c0_i32_0 : i32, i32
  }
  func.func @transform_3(%arg0: i32) -> (i32, i32) {
    %c0_i32 = arith.constant 0 : i32
    %c0_i32_0 = arith.constant 0 : i32
    return %arg0, %c0_i32 : i32, i32
  }
}

</mosaic_0001>

<sc_bundles>
// kernel: kernel.10.cloned.1.call-start
scs
__scs_entry_jumppad:
0x0: {  	(pc) =	sbr.rel $0x88, $3  }
0x1: {  	(tag) =	ssettag $0x0;
	lr =	simm.s32 $0x1  }
0x2: {  	[smem:$0x3F99] =	sst lr;
	_ =	strace $0xD0000000  }
0x3: {  	_ = 	snop  }
0x4: {  	_ = 	snop  }
0x5: {  	_ = 	snop  }
0x6: {  	_ = 	snop  }
0x7: {  	_ = 	snop  }
__scs_overlays_trampoline_lowered:
0x8: {  	[smem:$0x3FA8] =	sst s0  }
0x9: {  	[smem:$0x3FA9] =	sst s1  }
0xa: {  	[smem:$0x3FAA] =	sst s2  }
0xb: {  	[smem:$0x3FAB] =	sst s3  }
0xc: {  	[smem:$0x3FAC] =	sst s4  }
0xd: {  	[smem:$0x3FAD] =	sst s5  }
0xe: {  	[smem:$0x3FAE] =	sst s6  }
0xf: {  	[smem:$0x3FAF] =	sst s7  }
0x10: {  	[smem:$0x3FB0] =	sst s8  }
0x11: {  	[smem:$0x3FB1] =	sst s9;
	s0 =	simm.s32 @!p0 $0x0  }
0x12: {  	s1 =	sld [smem:$0x3F97];
	s0 =	simm.s32 @p0 $0x1  }
0x13: {  	[smem:$0x3FB2] =	sst s0;
	s0 =	simm.s32 @!p1 $0x0  }
0x14: {  	s2 =	sld [smem:$0x3F96];
	s0 =	simm.s32 @p1 $0x1  }
0x15: {  	[smem:$0x3FB3] =	sst s0;
	s0 =	simm.s32 @!p2 $0x0  }
0x16: {  	s3 =	sld [smem:$0x3FDB];
	s0 =	simm.s32 @p2 $0x1  }
0x17: {  	s4 =	simm.s32 $0x1BF5;
	[smem:$0x3FB5] =	sst s0  }
0x18: {  	s0 =	sld [smem:$0x3F98];
	_ =	swait.ge [sflag:s4], $0x0  }
0x19: {  	s7 =	sld [smem:$0x3F99]  }
0x1a: {  	s8 =	sadd.s32 $0xFFFFE003, lr  }
0x1b: {  	s9 =	sadd.s32 $0xFFFFFEF7, lr;
	s5 =	simm.s32 $0xFFFFFFFF;
	p2 =	slt.u32 s8, $0xFFFFF086  }
0x1c: {  	p1 =	slt.u32 s9, $0xF7A;
	s5 =	simm.s32 @!p2 $0x0  }
0x1d: {  	s5 =	simm.s32 @p1 $0x1;
	p0 =	seq.s32 s7, s2  }
0x1e: {  	s7 =	smul.u32 @!p0 $0xF7A, s2;
	p2 =	seq.s32 @!p0 s5, $0x0  }
0x1f: {  	s9 =	smul.u32 $0xF7A, s1;
	s8 =	simm.s32 @!p0 $0x1BF5;
	p2 =	por !p2, p0  }
0x20: {  	[sflag:s8] =	ssyncset.s32 @!p0 $0xFFFFF086;
	s6 =	sadd.s32 @!p0 s3, s7;
	s7 =	simm.s32 @!p0 $0x108  }
0x21: {  	s3 =	sadd.s32 s3, s9;
	s6 =	sadd.s32 @!p0 $0x88, s6;
	s7 =	simm.s32 @p2 $0x1082  }
0x22: {  	[simem:s7], [sflag:s8] =	dma.local @!p0 [hbm:s6], $0xF7A  }
0x23: {  	s9 =	sor.u32 $0xD0000000, s2;
	s6 =	simm.s32 $0x108;
	_ =	swait.ge @!p0 [sflag:s8], $0x0  }
0x24: {  	s3 =	sadd.s32 $0x88, s3;
	s6 =	simm.s32 @!p1 $0x1082;
	[sflag:s4] =	ssyncset.s32 $0xFFFFF086  }
0x25: {  	[simem:s6], [sflag:s4] =	dma.local [hbm:s3], $0xF7A  }
0x26: {  	[smem:$0x3F99] =	sst s1;
	(tag) =	ssettag s2;
	_ =	strace s9  }
0x27: {  	s1 =	sld [smem:$0x3FA9]  }
0x28: {  	s2 =	sld [smem:$0x3FAA]  }
0x29: {  	s4 =	sld [smem:$0x3FAC]  }
0x2a: {  	p0 =	seq.s32 s5, $0x0;
	s5 =	sld [smem:$0x3FAD]  }
0x2b: {  	s6 =	sld [smem:$0x3FAE]  }
0x2c: {  	s7 =	sld [smem:$0x3FAF]  }
0x2d: {  	s3 =	simm.s32 $0x108;
	s8 =	sld [smem:$0x3FB0]  }
0x2e: {  	s3 =	simm.s32 @!p0 $0x1082;
	s9 =	sld [smem:$0x3FB1]  }
0x2f: {  	lr =	sadd.s32 s0, s3;
	s0 =	sld [smem:$0x3FA8]  }
0x30: {  	s3 =	sld [smem:$0x3FAB]  }
0x31: {  	[smem:$0x3FB4] =	sst s10  }
0x32: {  	s10 =	sld [smem:$0x3FB2];
	_ =	sdelay $0x3  }
0x33: {  	p0 =	seq.s32 s10, $0x1;
	s10 =	sld [smem:$0x3FB4];
	_ =	sdelay $0x3  }
0x34: {  	[smem:$0x3FB4] =	sst s10  }
0x35: {  	s10 =	sld [smem:$0x3FB3];
	_ =	sdelay $0x3  }
0x36: {  	p1 =	seq.s32 s10, $0x1;
	s10 =	sld [smem:$0x3FB4];
	_ =	sdelay $0x3  }
0x37: {  	[smem:$0x3FB4] =	sst s10  }
0x38: {  	s10 =	sld [smem:$0x3FB5]  }
0x39: {  	_ = 	snop;
	(pc) =	sbr.ind lr, $3  }
0x3a: {  	_ = 	snop  }
0x3b: {  	_ = 	snop  }
0x3c: {  	p2 =	seq.s32 s10, $0x1;
	s10 =	sld [smem:$0x3FB4]  }
0x3d: {  	_ =	shalt  }
0x3e: {  	_ =	shalt  }
0x3f: {  	_ =	shalt  }
0x40: {  	_ =	shalt  }
0x41: {  	_ =	shalt  }
0x42: {  	_ =	shalt  }
0x43: {  	_ =	shalt  }
0x44: {  	_ =	shalt  }
0x45: {  	_ =	shalt  }
0x46: {  	_ =	shalt  }
0x47: {  	_ =	shalt  }
0x48: {  	_ =	shalt  }
0x49: {  	_ =	shalt  }
0x4a: {  	_ =	shalt  }
0x4b: {  	_ =	shalt  }
0x4c: {  	_ =	shalt  }
0x4d: {  	_ =	shalt  }
0x4e: {  	_ =	shalt  }
0x4f: {  	_ =	shalt  }
0x50: {  	_ =	shalt  }
0x51: {  	_ =	shalt  }
0x52: {  	_ =	shalt  }
0x53: {  	_ =	shalt  }
0x54: {  	_ =	shalt  }
0x55: {  	_ =	shalt  }
0x56: {  	_ =	shalt  }
0x57: {  	_ =	shalt  }
0x58: {  	_ =	shalt  }
0x59: {  	_ =	shalt  }
0x5a: {  	_ =	shalt  }
0x5b: {  	_ =	shalt  }
0x5c: {  	_ =	shalt  }
0x5d: {  	_ =	shalt  }
0x5e: {  	_ =	shalt  }
0x5f: {  	_ =	shalt  }
0x60: {  	_ =	shalt  }
0x61: {  	_ =	shalt  }
0x62: {  	_ =	shalt  }
0x63: {  	_ =	shalt  }
0x64: {  	_ =	shalt  }
0x65: {  	_ =	shalt  }
0x66: {  	_ =	shalt  }
0x67: {  	_ =	shalt  }
0x68: {  	_ =	shalt  }
0x69: {  	_ =	shalt  }
0x6a: {  	_ =	shalt  }
0x6b: {  	_ =	shalt  }
0x6c: {  	_ =	shalt  }
0x6d: {  	_ =	shalt  }
0x6e: {  	_ =	shalt  }
0x6f: {  	_ =	shalt  }
0x70: {  	_ =	shalt  }
0x71: {  	_ =	shalt  }
0x72: {  	_ =	shalt  }
0x73: {  	_ =	shalt  }
0x74: {  	_ =	shalt  }
0x75: {  	_ =	shalt  }
0x76: {  	_ =	shalt  }
0x77: {  	_ =	shalt  }
0x78: {  	_ =	shalt  }
0x79: {  	_ =	shalt  }
0x7a: {  	_ =	shalt  }
0x7b: {  	_ =	shalt  }
0x7c: {  	_ =	shalt  }
0x7d: {  	_ =	shalt  }
0x7e: {  	_ =	shalt  }
0x7f: {  	_ =	shalt  }
0x80: {  	_ =	shalt  }
0x81: {  	_ =	shalt  }
0x82: {  	_ =	shalt  }
0x83: {  	_ =	shalt  }
0x84: {  	_ =	shalt  }
0x85: {  	_ =	shalt  }
0x86: {  	_ =	shalt  }
0x87: {  	_ =	shalt  }
.Lfunc_end0:
.L_simem_size_0:
called_computation_lowered:
.L_overlay_start_0:
0x88: {  	s2 =	sld [smem:$0x3FD9]  }
0x89: {  	s3 =	sld [smem:$0x3FFE];
	_ =	sdelay $0x1  }
0x8a: {  	s1 =	srdreg.scid  }
0x8b: {  	s0 =	sand.u32 $0x1, s1  }
0x8c: {  	s17 =	sshll.u32 s0, $0xA;
	s2 =	sadd.s32 s3, s2  }
0x8d: {  	s2 =	sadd.s32 s2, s17  }
0x8e: {  	[smem:$0x3FC0] =	sst s2  }
0x8f: {  	_ = 	snop  }
0x90: {  	s2 =	sld [smem:$0x3FD0];
	(tm) =	ssettm $0x1  }
0x91: {  	s18 =	sld [smem:$0x3FFB];
	_ =	sdelay $0x3  }
0x92: {  	_ =	strace s18  }
0x93: {  	s3 =	sld [smem:$0x3FFC];
	_ =	sdelay $0x3  }
0x94: {  	_ =	strace s3  }
0x95: {  	s3 =	sld [smem:$0x3FFD];
	_ =	sdelay $0x3  }
0x96: {  	_ =	strace s3  }
0x97: {  	_ =	strace $0x8FFFFFFF  }
0x98: {  	s19 =	sld [smem:$0x3FDB];
	_ =	sdelay $0x1  }
0x99: {  	s4 =	simm.s32 $_scs_section_size  }
0x9a: {  	s5 =	simm.s32 $_size__tile_overlayer_lowered;
	s6 =	simm.s32 $_tile_overlayer_lowered  }
0x9b: {  	s22 =	simm.s32 $0x1BFF;
	s21 =	sshll.u32 s6, $0x1;
	s3 =	sadd.s32 s4, s19  }
0x9c: {  	s7 =	simm.s32 $0x0;
	s20 =	sshll.u32 s5, $0x1;
	s5 =	sadd.s32 s21, s3  }
0x9d: {  	[timem:s7], [sflag:s22] =	dma.local [hbm:s5], s20  }
0x9e: {  	_ =	swait.ge [sflag:s22], s20  }
0x9f: {  	s4 =	ssub.s32 $0x0, s20;
	[sflag:s22] =	ssyncset.done $0x0  }
0xa0: {  	[sflag:s22] =	ssyncadd.s32 s4;
	_ =	sdelay $0x1  }
0xa1: {  	s23 =	simm.s32 $0x1B8B  }
0xa2: {  	_ =	swait.ge [sflag:s23], $0x1  }
0xa3: {  	[sflag:s23] =	ssyncset.done $0x0  }
0xa4: {  	s25 =	simm.s32 $0x1B8E;
	s24 =	sld [smem:$0x3FFE];
	[sflag:s23] =	ssyncadd.s32 $0xFFFFFFFF  }
0xa5: {  	s26 =	simm.s32 $execute0_lowered;
	[smem:$0x3FD2] =	sst s25  }
0xa6: {  	s5 =	sshll.u32 s26, $0x1;
	_ =	strace $0x80000046;
	[dreg:$0x1] =	wrdreg $0xFFFFFFFF  }
0xa7: {  	s28 =	simm.s32 $_size_execute0_lowered;
	s3 =	sadd.s32 s3, s5;
	[dreg:$0x0] =	wrdreg $0x0  }
0xa8: {  	s5 =	sshll.u32 s28, $0x1;
	[dreg:$0x2] =	wrdreg s3  }
0xa9: {  	[dreg:$0x3] =	wrdreg s5  }
0xaa: {  	[dreg:$0x4] =	wrdreg $0xC0  }
0xab: {  	_ =	task [dreg:s7], $0x5FFFF  }
0xac: {  	[dreg:$0x1] =	wrdreg $0xFFFFFFFF  }
0xad: {  	[dreg:$0x0] =	wrdreg $0x60  }
0xae: {  	[dreg:$0x2] =	wrdreg s24  }
0xaf: {  	[dreg:$0x3] =	wrdreg s2  }
0xb0: {  	[dreg:$0x4] =	wrdreg $0x84000  }
0xb1: {  	[dreg:$0x5] =	wrdreg $0x9  }
0xb2: {  	_ =	task.clear_ibuf [dreg:s7], $0x6FFFF;
	_ =	strace $0x90000046  }
0xb3: {  	s29 =	simm.s32 $0x9;
	_ =	strace $0x80000048  }
0xb4: {  	_ =	swait.ge [sflag:s29], $0x1  }
0xb5: {  	[sflag:s29] =	ssyncadd.s32 $0xFFFFFFFF  }
0xb6: {  	_ =	strace $0x90000048  }
0xb7: {  	_ =	sfence  }
0xb8: {  	s30 =	sld [smem:$0x0];
	_ =	sdelay $0x2  }
0xb9: {  	s31 =	sshll.u32 s1, $0xD;
	s1 =	sshrl.u32 s1, $0x2  }
0xba: {  	s3 =	sand.u32 $0x4000, s31;
	s1 =	sadd.s32 s1, s30  }
0xbb: {  	s0 =	sor.u32 s3, s0;
	s1 =	sshll.u32 s1, $0x11  }
0xbc: {  	s0 =	sor.u32 s1, s0  }
0xbd: {  	s0 =	sadd.s32 $0x8F2B, s0  }
0xbe: {  	[sflag:s0] =	ssyncadd.remote.s32 $0x1  }
0xbf: {  	_ =	sfence.sel $0xFFFF  }
0xc0: {  	[dreg:$0x0] =	wrdreg $0xFFFFFFFF;
	(pc) =	sbr.abs _section_cstart, $3  }
0xc1: {  	[dreg:$0x1] =	wrdreg $0xFFFFFFFF  }
0xc2: {  	_ =	task.clear_ibuf [dreg:s7], $0x2FFFF;
	_ =	strace $0x9FFFFFFF  }
0xc3: {  	(tm) =	ssettm $0x7FFFFFFF  }
tec
execute0_lowered:
.L_overlay_start_1:
0x0: {  	(tag) =	ssettag $0x1  }
0x1: {  	s0 =	rddreg [dreg:$0x0]  }
0x2: {  	s2 =	rddreg [dreg:$0x2];
	s3 =	simm.s32 $0x0  }
0x3: {  	s1 =	srdreg.scid;
	s10 =	stileid.u32;
	s18 =	simm.s32 $0x400  }
0x4: {  	s30 =	simm.s32 $0x0;
	[smem:$0x7FF] =	sst s3;
	s1 =	sand.u32 $0x1, s1  }
0x5: {  	s4 =	sadd.s32 $0xD400, s0;
	s6 =	sadd.s32 $0x3600, s0;
	s7 =	sadd.s32 $0x17200, s0  }
0x6: {  	s20 =	smul.u32 $0x4F000, s10;
	s8 =	sadd.s32 $0x17A00, s0;
	s24 =	sadd.s32 $0x128400, s2  }
0x7: {  	s31 =	sshll.u32 s10, $0x4;
	_ =	strace $0x80000047;
	[dreg:$0x6] =	wrdreg s7  }
0x8: {  	s5 =	smul.u32 $0x27100, s1;
	[dreg:$0x7] =	wrdreg s8;
	s21 =	ssub.s32 $0x2, s1  }
0x9: {  	s9 =	sshll.u32 s1, $0x4;
	s8 =	simm.s32 $0x4F;
	[dreg:$0x9] =	wrdreg s24  }
0xa: {  	s1 =	sshll.u32 s1, $0x8;
	s24 =	simm.s32 $0x1;
	s22 =	sshrl.u32 s21, $0x1  }
0xb: {  	s7 =	sshrl.u32 s20, $0x2;
	s9 =	sor.u32 s10, s9;
	s20 =	simm.s32 $0x4400  }
0xc: {  	s0 =	sadd.s32 s5, s0;
	s5 =	ssub.s32 s21, s22;
	s7 =	sadd.s32 s7, s2  }
0xd: {  	p0 =	slt.u32 s9, $0x4;
	s23 =	sshll.u32 s9, $0x4;
	s21 =	simm.s32 $0x200  }
0xe: {  	s22 =	simm.s32 $0x80;
	[dreg:$0x8] =	wrdreg s7;
	s25 =	sadd.s32 s4, s23  }
0xf: {  	s8 =	simm.s32 @!p0 $0x4E;
	s26 =	sadd.s32 s6, s23;
	[dreg:$0xa] =	wrdreg s25  }
0x10: {  	s7 =	sor.u32 $0x200, s23;
	s5 =	smax.u32 s5, $0x1;
	[dreg:$0xb] =	wrdreg s26  }
0x11: {  	p0 =	seq.s32 s10, $0xF;
	s11 =	sadd.s32 s4, s7;
	[dreg:$0xf] =	wrdreg s5  }
0x12: {  	s23 =	simm.s32 $0x280;
	s28 =	sadd.s32 $0xFFFFFFFE, s8;
	[dreg:$0xc] =	wrdreg s11  }
0x13: {  	s29 =	sadd.s32 $0xFFFFFFFD, s8;
	s7 =	sadd.s32 s6, s7;
	[dreg:$0x4] =	wrdreg s28  }
0x14: {  	[dreg:$0xd] =	wrdreg s7;
	s7 =	sadd.s32 $0x1A200, s0;
	s0 =	smul.u32 $0x2780, s10  }
0x15: {  	s4 =	sadd.s32 s1, s4;
	s1 =	sadd.s32 s1, s6;
	[dreg:$0x5] =	wrdreg s29  }
0x16: {  	s26 =	simm.s32 $0x2;
	[dreg:$0xe] =	wrdreg s7;
	s0 =	sadd.s32 @!p0 s0, s7  }
0x17: {  	s16 =	sadd.s32 s31, s4;
	s17 =	sadd.s32 s31, s1;
	[dreg:$0x10] =	wrdreg s0  }
.LBB2_1:
0x18: {  	s0 =	rddreg [dreg:$0x1];
	s1 =	simm.s32 $0x7  }
0x19: {  	[tilespmem:s18], [sflag:$0x7] =	stream.linear.gather [hbm4b:s0+s3], $0x4000, $0x38;
	[tilespmem:$0x1BC80] =	vst v63  }
0x1a: {  	_ =	swait.ge [sflag:s1], $0x4000  }
0x1b: {  	[sflag:s1] =	ssyncset.done $0x0  }
0x1c: {  	s15 =	rddreg [dreg:$0x6];
	[sflag:s1] =	ssyncadd.s32 $0xFFFFC000  }
0x1d: {  	[tilespmem:s20], [sflag:$0x7] =	stream.linear.gather [hbm4b:s15+s3], $0x4000, $0x38;
	[tilespmem:$0x1BC80] =	vst v63  }
0x1e: {  	_ =	swait.ge [sflag:s1], $0x4000  }
0x1f: {  	[sflag:s1] =	ssyncset.done $0x0;
	s0 =	rddreg [dreg:$0x9]  }
0x20: {  	s4 =	rddreg [dreg:$0x7];
	[sflag:s1] =	ssyncadd.s32 $0xFFFFC000;
	s1 =	sshrl.u32 @p0 s0, $0x3  }
0x21: {  	s0 =	simm.s32 @p0 $0x1FC7;
	[dreg:$0x11] =	wrdreg s1  }
0x22: {  	[spmem:s1], [sflag:s0] =	dma.local @p0 [hbm:s4], $0x2080  }
0x23: {  	s0 =	simm.s32 @p0 $0x7  }
0x24: {  	s1 =	stileid.u32;
	_ =	swait.ge @p0 [sflag:s0], $0x2080  }
0x25: {  	s1 =	sshll.u32 @!p0 s1, $0x6;
	[sflag:s0] =	ssyncset.done @p0 $0x0  }
0x26: {  	s5 =	sor.u32 @!p0 $0x1C07, s1;
	[sflag:s0] =	ssyncadd.s32 @p0 $0xFFFFDF80;
	s0 =	rddreg [dreg:$0x8]  }
0x27: {  	[dreg:$0x12] =	wrdreg s5;
	s1 =	sshrl.u32 @!p0 s0, $0x3  }
0x28: {  	[spmem:s1], [sflag:s5] =	dma.local @!p0 [hbm:s4], $0x2780  }
0x29: {  	s4 =	simm.s32 @!p0 $0x7  }
0x2a: {  	_ =	swait.ge @!p0 [sflag:s4], $0x2780  }
0x2b: {  	[sflag:s4] =	ssyncset.done @!p0 $0x0  }
0x2c: {  	[sflag:s4] =	ssyncadd.s32 @!p0 $0xFFFFD880  }
0x2d: {  	[bflag:$0x0] =	sbarrier.arrive $0xFFFF  }
0x2e: {  	s19 =	rddreg [dreg:$0xa]  }
0x2f: {  	[tilespmem:s3], [sflag:$0x1] =	stream.linear.gather [hbm4b:s19+s3], $0x80, $0x38;
	[tilespmem:$0x1BC80] =	vst v63  }
0x30: {  	s25 =	rddreg [dreg:$0xb]  }
0x31: {  	[tilespmem:s21], [sflag:$0x1] =	stream.linear.gather [hbm4b:s25+s3], $0x80, $0x38;
	[tilespmem:$0x1BC80] =	vst v63  }
0x32: {  	p1 =	por $0x1, $0x1;
	s29 =	rddreg [dreg:$0xc]  }
0x33: {  	[tilespmem:s22], [sflag:$0x2] =	stream.linear.gather [hbm4b:s29+s3], $0x80, $0x38;
	[tilespmem:$0x1BC80] =	vst v63  }
0x34: {  	s4 =	simm.s32 @!p1 $0x5;
	s31 =	rddreg [dreg:$0xd]  }
0x35: {  	[tilespmem:s23], [sflag:$0x2] =	stream.linear.gather [hbm4b:s31+s3], $0x80, $0x38;
	[tilespmem:$0x1BC80] =	vst v63  }
0x36: {  	_ =	swait.ge @!p1 [sflag:s4], $0x4000  }
0x37: {  	[sflag:s4] =	ssyncset.done @!p1 $0x0  }
0x38: {  	p2 =	sle.u32 s8, $0x2;
	[sflag:s4] =	ssyncadd.s32 @!p1 $0xFFFFC000  }
0x39: {  	s6 =	simm.s32 @!p2 $0x0;
	_ =	swait.ge @!p1 [sflag:s4], $0x4000  }
0x3a: {  	s7 =	simm.s32 @!p2 $0x100;
	s5 =	sadd.s32 @!p2 $0x0, s16;
	[sflag:s4] =	ssyncset.done @!p1 $0x0  }
0x3b: {  	s9 =	sadd.s32 @!p2 $0x0, s17;
	s5 =	sadd.s32 @!p2 $0x400, s5;
	[sflag:s4] =	ssyncadd.s32 @!p1 $0xFFFFC000  }
0x3c: {  	[tilespmem:s7], [sflag:$0x3] =	stream.linear.gather @!p2 [hbm4b:s5+s6], $0x80, $0x38;
	[tilespmem:$0x1BC80] =	vst v63  }
0x3d: {  	s4 =	sadd.s32 @!p2 $0x400, s9;
	s5 =	simm.s32 @!p2 $0x300  }
0x3e: {  	[tilespmem:s5], [sflag:$0x3] =	stream.linear.gather @!p2 [hbm4b:s4+s6], $0x80, $0x38;
	[tilespmem:$0x1BC80] =	vst v63  }
0x3f: {  	_ =	swait.ge [sflag:s24], $0x80  }
0x40: {  	[sflag:s24] =	ssyncset.done $0x0  }
0x41: {  	[sflag:s24] =	ssyncadd.s32 $0xFFFFFF80  }
0x42: {  	_ =	swait.ge [sflag:s24], $0x80  }
0x43: {  	[sflag:s24] =	ssyncset.done $0x0  }
0x44: {  	s12 =	simm.s32 $0x1000;
	[sflag:s24] =	ssyncadd.s32 $0xFFFFFF80  }
0x45: {  	[spmem:s2] =	stream.indirect.scatter.add.f32 [tilespmem:s18], [sflag:$0x5], $0x80, s3, s22, $0xb8;
	[tilespmem:$0x1BC80] =	vst v63  }
0x46: {  	p3 =	sle.u32 s8, $0x3;
	s13 =	simm.s32 $0xD;
	s10 =	simm.s32 @!p1 $0x6  }
0x47: {  	[spmem:s2] =	stream.indirect.scatter.add.f32 [tilespmem:s20], [sflag:$0x5], $0x80, s21, s22, $0xb8;
	[tilespmem:$0x1BC80] =	vst v63  }
0x48: {  	s11 =	simm.s32 $0x5;
	s28 =	sadd.s32 @!p3 $0x0, s17;
	_ =	swait.ge @!p1 [sflag:s10], $0x4000  }
0x49: {  	s19 =	simm.s32 @!p3 $0x180;
	s25 =	simm.s32 @!p3 $0x0;
	[sflag:s10] =	ssyncset.done @!p1 $0x0  }
0x4a: {  	s9 =	simm.s32 $0x6;
	s7 =	simm.s32 $0x7;
	[sflag:s10] =	ssyncadd.s32 @!p1 $0xFFFFC000  }
0x4b: {  	s4 =	simm.s32 $0x800;
	s6 =	sadd.s32 @!p3 $0x0, s16;
	_ =	swait.ge @!p1 [sflag:s10], $0x4000  }
0x4c: {  	s5 =	simm.s32 $0x9;
	s14 =	sadd.s32 @!p3 $0x600, s6;
	[sflag:s10] =	ssyncset.done @!p1 $0x0  }
0x4d: {  	s6 =	simm.s32 @!p3 $0x380;
	[sflag:s10] =	ssyncadd.s32 @!p1 $0xFFFFC000;
	s10 =	simm.s32 $0x0  }
.LBB2_2:
0x4e: {  	[tilespmem:s19], [sflag:$0x4] =	stream.linear.gather @!p3 [hbm4b:s14+s25], $0x80, $0x38;
	[tilespmem:$0x1BC80] =	vst v63  }
0x4f: {  	s19 =	sadd.s32 @!p3 $0x600, s28  }
0x50: {  	[tilespmem:s6], [sflag:$0x4] =	stream.linear.gather @!p3 [hbm4b:s19+s25], $0x80, $0x38;
	[tilespmem:$0x1BC80] =	vst v63  }
0x51: {  	_ =	swait.ge [sflag:s26], $0x80  }
0x52: {  	[sflag:s26] =	ssyncset.done $0x0  }
0x53: {  	[sflag:s26] =	ssyncadd.s32 $0xFFFFFF80  }
0x54: {  	_ =	swait.ge [sflag:s26], $0x80  }
0x55: {  	s19 =	sadd.s32 $0xFFFFFFFB, s11;
	[sflag:s26] =	ssyncset.done $0x0;
	s31 =	rddreg [dreg:$0x4]  }
0x56: {  	[sflag:s26] =	ssyncadd.s32 $0xFFFFFF80;
	p2 =	sge.u32 s19, s31  }
0x57: {  	[spmem:s2] =	stream.indirect.scatter.add.f32 [tilespmem:s18], [sflag:$0x6], $0x80, s22, s22, $0xb8;
	[tilespmem:$0x1BC80] =	vst v63  }
0x58: {  	s6 =	simm.s32 @!p2 $0x5  }
0x59: {  	[spmem:s2] =	stream.indirect.scatter.add.f32 [tilespmem:s20], [sflag:$0x6], $0x80, s23, s22, $0xb8;
	[tilespmem:$0x1BC80] =	vst v63  }
0x5a: {  	_ =	swait.ge @!p2 [sflag:s6], $0x4000  }
0x5b: {  	s28 =	sadd.s32 @!p2 $0xFFFFFFFF, s11;
	[sflag:s6] =	ssyncset.done @!p2 $0x0  }
0x5c: {  	p3 =	sge.u32 @!p2 s28, s8;
	[sflag:s6] =	ssyncadd.s32 @!p2 $0xFFFFC000  }
0x5d: {  	p3 =	por p3, p2;
	_ =	swait.ge @!p2 [sflag:s6], $0x4000  }
0x5e: {  	s28 =	sadd.s32 @!p3 s10, s16;
	s29 =	sadd.s32 @!p3 s10, s17;
	[sflag:s6] =	ssyncset.done @!p2 $0x0  }
0x5f: {  	s31 =	simm.s32 @!p3 $0x0;
	s28 =	sadd.s32 @!p3 $0x800, s28;
	[sflag:s6] =	ssyncadd.s32 @!p2 $0xFFFFC000  }
0x60: {  	[tilespmem:s31], [sflag:$0x1] =	stream.linear.gather @!p3 [hbm4b:s28+s31], $0x80, $0x38;
	[tilespmem:$0x1BC80] =	vst v63  }
0x61: {  	s6 =	sadd.s32 @!p3 $0x800, s29;
	s29 =	simm.s32 @!p3 $0x200;
	s28 =	simm.s32 @!p2 $0x3  }
0x62: {  	[tilespmem:s29], [sflag:$0x1] =	stream.linear.gather @!p3 [hbm4b:s6+s31], $0x80, $0x38;
	[tilespmem:$0x1BC80] =	vst v63  }
0x63: {  	_ =	swait.ge @!p2 [sflag:s28], $0x80  }
0x64: {  	[sflag:s28] =	ssyncset.done @!p2 $0x0  }
0x65: {  	[sflag:s28] =	ssyncadd.s32 @!p2 $0xFFFFFF80  }
0x66: {  	_ =	swait.ge @!p2 [sflag:s28], $0x80  }
0x67: {  	s6 =	simm.s32 @!p2 $0x400;
	s29 =	simm.s32 @!p2 $0x100;
	[sflag:s28] =	ssyncset.done @!p2 $0x0  }
0x68: {  	s0 =	rddreg [dreg:$0x5];
	[sflag:s28] =	ssyncadd.s32 @!p2 $0xFFFFFF80;
	s28 =	simm.s32 @!p2 $0x80  }
0x69: {  	[spmem:s2] =	stream.indirect.scatter.add.f32 @!p2 [tilespmem:s6], [sflag:$0x5], $0x80, s29, s28, $0xb8;
	[tilespmem:$0x1BC80] =	vst v63  }
0x6a: {  	p3 =	sge.u32 s19, s0;
	s6 =	simm.s32 @!p2 $0x300;
	s29 =	simm.s32 @!p2 $0x4400  }
0x6b: {  	[spmem:s2] =	stream.indirect.scatter.add.f32 @!p2 [tilespmem:s29], [sflag:$0x5], $0x80, s6, s28, $0xb8;
	[tilespmem:$0x1BC80] =	vst v63  }
0x6c: {  	s6 =	simm.s32 @!p3 $0x6  }
0x6d: {  	_ =	swait.ge @!p3 [sflag:s6], $0x4000  }
0x6e: {  	p2 =	sge.u32 @!p3 s11, s8;
	[sflag:s6] =	ssyncset.done @!p3 $0x0  }
0x6f: {  	p2 =	por p2, p3;
	[sflag:s6] =	ssyncadd.s32 @!p3 $0xFFFFC000  }
0x70: {  	s19 =	sadd.s32 @!p2 s10, s16;
	_ =	swait.ge @!p3 [sflag:s6], $0x4000  }
0x71: {  	s28 =	simm.s32 @!p2 $0x0;
	s29 =	simm.s32 @!p2 $0x80;
	[sflag:s6] =	ssyncset.done @!p3 $0x0  }
0x72: {  	s10 =	sadd.s32 @!p2 s10, s17;
	s19 =	sadd.s32 @!p2 $0xA00, s19;
	[sflag:s6] =	ssyncadd.s32 @!p3 $0xFFFFC000  }
0x73: {  	[tilespmem:s29], [sflag:$0x2] =	stream.linear.gather @!p2 [hbm4b:s19+s28], $0x80, $0x38;
	[tilespmem:$0x1BC80] =	vst v63  }
0x74: {  	s31 =	simm.s32 @!p3 $0x4;
	s0 =	simm.s32 @!p2 $0x280;
	s6 =	sadd.s32 @!p2 $0xA00, s10  }
0x75: {  	[tilespmem:s0], [sflag:$0x2] =	stream.linear.gather @!p2 [hbm4b:s6+s28], $0x80, $0x38;
	[tilespmem:$0x1BC80] =	vst v63  }
0x76: {  	_ =	swait.ge @!p3 [sflag:s31], $0x80  }
0x77: {  	[sflag:s31] =	ssyncset.done @!p3 $0x0  }
0x78: {  	s25 =	smov.u32 s12;
	[sflag:s31] =	ssyncadd.s32 @!p3 $0xFFFFFF80  }
0x79: {  	s10 =	smov.u32 s4;
	s4 =	smov.u32 s25;
	_ =	swait.ge @!p3 [sflag:s31], $0x80  }
0x7a: {  	s25 =	simm.s32 @!p3 $0x80;
	p2 =	seq.s32 s10, $0x0;
	[sflag:s31] =	ssyncset.done @!p3 $0x0  }
0x7b: {  	s0 =	simm.s32 @!p3 $0x180;
	s6 =	simm.s32 @!p3 $0x400;
	[sflag:s31] =	ssyncadd.s32 @!p3 $0xFFFFFF80  }
0x7c: {  	[spmem:s2] =	stream.indirect.scatter.add.f32 @!p3 [tilespmem:s6], [sflag:$0x6], $0x80, s0, s25, $0xb8;
	[tilespmem:$0x1BC80] =	vst v63  }
0x7d: {  	s29 =	simm.s32 @!p3 $0x4400;
	s28 =	simm.s32 @!p3 $0x380;
	s19 =	simm.s32 @!p2 $0x5  }
0x7e: {  	[spmem:s2] =	stream.indirect.scatter.add.f32 @!p3 [tilespmem:s29], [sflag:$0x6], $0x80, s28, s25, $0xb8;
	[tilespmem:$0x1BC80] =	vst v63  }
0x7f: {  	_ =	swait.ge @!p2 [sflag:s19], $0x4000  }
0x80: {  	[sflag:s19] =	ssyncset.done @!p2 $0x0  }
0x81: {  	s14 =	sadd.s32 $0xFFFFFFFD, s13;
	p4 =	sge.u32 s9, s8;
	[sflag:s19] =	ssyncadd.s32 @!p2 $0xFFFFC000  }
0x82: {  	s9 =	smov.u32 s14;
	s14 =	simm.s32 @!p4 $0x100;
	_ =	swait.ge @!p2 [sflag:s19], $0x4000  }
0x83: {  	s0 =	sadd.s32 @!p4 s10, s16;
	s6 =	simm.s32 @!p4 $0x0;
	[sflag:s19] =	ssyncset.done @!p2 $0x0  }
0x84: {  	s0 =	sadd.s32 @!p4 $0x400, s0;
	s25 =	sadd.s32 @!p4 s10, s17;
	[sflag:s19] =	ssyncadd.s32 @!p2 $0xFFFFC000  }
0x85: {  	[tilespmem:s14], [sflag:$0x3] =	stream.linear.gather @!p4 [hbm4b:s0+s6], $0x80, $0x38;
	[tilespmem:$0x1BC80] =	vst v63  }
0x86: {  	s25 =	sadd.s32 @!p4 $0x400, s25;
	s19 =	simm.s32 @!p4 $0x300  }
0x87: {  	[tilespmem:s19], [sflag:$0x3] =	stream.linear.gather @!p4 [hbm4b:s25+s6], $0x80, $0x38;
	[tilespmem:$0x1BC80] =	vst v63  }
0x88: {  	_ =	swait.ge [sflag:s24], $0x80  }
0x89: {  	[sflag:s24] =	ssyncset.done $0x0  }
0x8a: {  	[sflag:s24] =	ssyncadd.s32 $0xFFFFFF80  }
0x8b: {  	_ =	swait.ge [sflag:s24], $0x80  }
0x8c: {  	[sflag:s24] =	ssyncset.done $0x0  }
0x8d: {  	s12 =	sadd.s32 $0x800, s12;
	[sflag:s24] =	ssyncadd.s32 $0xFFFFFF80  }
0x8e: {  	[spmem:s2] =	stream.indirect.scatter.add.f32 [tilespmem:s18], [sflag:$0x5], $0x80, s3, s22, $0xb8;
	[tilespmem:$0x1BC80] =	vst v63  }
0x8f: {  	s15 =	sadd.s32 $0xFFFFFFFE, s13;
	p1 =	sne.s32 s12, $0xA000;
	s0 =	simm.s32 @!p2 $0x6  }
0x90: {  	[spmem:s2] =	stream.indirect.scatter.add.f32 [tilespmem:s20], [sflag:$0x5], $0x80, s21, s22, $0xb8;
	[tilespmem:$0x1BC80] =	vst v63  }
0x91: {  	s11 =	smov.u32 s5;
	s5 =	smov.u32 s13;
	_ =	swait.ge @!p2 [sflag:s0], $0x4000  }
.Ltmp0:
0x92: {  	s13 =	sadd.s32 $0x4, s13;
	[sflag:s0] =	ssyncset.done @!p2 $0x0;
	(pc) =	sbr.rel @p1 .LBB2_2-.Ltmp0, $4  }
0x93: {  	p3 =	sge.u32 s7, s8;
	s7 =	smov.u32 s15;
	[sflag:s0] =	ssyncadd.s32 @!p2 $0xFFFFC000  }
0x94: {  	s28 =	sadd.s32 @!p3 s10, s17;
	s6 =	sadd.s32 @!p3 s10, s16;
	_ =	swait.ge @!p2 [sflag:s0], $0x4000  }
0x95: {  	s25 =	simm.s32 @!p3 $0x0;
	s19 =	simm.s32 @!p3 $0x180;
	[sflag:s0] =	ssyncset.done @!p2 $0x0  }
0x96: {  	s14 =	sadd.s32 @!p3 $0x600, s6;
	s6 =	simm.s32 @!p3 $0x380;
	[sflag:s0] =	ssyncadd.s32 @!p2 $0xFFFFC000  }
0x97: {  	[tilespmem:s19], [sflag:$0x4] =	stream.linear.gather @!p3 [hbm4b:s14+s25], $0x80, $0x38;
	[tilespmem:$0x1BC80] =	vst v63  }
0x98: {  	s0 =	sadd.s32 @!p3 $0x600, s28  }
0x99: {  	[tilespmem:s6], [sflag:$0x4] =	stream.linear.gather @!p3 [hbm4b:s0+s25], $0x80, $0x38;
	[tilespmem:$0x1BC80] =	vst v63  }
0x9a: {  	_ =	swait.ge [sflag:s26], $0x80  }
0x9b: {  	[sflag:s26] =	ssyncset.done $0x0  }
0x9c: {  	[sflag:s26] =	ssyncadd.s32 $0xFFFFFF80  }
0x9d: {  	_ =	swait.ge [sflag:s26], $0x80  }
0x9e: {  	s29 =	sadd.s32 $0xFFFFFFFB, s11;
	[sflag:s26] =	ssyncset.done $0x0;
	s28 =	rddreg [dreg:$0x4]  }
0x9f: {  	[sflag:s26] =	ssyncadd.s32 $0xFFFFFF80;
	p1 =	sge.u32 s29, s28  }
0xa0: {  	[spmem:s2] =	stream.indirect.scatter.add.f32 [tilespmem:s18], [sflag:$0x6], $0x80, s22, s22, $0xb8;
	[tilespmem:$0x1BC80] =	vst v63  }
0xa1: {  	s0 =	simm.s32 @!p1 $0x5  }
0xa2: {  	[spmem:s2] =	stream.indirect.scatter.add.f32 [tilespmem:s20], [sflag:$0x6], $0x80, s23, s22, $0xb8;
	[tilespmem:$0x1BC80] =	vst v63  }
0xa3: {  	_ =	swait.ge @!p1 [sflag:s0], $0x4000  }
0xa4: {  	s12 =	sadd.s32 @!p1 $0xFFFFFFFF, s11;
	[sflag:s0] =	ssyncset.done @!p1 $0x0  }
0xa5: {  	p2 =	sge.u32 @!p1 s12, s8;
	[sflag:s0] =	ssyncadd.s32 @!p1 $0xFFFFC000  }
0xa6: {  	p2 =	por p2, p1;
	_ =	swait.ge @!p1 [sflag:s0], $0x4000  }
0xa7: {  	s12 =	sadd.s32 @!p2 s10, s16;
	s13 =	sadd.s32 @!p2 s10, s17;
	[sflag:s0] =	ssyncset.done @!p1 $0x0  }
0xa8: {  	s14 =	simm.s32 @!p2 $0x0;
	s12 =	sadd.s32 @!p2 $0x800, s12;
	[sflag:s0] =	ssyncadd.s32 @!p1 $0xFFFFC000  }
0xa9: {  	[tilespmem:s14], [sflag:$0x1] =	stream.linear.gather @!p2 [hbm4b:s12+s14], $0x80, $0x38;
	[tilespmem:$0x1BC80] =	vst v63  }
0xaa: {  	s0 =	sadd.s32 @!p2 $0x800, s13;
	s13 =	simm.s32 @!p1 $0x3;
	s12 =	simm.s32 @!p2 $0x200  }
0xab: {  	[tilespmem:s12], [sflag:$0x1] =	stream.linear.gather @!p2 [hbm4b:s0+s14], $0x80, $0x38;
	[tilespmem:$0x1BC80] =	vst v63  }
0xac: {  	_ =	swait.ge @!p1 [sflag:s13], $0x80  }
0xad: {  	[sflag:s13] =	ssyncset.done @!p1 $0x0  }
0xae: {  	[sflag:s13] =	ssyncadd.s32 @!p1 $0xFFFFFF80  }
0xaf: {  	_ =	swait.ge @!p1 [sflag:s13], $0x80  }
0xb0: {  	s0 =	simm.s32 @!p1 $0x400;
	s12 =	simm.s32 @!p1 $0x100;
	[sflag:s13] =	ssyncset.done @!p1 $0x0  }
0xb1: {  	s31 =	rddreg [dreg:$0x5];
	[sflag:s13] =	ssyncadd.s32 @!p1 $0xFFFFFF80;
	s13 =	simm.s32 @!p1 $0x80  }
0xb2: {  	[spmem:s2] =	stream.indirect.scatter.add.f32 @!p1 [tilespmem:s0], [sflag:$0x5], $0x80, s12, s13, $0xb8;
	[tilespmem:$0x1BC80] =	vst v63  }
0xb3: {  	p2 =	sge.u32 s29, s31;
	s0 =	simm.s32 @!p1 $0x300;
	s12 =	simm.s32 @!p1 $0x4400  }
0xb4: {  	[spmem:s2] =	stream.indirect.scatter.add.f32 @!p1 [tilespmem:s12], [sflag:$0x5], $0x80, s0, s13, $0xb8;
	[tilespmem:$0x1BC80] =	vst v63  }
0xb5: {  	s0 =	simm.s32 @!p2 $0x6  }
0xb6: {  	_ =	swait.ge @!p2 [sflag:s0], $0x4000  }
0xb7: {  	[sflag:s0] =	ssyncset.done @!p2 $0x0  }
0xb8: {  	p1 =	sge.u32 @!p2 s11, s8;
	[sflag:s0] =	ssyncadd.s32 @!p2 $0xFFFFC000  }
0xb9: {  	p1 =	por p1, p2;
	_ =	swait.ge @!p2 [sflag:s0], $0x4000  }
0xba: {  	s6 =	sadd.s32 @!p1 s10, s16;
	s11 =	simm.s32 @!p1 $0x0;
	[sflag:s0] =	ssyncset.done @!p2 $0x0  }
0xbb: {  	s6 =	sadd.s32 @!p1 $0xA00, s6;
	[sflag:s0] =	ssyncadd.s32 @!p2 $0xFFFFC000;
	s0 =	simm.s32 @!p1 $0x80  }
0xbc: {  	[tilespmem:s0], [sflag:$0x2] =	stream.linear.gather @!p1 [hbm4b:s6+s11], $0x80, $0x38;
	[tilespmem:$0x1BC80] =	vst v63  }
0xbd: {  	s0 =	sadd.s32 @!p1 s10, s17  }
0xbe: {  	s6 =	simm.s32 @!p1 $0x280;
	s0 =	sadd.s32 @!p1 $0xA00, s0  }
0xbf: {  	[tilespmem:s6], [sflag:$0x2] =	stream.linear.gather @!p1 [hbm4b:s0+s11], $0x80, $0x38;
	[tilespmem:$0x1BC80] =	vst v63  }
0xc0: {  	s0 =	simm.s32 @!p2 $0x4  }
0xc1: {  	_ =	swait.ge @!p2 [sflag:s0], $0x80  }
0xc2: {  	[sflag:s0] =	ssyncset.done @!p2 $0x0  }
0xc3: {  	[sflag:s0] =	ssyncadd.s32 @!p2 $0xFFFFFF80  }
0xc4: {  	_ =	swait.ge @!p2 [sflag:s0], $0x80  }
0xc5: {  	s10 =	simm.s32 @!p2 $0x400;
	[sflag:s0] =	ssyncset.done @!p2 $0x0  }
0xc6: {  	s6 =	simm.s32 @!p2 $0x180;
	[sflag:s0] =	ssyncadd.s32 @!p2 $0xFFFFFF80;
	s0 =	simm.s32 @!p2 $0x80  }
0xc7: {  	[spmem:s2] =	stream.indirect.scatter.add.f32 @!p2 [tilespmem:s10], [sflag:$0x6], $0x80, s6, s0, $0xb8;
	[tilespmem:$0x1BC80] =	vst v63  }
0xc8: {  	p1 =	seq.s32 s4, $0x0;
	s6 =	simm.s32 @!p2 $0x380;
	s10 =	simm.s32 @!p2 $0x4400  }
0xc9: {  	[spmem:s2] =	stream.indirect.scatter.add.f32 @!p2 [tilespmem:s10], [sflag:$0x6], $0x80, s6, s0, $0xb8;
	[tilespmem:$0x1BC80] =	vst v63  }
0xca: {  	s0 =	simm.s32 @!p1 $0x5  }
0xcb: {  	_ =	swait.ge @!p1 [sflag:s0], $0x4000  }
0xcc: {  	[sflag:s0] =	ssyncset.done @!p1 $0x0  }
0xcd: {  	p2 =	sge.u32 s9, s8;
	[sflag:s0] =	ssyncadd.s32 @!p1 $0xFFFFC000  }
0xce: {  	s6 =	sadd.s32 @!p2 s4, s16;
	_ =	swait.ge @!p1 [sflag:s0], $0x4000  }
0xcf: {  	s9 =	simm.s32 @!p2 $0x0;
	s10 =	simm.s32 @!p2 $0x100;
	[sflag:s0] =	ssyncset.done @!p1 $0x0  }
0xd0: {  	s6 =	sadd.s32 @!p2 $0x400, s6;
	[sflag:s0] =	ssyncadd.s32 @!p1 $0xFFFFC000;
	s0 =	sadd.s32 @!p2 s4, s17  }
0xd1: {  	[tilespmem:s10], [sflag:$0x3] =	stream.linear.gather @!p2 [hbm4b:s6+s9], $0x80, $0x38;
	[tilespmem:$0x1BC80] =	vst v63  }
0xd2: {  	s0 =	sadd.s32 @!p2 $0x400, s0;
	s6 =	simm.s32 @!p2 $0x300  }
0xd3: {  	[tilespmem:s6], [sflag:$0x3] =	stream.linear.gather @!p2 [hbm4b:s0+s9], $0x80, $0x38;
	[tilespmem:$0x1BC80] =	vst v63  }
0xd4: {  	_ =	swait.ge [sflag:s24], $0x80  }
0xd5: {  	[sflag:s24] =	ssyncset.done $0x0  }
0xd6: {  	[sflag:s24] =	ssyncadd.s32 $0xFFFFFF80  }
0xd7: {  	_ =	swait.ge [sflag:s24], $0x80  }
0xd8: {  	[sflag:s24] =	ssyncset.done $0x0  }
0xd9: {  	[sflag:s24] =	ssyncadd.s32 $0xFFFFFF80  }
0xda: {  	[spmem:s2] =	stream.indirect.scatter.add.f32 [tilespmem:s18], [sflag:$0x5], $0x80, s3, s22, $0xb8;
	[tilespmem:$0x1BC80] =	vst v63  }
0xdb: {  	s0 =	simm.s32 @!p1 $0x6  }
0xdc: {  	[spmem:s2] =	stream.indirect.scatter.add.f32 [tilespmem:s20], [sflag:$0x5], $0x80, s21, s22, $0xb8;
	[tilespmem:$0x1BC80] =	vst v63  }
0xdd: {  	_ =	swait.ge @!p1 [sflag:s0], $0x4000  }
0xde: {  	[sflag:s0] =	ssyncset.done @!p1 $0x0  }
0xdf: {  	p2 =	sge.u32 s7, s8;
	[sflag:s0] =	ssyncadd.s32 @!p1 $0xFFFFC000  }
0xe0: {  	s6 =	sadd.s32 @!p2 s4, s16;
	_ =	swait.ge @!p1 [sflag:s0], $0x4000  }
0xe1: {  	s7 =	simm.s32 @!p2 $0x0;
	s9 =	simm.s32 @!p2 $0x180;
	[sflag:s0] =	ssyncset.done @!p1 $0x0  }
0xe2: {  	s6 =	sadd.s32 @!p2 $0x600, s6;
	[sflag:s0] =	ssyncadd.s32 @!p1 $0xFFFFC000;
	s0 =	sadd.s32 @!p2 s4, s17  }
0xe3: {  	[tilespmem:s9], [sflag:$0x4] =	stream.linear.gather @!p2 [hbm4b:s6+s7], $0x80, $0x38;
	[tilespmem:$0x1BC80] =	vst v63  }
0xe4: {  	s6 =	simm.s32 @!p2 $0x380;
	s0 =	sadd.s32 @!p2 $0x600, s0  }
0xe5: {  	[tilespmem:s6], [sflag:$0x4] =	stream.linear.gather @!p2 [hbm4b:s0+s7], $0x80, $0x38;
	[tilespmem:$0x1BC80] =	vst v63  }
0xe6: {  	_ =	swait.ge [sflag:s26], $0x80  }
0xe7: {  	[sflag:s26] =	ssyncset.done $0x0  }
0xe8: {  	[sflag:s26] =	ssyncadd.s32 $0xFFFFFF80  }
0xe9: {  	_ =	swait.ge [sflag:s26], $0x80  }
0xea: {  	s19 =	sadd.s32 $0xFFFFFFFB, s5;
	[sflag:s26] =	ssyncset.done $0x0;
	s15 =	rddreg [dreg:$0x4]  }
0xeb: {  	[sflag:s26] =	ssyncadd.s32 $0xFFFFFF80;
	p1 =	sge.u32 s19, s15  }
0xec: {  	[spmem:s2] =	stream.indirect.scatter.add.f32 [tilespmem:s18], [sflag:$0x6], $0x80, s22, s22, $0xb8;
	[tilespmem:$0x1BC80] =	vst v63  }
0xed: {  	s0 =	simm.s32 @!p1 $0x5  }
0xee: {  	[spmem:s2] =	stream.indirect.scatter.add.f32 [tilespmem:s20], [sflag:$0x6], $0x80, s23, s22, $0xb8;
	[tilespmem:$0x1BC80] =	vst v63  }
0xef: {  	_ =	swait.ge @!p1 [sflag:s0], $0x4000  }
0xf0: {  	s7 =	sadd.s32 @!p1 $0xFFFFFFFF, s5;
	[sflag:s0] =	ssyncset.done @!p1 $0x0  }
0xf1: {  	p2 =	sge.u32 @!p1 s7, s8;
	[sflag:s0] =	ssyncadd.s32 @!p1 $0xFFFFC000  }
0xf2: {  	p2 =	por p2, p1;
	_ =	swait.ge @!p1 [sflag:s0], $0x4000  }
0xf3: {  	s7 =	sadd.s32 @!p2 s4, s16;
	s9 =	sadd.s32 @!p2 s4, s17;
	[sflag:s0] =	ssyncset.done @!p1 $0x0  }
0xf4: {  	s10 =	simm.s32 @!p2 $0x0;
	s7 =	sadd.s32 @!p2 $0x800, s7;
	[sflag:s0] =	ssyncadd.s32 @!p1 $0xFFFFC000  }
0xf5: {  	[tilespmem:s10], [sflag:$0x1] =	stream.linear.gather @!p2 [hbm4b:s7+s10], $0x80, $0x38;
	[tilespmem:$0x1BC80] =	vst v63  }
0xf6: {  	s0 =	sadd.s32 @!p2 $0x800, s9;
	s9 =	simm.s32 @!p1 $0x3;
	s7 =	simm.s32 @!p2 $0x200  }
0xf7: {  	[tilespmem:s7], [sflag:$0x1] =	stream.linear.gather @!p2 [hbm4b:s0+s10], $0x80, $0x38;
	[tilespmem:$0x1BC80] =	vst v63  }
0xf8: {  	_ =	swait.ge @!p1 [sflag:s9], $0x80  }
0xf9: {  	[sflag:s9] =	ssyncset.done @!p1 $0x0  }
0xfa: {  	[sflag:s9] =	ssyncadd.s32 @!p1 $0xFFFFFF80  }
0xfb: {  	_ =	swait.ge @!p1 [sflag:s9], $0x80  }
0xfc: {  	s0 =	simm.s32 @!p1 $0x400;
	[sflag:s9] =	ssyncset.done @!p1 $0x0  }
0xfd: {  	s7 =	simm.s32 @!p1 $0x100;
	[sflag:s9] =	ssyncadd.s32 @!p1 $0xFFFFFF80;
	s9 =	simm.s32 @!p1 $0x80  }
0xfe: {  	[spmem:s2] =	stream.indirect.scatter.add.f32 @!p1 [tilespmem:s0], [sflag:$0x5], $0x80, s7, s9, $0xb8;
	[tilespmem:$0x1BC80] =	vst v63  }
0xff: {  	s25 =	rddreg [dreg:$0x5];
	s0 =	simm.s32 @!p1 $0x300;
	s7 =	simm.s32 @!p1 $0x4400  }
0x100: {  	[spmem:s2] =	stream.indirect.scatter.add.f32 @!p1 [tilespmem:s7], [sflag:$0x5], $0x80, s0, s9, $0xb8;
	[tilespmem:$0x1BC80] =	vst v63  }
0x101: {  	p1 =	sge.u32 s19, s25  }
0x102: {  	s0 =	simm.s32 @!p1 $0x6  }
0x103: {  	_ =	swait.ge @!p1 [sflag:s0], $0x4000  }
0x104: {  	[sflag:s0] =	ssyncset.done @!p1 $0x0  }
0x105: {  	p2 =	sge.u32 @!p1 s5, s8;
	[sflag:s0] =	ssyncadd.s32 @!p1 $0xFFFFC000  }
0x106: {  	p2 =	por p2, p1;
	_ =	swait.ge @!p1 [sflag:s0], $0x4000  }
0x107: {  	s5 =	sadd.s32 @!p2 s4, s16;
	s6 =	simm.s32 @!p2 $0x0;
	[sflag:s0] =	ssyncset.done @!p1 $0x0  }
0x108: {  	s5 =	sadd.s32 @!p2 $0xA00, s5;
	[sflag:s0] =	ssyncadd.s32 @!p1 $0xFFFFC000;
	s0 =	simm.s32 @!p2 $0x80  }
0x109: {  	[tilespmem:s0], [sflag:$0x2] =	stream.linear.gather @!p2 [hbm4b:s5+s6], $0x80, $0x38;
	[tilespmem:$0x1BC80] =	vst v63  }
0x10a: {  	s0 =	sadd.s32 @!p2 s4, s17  }
0x10b: {  	s4 =	simm.s32 @!p2 $0x280;
	s0 =	sadd.s32 @!p2 $0xA00, s0  }
0x10c: {  	[tilespmem:s4], [sflag:$0x2] =	stream.linear.gather @!p2 [hbm4b:s0+s6], $0x80, $0x38;
	[tilespmem:$0x1BC80] =	vst v63  }
0x10d: {  	s0 =	simm.s32 @!p1 $0x4  }
0x10e: {  	_ =	swait.ge @!p1 [sflag:s0], $0x80  }
0x10f: {  	[sflag:s0] =	ssyncset.done @!p1 $0x0  }
0x110: {  	[sflag:s0] =	ssyncadd.s32 @!p1 $0xFFFFFF80  }
0x111: {  	_ =	swait.ge @!p1 [sflag:s0], $0x80  }
0x112: {  	s5 =	simm.s32 @!p1 $0x400;
	[sflag:s0] =	ssyncset.done @!p1 $0x0  }
0x113: {  	s4 =	simm.s32 @!p1 $0x180;
	[sflag:s0] =	ssyncadd.s32 @!p1 $0xFFFFFF80;
	s0 =	simm.s32 @!p1 $0x80  }
0x114: {  	[spmem:s2] =	stream.indirect.scatter.add.f32 @!p1 [tilespmem:s5], [sflag:$0x6], $0x80, s4, s0, $0xb8;
	[tilespmem:$0x1BC80] =	vst v63  }
0x115: {  	s28 =	simm.s32 $0x5;
	s4 =	simm.s32 @!p1 $0x380;
	s5 =	simm.s32 @!p1 $0x4400  }
0x116: {  	[spmem:s2] =	stream.indirect.scatter.add.f32 @!p1 [tilespmem:s5], [sflag:$0x6], $0x80, s4, s0, $0xb8;
	[tilespmem:$0x1BC80] =	vst v63  }
0x117: {  	_ =	swait.ge [sflag:s28], $0x4000  }
0x118: {  	[sflag:s28] =	ssyncset.done $0x0  }
0x119: {  	[sflag:s28] =	ssyncadd.s32 $0xFFFFC000  }
0x11a: {  	_ =	swait.ge [sflag:s28], $0x4000  }
0x11b: {  	[sflag:s28] =	ssyncset.done $0x0  }
0x11c: {  	s29 =	simm.s32 $0x6;
	[sflag:s28] =	ssyncadd.s32 $0xFFFFC000  }
0x11d: {  	_ =	swait.ge [sflag:s29], $0x4000  }
0x11e: {  	[sflag:s29] =	ssyncset.done $0x0  }
0x11f: {  	[sflag:s29] =	ssyncadd.s32 $0xFFFFC000  }
0x120: {  	_ =	swait.ge [sflag:s29], $0x4000  }
0x121: {  	[sflag:s29] =	ssyncset.done $0x0  }
0x122: {  	[sflag:s29] =	ssyncadd.s32 $0xFFFFC000  }
0x123: {  	[bflag:$0x0] =	sbarrier.arrive $0xFFFF  }
0x124: {  	s0 =	rddreg [dreg:$0xe]  }
0x125: {  	s4 =	simm.s32 @p0 $0x1FC7;
	s5 =	rddreg [dreg:$0x11];
	s0 =	sadd.s32 @p0 $0x25080, s0  }
0x126: {  	[hbm:s0], [sflag:s4] =	dma.local @p0 [spmem:s5], $0x2080  }
0x127: {  	s0 =	simm.s32 @p0 $0x7  }
0x128: {  	_ =	swait.ge @p0 [sflag:s0], $0x2080  }
0x129: {  	[sflag:s0] =	ssyncset.done @p0 $0x0;
	s4 =	rddreg [dreg:$0x12]  }
0x12a: {  	[sflag:s0] =	ssyncadd.s32 @p0 $0xFFFFDF80;
	s0 =	rddreg [dreg:$0x10]  }
0x12b: {  	[hbm:s0], [sflag:s4] =	dma.local @!p0 [spmem:s1], $0x2780  }
0x12c: {  	s0 =	simm.s32 @!p0 $0x7  }
0x12d: {  	_ =	swait.ge @!p0 [sflag:s0], $0x2780  }
0x12e: {  	s30 =	sadd.s32 $0x1, s30;
	s31 =	rddreg [dreg:$0xf]  }
0x12f: {  	p1 =	sne.s32 s30, s31  }
.Ltmp1:
0x130: {  	_ = 	snop;
	(pc) =	sbr.rel @p1 .LBB2_1-.Ltmp1, $3  }
0x131: {  	_ =	sdelay $0x1  }
0x132: {  	[sflag:s0] =	ssyncset.done @!p0 $0x0  }
0x133: {  	[sflag:s0] =	ssyncadd.s32 @!p0 $0xFFFFD880  }
0x134: {  	_ =	sfence.sel $0x180000  }
0x135: {  	[bflag:$0x0] =	sbarrier.arrive $0xFFFF  }
0x136: {  	_ =	strace $0x90000047  }
0x137: {  	s0 =	stileid.u32;
	[bflag:$0x2] =	sbarrier.arrive $0xFFFF  }
0x138: {  	p0 =	sne.s32 s0, $0x0;
	s0 =	rddreg [dreg:$0x3]  }
0x139: {  	s0 =	sadd.s32 @!p0 $0x100000, s0  }
0x13a: {  	[sflag:s0] =	ssyncadd.tile.s32 @!p0 $0x1;
	_ =	shalt  }
.Lfunc_end2:
_tile_overlayer_lowered:
.L_overlay_start_2:
0x13b: {  	(tag) =	ssettag $0x2  }
0x13c: {  	s0 =	rddreg [dreg:$0x0];
	s2 =	stileid.u32  }
0x13d: {  	s1 =	rddreg [dreg:$0x1];
	p0 =	sne.s32 s2, $0x0  }
0x13e: {  	s3 =	rddreg [dreg:$0x2];
	[bflag:$0x3] =	sbarrier.arrive $0xFFFF;
	s2 =	simm.s32 @!p0 $0x1C07  }
0x13f: {  	[timem:s3], [sflag:s2] =	dma.local @!p0 [hbm:s0], s1  }
0x140: {  	s0 =	simm.s32 @!p0 $0x7  }
0x141: {  	_ =	swait.ge @!p0 [sflag:s0], s1  }
0x142: {  	s1 =	ssub.s32 @!p0 $0x0, s1;
	[sflag:s0] =	ssyncset.done @!p0 $0x0  }
0x143: {  	[sflag:s0] =	ssyncadd.s32 @!p0 s1  }
0x144: {  	[bflag:$0x3] =	sbarrier.arrive $0xFFFF  }
0x145: {  	_ =	shalt  }

// kernel: kernel.13.cloned.1.call-start
scs
__scs_entry_jumppad:
0x0: {  	(pc) =	sbr.rel $0x88, $3  }
0x1: {  	(tag) =	ssettag $0x0;
	lr =	simm.s32 $0x1  }
0x2: {  	[smem:$0x3F99] =	sst lr;
	_ =	strace $0xD0000000  }
0x3: {  	_ = 	snop  }
0x4: {  	_ = 	snop  }
0x5: {  	_ = 	snop  }
0x6: {  	_ = 	snop  }
0x7: {  	_ = 	snop  }
__scs_overlays_trampoline_lowered:
0x8: {  	[smem:$0x3FA8] =	sst s0  }
0x9: {  	[smem:$0x3FA9] =	sst s1  }
0xa: {  	[smem:$0x3FAA] =	sst s2  }
0xb: {  	[smem:$0x3FAB] =	sst s3  }
0xc: {  	[smem:$0x3FAC] =	sst s4  }
0xd: {  	[smem:$0x3FAD] =	sst s5  }
0xe: {  	[smem:$0x3FAE] =	sst s6  }
0xf: {  	[smem:$0x3FAF] =	sst s7  }
0x10: {  	[smem:$0x3FB0] =	sst s8  }
0x11: {  	[smem:$0x3FB1] =	sst s9;
	s0 =	simm.s32 @!p0 $0x0  }
0x12: {  	s1 =	sld [smem:$0x3F97];
	s0 =	simm.s32 @p0 $0x1  }
0x13: {  	[smem:$0x3FB2] =	sst s0;
	s0 =	simm.s32 @!p1 $0x0  }
0x14: {  	s2 =	sld [smem:$0x3F96];
	s0 =	simm.s32 @p1 $0x1  }
0x15: {  	[smem:$0x3FB3] =	sst s0;
	s0 =	simm.s32 @!p2 $0x0  }
0x16: {  	s3 =	sld [smem:$0x3FDB];
	s0 =	simm.s32 @p2 $0x1  }
0x17: {  	s4 =	simm.s32 $0x1BF5;
	[smem:$0x3FB5] =	sst s0  }
0x18: {  	s0 =	sld [smem:$0x3F98];
	_ =	swait.ge [sflag:s4], $0x0  }
0x19: {  	s7 =	sld [smem:$0x3F99]  }
0x1a: {  	s8 =	sadd.s32 $0xFFFFE003, lr  }
0x1b: {  	s9 =	sadd.s32 $0xFFFFFEF7, lr;
	s5 =	simm.s32 $0xFFFFFFFF;
	p2 =	slt.u32 s8, $0xFFFFF086  }
0x1c: {  	p1 =	slt.u32 s9, $0xF7A;
	s5 =	simm.s32 @!p2 $0x0  }
0x1d: {  	s5 =	simm.s32 @p1 $0x1;
	p0 =	seq.s32 s7, s2  }
0x1e: {  	s7 =	smul.u32 @!p0 $0xF7A, s2;
	p2 =	seq.s32 @!p0 s5, $0x0  }
0x1f: {  	s9 =	smul.u32 $0xF7A, s1;
	s8 =	simm.s32 @!p0 $0x1BF5;
	p2 =	por !p2, p0  }
0x20: {  	[sflag:s8] =	ssyncset.s32 @!p0 $0xFFFFF086;
	s6 =	sadd.s32 @!p0 s3, s7;
	s7 =	simm.s32 @!p0 $0x108  }
0x21: {  	s3 =	sadd.s32 s3, s9;
	s6 =	sadd.s32 @!p0 $0x88, s6;
	s7 =	simm.s32 @p2 $0x1082  }
0x22: {  	[simem:s7], [sflag:s8] =	dma.local @!p0 [hbm:s6], $0xF7A  }
0x23: {  	s9 =	sor.u32 $0xD0000000, s2;
	s6 =	simm.s32 $0x108;
	_ =	swait.ge @!p0 [sflag:s8], $0x0  }
0x24: {  	s3 =	sadd.s32 $0x88, s3;
	s6 =	simm.s32 @!p1 $0x1082;
	[sflag:s4] =	ssyncset.s32 $0xFFFFF086  }
0x25: {  	[simem:s6], [sflag:s4] =	dma.local [hbm:s3], $0xF7A  }
0x26: {  	[smem:$0x3F99] =	sst s1;
	(tag) =	ssettag s2;
	_ =	strace s9  }
0x27: {  	s1 =	sld [smem:$0x3FA9]  }
0x28: {  	s2 =	sld [smem:$0x3FAA]  }
0x29: {  	s4 =	sld [smem:$0x3FAC]  }
0x2a: {  	p0 =	seq.s32 s5, $0x0;
	s5 =	sld [smem:$0x3FAD]  }
0x2b: {  	s6 =	sld [smem:$0x3FAE]  }
0x2c: {  	s7 =	sld [smem:$0x3FAF]  }
0x2d: {  	s3 =	simm.s32 $0x108;
	s8 =	sld [smem:$0x3FB0]  }
0x2e: {  	s3 =	simm.s32 @!p0 $0x1082;
	s9 =	sld [smem:$0x3FB1]  }
0x2f: {  	lr =	sadd.s32 s0, s3;
	s0 =	sld [smem:$0x3FA8]  }
0x30: {  	s3 =	sld [smem:$0x3FAB]  }
0x31: {  	[smem:$0x3FB4] =	sst s10  }
0x32: {  	s10 =	sld [smem:$0x3FB2];
	_ =	sdelay $0x3  }
0x33: {  	p0 =	seq.s32 s10, $0x1;
	s10 =	sld [smem:$0x3FB4];
	_ =	sdelay $0x3  }
0x34: {  	[smem:$0x3FB4] =	sst s10  }
0x35: {  	s10 =	sld [smem:$0x3FB3];
	_ =	sdelay $0x3  }
0x36: {  	p1 =	seq.s32 s10, $0x1;
	s10 =	sld [smem:$0x3FB4];
	_ =	sdelay $0x3  }
0x37: {  	[smem:$0x3FB4] =	sst s10  }
0x38: {  	s10 =	sld [smem:$0x3FB5]  }
0x39: {  	_ = 	snop;
	(pc) =	sbr.ind lr, $3  }
0x3a: {  	_ = 	snop  }
0x3b: {  	_ = 	snop  }
0x3c: {  	p2 =	seq.s32 s10, $0x1;
	s10 =	sld [smem:$0x3FB4]  }
0x3d: {  	_ =	shalt  }
0x3e: {  	_ =	shalt  }
0x3f: {  	_ =	shalt  }
0x40: {  	_ =	shalt  }
0x41: {  	_ =	shalt  }
0x42: {  	_ =	shalt  }
0x43: {  	_ =	shalt  }
0x44: {  	_ =	shalt  }
0x45: {  	_ =	shalt  }
0x46: {  	_ =	shalt  }
0x47: {  	_ =	shalt  }
0x48: {  	_ =	shalt  }
0x49: {  	_ =	shalt  }
0x4a: {  	_ =	shalt  }
0x4b: {  	_ =	shalt  }
0x4c: {  	_ =	shalt  }
0x4d: {  	_ =	shalt  }
0x4e: {  	_ =	shalt  }
0x4f: {  	_ =	shalt  }
0x50: {  	_ =	shalt  }
0x51: {  	_ =	shalt  }
0x52: {  	_ =	shalt  }
0x53: {  	_ =	shalt  }
0x54: {  	_ =	shalt  }
0x55: {  	_ =	shalt  }
0x56: {  	_ =	shalt  }
0x57: {  	_ =	shalt  }
0x58: {  	_ =	shalt  }
0x59: {  	_ =	shalt  }
0x5a: {  	_ =	shalt  }
0x5b: {  	_ =	shalt  }
0x5c: {  	_ =	shalt  }
0x5d: {  	_ =	shalt  }
0x5e: {  	_ =	shalt  }
0x5f: {  	_ =	shalt  }
0x60: {  	_ =	shalt  }
0x61: {  	_ =	shalt  }
0x62: {  	_ =	shalt  }
0x63: {  	_ =	shalt  }
0x64: {  	_ =	shalt  }
0x65: {  	_ =	shalt  }
0x66: {  	_ =	shalt  }
0x67: {  	_ =	shalt  }
0x68: {  	_ =	shalt  }
0x69: {  	_ =	shalt  }
0x6a: {  	_ =	shalt  }
0x6b: {  	_ =	shalt  }
0x6c: {  	_ =	shalt  }
0x6d: {  	_ =	shalt  }
0x6e: {  	_ =	shalt  }
0x6f: {  	_ =	shalt  }
0x70: {  	_ =	shalt  }
0x71: {  	_ =	shalt  }
0x72: {  	_ =	shalt  }
0x73: {  	_ =	shalt  }
0x74: {  	_ =	shalt  }
0x75: {  	_ =	shalt  }
0x76: {  	_ =	shalt  }
0x77: {  	_ =	shalt  }
0x78: {  	_ =	shalt  }
0x79: {  	_ =	shalt  }
0x7a: {  	_ =	shalt  }
0x7b: {  	_ =	shalt  }
0x7c: {  	_ =	shalt  }
0x7d: {  	_ =	shalt  }
0x7e: {  	_ =	shalt  }
0x7f: {  	_ =	shalt  }
0x80: {  	_ =	shalt  }
0x81: {  	_ =	shalt  }
0x82: {  	_ =	shalt  }
0x83: {  	_ =	shalt  }
0x84: {  	_ =	shalt  }
0x85: {  	_ =	shalt  }
0x86: {  	_ =	shalt  }
0x87: {  	_ =	shalt  }
.Lfunc_end0:
.L_simem_size_0:
called_computation.1_lowered:
.L_overlay_start_0:
0x88: {  	s2 =	sld [smem:$0x3FD9]  }
0x89: {  	s3 =	sld [smem:$0x3FFE];
	_ =	sdelay $0x1  }
0x8a: {  	s1 =	srdreg.scid  }
0x8b: {  	s0 =	sand.u32 $0x1, s1  }
0x8c: {  	s17 =	sshll.u32 s0, $0xA;
	s2 =	sadd.s32 s3, s2  }
0x8d: {  	s2 =	sadd.s32 s2, s17  }
0x8e: {  	[smem:$0x3FC0] =	sst s2  }
0x8f: {  	_ = 	snop  }
0x90: {  	s2 =	sld [smem:$0x3FD0];
	(tm) =	ssettm $0x1  }
0x91: {  	s18 =	sld [smem:$0x3FFB];
	_ =	sdelay $0x3  }
0x92: {  	_ =	strace s18  }
0x93: {  	s3 =	sld [smem:$0x3FFC];
	_ =	sdelay $0x3  }
0x94: {  	_ =	strace s3  }
0x95: {  	s3 =	sld [smem:$0x3FFD];
	_ =	sdelay $0x3  }
0x96: {  	_ =	strace s3  }
0x97: {  	_ =	strace $0x8FFFFFFF  }
0x98: {  	s19 =	sld [smem:$0x3FDB];
	_ =	sdelay $0x1  }
0x99: {  	s4 =	simm.s32 $_scs_section_size  }
0x9a: {  	s5 =	simm.s32 $_size__tile_overlayer_lowered;
	s6 =	simm.s32 $_tile_overlayer_lowered  }
0x9b: {  	s22 =	simm.s32 $0x1BFF;
	s21 =	sshll.u32 s6, $0x1;
	s3 =	sadd.s32 s4, s19  }
0x9c: {  	s7 =	simm.s32 $0x0;
	s20 =	sshll.u32 s5, $0x1;
	s5 =	sadd.s32 s21, s3  }
0x9d: {  	[timem:s7], [sflag:s22] =	dma.local [hbm:s5], s20  }
0x9e: {  	_ =	swait.ge [sflag:s22], s20  }
0x9f: {  	s4 =	ssub.s32 $0x0, s20;
	[sflag:s22] =	ssyncset.done $0x0  }
0xa0: {  	[sflag:s22] =	ssyncadd.s32 s4;
	_ =	sdelay $0x1  }
0xa1: {  	s23 =	simm.s32 $0x1B8B  }
0xa2: {  	_ =	swait.ge [sflag:s23], $0x1  }
0xa3: {  	[sflag:s23] =	ssyncset.done $0x0  }
0xa4: {  	s25 =	simm.s32 $0x1B8E;
	s24 =	sld [smem:$0x3FFE];
	[sflag:s23] =	ssyncadd.s32 $0xFFFFFFFF  }
0xa5: {  	s26 =	simm.s32 $execute0_lowered;
	[smem:$0x3FD2] =	sst s25  }
0xa6: {  	s5 =	sshll.u32 s26, $0x1;
	_ =	strace $0x80000049;
	[dreg:$0x1] =	wrdreg $0xFFFFFFFF  }
0xa7: {  	s28 =	simm.s32 $_size_execute0_lowered;
	s3 =	sadd.s32 s3, s5;
	[dreg:$0x0] =	wrdreg $0x0  }
0xa8: {  	s5 =	sshll.u32 s28, $0x1;
	[dreg:$0x2] =	wrdreg s3  }
0xa9: {  	[dreg:$0x3] =	wrdreg s5  }
0xaa: {  	[dreg:$0x4] =	wrdreg $0xC0  }
0xab: {  	_ =	task [dreg:s7], $0x5FFFF  }
0xac: {  	[dreg:$0x1] =	wrdreg $0xFFFFFFFF  }
0xad: {  	[dreg:$0x0] =	wrdreg $0x60  }
0xae: {  	[dreg:$0x2] =	wrdreg s2  }
0xaf: {  	[dreg:$0x3] =	wrdreg s24  }
0xb0: {  	[dreg:$0x4] =	wrdreg $0x84000  }
0xb1: {  	[dreg:$0x5] =	wrdreg $0x9  }
0xb2: {  	_ =	task.clear_ibuf [dreg:s7], $0x6FFFF;
	_ =	strace $0x90000049  }
0xb3: {  	s29 =	simm.s32 $0x9;
	_ =	strace $0x8000004B  }
0xb4: {  	_ =	swait.ge [sflag:s29], $0x1  }
0xb5: {  	[sflag:s29] =	ssyncadd.s32 $0xFFFFFFFF  }
0xb6: {  	_ =	strace $0x9000004B  }
0xb7: {  	_ =	sfence  }
0xb8: {  	s30 =	sld [smem:$0x0];
	_ =	sdelay $0x2  }
0xb9: {  	s31 =	sshll.u32 s1, $0xD;
	s1 =	sshrl.u32 s1, $0x2  }
0xba: {  	s3 =	sand.u32 $0x4000, s31;
	s1 =	sadd.s32 s1, s30  }
0xbb: {  	s0 =	sor.u32 s3, s0;
	s1 =	sshll.u32 s1, $0x11  }
0xbc: {  	s0 =	sor.u32 s1, s0  }
0xbd: {  	s0 =	sadd.s32 $0x8F2B, s0  }
0xbe: {  	[sflag:s0] =	ssyncadd.remote.s32 $0x1  }
0xbf: {  	_ =	sfence.sel $0xFFFF  }
0xc0: {  	[dreg:$0x0] =	wrdreg $0xFFFFFFFF;
	(pc) =	sbr.abs _section_cstart, $3  }
0xc1: {  	[dreg:$0x1] =	wrdreg $0xFFFFFFFF  }
0xc2: {  	_ =	task.clear_ibuf [dreg:s7], $0x2FFFF;
	_ =	strace $0x9FFFFFFF  }
0xc3: {  	(tm) =	ssettm $0x7FFFFFFF  }
tec
execute0_lowered:
.L_overlay_start_1:
0x0: {  	(tag) =	ssettag $0x1  }
0x1: {  	s1 =	rddreg [dreg:$0x0]  }
0x2: {  	s0 =	rddreg [dreg:$0x1]  }
0x3: {  	s2 =	rddreg [dreg:$0x2];
	s3 =	simm.s32 $0x0  }
0x4: {  	s4 =	srdreg.scid;
	s15 =	stileid.u32;
	s28 =	simm.s32 $0x6  }
0x5: {  	s31 =	simm.s32 $0x0;
	[smem:$0x7FF] =	sst s3;
	s6 =	sadd.s32 $0xD400, s0  }
0x6: {  	s4 =	sand.u32 $0x1, s4;
	s8 =	sadd.s32 $0x3600, s0;
	s5 =	sadd.s32 $0x17A00, s0  }
0x7: {  	s10 =	smul.u32 $0x4F000, s15;
	s19 =	sadd.s32 $0x128400, s2;
	s30 =	sshll.u32 s15, $0x4  }
0x8: {  	_ =	strace $0x8000004A;
	s7 =	smul.u32 $0x27100, s4;
	[dreg:$0x6] =	wrdreg s5  }
0x9: {  	s9 =	ssub.s32 $0x2, s4;
	s11 =	sshll.u32 s4, $0x4;
	[dreg:$0x8] =	wrdreg s19  }
0xa: {  	s29 =	sshll.u32 s4, $0x8;
	s4 =	smul.u32 $0x2780, s15;
	s19 =	simm.s32 $0x80  }
0xb: {  	s16 =	sshrl.u32 s9, $0x1;
	s11 =	sor.u32 s15, s11;
	s17 =	sshrl.u32 s10, $0x2  }
0xc: {  	s0 =	sadd.s32 s7, s0;
	s9 =	ssub.s32 s9, s16;
	s18 =	sadd.s32 s17, s2  }
0xd: {  	p0 =	slt.u32 s11, $0x4;
	s7 =	simm.s32 $0x4F;
	s20 =	sshll.u32 s11, $0x4  }
0xe: {  	[dreg:$0x7] =	wrdreg s18;
	s7 =	simm.s32 @!p0 $0x4E;
	s21 =	sadd.s32 s6, s20  }
0xf: {  	s22 =	sadd.s32 s8, s20;
	s10 =	sor.u32 $0x200, s20;
	s5 =	sadd.s32 $0x68400, s0  }
0x10: {  	s9 =	smax.u32 s9, $0x1;
	s0 =	sadd.s32 s29, s8;
	[dreg:$0x9] =	wrdreg s21  }
0x11: {  	p0 =	seq.s32 s15, $0xF;
	s18 =	simm.s32 $0x200;
	[dreg:$0xa] =	wrdreg s22  }
0x12: {  	s20 =	simm.s32 $0x280;
	s23 =	sadd.s32 s6, s10;
	[dreg:$0xe] =	wrdreg s9  }
0x13: {  	s24 =	sadd.s32 s8, s10;
	s25 =	sadd.s32 $0xFFFFFFFE, s7;
	[dreg:$0xd] =	wrdreg s5  }
0x14: {  	s13 =	sadd.s32 $0xFFFFFFFD, s7;
	s26 =	sadd.s32 $0xFFFFFFFC, s7;
	[dreg:$0xb] =	wrdreg s23  }
0x15: {  	s6 =	sadd.s32 s29, s6;
	s17 =	sadd.s32 s30, s0;
	[dreg:$0xc] =	wrdreg s24  }
0x16: {  	s22 =	simm.s32 $0x400;
	s0 =	sadd.s32 @!p0 s4, s5;
	[dreg:$0x4] =	wrdreg s25  }
0x17: {  	[dreg:$0x5] =	wrdreg s26;
	s16 =	sadd.s32 s30, s6;
	s23 =	simm.s32 $0x2  }
0x18: {  	s24 =	simm.s32 $0x4400;
	[dreg:$0xf] =	wrdreg s0;
	s26 =	simm.s32 $0x5  }
.LBB2_1:
0x19: {  	s0 =	rddreg [dreg:$0x8]  }
0x1a: {  	s3 =	rddreg [dreg:$0x6];
	s0 =	sshrl.u32 @p0 s0, $0x3  }
0x1b: {  	s4 =	simm.s32 @p0 $0x1FC9;
	[dreg:$0x10] =	wrdreg s0  }
0x1c: {  	[spmem:s0], [sflag:s4] =	dma.local @p0 [hbm:s3], $0x2080  }
0x1d: {  	s4 =	simm.s32 @p0 $0x9  }
0x1e: {  	s8 =	simm.s32 @!p0 $0x9;
	s0 =	stileid.u32;
	_ =	swait.ge @p0 [sflag:s4], $0x2080  }
0x1f: {  	s6 =	sshll.u32 @!p0 s0, $0x6;
	[sflag:s4] =	ssyncset.done @p0 $0x0;
	s0 =	rddreg [dreg:$0x7]  }
0x20: {  	[sflag:s4] =	ssyncadd.s32 @p0 $0xFFFFDF80;
	s4 =	sor.u32 @!p0 $0x1C09, s6;
	s6 =	sshrl.u32 @!p0 s0, $0x3  }
0x21: {  	[spmem:s6], [sflag:s4] =	dma.local @!p0 [hbm:s3], $0x2780  }
0x22: {  	_ =	swait.ge @!p0 [sflag:s8], $0x2780  }
0x23: {  	[sflag:s8] =	ssyncset.done @!p0 $0x0  }
0x24: {  	[sflag:s8] =	ssyncadd.s32 @!p0 $0xFFFFD880  }
0x25: {  	[bflag:$0x0] =	sbarrier.arrive $0xFFFF  }
0x26: {  	s11 =	simm.s32 $0x0;
	s12 =	rddreg [dreg:$0x9]  }
0x27: {  	[tilespmem:s11], [sflag:$0x1] =	stream.linear.gather [hbm4b:s12+s11], $0x80, $0x38;
	[tilespmem:$0x1BC80] =	vst v63  }
0x28: {  	s14 =	rddreg [dreg:$0xa]  }
0x29: {  	[tilespmem:s18], [sflag:$0x1] =	stream.linear.gather [hbm4b:s14+s11], $0x80, $0x38;
	[tilespmem:$0x1BC80] =	vst v63  }
0x2a: {  	s15 =	rddreg [dreg:$0xb]  }
0x2b: {  	[tilespmem:s19], [sflag:$0x2] =	stream.linear.gather [hbm4b:s15+s11], $0x80, $0x38;
	[tilespmem:$0x1BC80] =	vst v63  }
0x2c: {  	s25 =	simm.s32 $0x1;
	s21 =	rddreg [dreg:$0xc]  }
0x2d: {  	[tilespmem:s20], [sflag:$0x2] =	stream.linear.gather [hbm4b:s21+s11], $0x80, $0x38;
	[tilespmem:$0x1BC80] =	vst v63  }
0x2e: {  	_ =	swait.ge [sflag:s25], $0x80  }
0x2f: {  	[sflag:s25] =	ssyncset.done $0x0  }
0x30: {  	[sflag:s25] =	ssyncadd.s32 $0xFFFFFF80  }
0x31: {  	_ =	swait.ge [sflag:s25], $0x80  }
0x32: {  	p1 =	sle.u32 s7, $0x2;
	[sflag:s25] =	ssyncset.done $0x0  }
0x33: {  	s9 =	sadd.s32 @!p1 $0x0, s17;
	s8 =	sadd.s32 @!p1 $0x0, s16;
	[sflag:s25] =	ssyncadd.s32 $0xFFFFFF80  }
0x34: {  	[tilespmem:s22], [sflag:$0x5] =	stream.indirect.gather [hbm4b:s1+s19], $0x80, s11, s19, $0xb8;
	[tilespmem:$0x1BC80] =	vst v63  }
0x35: {  	s10 =	simm.s32 @!p1 $0x0;
	s8 =	sadd.s32 @!p1 $0x400, s8;
	s11 =	simm.s32 @!p1 $0x100  }
0x36: {  	[tilespmem:s11], [sflag:$0x3] =	stream.linear.gather @!p1 [hbm4b:s8+s10], $0x80, $0x38;
	[tilespmem:$0x1BC80] =	vst v63  }
0x37: {  	p2 =	por $0x1, $0x1;
	s8 =	sadd.s32 @!p1 $0x400, s9;
	s9 =	simm.s32 @!p1 $0x300  }
0x38: {  	[tilespmem:s9], [sflag:$0x3] =	stream.linear.gather @!p1 [hbm4b:s8+s10], $0x80, $0x38;
	[tilespmem:$0x1BC80] =	vst v63  }
0x39: {  	s8 =	simm.s32 @!p2 $0x8  }
0x3a: {  	_ =	swait.ge @!p2 [sflag:s8], $0x4000  }
0x3b: {  	[sflag:s8] =	ssyncset.done @!p2 $0x0  }
0x3c: {  	[sflag:s8] =	ssyncadd.s32 @!p2 $0xFFFFC000  }
0x3d: {  	_ =	swait.ge [sflag:s23], $0x80  }
0x3e: {  	[sflag:s23] =	ssyncset.done $0x0  }
0x3f: {  	[sflag:s23] =	ssyncadd.s32 $0xFFFFFF80  }
0x40: {  	_ =	swait.ge [sflag:s23], $0x80  }
0x41: {  	[sflag:s23] =	ssyncset.done $0x0  }
0x42: {  	[sflag:s23] =	ssyncadd.s32 $0xFFFFFF80  }
0x43: {  	[tilespmem:s24], [sflag:$0x6] =	stream.indirect.gather [hbm4b:s1+s19], $0x80, s19, s19, $0xb8;
	[tilespmem:$0x1BC80] =	vst v63  }
0x44: {  	p2 =	sle.u32 s7, $0x3;
	_ =	swait.ge [sflag:s26], $0x4000  }
0x45: {  	s8 =	sadd.s32 @!p2 $0x0, s16;
	s10 =	sadd.s32 @!p2 $0x0, s17;
	[sflag:s26] =	ssyncset.done $0x0  }
0x46: {  	s11 =	simm.s32 @!p2 $0x0;
	s30 =	rddreg [dreg:$0x4];
	[sflag:s26] =	ssyncadd.s32 $0xFFFFC000  }
0x47: {  	[spmem:s2] =	stream.indirect.scatter.add.f32 [tilespmem:s22], [sflag:$0x7], $0x80, s18, s19, $0xb8;
	[tilespmem:$0x1BC80] =	vst v63  }
0x48: {  	s12 =	simm.s32 @!p2 $0x180;
	s8 =	sadd.s32 @!p2 $0x600, s8;
	p1 =	sle.u32 s30, $0x0  }
0x49: {  	[tilespmem:s12], [sflag:$0x4] =	stream.linear.gather @!p2 [hbm4b:s8+s11], $0x80, $0x38;
	[tilespmem:$0x1BC80] =	vst v63  }
0x4a: {  	s9 =	simm.s32 @!p2 $0x380;
	s8 =	sadd.s32 @!p2 $0x600, s10;
	s10 =	simm.s32 @!p1 $0x7  }
0x4b: {  	[tilespmem:s9], [sflag:$0x4] =	stream.linear.gather @!p2 [hbm4b:s8+s11], $0x80, $0x38;
	[tilespmem:$0x1BC80] =	vst v63  }
0x4c: {  	_ =	swait.ge @!p1 [sflag:s10], $0x4000  }
0x4d: {  	[sflag:s10] =	ssyncset.done @!p1 $0x0  }
0x4e: {  	s8 =	simm.s32 @!p1 $0x3;
	[sflag:s10] =	ssyncadd.s32 @!p1 $0xFFFFC000  }
0x4f: {  	_ =	swait.ge @!p1 [sflag:s8], $0x80  }
0x50: {  	[sflag:s8] =	ssyncset.done @!p1 $0x0  }
0x51: {  	[sflag:s8] =	ssyncadd.s32 @!p1 $0xFFFFFF80  }
0x52: {  	_ =	swait.ge @!p1 [sflag:s8], $0x80  }
0x53: {  	s9 =	simm.s32 @!p1 $0x400;
	[sflag:s8] =	ssyncset.done @!p1 $0x0  }
0x54: {  	s10 =	simm.s32 @!p1 $0x100;
	[sflag:s8] =	ssyncadd.s32 @!p1 $0xFFFFFF80;
	s8 =	simm.s32 @!p1 $0x80  }
0x55: {  	[tilespmem:s9], [sflag:$0x5] =	stream.indirect.gather @!p1 [hbm4b:s1+s8], $0x80, s10, s8, $0xb8;
	[tilespmem:$0x1BC80] =	vst v63  }
0x56: {  	p2 =	sle.u32 @!p1 s7, $0x4;
	_ =	swait.ge [sflag:s28], $0x4000  }
0x57: {  	p2 =	por p2, p1;
	[sflag:s28] =	ssyncset.done $0x0  }
0x58: {  	p3 =	sle.u32 @!p1 s13, $0x0;
	s10 =	sadd.s32 @!p2 $0x0, s16;
	[sflag:s28] =	ssyncadd.s32 $0xFFFFC000  }
0x59: {  	[spmem:s2] =	stream.indirect.scatter.add.f32 [tilespmem:s24], [sflag:$0x8], $0x80, s20, s19, $0xb8;
	[tilespmem:$0x1BC80] =	vst v63  }
0x5a: {  	s11 =	simm.s32 @!p2 $0x0;
	s12 =	sadd.s32 @!p2 $0x0, s17;
	s10 =	sadd.s32 @!p2 $0x800, s10  }
0x5b: {  	[tilespmem:s11], [sflag:$0x1] =	stream.linear.gather @!p2 [hbm4b:s10+s11], $0x80, $0x38;
	[tilespmem:$0x1BC80] =	vst v63  }
0x5c: {  	p3 =	por p3, p1;
	s10 =	sadd.s32 @!p2 $0x800, s12;
	s12 =	simm.s32 @!p2 $0x200  }
0x5d: {  	[tilespmem:s12], [sflag:$0x1] =	stream.linear.gather @!p2 [hbm4b:s10+s11], $0x80, $0x38;
	[tilespmem:$0x1BC80] =	vst v63  }
0x5e: {  	s10 =	simm.s32 @!p3 $0x8  }
0x5f: {  	_ =	swait.ge @!p3 [sflag:s10], $0x4000  }
0x60: {  	[sflag:s10] =	ssyncset.done @!p3 $0x0  }
0x61: {  	[sflag:s10] =	ssyncadd.s32 @!p3 $0xFFFFC000;
	s10 =	simm.s32 @!p3 $0x4  }
0x62: {  	_ =	swait.ge @!p3 [sflag:s10], $0x80  }
0x63: {  	[sflag:s10] =	ssyncset.done @!p3 $0x0  }
0x64: {  	[sflag:s10] =	ssyncadd.s32 @!p3 $0xFFFFFF80  }
0x65: {  	_ =	swait.ge @!p3 [sflag:s10], $0x80  }
0x66: {  	p2 =	sle.u32 s13, $0x0;
	s11 =	simm.s32 @!p3 $0x80;
	[sflag:s10] =	ssyncset.done @!p3 $0x0  }
0x67: {  	s12 =	simm.s32 @!p3 $0x180;
	[sflag:s10] =	ssyncadd.s32 @!p3 $0xFFFFFF80;
	s10 =	simm.s32 @!p3 $0x4400  }
0x68: {  	[tilespmem:s10], [sflag:$0x6] =	stream.indirect.gather @!p3 [hbm4b:s1+s11], $0x80, s12, s11, $0xb8;
	[tilespmem:$0x1BC80] =	vst v63  }
0x69: {  	p3 =	sle.u32 @!p2 s7, $0x5  }
0x6a: {  	s10 =	simm.s32 @!p1 $0x5;
	p4 =	por p3, p2  }
0x6b: {  	_ =	swait.ge @!p1 [sflag:s10], $0x4000;
	s11 =	sadd.s32 @!p4 $0x0, s16;
	s12 =	sadd.s32 @!p4 $0x0, s17  }
0x6c: {  	[sflag:s10] =	ssyncset.done @!p1 $0x0;
	s14 =	simm.s32 @!p4 $0x0;
	s29 =	simm.s32 @!p4 $0x280  }
0x6d: {  	s11 =	sadd.s32 @!p4 $0xA00, s11;
	[sflag:s10] =	ssyncadd.s32 @!p1 $0xFFFFC000;
	s10 =	simm.s32 @!p1 $0x300  }
0x6e: {  	[spmem:s2] =	stream.indirect.scatter.add.f32 @!p1 [tilespmem:s9], [sflag:$0x7], $0x80, s10, s8, $0xb8;
	[tilespmem:$0x1BC80] =	vst v63  }
0x6f: {  	s25 =	sadd.s32 @!p4 $0xA00, s12;
	s8 =	simm.s32 @!p4 $0x80;
	s9 =	rddreg [dreg:$0x5]  }
0x70: {  	[tilespmem:s8], [sflag:$0x2] =	stream.linear.gather @!p4 [hbm4b:s11+s14], $0x80, $0x38;
	[tilespmem:$0x1BC80] =	vst v63  }
0x71: {  	p3 =	sle.u32 @!p2 s9, $0x0;
	s9 =	simm.s32 $0x5;
	s8 =	simm.s32 $0x800  }
.LBB2_2:
0x72: {  	p5 =	por p3, p2  }
0x73: {  	[tilespmem:s29], [sflag:$0x2] =	stream.linear.gather @!p4 [hbm4b:s25+s14], $0x80, $0x38;
	[tilespmem:$0x1BC80] =	vst v63  }
0x74: {  	s12 =	simm.s32 @!p5 $0x7  }
0x75: {  	s9 =	sadd.s32 $0x4, s9;
	_ =	swait.ge @!p5 [sflag:s12], $0x4000  }
0x76: {  	s11 =	sadd.s32 $0xFFFFFFFD, s9;
	[sflag:s12] =	ssyncset.done @!p5 $0x0  }
0x77: {  	p3 =	sge.u32 s11, s7;
	s11 =	simm.s32 @!p5 $0x1;
	[sflag:s12] =	ssyncadd.s32 @!p5 $0xFFFFC000  }
0x78: {  	_ =	swait.ge @!p5 [sflag:s11], $0x80  }
0x79: {  	[sflag:s11] =	ssyncset.done @!p5 $0x0  }
0x7a: {  	[sflag:s11] =	ssyncadd.s32 @!p5 $0xFFFFFF80  }
0x7b: {  	s10 =	smov.u32 s8;
	_ =	swait.ge @!p5 [sflag:s11], $0x80  }
0x7c: {  	s25 =	simm.s32 @!p2 $0x6;
	s29 =	simm.s32 @!p5 $0x0;
	[sflag:s11] =	ssyncset.done @!p5 $0x0  }
0x7d: {  	s12 =	simm.s32 @!p5 $0x400;
	[sflag:s11] =	ssyncadd.s32 @!p5 $0xFFFFFF80;
	s11 =	simm.s32 @!p5 $0x80  }
0x7e: {  	[tilespmem:s12], [sflag:$0x5] =	stream.indirect.gather @!p5 [hbm4b:s1+s11], $0x80, s29, s11, $0xb8;
	[tilespmem:$0x1BC80] =	vst v63  }
0x7f: {  	s14 =	sadd.s32 @!p3 s10, s16;
	_ =	swait.ge @!p2 [sflag:s25], $0x4000  }
0x80: {  	s15 =	sadd.s32 @!p3 s10, s17;
	s11 =	simm.s32 @!p2 $0x4400;
	[sflag:s25] =	ssyncset.done @!p2 $0x0  }
0x81: {  	s12 =	simm.s32 @!p2 $0x80;
	[sflag:s25] =	ssyncadd.s32 @!p2 $0xFFFFC000;
	s25 =	simm.s32 @!p2 $0x380  }
0x82: {  	[spmem:s2] =	stream.indirect.scatter.add.f32 @!p2 [tilespmem:s11], [sflag:$0x8], $0x80, s25, s12, $0xb8;
	[tilespmem:$0x1BC80] =	vst v63  }
0x83: {  	s14 =	sadd.s32 @!p3 $0x400, s14;
	s11 =	simm.s32 @!p3 $0x0;
	s12 =	simm.s32 @!p3 $0x100  }
0x84: {  	[tilespmem:s12], [sflag:$0x3] =	stream.linear.gather @!p3 [hbm4b:s14+s11], $0x80, $0x38;
	[tilespmem:$0x1BC80] =	vst v63  }
0x85: {  	s15 =	sadd.s32 @!p3 $0x400, s15;
	p2 =	seq.s32 s10, $0x0;
	s12 =	simm.s32 @!p3 $0x300  }
0x86: {  	[tilespmem:s12], [sflag:$0x3] =	stream.linear.gather @!p3 [hbm4b:s15+s11], $0x80, $0x38;
	[tilespmem:$0x1BC80] =	vst v63  }
0x87: {  	s11 =	simm.s32 @!p2 $0x8  }
0x88: {  	_ =	swait.ge @!p2 [sflag:s11], $0x4000  }
0x89: {  	[sflag:s11] =	ssyncset.done @!p2 $0x0  }
0x8a: {  	[sflag:s11] =	ssyncadd.s32 @!p2 $0xFFFFC000  }
0x8b: {  	_ =	swait.ge [sflag:s23], $0x80  }
0x8c: {  	[sflag:s23] =	ssyncset.done $0x0  }
0x8d: {  	[sflag:s23] =	ssyncadd.s32 $0xFFFFFF80  }
0x8e: {  	_ =	swait.ge [sflag:s23], $0x80  }
0x8f: {  	s30 =	sadd.s32 $0xFFFFFFFE, s9;
	[sflag:s23] =	ssyncset.done $0x0  }
0x90: {  	p4 =	sge.u32 s30, s7;
	[sflag:s23] =	ssyncadd.s32 $0xFFFFFF80  }
0x91: {  	[tilespmem:s24], [sflag:$0x6] =	stream.indirect.gather [hbm4b:s1+s19], $0x80, s19, s19, $0xb8;
	[tilespmem:$0x1BC80] =	vst v63  }
0x92: {  	s11 =	sadd.s32 @!p4 s10, s16;
	_ =	swait.ge [sflag:s26], $0x4000  }
0x93: {  	s25 =	simm.s32 @!p4 $0x180;
	s14 =	sadd.s32 @!p4 $0x600, s11;
	[sflag:s26] =	ssyncset.done $0x0  }
0x94: {  	s11 =	sadd.s32 $0xFFFFFFFB, s9;
	s29 =	rddreg [dreg:$0x4];
	[sflag:s26] =	ssyncadd.s32 $0xFFFFC000  }
0x95: {  	[spmem:s2] =	stream.indirect.scatter.add.f32 [tilespmem:s22], [sflag:$0x7], $0x80, s18, s19, $0xb8;
	[tilespmem:$0x1BC80] =	vst v63  }
0x96: {  	s12 =	sadd.s32 @!p4 s10, s17;
	s15 =	simm.s32 @!p4 $0x0;
	p3 =	sge.u32 s11, s29  }
0x97: {  	[tilespmem:s25], [sflag:$0x4] =	stream.linear.gather @!p4 [hbm4b:s14+s15], $0x80, $0x38;
	[tilespmem:$0x1BC80] =	vst v63  }
0x98: {  	s30 =	simm.s32 @!p4 $0x380;
	s12 =	sadd.s32 @!p4 $0x600, s12;
	s14 =	simm.s32 @!p3 $0x7  }
0x99: {  	[tilespmem:s30], [sflag:$0x4] =	stream.linear.gather @!p4 [hbm4b:s12+s15], $0x80, $0x38;
	[tilespmem:$0x1BC80] =	vst v63  }
0x9a: {  	_ =	swait.ge @!p3 [sflag:s14], $0x4000  }
0x9b: {  	[sflag:s14] =	ssyncset.done @!p3 $0x0  }
0x9c: {  	[sflag:s14] =	ssyncadd.s32 @!p3 $0xFFFFC000;
	s14 =	simm.s32 @!p3 $0x3  }
0x9d: {  	_ =	swait.ge @!p3 [sflag:s14], $0x80  }
0x9e: {  	[sflag:s14] =	ssyncset.done @!p3 $0x0  }
0x9f: {  	[sflag:s14] =	ssyncadd.s32 @!p3 $0xFFFFFF80  }
0xa0: {  	_ =	swait.ge @!p3 [sflag:s14], $0x80  }
0xa1: {  	s25 =	sadd.s32 @!p3 $0xFFFFFFFF, s9;
	s12 =	simm.s32 @!p3 $0x400;
	[sflag:s14] =	ssyncset.done @!p3 $0x0  }
0xa2: {  	s15 =	simm.s32 @!p3 $0x80;
	[sflag:s14] =	ssyncadd.s32 @!p3 $0xFFFFFF80;
	s14 =	simm.s32 @!p3 $0x100  }
0xa3: {  	[tilespmem:s12], [sflag:$0x5] =	stream.indirect.gather @!p3 [hbm4b:s1+s15], $0x80, s14, s15, $0xb8;
	[tilespmem:$0x1BC80] =	vst v63  }
0xa4: {  	p4 =	sge.u32 @!p3 s25, s7;
	_ =	swait.ge [sflag:s28], $0x4000  }
0xa5: {  	p4 =	por p4, p3;
	[sflag:s28] =	ssyncset.done $0x0  }
0xa6: {  	p2 =	sge.u32 @!p3 s11, s13;
	s14 =	sadd.s32 @!p4 s10, s16;
	[sflag:s28] =	ssyncadd.s32 $0xFFFFC000  }
0xa7: {  	[spmem:s2] =	stream.indirect.scatter.add.f32 [tilespmem:s24], [sflag:$0x8], $0x80, s20, s19, $0xb8;
	[tilespmem:$0x1BC80] =	vst v63  }
0xa8: {  	s25 =	simm.s32 @!p4 $0x0;
	s29 =	sadd.s32 @!p4 s10, s17;
	s14 =	sadd.s32 @!p4 $0x800, s14  }
0xa9: {  	[tilespmem:s25], [sflag:$0x1] =	stream.linear.gather @!p4 [hbm4b:s14+s25], $0x80, $0x38;
	[tilespmem:$0x1BC80] =	vst v63  }
0xaa: {  	p5 =	por p2, p3;
	s14 =	sadd.s32 @!p4 $0x800, s29;
	s29 =	simm.s32 @!p4 $0x200  }
0xab: {  	[tilespmem:s29], [sflag:$0x1] =	stream.linear.gather @!p4 [hbm4b:s14+s25], $0x80, $0x38;
	[tilespmem:$0x1BC80] =	vst v63  }
0xac: {  	s14 =	simm.s32 @!p5 $0x8  }
0xad: {  	_ =	swait.ge @!p5 [sflag:s14], $0x4000  }
0xae: {  	[sflag:s14] =	ssyncset.done @!p5 $0x0  }
0xaf: {  	s30 =	simm.s32 @!p5 $0x4;
	[sflag:s14] =	ssyncadd.s32 @!p5 $0xFFFFC000  }
0xb0: {  	p2 =	sge.u32 s11, s13;
	_ =	swait.ge @!p5 [sflag:s30], $0x80  }
0xb1: {  	s8 =	sadd.s32 $0x800, s8;
	p4 =	sge.u32 @!p2 s9, s7;
	[sflag:s30] =	ssyncset.done @!p5 $0x0  }
0xb2: {  	s3 =	simm.s32 @!p5 $0x80;
	p4 =	por p4, p2;
	[sflag:s30] =	ssyncadd.s32 @!p5 $0xFFFFFF80  }
0xb3: {  	s14 =	sadd.s32 @!p4 s10, s16;
	s10 =	sadd.s32 @!p4 s10, s17;
	_ =	swait.ge @!p5 [sflag:s30], $0x80  }
0xb4: {  	s21 =	simm.s32 @!p5 $0x180;
	s25 =	sadd.s32 @!p4 $0xA00, s10;
	[sflag:s30] =	ssyncset.done @!p5 $0x0  }
0xb5: {  	s10 =	simm.s32 @!p5 $0x4400;
	[sflag:s30] =	ssyncadd.s32 @!p5 $0xFFFFFF80;
	s30 =	simm.s32 @!p3 $0x5  }
0xb6: {  	[tilespmem:s10], [sflag:$0x6] =	stream.indirect.gather @!p5 [hbm4b:s1+s3], $0x80, s21, s3, $0xb8;
	[tilespmem:$0x1BC80] =	vst v63  }
0xb7: {  	p1 =	sne.s32 s8, $0xA000;
	s29 =	simm.s32 @!p4 $0x280;
	_ =	swait.ge @!p3 [sflag:s30], $0x4000  }
.Ltmp0:
0xb8: {  	s0 =	simm.s32 @!p4 $0x80;
	[sflag:s30] =	ssyncset.done @!p3 $0x0;
	(pc) =	sbr.rel @p1 .LBB2_2-.Ltmp0, $4  }
0xb9: {  	s10 =	simm.s32 @!p3 $0x300;
	s3 =	rddreg [dreg:$0x5];
	[sflag:s30] =	ssyncadd.s32 @!p3 $0xFFFFC000  }
0xba: {  	[spmem:s2] =	stream.indirect.scatter.add.f32 @!p3 [tilespmem:s12], [sflag:$0x7], $0x80, s10, s15, $0xb8;
	[tilespmem:$0x1BC80] =	vst v63  }
0xbb: {  	s5 =	sadd.s32 @!p4 $0xA00, s14;
	s14 =	simm.s32 @!p4 $0x0;
	p3 =	sge.u32 @!p2 s11, s3  }
0xbc: {  	[tilespmem:s0], [sflag:$0x2] =	stream.linear.gather @!p4 [hbm4b:s5+s14], $0x80, $0x38;
	[tilespmem:$0x1BC80] =	vst v63  }
0xbd: {  	p1 =	por p3, p2  }
0xbe: {  	[tilespmem:s29], [sflag:$0x2] =	stream.linear.gather @!p4 [hbm4b:s25+s14], $0x80, $0x38;
	[tilespmem:$0x1BC80] =	vst v63  }
0xbf: {  	s0 =	simm.s32 @!p1 $0x7  }
0xc0: {  	_ =	swait.ge @!p1 [sflag:s0], $0x4000  }
0xc1: {  	[sflag:s0] =	ssyncset.done @!p1 $0x0  }
0xc2: {  	s3 =	simm.s32 @!p1 $0x1;
	[sflag:s0] =	ssyncadd.s32 @!p1 $0xFFFFC000  }
0xc3: {  	_ =	swait.ge @!p1 [sflag:s3], $0x80  }
0xc4: {  	[sflag:s3] =	ssyncset.done @!p1 $0x0  }
0xc5: {  	[sflag:s3] =	ssyncadd.s32 @!p1 $0xFFFFFF80  }
0xc6: {  	_ =	swait.ge @!p1 [sflag:s3], $0x80  }
0xc7: {  	s5 =	simm.s32 @!p2 $0x6;
	s8 =	simm.s32 @!p1 $0x0;
	[sflag:s3] =	ssyncset.done @!p1 $0x0  }
0xc8: {  	s0 =	simm.s32 @!p1 $0x400;
	[sflag:s3] =	ssyncadd.s32 @!p1 $0xFFFFFF80;
	s3 =	simm.s32 @!p1 $0x80  }
0xc9: {  	[tilespmem:s0], [sflag:$0x5] =	stream.indirect.gather @!p1 [hbm4b:s1+s3], $0x80, s8, s3, $0xb8;
	[tilespmem:$0x1BC80] =	vst v63  }
0xca: {  	_ =	swait.ge @!p2 [sflag:s5], $0x4000  }
0xcb: {  	s25 =	simm.s32 $0x7;
	s0 =	simm.s32 @!p2 $0x4400;
	[sflag:s5] =	ssyncset.done @!p2 $0x0  }
0xcc: {  	s3 =	simm.s32 @!p2 $0x80;
	[sflag:s5] =	ssyncadd.s32 @!p2 $0xFFFFC000;
	s5 =	simm.s32 @!p2 $0x380  }
0xcd: {  	[spmem:s2] =	stream.indirect.scatter.add.f32 @!p2 [tilespmem:s0], [sflag:$0x8], $0x80, s5, s3, $0xb8;
	[tilespmem:$0x1BC80] =	vst v63  }
0xce: {  	_ =	swait.ge [sflag:s25], $0x4000  }
0xcf: {  	[sflag:s25] =	ssyncset.done $0x0  }
0xd0: {  	s29 =	simm.s32 $0x8;
	[sflag:s25] =	ssyncadd.s32 $0xFFFFC000  }
0xd1: {  	_ =	swait.ge [sflag:s29], $0x4000  }
0xd2: {  	[sflag:s29] =	ssyncset.done $0x0  }
0xd3: {  	[sflag:s29] =	ssyncadd.s32 $0xFFFFC000  }
0xd4: {  	[bflag:$0x0] =	sbarrier.arrive $0xFFFF  }
0xd5: {  	s0 =	rddreg [dreg:$0xd]  }
0xd6: {  	s3 =	simm.s32 @p0 $0x1FC9;
	s5 =	rddreg [dreg:$0x10];
	s0 =	sadd.s32 @p0 $0x25080, s0  }
0xd7: {  	[hbm:s0], [sflag:s3] =	dma.local @p0 [spmem:s5], $0x2080  }
0xd8: {  	s0 =	simm.s32 @p0 $0x9  }
0xd9: {  	_ =	swait.ge @p0 [sflag:s0], $0x2080  }
0xda: {  	[sflag:s0] =	ssyncset.done @p0 $0x0  }
0xdb: {  	[sflag:s0] =	ssyncadd.s32 @p0 $0xFFFFDF80;
	s0 =	rddreg [dreg:$0xf]  }
0xdc: {  	[hbm:s0], [sflag:s4] =	dma.local @!p0 [spmem:s6], $0x2780  }
0xdd: {  	s0 =	simm.s32 @!p0 $0x9  }
0xde: {  	_ =	swait.ge @!p0 [sflag:s0], $0x2780  }
0xdf: {  	s31 =	sadd.s32 $0x1, s31;
	s30 =	rddreg [dreg:$0xe]  }
0xe0: {  	p1 =	sne.s32 s31, s30  }
.Ltmp1:
0xe1: {  	_ = 	snop;
	(pc) =	sbr.rel @p1 .LBB2_1-.Ltmp1, $3  }
0xe2: {  	_ =	sdelay $0x1  }
0xe3: {  	[sflag:s0] =	ssyncset.done @!p0 $0x0  }
0xe4: {  	[sflag:s0] =	ssyncadd.s32 @!p0 $0xFFFFD880  }
0xe5: {  	_ =	sfence.sel $0x180000  }
0xe6: {  	[bflag:$0x0] =	sbarrier.arrive $0xFFFF  }
0xe7: {  	_ =	strace $0x9000004A  }
0xe8: {  	s0 =	stileid.u32;
	[bflag:$0x2] =	sbarrier.arrive $0xFFFF  }
0xe9: {  	p0 =	sne.s32 s0, $0x0;
	s0 =	rddreg [dreg:$0x3]  }
0xea: {  	s0 =	sadd.s32 @!p0 $0x100000, s0  }
0xeb: {  	[sflag:s0] =	ssyncadd.tile.s32 @!p0 $0x1;
	_ =	shalt  }
.Lfunc_end2:
_tile_overlayer_lowered:
.L_overlay_start_2:
0xec: {  	(tag) =	ssettag $0x2  }
0xed: {  	s0 =	rddreg [dreg:$0x0];
	s2 =	stileid.u32  }
0xee: {  	s1 =	rddreg [dreg:$0x1];
	p0 =	sne.s32 s2, $0x0  }
0xef: {  	s3 =	rddreg [dreg:$0x2];
	[bflag:$0x3] =	sbarrier.arrive $0xFFFF;
	s2 =	simm.s32 @!p0 $0x1C09  }
0xf0: {  	[timem:s3], [sflag:s2] =	dma.local @!p0 [hbm:s0], s1  }
0xf1: {  	s0 =	simm.s32 @!p0 $0x9  }
0xf2: {  	_ =	swait.ge @!p0 [sflag:s0], s1  }
0xf3: {  	s1 =	ssub.s32 @!p0 $0x0, s1;
	[sflag:s0] =	ssyncset.done @!p0 $0x0  }
0xf4: {  	[sflag:s0] =	ssyncadd.s32 @!p0 s1  }
0xf5: {  	[bflag:$0x3] =	sbarrier.arrive $0xFFFF  }
0xf6: {  	_ =	shalt  }

// kernel: kernel.16.cloned.1.call-start
scs
__scs_entry_jumppad:
0x0: {  	(pc) =	sbr.rel $0x88, $3  }
0x1: {  	(tag) =	ssettag $0x0;
	lr =	simm.s32 $0x1  }
0x2: {  	[smem:$0x3F99] =	sst lr;
	_ =	strace $0xD0000000  }
0x3: {  	_ = 	snop  }
0x4: {  	_ = 	snop  }
0x5: {  	_ = 	snop  }
0x6: {  	_ = 	snop  }
0x7: {  	_ = 	snop  }
__scs_overlays_trampoline_lowered:
0x8: {  	[smem:$0x3FA8] =	sst s0  }
0x9: {  	[smem:$0x3FA9] =	sst s1  }
0xa: {  	[smem:$0x3FAA] =	sst s2  }
0xb: {  	[smem:$0x3FAB] =	sst s3  }
0xc: {  	[smem:$0x3FAC] =	sst s4  }
0xd: {  	[smem:$0x3FAD] =	sst s5  }
0xe: {  	[smem:$0x3FAE] =	sst s6  }
0xf: {  	[smem:$0x3FAF] =	sst s7  }
0x10: {  	[smem:$0x3FB0] =	sst s8  }
0x11: {  	[smem:$0x3FB1] =	sst s9;
	s0 =	simm.s32 @!p0 $0x0  }
0x12: {  	s1 =	sld [smem:$0x3F97];
	s0 =	simm.s32 @p0 $0x1  }
0x13: {  	[smem:$0x3FB2] =	sst s0;
	s0 =	simm.s32 @!p1 $0x0  }
0x14: {  	s2 =	sld [smem:$0x3F96];
	s0 =	simm.s32 @p1 $0x1  }
0x15: {  	[smem:$0x3FB3] =	sst s0;
	s0 =	simm.s32 @!p2 $0x0  }
0x16: {  	s3 =	sld [smem:$0x3FDB];
	s0 =	simm.s32 @p2 $0x1  }
0x17: {  	s4 =	simm.s32 $0x1BF5;
	[smem:$0x3FB5] =	sst s0  }
0x18: {  	s0 =	sld [smem:$0x3F98];
	_ =	swait.ge [sflag:s4], $0x0  }
0x19: {  	s7 =	sld [smem:$0x3F99]  }
0x1a: {  	s8 =	sadd.s32 $0xFFFFE003, lr  }
0x1b: {  	s9 =	sadd.s32 $0xFFFFFEF7, lr;
	s5 =	simm.s32 $0xFFFFFFFF;
	p2 =	slt.u32 s8, $0xFFFFF086  }
0x1c: {  	p1 =	slt.u32 s9, $0xF7A;
	s5 =	simm.s32 @!p2 $0x0  }
0x1d: {  	s5 =	simm.s32 @p1 $0x1;
	p0 =	seq.s32 s7, s2  }
0x1e: {  	s7 =	smul.u32 @!p0 $0xF7A, s2;
	p2 =	seq.s32 @!p0 s5, $0x0  }
0x1f: {  	s9 =	smul.u32 $0xF7A, s1;
	s8 =	simm.s32 @!p0 $0x1BF5;
	p2 =	por !p2, p0  }
0x20: {  	[sflag:s8] =	ssyncset.s32 @!p0 $0xFFFFF086;
	s6 =	sadd.s32 @!p0 s3, s7;
	s7 =	simm.s32 @!p0 $0x108  }
0x21: {  	s3 =	sadd.s32 s3, s9;
	s6 =	sadd.s32 @!p0 $0x88, s6;
	s7 =	simm.s32 @p2 $0x1082  }
0x22: {  	[simem:s7], [sflag:s8] =	dma.local @!p0 [hbm:s6], $0xF7A  }
0x23: {  	s9 =	sor.u32 $0xD0000000, s2;
	s6 =	simm.s32 $0x108;
	_ =	swait.ge @!p0 [sflag:s8], $0x0  }
0x24: {  	s3 =	sadd.s32 $0x88, s3;
	s6 =	simm.s32 @!p1 $0x1082;
	[sflag:s4] =	ssyncset.s32 $0xFFFFF086  }
0x25: {  	[simem:s6], [sflag:s4] =	dma.local [hbm:s3], $0xF7A  }
0x26: {  	[smem:$0x3F99] =	sst s1;
	(tag) =	ssettag s2;
	_ =	strace s9  }
0x27: {  	s1 =	sld [smem:$0x3FA9]  }
0x28: {  	s2 =	sld [smem:$0x3FAA]  }
0x29: {  	s4 =	sld [smem:$0x3FAC]  }
0x2a: {  	p0 =	seq.s32 s5, $0x0;
	s5 =	sld [smem:$0x3FAD]  }
0x2b: {  	s6 =	sld [smem:$0x3FAE]  }
0x2c: {  	s7 =	sld [smem:$0x3FAF]  }
0x2d: {  	s3 =	simm.s32 $0x108;
	s8 =	sld [smem:$0x3FB0]  }
0x2e: {  	s3 =	simm.s32 @!p0 $0x1082;
	s9 =	sld [smem:$0x3FB1]  }
0x2f: {  	lr =	sadd.s32 s0, s3;
	s0 =	sld [smem:$0x3FA8]  }
0x30: {  	s3 =	sld [smem:$0x3FAB]  }
0x31: {  	[smem:$0x3FB4] =	sst s10  }
0x32: {  	s10 =	sld [smem:$0x3FB2];
	_ =	sdelay $0x3  }
0x33: {  	p0 =	seq.s32 s10, $0x1;
	s10 =	sld [smem:$0x3FB4];
	_ =	sdelay $0x3  }
0x34: {  	[smem:$0x3FB4] =	sst s10  }
0x35: {  	s10 =	sld [smem:$0x3FB3];
	_ =	sdelay $0x3  }
0x36: {  	p1 =	seq.s32 s10, $0x1;
	s10 =	sld [smem:$0x3FB4];
	_ =	sdelay $0x3  }
0x37: {  	[smem:$0x3FB4] =	sst s10  }
0x38: {  	s10 =	sld [smem:$0x3FB5]  }
0x39: {  	_ = 	snop;
	(pc) =	sbr.ind lr, $3  }
0x3a: {  	_ = 	snop  }
0x3b: {  	_ = 	snop  }
0x3c: {  	p2 =	seq.s32 s10, $0x1;
	s10 =	sld [smem:$0x3FB4]  }
0x3d: {  	_ =	shalt  }
0x3e: {  	_ =	shalt  }
0x3f: {  	_ =	shalt  }
0x40: {  	_ =	shalt  }
0x41: {  	_ =	shalt  }
0x42: {  	_ =	shalt  }
0x43: {  	_ =	shalt  }
0x44: {  	_ =	shalt  }
0x45: {  	_ =	shalt  }
0x46: {  	_ =	shalt  }
0x47: {  	_ =	shalt  }
0x48: {  	_ =	shalt  }
0x49: {  	_ =	shalt  }
0x4a: {  	_ =	shalt  }
0x4b: {  	_ =	shalt  }
0x4c: {  	_ =	shalt  }
0x4d: {  	_ =	shalt  }
0x4e: {  	_ =	shalt  }
0x4f: {  	_ =	shalt  }
0x50: {  	_ =	shalt  }
0x51: {  	_ =	shalt  }
0x52: {  	_ =	shalt  }
0x53: {  	_ =	shalt  }
0x54: {  	_ =	shalt  }
0x55: {  	_ =	shalt  }
0x56: {  	_ =	shalt  }
0x57: {  	_ =	shalt  }
0x58: {  	_ =	shalt  }
0x59: {  	_ =	shalt  }
0x5a: {  	_ =	shalt  }
0x5b: {  	_ =	shalt  }
0x5c: {  	_ =	shalt  }
0x5d: {  	_ =	shalt  }
0x5e: {  	_ =	shalt  }
0x5f: {  	_ =	shalt  }
0x60: {  	_ =	shalt  }
0x61: {  	_ =	shalt  }
0x62: {  	_ =	shalt  }
0x63: {  	_ =	shalt  }
0x64: {  	_ =	shalt  }
0x65: {  	_ =	shalt  }
0x66: {  	_ =	shalt  }
0x67: {  	_ =	shalt  }
0x68: {  	_ =	shalt  }
0x69: {  	_ =	shalt  }
0x6a: {  	_ =	shalt  }
0x6b: {  	_ =	shalt  }
0x6c: {  	_ =	shalt  }
0x6d: {  	_ =	shalt  }
0x6e: {  	_ =	shalt  }
0x6f: {  	_ =	shalt  }
0x70: {  	_ =	shalt  }
0x71: {  	_ =	shalt  }
0x72: {  	_ =	shalt  }
0x73: {  	_ =	shalt  }
0x74: {  	_ =	shalt  }
0x75: {  	_ =	shalt  }
0x76: {  	_ =	shalt  }
0x77: {  	_ =	shalt  }
0x78: {  	_ =	shalt  }
0x79: {  	_ =	shalt  }
0x7a: {  	_ =	shalt  }
0x7b: {  	_ =	shalt  }
0x7c: {  	_ =	shalt  }
0x7d: {  	_ =	shalt  }
0x7e: {  	_ =	shalt  }
0x7f: {  	_ =	shalt  }
0x80: {  	_ =	shalt  }
0x81: {  	_ =	shalt  }
0x82: {  	_ =	shalt  }
0x83: {  	_ =	shalt  }
0x84: {  	_ =	shalt  }
0x85: {  	_ =	shalt  }
0x86: {  	_ =	shalt  }
0x87: {  	_ =	shalt  }
.Lfunc_end0:
.L_simem_size_0:
called_computation.2_lowered:
.L_overlay_start_0:
0x88: {  	s2 =	sld [smem:$0x3FD9]  }
0x89: {  	s3 =	sld [smem:$0x3FFE];
	_ =	sdelay $0x1  }
0x8a: {  	s1 =	srdreg.scid  }
0x8b: {  	s0 =	sand.u32 $0x1, s1  }
0x8c: {  	s17 =	sshll.u32 s0, $0xA;
	s2 =	sadd.s32 s3, s2  }
0x8d: {  	s2 =	sadd.s32 s2, s17  }
0x8e: {  	[smem:$0x3FC0] =	sst s2  }
0x8f: {  	_ = 	snop  }
0x90: {  	s2 =	sld [smem:$0x3FD0];
	(tm) =	ssettm $0x1  }
0x91: {  	s18 =	sld [smem:$0x3FFB];
	_ =	sdelay $0x3  }
0x92: {  	_ =	strace s18  }
0x93: {  	s3 =	sld [smem:$0x3FFC];
	_ =	sdelay $0x3  }
0x94: {  	_ =	strace s3  }
0x95: {  	s3 =	sld [smem:$0x3FFD];
	_ =	sdelay $0x3  }
0x96: {  	_ =	strace s3  }
0x97: {  	_ =	strace $0x8FFFFFFF  }
0x98: {  	s19 =	sld [smem:$0x3FDB];
	_ =	sdelay $0x1  }
0x99: {  	s4 =	simm.s32 $_scs_section_size  }
0x9a: {  	s5 =	simm.s32 $_size__tile_overlayer_lowered;
	s6 =	simm.s32 $_tile_overlayer_lowered  }
0x9b: {  	s22 =	simm.s32 $0x1BFF;
	s21 =	sshll.u32 s6, $0x1;
	s3 =	sadd.s32 s4, s19  }
0x9c: {  	s7 =	simm.s32 $0x0;
	s20 =	sshll.u32 s5, $0x1;
	s5 =	sadd.s32 s21, s3  }
0x9d: {  	[timem:s7], [sflag:s22] =	dma.local [hbm:s5], s20  }
0x9e: {  	_ =	swait.ge [sflag:s22], s20  }
0x9f: {  	s4 =	ssub.s32 $0x0, s20;
	[sflag:s22] =	ssyncset.done $0x0  }
0xa0: {  	[sflag:s22] =	ssyncadd.s32 s4;
	_ =	sdelay $0x1  }
0xa1: {  	s23 =	simm.s32 $0x1B8B  }
0xa2: {  	_ =	swait.ge [sflag:s23], $0x1  }
0xa3: {  	[sflag:s23] =	ssyncset.done $0x0  }
0xa4: {  	s25 =	simm.s32 $0x1B8E;
	s24 =	sld [smem:$0x3FFE];
	[sflag:s23] =	ssyncadd.s32 $0xFFFFFFFF  }
0xa5: {  	s26 =	simm.s32 $execute0_lowered;
	[smem:$0x3FD2] =	sst s25  }
0xa6: {  	s5 =	sshll.u32 s26, $0x1;
	_ =	strace $0x8000004C;
	[dreg:$0x1] =	wrdreg $0xFFFFFFFF  }
0xa7: {  	s28 =	simm.s32 $_size_execute0_lowered;
	s3 =	sadd.s32 s3, s5;
	[dreg:$0x0] =	wrdreg $0x0  }
0xa8: {  	s5 =	sshll.u32 s28, $0x1;
	[dreg:$0x2] =	wrdreg s3  }
0xa9: {  	[dreg:$0x3] =	wrdreg s5  }
0xaa: {  	[dreg:$0x4] =	wrdreg $0xC0  }
0xab: {  	_ =	task [dreg:s7], $0x5FFFF  }
0xac: {  	[dreg:$0x1] =	wrdreg $0xFFFFFFFF  }
0xad: {  	[dreg:$0x0] =	wrdreg $0x60  }
0xae: {  	[dreg:$0x2] =	wrdreg s2  }
0xaf: {  	[dreg:$0x3] =	wrdreg s24  }
0xb0: {  	[dreg:$0x4] =	wrdreg $0x84000  }
0xb1: {  	[dreg:$0x5] =	wrdreg $0x9  }
0xb2: {  	_ =	task.clear_ibuf [dreg:s7], $0x6FFFF;
	_ =	strace $0x9000004C  }
0xb3: {  	s29 =	simm.s32 $0x9;
	_ =	strace $0x8000004E  }
0xb4: {  	_ =	swait.ge [sflag:s29], $0x1  }
0xb5: {  	[sflag:s29] =	ssyncadd.s32 $0xFFFFFFFF  }
0xb6: {  	_ =	strace $0x9000004E  }
0xb7: {  	_ =	sfence  }
0xb8: {  	s30 =	sld [smem:$0x0];
	_ =	sdelay $0x2  }
0xb9: {  	s31 =	sshll.u32 s1, $0xD;
	s1 =	sshrl.u32 s1, $0x2  }
0xba: {  	s3 =	sand.u32 $0x4000, s31;
	s1 =	sadd.s32 s1, s30  }
0xbb: {  	s0 =	sor.u32 s3, s0;
	s1 =	sshll.u32 s1, $0x11  }
0xbc: {  	s0 =	sor.u32 s1, s0  }
0xbd: {  	s0 =	sadd.s32 $0x8F2B, s0  }
0xbe: {  	[sflag:s0] =	ssyncadd.remote.s32 $0x1  }
0xbf: {  	_ =	sfence.sel $0xFFFF  }
0xc0: {  	[dreg:$0x0] =	wrdreg $0xFFFFFFFF;
	(pc) =	sbr.abs _section_cstart, $3  }
0xc1: {  	[dreg:$0x1] =	wrdreg $0xFFFFFFFF  }
0xc2: {  	_ =	task.clear_ibuf [dreg:s7], $0x2FFFF;
	_ =	strace $0x9FFFFFFF  }
0xc3: {  	(tm) =	ssettm $0x7FFFFFFF  }
tec
execute0_lowered:
.L_overlay_start_1:
0x0: {  	(tag) =	ssettag $0x1  }
0x1: {  	s1 =	rddreg [dreg:$0x0]  }
0x2: {  	s0 =	rddreg [dreg:$0x1]  }
0x3: {  	s2 =	rddreg [dreg:$0x2];
	s3 =	simm.s32 $0x0  }
0x4: {  	s4 =	srdreg.scid;
	s15 =	stileid.u32;
	s28 =	simm.s32 $0x6  }
0x5: {  	s31 =	simm.s32 $0x0;
	[smem:$0x7FF] =	sst s3;
	s6 =	sadd.s32 $0xD400, s0  }
0x6: {  	s4 =	sand.u32 $0x1, s4;
	s8 =	sadd.s32 $0x3600, s0;
	s5 =	sadd.s32 $0x17A00, s0  }
0x7: {  	s10 =	smul.u32 $0x4F000, s15;
	s19 =	sadd.s32 $0x128400, s2;
	s30 =	sshll.u32 s15, $0x4  }
0x8: {  	_ =	strace $0x8000004D;
	s7 =	smul.u32 $0x27100, s4;
	[dreg:$0x6] =	wrdreg s5  }
0x9: {  	s9 =	ssub.s32 $0x2, s4;
	s11 =	sshll.u32 s4, $0x4;
	[dreg:$0x8] =	wrdreg s19  }
0xa: {  	s29 =	sshll.u32 s4, $0x8;
	s4 =	smul.u32 $0x2780, s15;
	s19 =	simm.s32 $0x80  }
0xb: {  	s16 =	sshrl.u32 s9, $0x1;
	s11 =	sor.u32 s15, s11;
	s17 =	sshrl.u32 s10, $0x2  }
0xc: {  	s0 =	sadd.s32 s7, s0;
	s9 =	ssub.s32 s9, s16;
	s18 =	sadd.s32 s17, s2  }
0xd: {  	p0 =	slt.u32 s11, $0x4;
	s7 =	simm.s32 $0x4F;
	s20 =	sshll.u32 s11, $0x4  }
0xe: {  	[dreg:$0x7] =	wrdreg s18;
	s7 =	simm.s32 @!p0 $0x4E;
	s21 =	sadd.s32 s6, s20  }
0xf: {  	s22 =	sadd.s32 s8, s20;
	s10 =	sor.u32 $0x200, s20;
	s5 =	sadd.s32 $0x68400, s0  }
0x10: {  	s9 =	smax.u32 s9, $0x1;
	s0 =	sadd.s32 s29, s8;
	[dreg:$0x9] =	wrdreg s21  }
0x11: {  	p0 =	seq.s32 s15, $0xF;
	s18 =	simm.s32 $0x200;
	[dreg:$0xa] =	wrdreg s22  }
0x12: {  	s20 =	simm.s32 $0x280;
	s23 =	sadd.s32 s6, s10;
	[dreg:$0xe] =	wrdreg s9  }
0x13: {  	s24 =	sadd.s32 s8, s10;
	s25 =	sadd.s32 $0xFFFFFFFE, s7;
	[dreg:$0xd] =	wrdreg s5  }
0x14: {  	s13 =	sadd.s32 $0xFFFFFFFD, s7;
	s26 =	sadd.s32 $0xFFFFFFFC, s7;
	[dreg:$0xb] =	wrdreg s23  }
0x15: {  	s6 =	sadd.s32 s29, s6;
	s17 =	sadd.s32 s30, s0;
	[dreg:$0xc] =	wrdreg s24  }
0x16: {  	s22 =	simm.s32 $0x400;
	s0 =	sadd.s32 @!p0 s4, s5;
	[dreg:$0x4] =	wrdreg s25  }
0x17: {  	[dreg:$0x5] =	wrdreg s26;
	s16 =	sadd.s32 s30, s6;
	s23 =	simm.s32 $0x2  }
0x18: {  	s24 =	simm.s32 $0x4400;
	[dreg:$0xf] =	wrdreg s0;
	s26 =	simm.s32 $0x5  }
.LBB2_1:
0x19: {  	s0 =	rddreg [dreg:$0x8]  }
0x1a: {  	s3 =	rddreg [dreg:$0x6];
	s0 =	sshrl.u32 @p0 s0, $0x3  }
0x1b: {  	s4 =	simm.s32 @p0 $0x1FC9;
	[dreg:$0x10] =	wrdreg s0  }
0x1c: {  	[spmem:s0], [sflag:s4] =	dma.local @p0 [hbm:s3], $0x2080  }
0x1d: {  	s4 =	simm.s32 @p0 $0x9  }
0x1e: {  	s8 =	simm.s32 @!p0 $0x9;
	s0 =	stileid.u32;
	_ =	swait.ge @p0 [sflag:s4], $0x2080  }
0x1f: {  	s6 =	sshll.u32 @!p0 s0, $0x6;
	[sflag:s4] =	ssyncset.done @p0 $0x0;
	s0 =	rddreg [dreg:$0x7]  }
0x20: {  	[sflag:s4] =	ssyncadd.s32 @p0 $0xFFFFDF80;
	s4 =	sor.u32 @!p0 $0x1C09, s6;
	s6 =	sshrl.u32 @!p0 s0, $0x3  }
0x21: {  	[spmem:s6], [sflag:s4] =	dma.local @!p0 [hbm:s3], $0x2780  }
0x22: {  	_ =	swait.ge @!p0 [sflag:s8], $0x2780  }
0x23: {  	[sflag:s8] =	ssyncset.done @!p0 $0x0  }
0x24: {  	[sflag:s8] =	ssyncadd.s32 @!p0 $0xFFFFD880  }
0x25: {  	[bflag:$0x0] =	sbarrier.arrive $0xFFFF  }
0x26: {  	s11 =	simm.s32 $0x0;
	s12 =	rddreg [dreg:$0x9]  }
0x27: {  	[tilespmem:s11], [sflag:$0x1] =	stream.linear.gather [hbm4b:s12+s11], $0x80, $0x38;
	[tilespmem:$0x1BC80] =	vst v63  }
0x28: {  	s14 =	rddreg [dreg:$0xa]  }
0x29: {  	[tilespmem:s18], [sflag:$0x1] =	stream.linear.gather [hbm4b:s14+s11], $0x80, $0x38;
	[tilespmem:$0x1BC80] =	vst v63  }
0x2a: {  	s15 =	rddreg [dreg:$0xb]  }
0x2b: {  	[tilespmem:s19], [sflag:$0x2] =	stream.linear.gather [hbm4b:s15+s11], $0x80, $0x38;
	[tilespmem:$0x1BC80] =	vst v63  }
0x2c: {  	s25 =	simm.s32 $0x1;
	s21 =	rddreg [dreg:$0xc]  }
0x2d: {  	[tilespmem:s20], [sflag:$0x2] =	stream.linear.gather [hbm4b:s21+s11], $0x80, $0x38;
	[tilespmem:$0x1BC80] =	vst v63  }
0x2e: {  	_ =	swait.ge [sflag:s25], $0x80  }
0x2f: {  	[sflag:s25] =	ssyncset.done $0x0  }
0x30: {  	[sflag:s25] =	ssyncadd.s32 $0xFFFFFF80  }
0x31: {  	_ =	swait.ge [sflag:s25], $0x80  }
0x32: {  	p1 =	sle.u32 s7, $0x2;
	[sflag:s25] =	ssyncset.done $0x0  }
0x33: {  	s9 =	sadd.s32 @!p1 $0x0, s17;
	s8 =	sadd.s32 @!p1 $0x0, s16;
	[sflag:s25] =	ssyncadd.s32 $0xFFFFFF80  }
0x34: {  	[tilespmem:s22], [sflag:$0x5] =	stream.indirect.gather [hbm4b:s1+s19], $0x80, s11, s19, $0xb8;
	[tilespmem:$0x1BC80] =	vst v63  }
0x35: {  	s10 =	simm.s32 @!p1 $0x0;
	s8 =	sadd.s32 @!p1 $0x400, s8;
	s11 =	simm.s32 @!p1 $0x100  }
0x36: {  	[tilespmem:s11], [sflag:$0x3] =	stream.linear.gather @!p1 [hbm4b:s8+s10], $0x80, $0x38;
	[tilespmem:$0x1BC80] =	vst v63  }
0x37: {  	p2 =	por $0x1, $0x1;
	s8 =	sadd.s32 @!p1 $0x400, s9;
	s9 =	simm.s32 @!p1 $0x300  }
0x38: {  	[tilespmem:s9], [sflag:$0x3] =	stream.linear.gather @!p1 [hbm4b:s8+s10], $0x80, $0x38;
	[tilespmem:$0x1BC80] =	vst v63  }
0x39: {  	s8 =	simm.s32 @!p2 $0x8  }
0x3a: {  	_ =	swait.ge @!p2 [sflag:s8], $0x4000  }
0x3b: {  	[sflag:s8] =	ssyncset.done @!p2 $0x0  }
0x3c: {  	[sflag:s8] =	ssyncadd.s32 @!p2 $0xFFFFC000  }
0x3d: {  	_ =	swait.ge [sflag:s23], $0x80  }
0x3e: {  	[sflag:s23] =	ssyncset.done $0x0  }
0x3f: {  	[sflag:s23] =	ssyncadd.s32 $0xFFFFFF80  }
0x40: {  	_ =	swait.ge [sflag:s23], $0x80  }
0x41: {  	[sflag:s23] =	ssyncset.done $0x0  }
0x42: {  	[sflag:s23] =	ssyncadd.s32 $0xFFFFFF80  }
0x43: {  	[tilespmem:s24], [sflag:$0x6] =	stream.indirect.gather [hbm4b:s1+s19], $0x80, s19, s19, $0xb8;
	[tilespmem:$0x1BC80] =	vst v63  }
0x44: {  	p2 =	sle.u32 s7, $0x3;
	_ =	swait.ge [sflag:s26], $0x4000  }
0x45: {  	s8 =	sadd.s32 @!p2 $0x0, s16;
	s10 =	sadd.s32 @!p2 $0x0, s17;
	[sflag:s26] =	ssyncset.done $0x0  }
0x46: {  	s11 =	simm.s32 @!p2 $0x0;
	s30 =	rddreg [dreg:$0x4];
	[sflag:s26] =	ssyncadd.s32 $0xFFFFC000  }
0x47: {  	[spmem:s2] =	stream.indirect.scatter.add.f32 [tilespmem:s22], [sflag:$0x7], $0x80, s18, s19, $0xb8;
	[tilespmem:$0x1BC80] =	vst v63  }
0x48: {  	s12 =	simm.s32 @!p2 $0x180;
	s8 =	sadd.s32 @!p2 $0x600, s8;
	p1 =	sle.u32 s30, $0x0  }
0x49: {  	[tilespmem:s12], [sflag:$0x4] =	stream.linear.gather @!p2 [hbm4b:s8+s11], $0x80, $0x38;
	[tilespmem:$0x1BC80] =	vst v63  }
0x4a: {  	s9 =	simm.s32 @!p2 $0x380;
	s8 =	sadd.s32 @!p2 $0x600, s10;
	s10 =	simm.s32 @!p1 $0x7  }
0x4b: {  	[tilespmem:s9], [sflag:$0x4] =	stream.linear.gather @!p2 [hbm4b:s8+s11], $0x80, $0x38;
	[tilespmem:$0x1BC80] =	vst v63  }
0x4c: {  	_ =	swait.ge @!p1 [sflag:s10], $0x4000  }
0x4d: {  	[sflag:s10] =	ssyncset.done @!p1 $0x0  }
0x4e: {  	s8 =	simm.s32 @!p1 $0x3;
	[sflag:s10] =	ssyncadd.s32 @!p1 $0xFFFFC000  }
0x4f: {  	_ =	swait.ge @!p1 [sflag:s8], $0x80  }
0x50: {  	[sflag:s8] =	ssyncset.done @!p1 $0x0  }
0x51: {  	[sflag:s8] =	ssyncadd.s32 @!p1 $0xFFFFFF80  }
0x52: {  	_ =	swait.ge @!p1 [sflag:s8], $0x80  }
0x53: {  	s9 =	simm.s32 @!p1 $0x400;
	[sflag:s8] =	ssyncset.done @!p1 $0x0  }
0x54: {  	s10 =	simm.s32 @!p1 $0x100;
	[sflag:s8] =	ssyncadd.s32 @!p1 $0xFFFFFF80;
	s8 =	simm.s32 @!p1 $0x80  }
0x55: {  	[tilespmem:s9], [sflag:$0x5] =	stream.indirect.gather @!p1 [hbm4b:s1+s8], $0x80, s10, s8, $0xb8;
	[tilespmem:$0x1BC80] =	vst v63  }
0x56: {  	p2 =	sle.u32 @!p1 s7, $0x4;
	_ =	swait.ge [sflag:s28], $0x4000  }
0x57: {  	p2 =	por p2, p1;
	[sflag:s28] =	ssyncset.done $0x0  }
0x58: {  	p3 =	sle.u32 @!p1 s13, $0x0;
	s10 =	sadd.s32 @!p2 $0x0, s16;
	[sflag:s28] =	ssyncadd.s32 $0xFFFFC000  }
0x59: {  	[spmem:s2] =	stream.indirect.scatter.add.f32 [tilespmem:s24], [sflag:$0x8], $0x80, s20, s19, $0xb8;
	[tilespmem:$0x1BC80] =	vst v63  }
0x5a: {  	s11 =	simm.s32 @!p2 $0x0;
	s12 =	sadd.s32 @!p2 $0x0, s17;
	s10 =	sadd.s32 @!p2 $0x800, s10  }
0x5b: {  	[tilespmem:s11], [sflag:$0x1] =	stream.linear.gather @!p2 [hbm4b:s10+s11], $0x80, $0x38;
	[tilespmem:$0x1BC80] =	vst v63  }
0x5c: {  	p3 =	por p3, p1;
	s10 =	sadd.s32 @!p2 $0x800, s12;
	s12 =	simm.s32 @!p2 $0x200  }
0x5d: {  	[tilespmem:s12], [sflag:$0x1] =	stream.linear.gather @!p2 [hbm4b:s10+s11], $0x80, $0x38;
	[tilespmem:$0x1BC80] =	vst v63  }
0x5e: {  	s10 =	simm.s32 @!p3 $0x8  }
0x5f: {  	_ =	swait.ge @!p3 [sflag:s10], $0x4000  }
0x60: {  	[sflag:s10] =	ssyncset.done @!p3 $0x0  }
0x61: {  	[sflag:s10] =	ssyncadd.s32 @!p3 $0xFFFFC000;
	s10 =	simm.s32 @!p3 $0x4  }
0x62: {  	_ =	swait.ge @!p3 [sflag:s10], $0x80  }
0x63: {  	[sflag:s10] =	ssyncset.done @!p3 $0x0  }
0x64: {  	[sflag:s10] =	ssyncadd.s32 @!p3 $0xFFFFFF80  }
0x65: {  	_ =	swait.ge @!p3 [sflag:s10], $0x80  }
0x66: {  	p2 =	sle.u32 s13, $0x0;
	s11 =	simm.s32 @!p3 $0x80;
	[sflag:s10] =	ssyncset.done @!p3 $0x0  }
0x67: {  	s12 =	simm.s32 @!p3 $0x180;
	[sflag:s10] =	ssyncadd.s32 @!p3 $0xFFFFFF80;
	s10 =	simm.s32 @!p3 $0x4400  }
0x68: {  	[tilespmem:s10], [sflag:$0x6] =	stream.indirect.gather @!p3 [hbm4b:s1+s11], $0x80, s12, s11, $0xb8;
	[tilespmem:$0x1BC80] =	vst v63  }
0x69: {  	p3 =	sle.u32 @!p2 s7, $0x5  }
0x6a: {  	s10 =	simm.s32 @!p1 $0x5;
	p4 =	por p3, p2  }
0x6b: {  	_ =	swait.ge @!p1 [sflag:s10], $0x4000;
	s11 =	sadd.s32 @!p4 $0x0, s16;
	s12 =	sadd.s32 @!p4 $0x0, s17  }
0x6c: {  	[sflag:s10] =	ssyncset.done @!p1 $0x0;
	s14 =	simm.s32 @!p4 $0x0;
	s29 =	simm.s32 @!p4 $0x280  }
0x6d: {  	s11 =	sadd.s32 @!p4 $0xA00, s11;
	[sflag:s10] =	ssyncadd.s32 @!p1 $0xFFFFC000;
	s10 =	simm.s32 @!p1 $0x300  }
0x6e: {  	[spmem:s2] =	stream.indirect.scatter.add.f32 @!p1 [tilespmem:s9], [sflag:$0x7], $0x80, s10, s8, $0xb8;
	[tilespmem:$0x1BC80] =	vst v63  }
0x6f: {  	s25 =	sadd.s32 @!p4 $0xA00, s12;
	s8 =	simm.s32 @!p4 $0x80;
	s9 =	rddreg [dreg:$0x5]  }
0x70: {  	[tilespmem:s8], [sflag:$0x2] =	stream.linear.gather @!p4 [hbm4b:s11+s14], $0x80, $0x38;
	[tilespmem:$0x1BC80] =	vst v63  }
0x71: {  	p3 =	sle.u32 @!p2 s9, $0x0;
	s9 =	simm.s32 $0x5;
	s8 =	simm.s32 $0x800  }
.LBB2_2:
0x72: {  	p5 =	por p3, p2  }
0x73: {  	[tilespmem:s29], [sflag:$0x2] =	stream.linear.gather @!p4 [hbm4b:s25+s14], $0x80, $0x38;
	[tilespmem:$0x1BC80] =	vst v63  }
0x74: {  	s12 =	simm.s32 @!p5 $0x7  }
0x75: {  	s9 =	sadd.s32 $0x4, s9;
	_ =	swait.ge @!p5 [sflag:s12], $0x4000  }
0x76: {  	s11 =	sadd.s32 $0xFFFFFFFD, s9;
	[sflag:s12] =	ssyncset.done @!p5 $0x0  }
0x77: {  	p3 =	sge.u32 s11, s7;
	s11 =	simm.s32 @!p5 $0x1;
	[sflag:s12] =	ssyncadd.s32 @!p5 $0xFFFFC000  }
0x78: {  	_ =	swait.ge @!p5 [sflag:s11], $0x80  }
0x79: {  	[sflag:s11] =	ssyncset.done @!p5 $0x0  }
0x7a: {  	[sflag:s11] =	ssyncadd.s32 @!p5 $0xFFFFFF80  }
0x7b: {  	s10 =	smov.u32 s8;
	_ =	swait.ge @!p5 [sflag:s11], $0x80  }
0x7c: {  	s25 =	simm.s32 @!p2 $0x6;
	s29 =	simm.s32 @!p5 $0x0;
	[sflag:s11] =	ssyncset.done @!p5 $0x0  }
0x7d: {  	s12 =	simm.s32 @!p5 $0x400;
	[sflag:s11] =	ssyncadd.s32 @!p5 $0xFFFFFF80;
	s11 =	simm.s32 @!p5 $0x80  }
0x7e: {  	[tilespmem:s12], [sflag:$0x5] =	stream.indirect.gather @!p5 [hbm4b:s1+s11], $0x80, s29, s11, $0xb8;
	[tilespmem:$0x1BC80] =	vst v63  }
0x7f: {  	s14 =	sadd.s32 @!p3 s10, s16;
	_ =	swait.ge @!p2 [sflag:s25], $0x4000  }
0x80: {  	s15 =	sadd.s32 @!p3 s10, s17;
	s11 =	simm.s32 @!p2 $0x4400;
	[sflag:s25] =	ssyncset.done @!p2 $0x0  }
0x81: {  	s12 =	simm.s32 @!p2 $0x80;
	[sflag:s25] =	ssyncadd.s32 @!p2 $0xFFFFC000;
	s25 =	simm.s32 @!p2 $0x380  }
0x82: {  	[spmem:s2] =	stream.indirect.scatter.add.f32 @!p2 [tilespmem:s11], [sflag:$0x8], $0x80, s25, s12, $0xb8;
	[tilespmem:$0x1BC80] =	vst v63  }
0x83: {  	s14 =	sadd.s32 @!p3 $0x400, s14;
	s11 =	simm.s32 @!p3 $0x0;
	s12 =	simm.s32 @!p3 $0x100  }
0x84: {  	[tilespmem:s12], [sflag:$0x3] =	stream.linear.gather @!p3 [hbm4b:s14+s11], $0x80, $0x38;
	[tilespmem:$0x1BC80] =	vst v63  }
0x85: {  	s15 =	sadd.s32 @!p3 $0x400, s15;
	p2 =	seq.s32 s10, $0x0;
	s12 =	simm.s32 @!p3 $0x300  }
0x86: {  	[tilespmem:s12], [sflag:$0x3] =	stream.linear.gather @!p3 [hbm4b:s15+s11], $0x80, $0x38;
	[tilespmem:$0x1BC80] =	vst v63  }
0x87: {  	s11 =	simm.s32 @!p2 $0x8  }
0x88: {  	_ =	swait.ge @!p2 [sflag:s11], $0x4000  }
0x89: {  	[sflag:s11] =	ssyncset.done @!p2 $0x0  }
0x8a: {  	[sflag:s11] =	ssyncadd.s32 @!p2 $0xFFFFC000  }
0x8b: {  	_ =	swait.ge [sflag:s23], $0x80  }
0x8c: {  	[sflag:s23] =	ssyncset.done $0x0  }
0x8d: {  	[sflag:s23] =	ssyncadd.s32 $0xFFFFFF80  }
0x8e: {  	_ =	swait.ge [sflag:s23], $0x80  }
0x8f: {  	s30 =	sadd.s32 $0xFFFFFFFE, s9;
	[sflag:s23] =	ssyncset.done $0x0  }
0x90: {  	p4 =	sge.u32 s30, s7;
	[sflag:s23] =	ssyncadd.s32 $0xFFFFFF80  }
0x91: {  	[tilespmem:s24], [sflag:$0x6] =	stream.indirect.gather [hbm4b:s1+s19], $0x80, s19, s19, $0xb8;
	[tilespmem:$0x1BC80] =	vst v63  }
0x92: {  	s11 =	sadd.s32 @!p4 s10, s16;
	_ =	swait.ge [sflag:s26], $0x4000  }
0x93: {  	s25 =	simm.s32 @!p4 $0x180;
	s14 =	sadd.s32 @!p4 $0x600, s11;
	[sflag:s26] =	ssyncset.done $0x0  }
0x94: {  	s11 =	sadd.s32 $0xFFFFFFFB, s9;
	s29 =	rddreg [dreg:$0x4];
	[sflag:s26] =	ssyncadd.s32 $0xFFFFC000  }
0x95: {  	[spmem:s2] =	stream.indirect.scatter.add.f32 [tilespmem:s22], [sflag:$0x7], $0x80, s18, s19, $0xb8;
	[tilespmem:$0x1BC80] =	vst v63  }
0x96: {  	s12 =	sadd.s32 @!p4 s10, s17;
	s15 =	simm.s32 @!p4 $0x0;
	p3 =	sge.u32 s11, s29  }
0x97: {  	[tilespmem:s25], [sflag:$0x4] =	stream.linear.gather @!p4 [hbm4b:s14+s15], $0x80, $0x38;
	[tilespmem:$0x1BC80] =	vst v63  }
0x98: {  	s30 =	simm.s32 @!p4 $0x380;
	s12 =	sadd.s32 @!p4 $0x600, s12;
	s14 =	simm.s32 @!p3 $0x7  }
0x99: {  	[tilespmem:s30], [sflag:$0x4] =	stream.linear.gather @!p4 [hbm4b:s12+s15], $0x80, $0x38;
	[tilespmem:$0x1BC80] =	vst v63  }
0x9a: {  	_ =	swait.ge @!p3 [sflag:s14], $0x4000  }
0x9b: {  	[sflag:s14] =	ssyncset.done @!p3 $0x0  }
0x9c: {  	[sflag:s14] =	ssyncadd.s32 @!p3 $0xFFFFC000;
	s14 =	simm.s32 @!p3 $0x3  }
0x9d: {  	_ =	swait.ge @!p3 [sflag:s14], $0x80  }
0x9e: {  	[sflag:s14] =	ssyncset.done @!p3 $0x0  }
0x9f: {  	[sflag:s14] =	ssyncadd.s32 @!p3 $0xFFFFFF80  }
0xa0: {  	_ =	swait.ge @!p3 [sflag:s14], $0x80  }
0xa1: {  	s25 =	sadd.s32 @!p3 $0xFFFFFFFF, s9;
	s12 =	simm.s32 @!p3 $0x400;
	[sflag:s14] =	ssyncset.done @!p3 $0x0  }
0xa2: {  	s15 =	simm.s32 @!p3 $0x80;
	[sflag:s14] =	ssyncadd.s32 @!p3 $0xFFFFFF80;
	s14 =	simm.s32 @!p3 $0x100  }
0xa3: {  	[tilespmem:s12], [sflag:$0x5] =	stream.indirect.gather @!p3 [hbm4b:s1+s15], $0x80, s14, s15, $0xb8;
	[tilespmem:$0x1BC80] =	vst v63  }
0xa4: {  	p4 =	sge.u32 @!p3 s25, s7;
	_ =	swait.ge [sflag:s28], $0x4000  }
0xa5: {  	p4 =	por p4, p3;
	[sflag:s28] =	ssyncset.done $0x0  }
0xa6: {  	p2 =	sge.u32 @!p3 s11, s13;
	s14 =	sadd.s32 @!p4 s10, s16;
	[sflag:s28] =	ssyncadd.s32 $0xFFFFC000  }
0xa7: {  	[spmem:s2] =	stream.indirect.scatter.add.f32 [tilespmem:s24], [sflag:$0x8], $0x80, s20, s19, $0xb8;
	[tilespmem:$0x1BC80] =	vst v63  }
0xa8: {  	s25 =	simm.s32 @!p4 $0x0;
	s29 =	sadd.s32 @!p4 s10, s17;
	s14 =	sadd.s32 @!p4 $0x800, s14  }
0xa9: {  	[tilespmem:s25], [sflag:$0x1] =	stream.linear.gather @!p4 [hbm4b:s14+s25], $0x80, $0x38;
	[tilespmem:$0x1BC80] =	vst v63  }
0xaa: {  	p5 =	por p2, p3;
	s14 =	sadd.s32 @!p4 $0x800, s29;
	s29 =	simm.s32 @!p4 $0x200  }
0xab: {  	[tilespmem:s29], [sflag:$0x1] =	stream.linear.gather @!p4 [hbm4b:s14+s25], $0x80, $0x38;
	[tilespmem:$0x1BC80] =	vst v63  }
0xac: {  	s14 =	simm.s32 @!p5 $0x8  }
0xad: {  	_ =	swait.ge @!p5 [sflag:s14], $0x4000  }
0xae: {  	[sflag:s14] =	ssyncset.done @!p5 $0x0  }
0xaf: {  	s30 =	simm.s32 @!p5 $0x4;
	[sflag:s14] =	ssyncadd.s32 @!p5 $0xFFFFC000  }
0xb0: {  	p2 =	sge.u32 s11, s13;
	_ =	swait.ge @!p5 [sflag:s30], $0x80  }
0xb1: {  	s8 =	sadd.s32 $0x800, s8;
	p4 =	sge.u32 @!p2 s9, s7;
	[sflag:s30] =	ssyncset.done @!p5 $0x0  }
0xb2: {  	s3 =	simm.s32 @!p5 $0x80;
	p4 =	por p4, p2;
	[sflag:s30] =	ssyncadd.s32 @!p5 $0xFFFFFF80  }
0xb3: {  	s14 =	sadd.s32 @!p4 s10, s16;
	s10 =	sadd.s32 @!p4 s10, s17;
	_ =	swait.ge @!p5 [sflag:s30], $0x80  }
0xb4: {  	s21 =	simm.s32 @!p5 $0x180;
	s25 =	sadd.s32 @!p4 $0xA00, s10;
	[sflag:s30] =	ssyncset.done @!p5 $0x0  }
0xb5: {  	s10 =	simm.s32 @!p5 $0x4400;
	[sflag:s30] =	ssyncadd.s32 @!p5 $0xFFFFFF80;
	s30 =	simm.s32 @!p3 $0x5  }
0xb6: {  	[tilespmem:s10], [sflag:$0x6] =	stream.indirect.gather @!p5 [hbm4b:s1+s3], $0x80, s21, s3, $0xb8;
	[tilespmem:$0x1BC80] =	vst v63  }
0xb7: {  	p1 =	sne.s32 s8, $0xA000;
	s29 =	simm.s32 @!p4 $0x280;
	_ =	swait.ge @!p3 [sflag:s30], $0x4000  }
.Ltmp0:
0xb8: {  	s0 =	simm.s32 @!p4 $0x80;
	[sflag:s30] =	ssyncset.done @!p3 $0x0;
	(pc) =	sbr.rel @p1 .LBB2_2-.Ltmp0, $4  }
0xb9: {  	s10 =	simm.s32 @!p3 $0x300;
	s3 =	rddreg [dreg:$0x5];
	[sflag:s30] =	ssyncadd.s32 @!p3 $0xFFFFC000  }
0xba: {  	[spmem:s2] =	stream.indirect.scatter.add.f32 @!p3 [tilespmem:s12], [sflag:$0x7], $0x80, s10, s15, $0xb8;
	[tilespmem:$0x1BC80] =	vst v63  }
0xbb: {  	s5 =	sadd.s32 @!p4 $0xA00, s14;
	s14 =	simm.s32 @!p4 $0x0;
	p3 =	sge.u32 @!p2 s11, s3  }
0xbc: {  	[tilespmem:s0], [sflag:$0x2] =	stream.linear.gather @!p4 [hbm4b:s5+s14], $0x80, $0x38;
	[tilespmem:$0x1BC80] =	vst v63  }
0xbd: {  	p1 =	por p3, p2  }
0xbe: {  	[tilespmem:s29], [sflag:$0x2] =	stream.linear.gather @!p4 [hbm4b:s25+s14], $0x80, $0x38;
	[tilespmem:$0x1BC80] =	vst v63  }
0xbf: {  	s0 =	simm.s32 @!p1 $0x7  }
0xc0: {  	_ =	swait.ge @!p1 [sflag:s0], $0x4000  }
0xc1: {  	[sflag:s0] =	ssyncset.done @!p1 $0x0  }
0xc2: {  	s3 =	simm.s32 @!p1 $0x1;
	[sflag:s0] =	ssyncadd.s32 @!p1 $0xFFFFC000  }
0xc3: {  	_ =	swait.ge @!p1 [sflag:s3], $0x80  }
0xc4: {  	[sflag:s3] =	ssyncset.done @!p1 $0x0  }
0xc5: {  	[sflag:s3] =	ssyncadd.s32 @!p1 $0xFFFFFF80  }
0xc6: {  	_ =	swait.ge @!p1 [sflag:s3], $0x80  }
0xc7: {  	s5 =	simm.s32 @!p2 $0x6;
	s8 =	simm.s32 @!p1 $0x0;
	[sflag:s3] =	ssyncset.done @!p1 $0x0  }
0xc8: {  	s0 =	simm.s32 @!p1 $0x400;
	[sflag:s3] =	ssyncadd.s32 @!p1 $0xFFFFFF80;
	s3 =	simm.s32 @!p1 $0x80  }
0xc9: {  	[tilespmem:s0], [sflag:$0x5] =	stream.indirect.gather @!p1 [hbm4b:s1+s3], $0x80, s8, s3, $0xb8;
	[tilespmem:$0x1BC80] =	vst v63  }
0xca: {  	_ =	swait.ge @!p2 [sflag:s5], $0x4000  }
0xcb: {  	s25 =	simm.s32 $0x7;
	s0 =	simm.s32 @!p2 $0x4400;
	[sflag:s5] =	ssyncset.done @!p2 $0x0  }
0xcc: {  	s3 =	simm.s32 @!p2 $0x80;
	[sflag:s5] =	ssyncadd.s32 @!p2 $0xFFFFC000;
	s5 =	simm.s32 @!p2 $0x380  }
0xcd: {  	[spmem:s2] =	stream.indirect.scatter.add.f32 @!p2 [tilespmem:s0], [sflag:$0x8], $0x80, s5, s3, $0xb8;
	[tilespmem:$0x1BC80] =	vst v63  }
0xce: {  	_ =	swait.ge [sflag:s25], $0x4000  }
0xcf: {  	[sflag:s25] =	ssyncset.done $0x0  }
0xd0: {  	s29 =	simm.s32 $0x8;
	[sflag:s25] =	ssyncadd.s32 $0xFFFFC000  }
0xd1: {  	_ =	swait.ge [sflag:s29], $0x4000  }
0xd2: {  	[sflag:s29] =	ssyncset.done $0x0  }
0xd3: {  	[sflag:s29] =	ssyncadd.s32 $0xFFFFC000  }
0xd4: {  	[bflag:$0x0] =	sbarrier.arrive $0xFFFF  }
0xd5: {  	s0 =	rddreg [dreg:$0xd]  }
0xd6: {  	s3 =	simm.s32 @p0 $0x1FC9;
	s5 =	rddreg [dreg:$0x10];
	s0 =	sadd.s32 @p0 $0x25080, s0  }
0xd7: {  	[hbm:s0], [sflag:s3] =	dma.local @p0 [spmem:s5], $0x2080  }
0xd8: {  	s0 =	simm.s32 @p0 $0x9  }
0xd9: {  	_ =	swait.ge @p0 [sflag:s0], $0x2080  }
0xda: {  	[sflag:s0] =	ssyncset.done @p0 $0x0  }
0xdb: {  	[sflag:s0] =	ssyncadd.s32 @p0 $0xFFFFDF80;
	s0 =	rddreg [dreg:$0xf]  }
0xdc: {  	[hbm:s0], [sflag:s4] =	dma.local @!p0 [spmem:s6], $0x2780  }
0xdd: {  	s0 =	simm.s32 @!p0 $0x9  }
0xde: {  	_ =	swait.ge @!p0 [sflag:s0], $0x2780  }
0xdf: {  	s31 =	sadd.s32 $0x1, s31;
	s30 =	rddreg [dreg:$0xe]  }
0xe0: {  	p1 =	sne.s32 s31, s30  }
.Ltmp1:
0xe1: {  	_ = 	snop;
	(pc) =	sbr.rel @p1 .LBB2_1-.Ltmp1, $3  }
0xe2: {  	_ =	sdelay $0x1  }
0xe3: {  	[sflag:s0] =	ssyncset.done @!p0 $0x0  }
0xe4: {  	[sflag:s0] =	ssyncadd.s32 @!p0 $0xFFFFD880  }
0xe5: {  	_ =	sfence.sel $0x180000  }
0xe6: {  	[bflag:$0x0] =	sbarrier.arrive $0xFFFF  }
0xe7: {  	_ =	strace $0x9000004D  }
0xe8: {  	s0 =	stileid.u32;
	[bflag:$0x2] =	sbarrier.arrive $0xFFFF  }
0xe9: {  	p0 =	sne.s32 s0, $0x0;
	s0 =	rddreg [dreg:$0x3]  }
0xea: {  	s0 =	sadd.s32 @!p0 $0x100000, s0  }
0xeb: {  	[sflag:s0] =	ssyncadd.tile.s32 @!p0 $0x1;
	_ =	shalt  }
.Lfunc_end2:
_tile_overlayer_lowered:
.L_overlay_start_2:
0xec: {  	(tag) =	ssettag $0x2  }
0xed: {  	s0 =	rddreg [dreg:$0x0];
	s2 =	stileid.u32  }
0xee: {  	s1 =	rddreg [dreg:$0x1];
	p0 =	sne.s32 s2, $0x0  }
0xef: {  	s3 =	rddreg [dreg:$0x2];
	[bflag:$0x3] =	sbarrier.arrive $0xFFFF;
	s2 =	simm.s32 @!p0 $0x1C09  }
0xf0: {  	[timem:s3], [sflag:s2] =	dma.local @!p0 [hbm:s0], s1  }
0xf1: {  	s0 =	simm.s32 @!p0 $0x9  }
0xf2: {  	_ =	swait.ge @!p0 [sflag:s0], s1  }
0xf3: {  	s1 =	ssub.s32 @!p0 $0x0, s1;
	[sflag:s0] =	ssyncset.done @!p0 $0x0  }
0xf4: {  	[sflag:s0] =	ssyncadd.s32 @!p0 s1  }
0xf5: {  	[bflag:$0x3] =	sbarrier.arrive $0xFFFF  }
0xf6: {  	_ =	shalt  }

// kernel: kernel.19.cloned.1.call-start
scs
__scs_entry_jumppad:
0x0: {  	(pc) =	sbr.rel $0x88, $3  }
0x1: {  	(tag) =	ssettag $0x0;
	lr =	simm.s32 $0x1  }
0x2: {  	[smem:$0x3F99] =	sst lr;
	_ =	strace $0xD0000000  }
0x3: {  	_ = 	snop  }
0x4: {  	_ = 	snop  }
0x5: {  	_ = 	snop  }
0x6: {  	_ = 	snop  }
0x7: {  	_ = 	snop  }
__scs_overlays_trampoline_lowered:
0x8: {  	[smem:$0x3FA8] =	sst s0  }
0x9: {  	[smem:$0x3FA9] =	sst s1  }
0xa: {  	[smem:$0x3FAA] =	sst s2  }
0xb: {  	[smem:$0x3FAB] =	sst s3  }
0xc: {  	[smem:$0x3FAC] =	sst s4  }
0xd: {  	[smem:$0x3FAD] =	sst s5  }
0xe: {  	[smem:$0x3FAE] =	sst s6  }
0xf: {  	[smem:$0x3FAF] =	sst s7  }
0x10: {  	[smem:$0x3FB0] =	sst s8  }
0x11: {  	[smem:$0x3FB1] =	sst s9;
	s0 =	simm.s32 @!p0 $0x0  }
0x12: {  	s1 =	sld [smem:$0x3F97];
	s0 =	simm.s32 @p0 $0x1  }
0x13: {  	[smem:$0x3FB2] =	sst s0;
	s0 =	simm.s32 @!p1 $0x0  }
0x14: {  	s2 =	sld [smem:$0x3F96];
	s0 =	simm.s32 @p1 $0x1  }
0x15: {  	[smem:$0x3FB3] =	sst s0;
	s0 =	simm.s32 @!p2 $0x0  }
0x16: {  	s3 =	sld [smem:$0x3FDB];
	s0 =	simm.s32 @p2 $0x1  }
0x17: {  	s4 =	simm.s32 $0x1BF5;
	[smem:$0x3FB5] =	sst s0  }
0x18: {  	s0 =	sld [smem:$0x3F98];
	_ =	swait.ge [sflag:s4], $0x0  }
0x19: {  	s7 =	sld [smem:$0x3F99]  }
0x1a: {  	s8 =	sadd.s32 $0xFFFFE003, lr  }
0x1b: {  	s9 =	sadd.s32 $0xFFFFFEF7, lr;
	s5 =	simm.s32 $0xFFFFFFFF;
	p2 =	slt.u32 s8, $0xFFFFF086  }
0x1c: {  	p1 =	slt.u32 s9, $0xF7A;
	s5 =	simm.s32 @!p2 $0x0  }
0x1d: {  	s5 =	simm.s32 @p1 $0x1;
	p0 =	seq.s32 s7, s2  }
0x1e: {  	s7 =	smul.u32 @!p0 $0xF7A, s2;
	p2 =	seq.s32 @!p0 s5, $0x0  }
0x1f: {  	s9 =	smul.u32 $0xF7A, s1;
	s8 =	simm.s32 @!p0 $0x1BF5;
	p2 =	por !p2, p0  }
0x20: {  	[sflag:s8] =	ssyncset.s32 @!p0 $0xFFFFF086;
	s6 =	sadd.s32 @!p0 s3, s7;
	s7 =	simm.s32 @!p0 $0x108  }
0x21: {  	s3 =	sadd.s32 s3, s9;
	s6 =	sadd.s32 @!p0 $0x88, s6;
	s7 =	simm.s32 @p2 $0x1082  }
0x22: {  	[simem:s7], [sflag:s8] =	dma.local @!p0 [hbm:s6], $0xF7A  }
0x23: {  	s9 =	sor.u32 $0xD0000000, s2;
	s6 =	simm.s32 $0x108;
	_ =	swait.ge @!p0 [sflag:s8], $0x0  }
0x24: {  	s3 =	sadd.s32 $0x88, s3;
	s6 =	simm.s32 @!p1 $0x1082;
	[sflag:s4] =	ssyncset.s32 $0xFFFFF086  }
0x25: {  	[simem:s6], [sflag:s4] =	dma.local [hbm:s3], $0xF7A  }
0x26: {  	[smem:$0x3F99] =	sst s1;
	(tag) =	ssettag s2;
	_ =	strace s9  }
0x27: {  	s1 =	sld [smem:$0x3FA9]  }
0x28: {  	s2 =	sld [smem:$0x3FAA]  }
0x29: {  	s4 =	sld [smem:$0x3FAC]  }
0x2a: {  	p0 =	seq.s32 s5, $0x0;
	s5 =	sld [smem:$0x3FAD]  }
0x2b: {  	s6 =	sld [smem:$0x3FAE]  }
0x2c: {  	s7 =	sld [smem:$0x3FAF]  }
0x2d: {  	s3 =	simm.s32 $0x108;
	s8 =	sld [smem:$0x3FB0]  }
0x2e: {  	s3 =	simm.s32 @!p0 $0x1082;
	s9 =	sld [smem:$0x3FB1]  }
0x2f: {  	lr =	sadd.s32 s0, s3;
	s0 =	sld [smem:$0x3FA8]  }
0x30: {  	s3 =	sld [smem:$0x3FAB]  }
0x31: {  	[smem:$0x3FB4] =	sst s10  }
0x32: {  	s10 =	sld [smem:$0x3FB2];
	_ =	sdelay $0x3  }
0x33: {  	p0 =	seq.s32 s10, $0x1;
	s10 =	sld [smem:$0x3FB4];
	_ =	sdelay $0x3  }
0x34: {  	[smem:$0x3FB4] =	sst s10  }
0x35: {  	s10 =	sld [smem:$0x3FB3];
	_ =	sdelay $0x3  }
0x36: {  	p1 =	seq.s32 s10, $0x1;
	s10 =	sld [smem:$0x3FB4];
	_ =	sdelay $0x3  }
0x37: {  	[smem:$0x3FB4] =	sst s10  }
0x38: {  	s10 =	sld [smem:$0x3FB5]  }
0x39: {  	_ = 	snop;
	(pc) =	sbr.ind lr, $3  }
0x3a: {  	_ = 	snop  }
0x3b: {  	_ = 	snop  }
0x3c: {  	p2 =	seq.s32 s10, $0x1;
	s10 =	sld [smem:$0x3FB4]  }
0x3d: {  	_ =	shalt  }
0x3e: {  	_ =	shalt  }
0x3f: {  	_ =	shalt  }
0x40: {  	_ =	shalt  }
0x41: {  	_ =	shalt  }
0x42: {  	_ =	shalt  }
0x43: {  	_ =	shalt  }
0x44: {  	_ =	shalt  }
0x45: {  	_ =	shalt  }
0x46: {  	_ =	shalt  }
0x47: {  	_ =	shalt  }
0x48: {  	_ =	shalt  }
0x49: {  	_ =	shalt  }
0x4a: {  	_ =	shalt  }
0x4b: {  	_ =	shalt  }
0x4c: {  	_ =	shalt  }
0x4d: {  	_ =	shalt  }
0x4e: {  	_ =	shalt  }
0x4f: {  	_ =	shalt  }
0x50: {  	_ =	shalt  }
0x51: {  	_ =	shalt  }
0x52: {  	_ =	shalt  }
0x53: {  	_ =	shalt  }
0x54: {  	_ =	shalt  }
0x55: {  	_ =	shalt  }
0x56: {  	_ =	shalt  }
0x57: {  	_ =	shalt  }
0x58: {  	_ =	shalt  }
0x59: {  	_ =	shalt  }
0x5a: {  	_ =	shalt  }
0x5b: {  	_ =	shalt  }
0x5c: {  	_ =	shalt  }
0x5d: {  	_ =	shalt  }
0x5e: {  	_ =	shalt  }
0x5f: {  	_ =	shalt  }
0x60: {  	_ =	shalt  }
0x61: {  	_ =	shalt  }
0x62: {  	_ =	shalt  }
0x63: {  	_ =	shalt  }
0x64: {  	_ =	shalt  }
0x65: {  	_ =	shalt  }
0x66: {  	_ =	shalt  }
0x67: {  	_ =	shalt  }
0x68: {  	_ =	shalt  }
0x69: {  	_ =	shalt  }
0x6a: {  	_ =	shalt  }
0x6b: {  	_ =	shalt  }
0x6c: {  	_ =	shalt  }
0x6d: {  	_ =	shalt  }
0x6e: {  	_ =	shalt  }
0x6f: {  	_ =	shalt  }
0x70: {  	_ =	shalt  }
0x71: {  	_ =	shalt  }
0x72: {  	_ =	shalt  }
0x73: {  	_ =	shalt  }
0x74: {  	_ =	shalt  }
0x75: {  	_ =	shalt  }
0x76: {  	_ =	shalt  }
0x77: {  	_ =	shalt  }
0x78: {  	_ =	shalt  }
0x79: {  	_ =	shalt  }
0x7a: {  	_ =	shalt  }
0x7b: {  	_ =	shalt  }
0x7c: {  	_ =	shalt  }
0x7d: {  	_ =	shalt  }
0x7e: {  	_ =	shalt  }
0x7f: {  	_ =	shalt  }
0x80: {  	_ =	shalt  }
0x81: {  	_ =	shalt  }
0x82: {  	_ =	shalt  }
0x83: {  	_ =	shalt  }
0x84: {  	_ =	shalt  }
0x85: {  	_ =	shalt  }
0x86: {  	_ =	shalt  }
0x87: {  	_ =	shalt  }
.Lfunc_end0:
.L_simem_size_0:
called_computation.3_lowered:
.L_overlay_start_0:
0x88: {  	s2 =	sld [smem:$0x3FD9]  }
0x89: {  	s3 =	sld [smem:$0x3FFE];
	_ =	sdelay $0x1  }
0x8a: {  	s1 =	srdreg.scid  }
0x8b: {  	s0 =	sand.u32 $0x1, s1  }
0x8c: {  	s17 =	sshll.u32 s0, $0xA;
	s2 =	sadd.s32 s3, s2  }
0x8d: {  	s2 =	sadd.s32 s2, s17  }
0x8e: {  	[smem:$0x3FC0] =	sst s2  }
0x8f: {  	_ = 	snop  }
0x90: {  	s2 =	sld [smem:$0x3FD0];
	(tm) =	ssettm $0x1  }
0x91: {  	s18 =	sld [smem:$0x3FFB];
	_ =	sdelay $0x3  }
0x92: {  	_ =	strace s18  }
0x93: {  	s3 =	sld [smem:$0x3FFC];
	_ =	sdelay $0x3  }
0x94: {  	_ =	strace s3  }
0x95: {  	s3 =	sld [smem:$0x3FFD];
	_ =	sdelay $0x3  }
0x96: {  	_ =	strace s3  }
0x97: {  	_ =	strace $0x8FFFFFFF  }
0x98: {  	s19 =	sld [smem:$0x3FDB];
	_ =	sdelay $0x1  }
0x99: {  	s4 =	simm.s32 $_scs_section_size  }
0x9a: {  	s5 =	simm.s32 $_size__tile_overlayer_lowered;
	s6 =	simm.s32 $_tile_overlayer_lowered  }
0x9b: {  	s22 =	simm.s32 $0x1BFF;
	s21 =	sshll.u32 s6, $0x1;
	s3 =	sadd.s32 s4, s19  }
0x9c: {  	s7 =	simm.s32 $0x0;
	s20 =	sshll.u32 s5, $0x1;
	s5 =	sadd.s32 s21, s3  }
0x9d: {  	[timem:s7], [sflag:s22] =	dma.local [hbm:s5], s20  }
0x9e: {  	_ =	swait.ge [sflag:s22], s20  }
0x9f: {  	s4 =	ssub.s32 $0x0, s20;
	[sflag:s22] =	ssyncset.done $0x0  }
0xa0: {  	[sflag:s22] =	ssyncadd.s32 s4;
	_ =	sdelay $0x1  }
0xa1: {  	s23 =	simm.s32 $0x1B8B  }
0xa2: {  	_ =	swait.ge [sflag:s23], $0x1  }
0xa3: {  	[sflag:s23] =	ssyncset.done $0x0  }
0xa4: {  	s25 =	simm.s32 $0x1B8E;
	s24 =	sld [smem:$0x3FFE];
	[sflag:s23] =	ssyncadd.s32 $0xFFFFFFFF  }
0xa5: {  	s26 =	simm.s32 $execute0_lowered;
	[smem:$0x3FD2] =	sst s25  }
0xa6: {  	s5 =	sshll.u32 s26, $0x1;
	_ =	strace $0x8000004F;
	[dreg:$0x1] =	wrdreg $0xFFFFFFFF  }
0xa7: {  	s28 =	simm.s32 $_size_execute0_lowered;
	s3 =	sadd.s32 s3, s5;
	[dreg:$0x0] =	wrdreg $0x0  }
0xa8: {  	s5 =	sshll.u32 s28, $0x1;
	[dreg:$0x2] =	wrdreg s3  }
0xa9: {  	[dreg:$0x3] =	wrdreg s5  }
0xaa: {  	[dreg:$0x4] =	wrdreg $0xC0  }
0xab: {  	_ =	task [dreg:s7], $0x5FFFF  }
0xac: {  	[dreg:$0x1] =	wrdreg $0xFFFFFFFF  }
0xad: {  	[dreg:$0x0] =	wrdreg $0x60  }
0xae: {  	[dreg:$0x2] =	wrdreg s2  }
0xaf: {  	[dreg:$0x3] =	wrdreg s24  }
0xb0: {  	[dreg:$0x4] =	wrdreg $0x84000  }
0xb1: {  	[dreg:$0x5] =	wrdreg $0x9  }
0xb2: {  	_ =	task.clear_ibuf [dreg:s7], $0x6FFFF;
	_ =	strace $0x9000004F  }
0xb3: {  	s29 =	simm.s32 $0x9;
	_ =	strace $0x80000051  }
0xb4: {  	_ =	swait.ge [sflag:s29], $0x1  }
0xb5: {  	[sflag:s29] =	ssyncadd.s32 $0xFFFFFFFF  }
0xb6: {  	_ =	strace $0x90000051  }
0xb7: {  	_ =	sfence  }
0xb8: {  	s30 =	sld [smem:$0x0];
	_ =	sdelay $0x2  }
0xb9: {  	s31 =	sshll.u32 s1, $0xD;
	s1 =	sshrl.u32 s1, $0x2  }
0xba: {  	s3 =	sand.u32 $0x4000, s31;
	s1 =	sadd.s32 s1, s30  }
0xbb: {  	s0 =	sor.u32 s3, s0;
	s1 =	sshll.u32 s1, $0x11  }
0xbc: {  	s0 =	sor.u32 s1, s0  }
0xbd: {  	s0 =	sadd.s32 $0x8F2B, s0  }
0xbe: {  	[sflag:s0] =	ssyncadd.remote.s32 $0x1  }
0xbf: {  	_ =	sfence.sel $0xFFFF  }
0xc0: {  	[dreg:$0x0] =	wrdreg $0xFFFFFFFF;
	(pc) =	sbr.abs _section_cstart, $3  }
0xc1: {  	[dreg:$0x1] =	wrdreg $0xFFFFFFFF  }
0xc2: {  	_ =	task.clear_ibuf [dreg:s7], $0x2FFFF;
	_ =	strace $0x9FFFFFFF  }
0xc3: {  	(tm) =	ssettm $0x7FFFFFFF  }
tec
execute0_lowered:
.L_overlay_start_1:
0x0: {  	(tag) =	ssettag $0x1  }
0x1: {  	s1 =	rddreg [dreg:$0x0]  }
0x2: {  	s0 =	rddreg [dreg:$0x1]  }
0x3: {  	s2 =	rddreg [dreg:$0x2];
	s3 =	simm.s32 $0x0  }
0x4: {  	s4 =	srdreg.scid;
	s15 =	stileid.u32;
	s28 =	simm.s32 $0x6  }
0x5: {  	s31 =	simm.s32 $0x0;
	[smem:$0x7FF] =	sst s3;
	s6 =	sadd.s32 $0xD400, s0  }
0x6: {  	s4 =	sand.u32 $0x1, s4;
	s8 =	sadd.s32 $0x3600, s0;
	s5 =	sadd.s32 $0x17A00, s0  }
0x7: {  	s10 =	smul.u32 $0x4F000, s15;
	s19 =	sadd.s32 $0x128400, s2;
	s30 =	sshll.u32 s15, $0x4  }
0x8: {  	_ =	strace $0x80000050;
	s7 =	smul.u32 $0x27100, s4;
	[dreg:$0x6] =	wrdreg s5  }
0x9: {  	s9 =	ssub.s32 $0x2, s4;
	s11 =	sshll.u32 s4, $0x4;
	[dreg:$0x8] =	wrdreg s19  }
0xa: {  	s29 =	sshll.u32 s4, $0x8;
	s4 =	smul.u32 $0x2780, s15;
	s19 =	simm.s32 $0x80  }
0xb: {  	s16 =	sshrl.u32 s9, $0x1;
	s11 =	sor.u32 s15, s11;
	s17 =	sshrl.u32 s10, $0x2  }
0xc: {  	s0 =	sadd.s32 s7, s0;
	s9 =	ssub.s32 s9, s16;
	s18 =	sadd.s32 s17, s2  }
0xd: {  	p0 =	slt.u32 s11, $0x4;
	s7 =	simm.s32 $0x4F;
	s20 =	sshll.u32 s11, $0x4  }
0xe: {  	[dreg:$0x7] =	wrdreg s18;
	s7 =	simm.s32 @!p0 $0x4E;
	s21 =	sadd.s32 s6, s20  }
0xf: {  	s22 =	sadd.s32 s8, s20;
	s10 =	sor.u32 $0x200, s20;
	s5 =	sadd.s32 $0x68400, s0  }
0x10: {  	s9 =	smax.u32 s9, $0x1;
	s0 =	sadd.s32 s29, s8;
	[dreg:$0x9] =	wrdreg s21  }
0x11: {  	p0 =	seq.s32 s15, $0xF;
	s18 =	simm.s32 $0x200;
	[dreg:$0xa] =	wrdreg s22  }
0x12: {  	s20 =	simm.s32 $0x280;
	s23 =	sadd.s32 s6, s10;
	[dreg:$0xe] =	wrdreg s9  }
0x13: {  	s24 =	sadd.s32 s8, s10;
	s25 =	sadd.s32 $0xFFFFFFFE, s7;
	[dreg:$0xd] =	wrdreg s5  }
0x14: {  	s13 =	sadd.s32 $0xFFFFFFFD, s7;
	s26 =	sadd.s32 $0xFFFFFFFC, s7;
	[dreg:$0xb] =	wrdreg s23  }
0x15: {  	s6 =	sadd.s32 s29, s6;
	s17 =	sadd.s32 s30, s0;
	[dreg:$0xc] =	wrdreg s24  }
0x16: {  	s22 =	simm.s32 $0x400;
	s0 =	sadd.s32 @!p0 s4, s5;
	[dreg:$0x4] =	wrdreg s25  }
0x17: {  	[dreg:$0x5] =	wrdreg s26;
	s16 =	sadd.s32 s30, s6;
	s23 =	simm.s32 $0x2  }
0x18: {  	s24 =	simm.s32 $0x4400;
	[dreg:$0xf] =	wrdreg s0;
	s26 =	simm.s32 $0x5  }
.LBB2_1:
0x19: {  	s0 =	rddreg [dreg:$0x8]  }
0x1a: {  	s3 =	rddreg [dreg:$0x6];
	s0 =	sshrl.u32 @p0 s0, $0x3  }
0x1b: {  	s4 =	simm.s32 @p0 $0x1FC9;
	[dreg:$0x10] =	wrdreg s0  }
0x1c: {  	[spmem:s0], [sflag:s4] =	dma.local @p0 [hbm:s3], $0x2080  }
0x1d: {  	s4 =	simm.s32 @p0 $0x9  }
0x1e: {  	s8 =	simm.s32 @!p0 $0x9;
	s0 =	stileid.u32;
	_ =	swait.ge @p0 [sflag:s4], $0x2080  }
0x1f: {  	s6 =	sshll.u32 @!p0 s0, $0x6;
	[sflag:s4] =	ssyncset.done @p0 $0x0;
	s0 =	rddreg [dreg:$0x7]  }
0x20: {  	[sflag:s4] =	ssyncadd.s32 @p0 $0xFFFFDF80;
	s4 =	sor.u32 @!p0 $0x1C09, s6;
	s6 =	sshrl.u32 @!p0 s0, $0x3  }
0x21: {  	[spmem:s6], [sflag:s4] =	dma.local @!p0 [hbm:s3], $0x2780  }
0x22: {  	_ =	swait.ge @!p0 [sflag:s8], $0x2780  }
0x23: {  	[sflag:s8] =	ssyncset.done @!p0 $0x0  }
0x24: {  	[sflag:s8] =	ssyncadd.s32 @!p0 $0xFFFFD880  }
0x25: {  	[bflag:$0x0] =	sbarrier.arrive $0xFFFF  }
0x26: {  	s11 =	simm.s32 $0x0;
	s12 =	rddreg [dreg:$0x9]  }
0x27: {  	[tilespmem:s11], [sflag:$0x1] =	stream.linear.gather [hbm4b:s12+s11], $0x80, $0x38;
	[tilespmem:$0x1BC80] =	vst v63  }
0x28: {  	s14 =	rddreg [dreg:$0xa]  }
0x29: {  	[tilespmem:s18], [sflag:$0x1] =	stream.linear.gather [hbm4b:s14+s11], $0x80, $0x38;
	[tilespmem:$0x1BC80] =	vst v63  }
0x2a: {  	s15 =	rddreg [dreg:$0xb]  }
0x2b: {  	[tilespmem:s19], [sflag:$0x2] =	stream.linear.gather [hbm4b:s15+s11], $0x80, $0x38;
	[tilespmem:$0x1BC80] =	vst v63  }
0x2c: {  	s25 =	simm.s32 $0x1;
	s21 =	rddreg [dreg:$0xc]  }
0x2d: {  	[tilespmem:s20], [sflag:$0x2] =	stream.linear.gather [hbm4b:s21+s11], $0x80, $0x38;
	[tilespmem:$0x1BC80] =	vst v63  }
0x2e: {  	_ =	swait.ge [sflag:s25], $0x80  }
0x2f: {  	[sflag:s25] =	ssyncset.done $0x0  }
0x30: {  	[sflag:s25] =	ssyncadd.s32 $0xFFFFFF80  }
0x31: {  	_ =	swait.ge [sflag:s25], $0x80  }
0x32: {  	p1 =	sle.u32 s7, $0x2;
	[sflag:s25] =	ssyncset.done $0x0  }
0x33: {  	s9 =	sadd.s32 @!p1 $0x0, s17;
	s8 =	sadd.s32 @!p1 $0x0, s16;
	[sflag:s25] =	ssyncadd.s32 $0xFFFFFF80  }
0x34: {  	[tilespmem:s22], [sflag:$0x5] =	stream.indirect.gather [hbm4b:s1+s19], $0x80, s11, s19, $0xb8;
	[tilespmem:$0x1BC80] =	vst v63  }
0x35: {  	s10 =	simm.s32 @!p1 $0x0;
	s8 =	sadd.s32 @!p1 $0x400, s8;
	s11 =	simm.s32 @!p1 $0x100  }
0x36: {  	[tilespmem:s11], [sflag:$0x3] =	stream.linear.gather @!p1 [hbm4b:s8+s10], $0x80, $0x38;
	[tilespmem:$0x1BC80] =	vst v63  }
0x37: {  	p2 =	por $0x1, $0x1;
	s8 =	sadd.s32 @!p1 $0x400, s9;
	s9 =	simm.s32 @!p1 $0x300  }
0x38: {  	[tilespmem:s9], [sflag:$0x3] =	stream.linear.gather @!p1 [hbm4b:s8+s10], $0x80, $0x38;
	[tilespmem:$0x1BC80] =	vst v63  }
0x39: {  	s8 =	simm.s32 @!p2 $0x8  }
0x3a: {  	_ =	swait.ge @!p2 [sflag:s8], $0x4000  }
0x3b: {  	[sflag:s8] =	ssyncset.done @!p2 $0x0  }
0x3c: {  	[sflag:s8] =	ssyncadd.s32 @!p2 $0xFFFFC000  }
0x3d: {  	_ =	swait.ge [sflag:s23], $0x80  }
0x3e: {  	[sflag:s23] =	ssyncset.done $0x0  }
0x3f: {  	[sflag:s23] =	ssyncadd.s32 $0xFFFFFF80  }
0x40: {  	_ =	swait.ge [sflag:s23], $0x80  }
0x41: {  	[sflag:s23] =	ssyncset.done $0x0  }
0x42: {  	[sflag:s23] =	ssyncadd.s32 $0xFFFFFF80  }
0x43: {  	[tilespmem:s24], [sflag:$0x6] =	stream.indirect.gather [hbm4b:s1+s19], $0x80, s19, s19, $0xb8;
	[tilespmem:$0x1BC80] =	vst v63  }
0x44: {  	p2 =	sle.u32 s7, $0x3;
	_ =	swait.ge [sflag:s26], $0x4000  }
0x45: {  	s8 =	sadd.s32 @!p2 $0x0, s16;
	s10 =	sadd.s32 @!p2 $0x0, s17;
	[sflag:s26] =	ssyncset.done $0x0  }
0x46: {  	s11 =	simm.s32 @!p2 $0x0;
	s30 =	rddreg [dreg:$0x4];
	[sflag:s26] =	ssyncadd.s32 $0xFFFFC000  }
0x47: {  	[spmem:s2] =	stream.indirect.scatter.add.f32 [tilespmem:s22], [sflag:$0x7], $0x80, s18, s19, $0xb8;
	[tilespmem:$0x1BC80] =	vst v63  }
0x48: {  	s12 =	simm.s32 @!p2 $0x180;
	s8 =	sadd.s32 @!p2 $0x600, s8;
	p1 =	sle.u32 s30, $0x0  }
0x49: {  	[tilespmem:s12], [sflag:$0x4] =	stream.linear.gather @!p2 [hbm4b:s8+s11], $0x80, $0x38;
	[tilespmem:$0x1BC80] =	vst v63  }
0x4a: {  	s9 =	simm.s32 @!p2 $0x380;
	s8 =	sadd.s32 @!p2 $0x600, s10;
	s10 =	simm.s32 @!p1 $0x7  }
0x4b: {  	[tilespmem:s9], [sflag:$0x4] =	stream.linear.gather @!p2 [hbm4b:s8+s11], $0x80, $0x38;
	[tilespmem:$0x1BC80] =	vst v63  }
0x4c: {  	_ =	swait.ge @!p1 [sflag:s10], $0x4000  }
0x4d: {  	[sflag:s10] =	ssyncset.done @!p1 $0x0  }
0x4e: {  	s8 =	simm.s32 @!p1 $0x3;
	[sflag:s10] =	ssyncadd.s32 @!p1 $0xFFFFC000  }
0x4f: {  	_ =	swait.ge @!p1 [sflag:s8], $0x80  }
0x50: {  	[sflag:s8] =	ssyncset.done @!p1 $0x0  }
0x51: {  	[sflag:s8] =	ssyncadd.s32 @!p1 $0xFFFFFF80  }
0x52: {  	_ =	swait.ge @!p1 [sflag:s8], $0x80  }
0x53: {  	s9 =	simm.s32 @!p1 $0x400;
	[sflag:s8] =	ssyncset.done @!p1 $0x0  }
0x54: {  	s10 =	simm.s32 @!p1 $0x100;
	[sflag:s8] =	ssyncadd.s32 @!p1 $0xFFFFFF80;
	s8 =	simm.s32 @!p1 $0x80  }
0x55: {  	[tilespmem:s9], [sflag:$0x5] =	stream.indirect.gather @!p1 [hbm4b:s1+s8], $0x80, s10, s8, $0xb8;
	[tilespmem:$0x1BC80] =	vst v63  }
0x56: {  	p2 =	sle.u32 @!p1 s7, $0x4;
	_ =	swait.ge [sflag:s28], $0x4000  }
0x57: {  	p2 =	por p2, p1;
	[sflag:s28] =	ssyncset.done $0x0  }
0x58: {  	p3 =	sle.u32 @!p1 s13, $0x0;
	s10 =	sadd.s32 @!p2 $0x0, s16;
	[sflag:s28] =	ssyncadd.s32 $0xFFFFC000  }
0x59: {  	[spmem:s2] =	stream.indirect.scatter.add.f32 [tilespmem:s24], [sflag:$0x8], $0x80, s20, s19, $0xb8;
	[tilespmem:$0x1BC80] =	vst v63  }
0x5a: {  	s11 =	simm.s32 @!p2 $0x0;
	s12 =	sadd.s32 @!p2 $0x0, s17;
	s10 =	sadd.s32 @!p2 $0x800, s10  }
0x5b: {  	[tilespmem:s11], [sflag:$0x1] =	stream.linear.gather @!p2 [hbm4b:s10+s11], $0x80, $0x38;
	[tilespmem:$0x1BC80] =	vst v63  }
0x5c: {  	p3 =	por p3, p1;
	s10 =	sadd.s32 @!p2 $0x800, s12;
	s12 =	simm.s32 @!p2 $0x200  }
0x5d: {  	[tilespmem:s12], [sflag:$0x1] =	stream.linear.gather @!p2 [hbm4b:s10+s11], $0x80, $0x38;
	[tilespmem:$0x1BC80] =	vst v63  }
0x5e: {  	s10 =	simm.s32 @!p3 $0x8  }
0x5f: {  	_ =	swait.ge @!p3 [sflag:s10], $0x4000  }
0x60: {  	[sflag:s10] =	ssyncset.done @!p3 $0x0  }
0x61: {  	[sflag:s10] =	ssyncadd.s32 @!p3 $0xFFFFC000;
	s10 =	simm.s32 @!p3 $0x4  }
0x62: {  	_ =	swait.ge @!p3 [sflag:s10], $0x80  }
0x63: {  	[sflag:s10] =	ssyncset.done @!p3 $0x0  }
0x64: {  	[sflag:s10] =	ssyncadd.s32 @!p3 $0xFFFFFF80  }
0x65: {  	_ =	swait.ge @!p3 [sflag:s10], $0x80  }
0x66: {  	p2 =	sle.u32 s13, $0x0;
	s11 =	simm.s32 @!p3 $0x80;
	[sflag:s10] =	ssyncset.done @!p3 $0x0  }
0x67: {  	s12 =	simm.s32 @!p3 $0x180;
	[sflag:s10] =	ssyncadd.s32 @!p3 $0xFFFFFF80;
	s10 =	simm.s32 @!p3 $0x4400  }
0x68: {  	[tilespmem:s10], [sflag:$0x6] =	stream.indirect.gather @!p3 [hbm4b:s1+s11], $0x80, s12, s11, $0xb8;
	[tilespmem:$0x1BC80] =	vst v63  }
0x69: {  	p3 =	sle.u32 @!p2 s7, $0x5  }
0x6a: {  	s10 =	simm.s32 @!p1 $0x5;
	p4 =	por p3, p2  }
0x6b: {  	_ =	swait.ge @!p1 [sflag:s10], $0x4000;
	s11 =	sadd.s32 @!p4 $0x0, s16;
	s12 =	sadd.s32 @!p4 $0x0, s17  }
0x6c: {  	[sflag:s10] =	ssyncset.done @!p1 $0x0;
	s14 =	simm.s32 @!p4 $0x0;
	s29 =	simm.s32 @!p4 $0x280  }
0x6d: {  	s11 =	sadd.s32 @!p4 $0xA00, s11;
	[sflag:s10] =	ssyncadd.s32 @!p1 $0xFFFFC000;
	s10 =	simm.s32 @!p1 $0x300  }
0x6e: {  	[spmem:s2] =	stream.indirect.scatter.add.f32 @!p1 [tilespmem:s9], [sflag:$0x7], $0x80, s10, s8, $0xb8;
	[tilespmem:$0x1BC80] =	vst v63  }
0x6f: {  	s25 =	sadd.s32 @!p4 $0xA00, s12;
	s8 =	simm.s32 @!p4 $0x80;
	s9 =	rddreg [dreg:$0x5]  }
0x70: {  	[tilespmem:s8], [sflag:$0x2] =	stream.linear.gather @!p4 [hbm4b:s11+s14], $0x80, $0x38;
	[tilespmem:$0x1BC80] =	vst v63  }
0x71: {  	p3 =	sle.u32 @!p2 s9, $0x0;
	s9 =	simm.s32 $0x5;
	s8 =	simm.s32 $0x800  }
.LBB2_2:
0x72: {  	p5 =	por p3, p2  }
0x73: {  	[tilespmem:s29], [sflag:$0x2] =	stream.linear.gather @!p4 [hbm4b:s25+s14], $0x80, $0x38;
	[tilespmem:$0x1BC80] =	vst v63  }
0x74: {  	s12 =	simm.s32 @!p5 $0x7  }
0x75: {  	s9 =	sadd.s32 $0x4, s9;
	_ =	swait.ge @!p5 [sflag:s12], $0x4000  }
0x76: {  	s11 =	sadd.s32 $0xFFFFFFFD, s9;
	[sflag:s12] =	ssyncset.done @!p5 $0x0  }
0x77: {  	p3 =	sge.u32 s11, s7;
	s11 =	simm.s32 @!p5 $0x1;
	[sflag:s12] =	ssyncadd.s32 @!p5 $0xFFFFC000  }
0x78: {  	_ =	swait.ge @!p5 [sflag:s11], $0x80  }
0x79: {  	[sflag:s11] =	ssyncset.done @!p5 $0x0  }
0x7a: {  	[sflag:s11] =	ssyncadd.s32 @!p5 $0xFFFFFF80  }
0x7b: {  	s10 =	smov.u32 s8;
	_ =	swait.ge @!p5 [sflag:s11], $0x80  }
0x7c: {  	s25 =	simm.s32 @!p2 $0x6;
	s29 =	simm.s32 @!p5 $0x0;
	[sflag:s11] =	ssyncset.done @!p5 $0x0  }
0x7d: {  	s12 =	simm.s32 @!p5 $0x400;
	[sflag:s11] =	ssyncadd.s32 @!p5 $0xFFFFFF80;
	s11 =	simm.s32 @!p5 $0x80  }
0x7e: {  	[tilespmem:s12], [sflag:$0x5] =	stream.indirect.gather @!p5 [hbm4b:s1+s11], $0x80, s29, s11, $0xb8;
	[tilespmem:$0x1BC80] =	vst v63  }
0x7f: {  	s14 =	sadd.s32 @!p3 s10, s16;
	_ =	swait.ge @!p2 [sflag:s25], $0x4000  }
0x80: {  	s15 =	sadd.s32 @!p3 s10, s17;
	s11 =	simm.s32 @!p2 $0x4400;
	[sflag:s25] =	ssyncset.done @!p2 $0x0  }
0x81: {  	s12 =	simm.s32 @!p2 $0x80;
	[sflag:s25] =	ssyncadd.s32 @!p2 $0xFFFFC000;
	s25 =	simm.s32 @!p2 $0x380  }
0x82: {  	[spmem:s2] =	stream.indirect.scatter.add.f32 @!p2 [tilespmem:s11], [sflag:$0x8], $0x80, s25, s12, $0xb8;
	[tilespmem:$0x1BC80] =	vst v63  }
0x83: {  	s14 =	sadd.s32 @!p3 $0x400, s14;
	s11 =	simm.s32 @!p3 $0x0;
	s12 =	simm.s32 @!p3 $0x100  }
0x84: {  	[tilespmem:s12], [sflag:$0x3] =	stream.linear.gather @!p3 [hbm4b:s14+s11], $0x80, $0x38;
	[tilespmem:$0x1BC80] =	vst v63  }
0x85: {  	s15 =	sadd.s32 @!p3 $0x400, s15;
	p2 =	seq.s32 s10, $0x0;
	s12 =	simm.s32 @!p3 $0x300  }
0x86: {  	[tilespmem:s12], [sflag:$0x3] =	stream.linear.gather @!p3 [hbm4b:s15+s11], $0x80, $0x38;
	[tilespmem:$0x1BC80] =	vst v63  }
0x87: {  	s11 =	simm.s32 @!p2 $0x8  }
0x88: {  	_ =	swait.ge @!p2 [sflag:s11], $0x4000  }
0x89: {  	[sflag:s11] =	ssyncset.done @!p2 $0x0  }
0x8a: {  	[sflag:s11] =	ssyncadd.s32 @!p2 $0xFFFFC000  }
0x8b: {  	_ =	swait.ge [sflag:s23], $0x80  }
0x8c: {  	[sflag:s23] =	ssyncset.done $0x0  }
0x8d: {  	[sflag:s23] =	ssyncadd.s32 $0xFFFFFF80  }
0x8e: {  	_ =	swait.ge [sflag:s23], $0x80  }
0x8f: {  	s30 =	sadd.s32 $0xFFFFFFFE, s9;
	[sflag:s23] =	ssyncset.done $0x0  }
0x90: {  	p4 =	sge.u32 s30, s7;
	[sflag:s23] =	ssyncadd.s32 $0xFFFFFF80  }
0x91: {  	[tilespmem:s24], [sflag:$0x6] =	stream.indirect.gather [hbm4b:s1+s19], $0x80, s19, s19, $0xb8;
	[tilespmem:$0x1BC80] =	vst v63  }
0x92: {  	s11 =	sadd.s32 @!p4 s10, s16;
	_ =	swait.ge [sflag:s26], $0x4000  }
0x93: {  	s25 =	simm.s32 @!p4 $0x180;
	s14 =	sadd.s32 @!p4 $0x600, s11;
	[sflag:s26] =	ssyncset.done $0x0  }
0x94: {  	s11 =	sadd.s32 $0xFFFFFFFB, s9;
	s29 =	rddreg [dreg:$0x4];
	[sflag:s26] =	ssyncadd.s32 $0xFFFFC000  }
0x95: {  	[spmem:s2] =	stream.indirect.scatter.add.f32 [tilespmem:s22], [sflag:$0x7], $0x80, s18, s19, $0xb8;
	[tilespmem:$0x1BC80] =	vst v63  }
0x96: {  	s12 =	sadd.s32 @!p4 s10, s17;
	s15 =	simm.s32 @!p4 $0x0;
	p3 =	sge.u32 s11, s29  }
0x97: {  	[tilespmem:s25], [sflag:$0x4] =	stream.linear.gather @!p4 [hbm4b:s14+s15], $0x80, $0x38;
	[tilespmem:$0x1BC80] =	vst v63  }
0x98: {  	s30 =	simm.s32 @!p4 $0x380;
	s12 =	sadd.s32 @!p4 $0x600, s12;
	s14 =	simm.s32 @!p3 $0x7  }
0x99: {  	[tilespmem:s30], [sflag:$0x4] =	stream.linear.gather @!p4 [hbm4b:s12+s15], $0x80, $0x38;
	[tilespmem:$0x1BC80] =	vst v63  }
0x9a: {  	_ =	swait.ge @!p3 [sflag:s14], $0x4000  }
0x9b: {  	[sflag:s14] =	ssyncset.done @!p3 $0x0  }
0x9c: {  	[sflag:s14] =	ssyncadd.s32 @!p3 $0xFFFFC000;
	s14 =	simm.s32 @!p3 $0x3  }
0x9d: {  	_ =	swait.ge @!p3 [sflag:s14], $0x80  }
0x9e: {  	[sflag:s14] =	ssyncset.done @!p3 $0x0  }
0x9f: {  	[sflag:s14] =	ssyncadd.s32 @!p3 $0xFFFFFF80  }
0xa0: {  	_ =	swait.ge @!p3 [sflag:s14], $0x80  }
0xa1: {  	s25 =	sadd.s32 @!p3 $0xFFFFFFFF, s9;
	s12 =	simm.s32 @!p3 $0x400;
	[sflag:s14] =	ssyncset.done @!p3 $0x0  }
0xa2: {  	s15 =	simm.s32 @!p3 $0x80;
	[sflag:s14] =	ssyncadd.s32 @!p3 $0xFFFFFF80;
	s14 =	simm.s32 @!p3 $0x100  }
0xa3: {  	[tilespmem:s12], [sflag:$0x5] =	stream.indirect.gather @!p3 [hbm4b:s1+s15], $0x80, s14, s15, $0xb8;
	[tilespmem:$0x1BC80] =	vst v63  }
0xa4: {  	p4 =	sge.u32 @!p3 s25, s7;
	_ =	swait.ge [sflag:s28], $0x4000  }
0xa5: {  	p4 =	por p4, p3;
	[sflag:s28] =	ssyncset.done $0x0  }
0xa6: {  	p2 =	sge.u32 @!p3 s11, s13;
	s14 =	sadd.s32 @!p4 s10, s16;
	[sflag:s28] =	ssyncadd.s32 $0xFFFFC000  }
0xa7: {  	[spmem:s2] =	stream.indirect.scatter.add.f32 [tilespmem:s24], [sflag:$0x8], $0x80, s20, s19, $0xb8;
	[tilespmem:$0x1BC80] =	vst v63  }
0xa8: {  	s25 =	simm.s32 @!p4 $0x0;
	s29 =	sadd.s32 @!p4 s10, s17;
	s14 =	sadd.s32 @!p4 $0x800, s14  }
0xa9: {  	[tilespmem:s25], [sflag:$0x1] =	stream.linear.gather @!p4 [hbm4b:s14+s25], $0x80, $0x38;
	[tilespmem:$0x1BC80] =	vst v63  }
0xaa: {  	p5 =	por p2, p3;
	s14 =	sadd.s32 @!p4 $0x800, s29;
	s29 =	simm.s32 @!p4 $0x200  }
0xab: {  	[tilespmem:s29], [sflag:$0x1] =	stream.linear.gather @!p4 [hbm4b:s14+s25], $0x80, $0x38;
	[tilespmem:$0x1BC80] =	vst v63  }
0xac: {  	s14 =	simm.s32 @!p5 $0x8  }
0xad: {  	_ =	swait.ge @!p5 [sflag:s14], $0x4000  }
0xae: {  	[sflag:s14] =	ssyncset.done @!p5 $0x0  }
0xaf: {  	s30 =	simm.s32 @!p5 $0x4;
	[sflag:s14] =	ssyncadd.s32 @!p5 $0xFFFFC000  }
0xb0: {  	p2 =	sge.u32 s11, s13;
	_ =	swait.ge @!p5 [sflag:s30], $0x80  }
0xb1: {  	s8 =	sadd.s32 $0x800, s8;
	p4 =	sge.u32 @!p2 s9, s7;
	[sflag:s30] =	ssyncset.done @!p5 $0x0  }
0xb2: {  	s3 =	simm.s32 @!p5 $0x80;
	p4 =	por p4, p2;
	[sflag:s30] =	ssyncadd.s32 @!p5 $0xFFFFFF80  }
0xb3: {  	s14 =	sadd.s32 @!p4 s10, s16;
	s10 =	sadd.s32 @!p4 s10, s17;
	_ =	swait.ge @!p5 [sflag:s30], $0x80  }
0xb4: {  	s21 =	simm.s32 @!p5 $0x180;
	s25 =	sadd.s32 @!p4 $0xA00, s10;
	[sflag:s30] =	ssyncset.done @!p5 $0x0  }
0xb5: {  	s10 =	simm.s32 @!p5 $0x4400;
	[sflag:s30] =	ssyncadd.s32 @!p5 $0xFFFFFF80;
	s30 =	simm.s32 @!p3 $0x5  }
0xb6: {  	[tilespmem:s10], [sflag:$0x6] =	stream.indirect.gather @!p5 [hbm4b:s1+s3], $0x80, s21, s3, $0xb8;
	[tilespmem:$0x1BC80] =	vst v63  }
0xb7: {  	p1 =	sne.s32 s8, $0xA000;
	s29 =	simm.s32 @!p4 $0x280;
	_ =	swait.ge @!p3 [sflag:s30], $0x4000  }
.Ltmp0:
0xb8: {  	s0 =	simm.s32 @!p4 $0x80;
	[sflag:s30] =	ssyncset.done @!p3 $0x0;
	(pc) =	sbr.rel @p1 .LBB2_2-.Ltmp0, $4  }
0xb9: {  	s10 =	simm.s32 @!p3 $0x300;
	s3 =	rddreg [dreg:$0x5];
	[sflag:s30] =	ssyncadd.s32 @!p3 $0xFFFFC000  }
0xba: {  	[spmem:s2] =	stream.indirect.scatter.add.f32 @!p3 [tilespmem:s12], [sflag:$0x7], $0x80, s10, s15, $0xb8;
	[tilespmem:$0x1BC80] =	vst v63  }
0xbb: {  	s5 =	sadd.s32 @!p4 $0xA00, s14;
	s14 =	simm.s32 @!p4 $0x0;
	p3 =	sge.u32 @!p2 s11, s3  }
0xbc: {  	[tilespmem:s0], [sflag:$0x2] =	stream.linear.gather @!p4 [hbm4b:s5+s14], $0x80, $0x38;
	[tilespmem:$0x1BC80] =	vst v63  }
0xbd: {  	p1 =	por p3, p2  }
0xbe: {  	[tilespmem:s29], [sflag:$0x2] =	stream.linear.gather @!p4 [hbm4b:s25+s14], $0x80, $0x38;
	[tilespmem:$0x1BC80] =	vst v63  }
0xbf: {  	s0 =	simm.s32 @!p1 $0x7  }
0xc0: {  	_ =	swait.ge @!p1 [sflag:s0], $0x4000  }
0xc1: {  	[sflag:s0] =	ssyncset.done @!p1 $0x0  }
0xc2: {  	s3 =	simm.s32 @!p1 $0x1;
	[sflag:s0] =	ssyncadd.s32 @!p1 $0xFFFFC000  }
0xc3: {  	_ =	swait.ge @!p1 [sflag:s3], $0x80  }
0xc4: {  	[sflag:s3] =	ssyncset.done @!p1 $0x0  }
0xc5: {  	[sflag:s3] =	ssyncadd.s32 @!p1 $0xFFFFFF80  }
0xc6: {  	_ =	swait.ge @!p1 [sflag:s3], $0x80  }
0xc7: {  	s5 =	simm.s32 @!p2 $0x6;
	s8 =	simm.s32 @!p1 $0x0;
	[sflag:s3] =	ssyncset.done @!p1 $0x0  }
0xc8: {  	s0 =	simm.s32 @!p1 $0x400;
	[sflag:s3] =	ssyncadd.s32 @!p1 $0xFFFFFF80;
	s3 =	simm.s32 @!p1 $0x80  }
0xc9: {  	[tilespmem:s0], [sflag:$0x5] =	stream.indirect.gather @!p1 [hbm4b:s1+s3], $0x80, s8, s3, $0xb8;
	[tilespmem:$0x1BC80] =	vst v63  }
0xca: {  	_ =	swait.ge @!p2 [sflag:s5], $0x4000  }
0xcb: {  	s25 =	simm.s32 $0x7;
	s0 =	simm.s32 @!p2 $0x4400;
	[sflag:s5] =	ssyncset.done @!p2 $0x0  }
0xcc: {  	s3 =	simm.s32 @!p2 $0x80;
	[sflag:s5] =	ssyncadd.s32 @!p2 $0xFFFFC000;
	s5 =	simm.s32 @!p2 $0x380  }
0xcd: {  	[spmem:s2] =	stream.indirect.scatter.add.f32 @!p2 [tilespmem:s0], [sflag:$0x8], $0x80, s5, s3, $0xb8;
	[tilespmem:$0x1BC80] =	vst v63  }
0xce: {  	_ =	swait.ge [sflag:s25], $0x4000  }
0xcf: {  	[sflag:s25] =	ssyncset.done $0x0  }
0xd0: {  	s29 =	simm.s32 $0x8;
	[sflag:s25] =	ssyncadd.s32 $0xFFFFC000  }
0xd1: {  	_ =	swait.ge [sflag:s29], $0x4000  }
0xd2: {  	[sflag:s29] =	ssyncset.done $0x0  }
0xd3: {  	[sflag:s29] =	ssyncadd.s32 $0xFFFFC000  }
0xd4: {  	[bflag:$0x0] =	sbarrier.arrive $0xFFFF  }
0xd5: {  	s0 =	rddreg [dreg:$0xd]  }
0xd6: {  	s3 =	simm.s32 @p0 $0x1FC9;
	s5 =	rddreg [dreg:$0x10];
	s0 =	sadd.s32 @p0 $0x25080, s0  }
0xd7: {  	[hbm:s0], [sflag:s3] =	dma.local @p0 [spmem:s5], $0x2080  }
0xd8: {  	s0 =	simm.s32 @p0 $0x9  }
0xd9: {  	_ =	swait.ge @p0 [sflag:s0], $0x2080  }
0xda: {  	[sflag:s0] =	ssyncset.done @p0 $0x0  }
0xdb: {  	[sflag:s0] =	ssyncadd.s32 @p0 $0xFFFFDF80;
	s0 =	rddreg [dreg:$0xf]  }
0xdc: {  	[hbm:s0], [sflag:s4] =	dma.local @!p0 [spmem:s6], $0x2780  }
0xdd: {  	s0 =	simm.s32 @!p0 $0x9  }
0xde: {  	_ =	swait.ge @!p0 [sflag:s0], $0x2780  }
0xdf: {  	s31 =	sadd.s32 $0x1, s31;
	s30 =	rddreg [dreg:$0xe]  }
0xe0: {  	p1 =	sne.s32 s31, s30  }
.Ltmp1:
0xe1: {  	_ = 	snop;
	(pc) =	sbr.rel @p1 .LBB2_1-.Ltmp1, $3  }
0xe2: {  	_ =	sdelay $0x1  }
0xe3: {  	[sflag:s0] =	ssyncset.done @!p0 $0x0  }
0xe4: {  	[sflag:s0] =	ssyncadd.s32 @!p0 $0xFFFFD880  }
0xe5: {  	_ =	sfence.sel $0x180000  }
0xe6: {  	[bflag:$0x0] =	sbarrier.arrive $0xFFFF  }
0xe7: {  	_ =	strace $0x90000050  }
0xe8: {  	s0 =	stileid.u32;
	[bflag:$0x2] =	sbarrier.arrive $0xFFFF  }
0xe9: {  	p0 =	sne.s32 s0, $0x0;
	s0 =	rddreg [dreg:$0x3]  }
0xea: {  	s0 =	sadd.s32 @!p0 $0x100000, s0  }
0xeb: {  	[sflag:s0] =	ssyncadd.tile.s32 @!p0 $0x1;
	_ =	shalt  }
.Lfunc_end2:
_tile_overlayer_lowered:
.L_overlay_start_2:
0xec: {  	(tag) =	ssettag $0x2  }
0xed: {  	s0 =	rddreg [dreg:$0x0];
	s2 =	stileid.u32  }
0xee: {  	s1 =	rddreg [dreg:$0x1];
	p0 =	sne.s32 s2, $0x0  }
0xef: {  	s3 =	rddreg [dreg:$0x2];
	[bflag:$0x3] =	sbarrier.arrive $0xFFFF;
	s2 =	simm.s32 @!p0 $0x1C09  }
0xf0: {  	[timem:s3], [sflag:s2] =	dma.local @!p0 [hbm:s0], s1  }
0xf1: {  	s0 =	simm.s32 @!p0 $0x9  }
0xf2: {  	_ =	swait.ge @!p0 [sflag:s0], s1  }
0xf3: {  	s1 =	ssub.s32 @!p0 $0x0, s1;
	[sflag:s0] =	ssyncset.done @!p0 $0x0  }
0xf4: {  	[sflag:s0] =	ssyncadd.s32 @!p0 s1  }
0xf5: {  	[bflag:$0x3] =	sbarrier.arrive $0xFFFF  }
0xf6: {  	_ =	shalt  }

</sc_bundles>
